<compile_context>
chip_gen: v7x
topology: tpu7x:2x2x1
jax: 0.10.2.dev20260603
libtpu: 0.0.44.dev20260713+nightly
codegen_flags: <defaults>
</compile_context>

<pallas_src>
import dataclasses
import functools

import jax
import jax.numpy as jnp
from jax import lax
from jax.experimental import pallas as pl
from jax.experimental.pallas import tpu as pltpu
from jax.experimental.pallas import tpu_sc as plsc

N = 10000
E = 320000
D_IN = 128
D_HID = 256
D_OUT = 128
DH = 128

NC = 2
NS = 16
LANES = 16

NPAD = 10240
WE1 = 25
WC1 = 40
NB1 = 5
NCH1 = E // (NS * WC1 * WE1)
WE2 = 25
WC2 = 40
NB2 = 5
NCH2 = E // (NC * NS * WC2 * WE2)

EPT_DEG = E // (NC * NS)

_mesh = plsc.VectorSubcoreMesh(core_axis_name="c", subcore_axis_name="s")

_sc_params = pltpu.CompilerParams()
if "needs_layout_passes" in pltpu.CompilerParams.__dataclass_fields__:
    _sc_params = dataclasses.replace(_sc_params, needs_layout_passes=False)


_DROWS = NPAD // 128


def _deg_body(dst_hbm, out_hbm, dst_v, degl, ident, deg_sh):
    c = lax.axis_index("c")
    s = lax.axis_index("s")
    t = c * NS + s

    @pl.loop(0, _DROWS)
    def _(r):
        @pl.loop(0, 8)
        def _(k):
            degl[r, pl.ds(k * LANES, LANES)] = jnp.zeros((LANES,), jnp.float32)

    @pl.when(s < 10)
    def _():
        pltpu.sync_copy(degl.at[pl.ds(s * 8, 8)], deg_sh.at[pl.ds(s * 8, 8)])

    @pl.loop(0, 5)
    def _(k):
        ident[0, pl.ds(k * LANES, LANES)] = (
            jnp.arange(LANES, dtype=jnp.int32) + k * LANES
        )

    pltpu.sync_copy(dst_hbm.at[t], dst_v)
    ones = jnp.ones((LANES,), jnp.float32)

    @pl.loop(0, EPT_DEG // LANES)
    def _(i):
        dvec = dst_v[pl.ds(i * LANES, LANES)]
        row = lax.shift_right_logical(dvec, 7)
        col = lax.bitwise_and(dvec, 127)
        plsc.addupdate_scatter(degl, [row, col], ones)

    plsc.subcore_barrier()

    pltpu.sync_copy(degl, deg_sh.at[ident.at[0]], add=True)

    plsc.subcore_barrier()

    @pl.when(s == 0)
    def _():
        pltpu.sync_copy(deg_sh, out_hbm.at[c])


def _sc_degree(dst_r):
    k = pl.kernel(
        _deg_body,
        out_type=jax.ShapeDtypeStruct((NC, _DROWS, 128), jnp.float32),
        mesh=_mesh,
        compiler_params=_sc_params,
        scratch_types=[
            pltpu.VMEM((EPT_DEG,), jnp.int32),
            pltpu.VMEM((_DROWS, 128), jnp.float32),
            pltpu.VMEM((1, 80), jnp.int32),
            pltpu.VMEM_SHARED((_DROWS, 128), jnp.float32),
        ],
    )
    return k(dst_r)


def _agg_body(nch, wc, we, nbuf, edge_split, zs_hbm, src_hbm, dst_hbm,
              out_hbm, srcv0, dstv0, srcv1, dstv1, is0, is1, *rest):
    bufs = rest[:nbuf]
    gsems = rest[nbuf:2 * nbuf]
    ssems = rest[2 * nbuf:3 * nbuf]
    acc = rest[3 * nbuf]

    c = lax.axis_index("c")
    s = lax.axis_index("s")

    @pl.loop(0, we)
    def _(r):
        @pl.loop(0, DH // LANES)
        def _(k):
            bufs[0][r, pl.ds(k * LANES, LANES)] = jnp.zeros((LANES,),
                                                            jnp.float32)

    zrows = NPAD // NS
    @pl.loop(0, zrows // 16)
    def _(k):
        pltpu.sync_copy(
            bufs[0].at[pl.ds(0, 16)], acc.at[pl.ds(s * zrows + k * 16, 16)]
        )

    plsc.subcore_barrier()

    if edge_split:
        src_t = src_hbm.at[c].at[s]
        dst_t = dst_hbm.at[c].at[s]
        z_ref = zs_hbm
    else:
        src_t = src_hbm.at[s]
        dst_t = dst_hbm.at[s]
        z_ref = zs_hbm.at[c]

    def start_g(srcv, w, b):
        pltpu.async_copy(z_ref.at[srcv.at[w]], bufs[b], gsems[b])

    def wait_g(srcv, w, b):
        pltpu.make_async_copy(z_ref.at[srcv.at[w]], bufs[b], gsems[b]).wait()

    def start_s(dstv, w, b):
        pltpu.async_copy(bufs[b], acc.at[dstv.at[w]], ssems[b], add=True)

    def wait_s(dstv, w, b):
        pltpu.make_async_copy(bufs[b], acc.at[dstv.at[w]], ssems[b]).wait()

    def start_stage(ch, srcv, dstv, isem):
        pltpu.async_copy(src_t.at[ch], srcv, isem)
        pltpu.async_copy(dst_t.at[ch], dstv, isem)

    def wait_stage(ch, srcv, dstv, isem):
        pltpu.make_async_copy(src_t.at[ch], srcv, isem).wait()
        pltpu.make_async_copy(dst_t.at[ch], dstv, isem).wait()

    ngroups = wc // nbuf

    def do_chunk(srcv, dstv):
        for b in range(nbuf):
            start_g(srcv, b, b)

        @pl.loop(0, ngroups - 1)
        def _(j):
            w0 = j * nbuf
            for b in range(nbuf):
                wait_g(srcv, w0 + b, b)
                start_s(dstv, w0 + b, b)
            for b in range(nbuf):
                wait_s(dstv, w0 + b, b)
                start_g(srcv, w0 + nbuf + b, b)

        w0 = wc - nbuf
        for b in range(nbuf):
            wait_g(srcv, w0 + b, b)
            start_s(dstv, w0 + b, b)
        for b in range(nbuf):
            wait_s(dstv, w0 + b, b)

    nhalf = nch // 2
    start_stage(0, srcv0, dstv0, is0)
    start_stage(1, srcv1, dstv1, is1)

    @pl.loop(0, nhalf)
    def _(m):
        ch = m * 2
        wait_stage(ch, srcv0, dstv0, is0)
        do_chunk(srcv0, dstv0)

        @pl.when(ch + 2 < nch)
        def _():
            start_stage(ch + 2, srcv0, dstv0, is0)

        wait_stage(ch + 1, srcv1, dstv1, is1)
        do_chunk(srcv1, dstv1)

        @pl.when(ch + 3 < nch)
        def _():
            start_stage(ch + 3, srcv1, dstv1, is1)

    if nch % 2 == 1:
        wait_stage(nch - 1, srcv0, dstv0, is0)
        do_chunk(srcv0, dstv0)

    plsc.subcore_barrier()

    npt = NPAD // NS
    pltpu.sync_copy(
        acc.at[pl.ds(s * npt, npt)], out_hbm.at[c].at[pl.ds(s * npt, npt)]
    )


def _sc_aggregate(zs, src_r, dst_r, nch, wc, we, nbuf, edge_split):
    k = pl.kernel(
        functools.partial(_agg_body, nch, wc, we, nbuf, edge_split),
        out_type=jax.ShapeDtypeStruct((NC, NPAD, DH), jnp.float32),
        mesh=_mesh,
        compiler_params=_sc_params,
        scratch_types=(
            [pltpu.VMEM((wc, we), jnp.int32)] * 4
            + [pltpu.SemaphoreType.DMA] * 2
            + [pltpu.VMEM((we, DH), jnp.float32)] * nbuf
            + [pltpu.SemaphoreType.DMA] * (2 * nbuf)
            + [pltpu.VMEM_SHARED((NPAD, DH), jnp.float32)]
        ),
    )
    return k(zs, src_r, dst_r)



_ROWS = 1000


def _dinv_block(dp_ref):
    return lax.rsqrt(dp_ref[0] + dp_ref[1] + 1.0)


_DEG_SPEC = pl.BlockSpec((NC, _ROWS, 1), lambda i: (0, i, 0))


def _z1_body(x_ref, w_ref, dp_ref, o_ref):
    xw = jnp.dot(x_ref[...], w_ref[...], preferred_element_type=jnp.float32)
    z = xw * _dinv_block(dp_ref)
    o_ref[0] = z[:, :D_HID // 2]
    o_ref[1] = z[:, D_HID // 2:]


def _tc_z1(x, W1, deg_r):
    grid = (N // _ROWS,)
    return pl.pallas_call(
        _z1_body,
        grid=grid,
        in_specs=[
            pl.BlockSpec((_ROWS, D_IN), lambda i: (i, 0)),
            pl.BlockSpec((D_IN, D_HID), lambda i: (0, 0)),
            _DEG_SPEC,
        ],
        out_specs=pl.BlockSpec((NC, _ROWS, D_HID // 2), lambda i: (0, i, 0)),
        out_shape=jax.ShapeDtypeStruct((NC, N, D_HID // 2), jnp.float32),
    )(x, W1, deg_r)


def _z2_body(z1_ref, agg1_ref, dp_ref, w_ref, b_ref, o_ref):
    dinv = _dinv_block(dp_ref)
    zf = jnp.concatenate([z1_ref[0], z1_ref[1]], axis=1)
    af = jnp.concatenate([agg1_ref[0], agg1_ref[1]], axis=1)
    h = jax.nn.relu((af + zf) * dinv + b_ref[...])
    z2 = jnp.dot(h, w_ref[...], preferred_element_type=jnp.float32)
    o_ref[...] = z2 * dinv


def _tc_z2(z1, agg1, deg_r, W2, b1):
    grid = (N // _ROWS,)
    return pl.pallas_call(
        _z2_body,
        grid=grid,
        in_specs=[
            pl.BlockSpec((NC, _ROWS, D_HID // 2), lambda i: (0, i, 0)),
            pl.BlockSpec((NC, _ROWS, D_HID // 2), lambda i: (0, i, 0)),
            _DEG_SPEC,
            pl.BlockSpec((D_HID, D_OUT), lambda i: (0, 0)),
            pl.BlockSpec((1, D_HID), lambda i: (0, 0)),
        ],
        out_specs=pl.BlockSpec((_ROWS, D_OUT), lambda i: (i, 0)),
        out_shape=jax.ShapeDtypeStruct((N, D_OUT), jnp.float32),
    )(z1, agg1, deg_r, W2, b1)


def _final_body(z2_ref, agg2_ref, dp_ref, b_ref, o_ref):
    af = agg2_ref[0] + agg2_ref[1]
    o_ref[...] = (af + z2_ref[...]) * _dinv_block(dp_ref) + b_ref[...]


def _tc_final(z2, agg2, deg_r, b2):
    grid = (N // _ROWS,)
    return pl.pallas_call(
        _final_body,
        grid=grid,
        in_specs=[
            pl.BlockSpec((_ROWS, D_OUT), lambda i: (i, 0)),
            pl.BlockSpec((NC, _ROWS, D_OUT), lambda i: (0, i, 0)),
            _DEG_SPEC,
            pl.BlockSpec((1, D_OUT), lambda i: (0, 0)),
        ],
        out_specs=pl.BlockSpec((_ROWS, D_OUT), lambda i: (i, 0)),
        out_shape=jax.ShapeDtypeStruct((N, D_OUT), jnp.float32),
    )(z2, agg2, deg_r, b2)


def kernel(x, edge_index, W1, b1, W2, b2):
    src = edge_index[0]
    dst = edge_index[1]
    src_r1 = src.reshape(NS, NCH1, WC1, WE1)
    dst_r1 = dst.reshape(NS, NCH1, WC1, WE1)
    src_r2 = src.reshape(NC, NS, NCH2, WC2, WE2)
    dst_r2 = dst.reshape(NC, NS, NCH2, WC2, WE2)
    dst_deg = dst.reshape(NC * NS, EPT_DEG)

    deg_parts = _sc_degree(dst_deg)
    deg_r = deg_parts.reshape(NC, NPAD, 1)

    z1 = _tc_z1(x, W1, deg_r)
    agg1 = _sc_aggregate(z1, src_r1, dst_r1, NCH1, WC1, WE1, NB1,
                         edge_split=False)

    z2 = _tc_z2(z1, agg1, deg_r, W2, b1.reshape(1, D_HID))
    agg2 = _sc_aggregate(z2, src_r2, dst_r2, NCH2, WC2, WE2, NB2,
                         edge_split=True)

    return _tc_final(z2, agg2, deg_r, b2.reshape(1, D_OUT))

# --- scband reference (transcript-rebuilt; emitter-appended) ---
"""Pipeline reference for scband-gcnencoder-5566277616086 (READ-ONLY COPY).

The authoritative reference and input builder live on the scoring server;
editing this copy changes nothing except your own understanding.
"""

import jax, jax.numpy as jnp
import numpy as np

N = 10000
E = 320000
D_IN = 128
D_HID = 256
D_OUT = 128


def setup_inputs(seed: int = 0) -> dict:
    key = jax.random.key(seed)
    ks = jax.random.split(key, 6)
    x = jax.random.normal(ks[0], (N, D_IN), dtype=jnp.float32)
    edge_index = jax.random.randint(ks[1], (2, E), 0, N, dtype=jnp.int32)
    # GCNConv weights (glorot-style scale) and biases
    W1 = jax.random.normal(ks[2], (D_IN, D_HID), dtype=jnp.float32) * (1.0 / np.sqrt(D_IN))
    b1 = jnp.zeros((D_HID,), dtype=jnp.float32)
    W2 = jax.random.normal(ks[3], (D_HID, D_OUT), dtype=jnp.float32) * (1.0 / np.sqrt(D_HID))
    b2 = jnp.zeros((D_OUT,), dtype=jnp.float32)
    return {"x": x, "edge_index": edge_index, "W1": W1, "b1": b1, "W2": W2, "b2": b2}


def gcn_conv(x, edge_index, W, b):
    # PyG GCNConv: out = D^{-1/2} (A + I) D^{-1/2} X W + b
    n = x.shape[0]
    loop = jnp.arange(n, dtype=edge_index.dtype)
    src = jnp.concatenate([edge_index[0], loop])
    dst = jnp.concatenate([edge_index[1], loop])
    deg = jnp.zeros((n,), dtype=x.dtype).at[dst].add(1.0)
    dinv = jnp.where(deg > 0, jax.lax.rsqrt(deg), 0.0)
    norm = dinv[src] * dinv[dst]
    xw = x @ W
    msg = xw[src] * norm[:, None]
    out = jnp.zeros((n, W.shape[1]), dtype=x.dtype).at[dst].add(msg)
    return out + b


def reference(x, edge_index, W1, b1, W2, b2):
    h = jax.nn.relu(gcn_conv(x, edge_index, W1, b1))
    return gcn_conv(h, edge_index, W2, b2)

if __name__ == "__main__":
    import jax
    _d = setup_inputs()
    print(jax.jit(kernel)(*tuple(_d.values())))

</pallas_src>

<mosaic_0001>
#map = affine_map<(d0, d1) -> (0, 0, 0)>
#map1 = affine_map<(d0, d1) -> (0, 0, 0, 0)>
module attributes {stable_mosaic.version = 14 : i64} {
  func.func @_agg_body(%arg0: i32, %arg1: i32, %arg2: memref<2x10000x128xf32, #tpu.memory_space<hbm>>, %arg3: memref<16x20x40x25xi32, #tpu.memory_space<hbm>>, %arg4: memref<16x20x40x25xi32, #tpu.memory_space<hbm>>, %arg5: memref<2x10240x128xf32, #tpu.memory_space<hbm>>, %arg6: memref<40x25xi32, #tpu.memory_space<vmem>>, %arg7: memref<40x25xi32, #tpu.memory_space<vmem>>, %arg8: memref<40x25xi32, #tpu.memory_space<vmem>>, %arg9: memref<40x25xi32, #tpu.memory_space<vmem>>, %arg10: memref<!tpu.dma_semaphore, #tpu.memory_space<semaphore_mem>>, %arg11: memref<!tpu.dma_semaphore, #tpu.memory_space<semaphore_mem>>, %arg12: memref<25x128xf32, #tpu.memory_space<vmem>>, %arg13: memref<25x128xf32, #tpu.memory_space<vmem>>, %arg14: memref<25x128xf32, #tpu.memory_space<vmem>>, %arg15: memref<25x128xf32, #tpu.memory_space<vmem>>, %arg16: memref<25x128xf32, #tpu.memory_space<vmem>>, %arg17: memref<!tpu.dma_semaphore, #tpu.memory_space<semaphore_mem>>, %arg18: memref<!tpu.dma_semaphore, #tpu.memory_space<semaphore_mem>>, %arg19: memref<!tpu.dma_semaphore, #tpu.memory_space<semaphore_mem>>, %arg20: memref<!tpu.dma_semaphore, #tpu.memory_space<semaphore_mem>>, %arg21: memref<!tpu.dma_semaphore, #tpu.memory_space<semaphore_mem>>, %arg22: memref<!tpu.dma_semaphore, #tpu.memory_space<semaphore_mem>>, %arg23: memref<!tpu.dma_semaphore, #tpu.memory_space<semaphore_mem>>, %arg24: memref<!tpu.dma_semaphore, #tpu.memory_space<semaphore_mem>>, %arg25: memref<!tpu.dma_semaphore, #tpu.memory_space<semaphore_mem>>, %arg26: memref<!tpu.dma_semaphore, #tpu.memory_space<semaphore_mem>>, %arg27: memref<10240x128xf32, #tpu.memory_space<vmem_shared>>) attributes {dimension_semantics = [#tpu.dimension_semantics<core_parallel>, #tpu.dimension_semantics<subcore_parallel>], iteration_bounds = array<i64: 2, 16>, scalar_prefetch = 0 : i64, scratch_operands = 22 : i64, tpu.core_type = #tpu.core_type<sc_vector_subcore>, window_params = [{transform_indices = #map}, {transform_indices = #map1}, {transform_indices = #map1}, {transform_indices = #map}]} {
    %scan3A = arith.constant 0 : i32
    %scan3A_0 = arith.constant 25 : i32
    %scan3A_1 = arith.addi %scan3A, %scan3A_0 : i32
    %scan3A_2 = arith.constant 1 : i32
    scf.for %scan3A_93 = %scan3A to %scan3A_1 step %scan3A_2  : i32 {
      %mul3A_94 = arith.constant 1 : i32
      %mul3A_95 = arith.muli %scan3A_93, %mul3A_94 : i32
      %add3A = arith.constant 0 : i32
      %add3A_96 = arith.addi %add3A, %mul3A_95 : i32
      %scan3A_97 = arith.constant 0 : i32
      %scan3A_98 = arith.constant 8 : i32
      %scan3A_99 = arith.addi %scan3A_97, %scan3A_98 : i32
      %scan3A_100 = arith.constant 1 : i32
      scf.for %scan3A_102 = %scan3A_97 to %scan3A_99 step %scan3A_100  : i32 {
        %mul3A_103 = arith.constant 1 : i32
        %mul3A_104 = arith.muli %scan3A_102, %mul3A_103 : i32
        %add3A_105 = arith.constant 0 : i32
        %add3A_106 = arith.addi %add3A_105, %mul3A_104 : i32
        %broadcast_in_dim3A = arith.constant 0.000000e+00 : f32
        %broadcast_in_dim3A_107 = vector.broadcast %broadcast_in_dim3A : f32 to vector<16xf32>
        %mul3A_108 = arith.constant 16 : i32
        %mul3A_109 = arith.muli %add3A_106, %mul3A_108 : i32
        %swap3A = arith.index_cast %add3A_96 : i32 to index
        %swap3A_110 = arith.index_cast %mul3A_109 : i32 to index
        %swap3A_111 = tpu.vector_load %arg12[%swap3A, %swap3A_110] {strides = array<i32>} : memref<25x128xf32, #tpu.memory_space<vmem>>, vector<16xf32>,
        tpu.vector_store %arg12[%swap3A, %swap3A_110], %broadcast_in_dim3A_107 {strides = array<i32>} : memref<25x128xf32, #tpu.memory_space<vmem>>, vector<16xf32>,
      }
      %scan3A_101 = arith.constant 8 : i32
    }
    %scan3A_3 = arith.constant 25 : i32
    %scan3A_4 = arith.constant 0 : i32
    %scan3A_5 = arith.constant 40 : i32
    %scan3A_6 = arith.addi %scan3A_4, %scan3A_5 : i32
    %scan3A_7 = arith.constant 1 : i32
    scf.for %scan3A_93 = %scan3A_4 to %scan3A_6 step %scan3A_7  : i32 {
      %mul3A_94 = arith.constant 1 : i32
      %mul3A_95 = arith.muli %scan3A_93, %mul3A_94 : i32
      %add3A = arith.constant 0 : i32
      %add3A_96 = arith.addi %add3A, %mul3A_95 : i32
      %mul3A_97 = arith.constant 640 : i32
      %mul3A_98 = arith.muli %arg1, %mul3A_97 : i32
      %mul3A_99 = arith.constant 16 : i32
      %mul3A_100 = arith.muli %add3A_96, %mul3A_99 : i32
      %add3A_101 = arith.addi %mul3A_98, %mul3A_100 : i32
      "tpu.region"() ({
        %run_scoped3A = tpu.sem_alloc : memref<!tpu.dma_semaphore, #tpu.memory_space<semaphore_mem>>
        %dma_start3A_102 = arith.constant 0 : i32
        %dma_start3A_103 = arith.constant 0 : i32
        %dma_start3A_104 = tpu.memref_slice %arg12[%dma_start3A_102, %dma_start3A_103] : memref<25x128xf32, #tpu.memory_space<vmem>> -> memref<16x128xf32, #tpu.memory_space<vmem>>
        %dma_start3A_105 = arith.constant 0 : i32
        %dma_start3A_106 = tpu.memref_slice %arg27[%add3A_101, %dma_start3A_105] : memref<10240x128xf32, #tpu.memory_space<vmem_shared>> -> memref<16x128xf32, #tpu.memory_space<vmem_shared>>
        %dma_start3A_107 = arith.constant 0 : i32
        %dma_start3A_108 = tpu.memref_slice %arg27[%add3A_101, %dma_start3A_107] : memref<10240x128xf32, #tpu.memory_space<vmem_shared>> -> memref<16x128xf32, #tpu.memory_space<vmem_shared>>
        %dma_start3A_109 = arith.constant 0 : i32
        %dma_start3A_110 = arith.constant 0 : i32
        %dma_start3A_111 = tpu.memref_slice %arg12[%dma_start3A_109, %dma_start3A_110] : memref<25x128xf32, #tpu.memory_space<vmem>> -> memref<16x128xf32, #tpu.memory_space<vmem>>
        tpu.enqueue_dma source(%dma_start3A_111 : memref<16x128xf32, #tpu.memory_space<vmem>>) target(%dma_start3A_108 : memref<16x128xf32, #tpu.memory_space<vmem_shared>>) target_semaphore(%run_scoped3A : memref<!tpu.dma_semaphore, #tpu.memory_space<semaphore_mem>>)
        %dma_wait3A = arith.constant 0 : i32
        %dma_wait3A_112 = arith.constant 0 : i32
        %dma_wait3A_113 = tpu.memref_slice %arg12[%dma_wait3A, %dma_wait3A_112] : memref<25x128xf32, #tpu.memory_space<vmem>> -> memref<16x128xf32, #tpu.memory_space<vmem>>
        %dma_wait3A_114 = arith.constant 0 : i32
        %dma_wait3A_115 = tpu.memref_slice %arg27[%add3A_101, %dma_wait3A_114] : memref<10240x128xf32, #tpu.memory_space<vmem_shared>> -> memref<16x128xf32, #tpu.memory_space<vmem_shared>>
        %dma_wait3A_116 = arith.constant 0 : i32
        %dma_wait3A_117 = tpu.memref_slice %arg27[%add3A_101, %dma_wait3A_116] : memref<10240x128xf32, #tpu.memory_space<vmem_shared>> -> memref<16x128xf32, #tpu.memory_space<vmem_shared>>
        %dma_wait3A_118 = arith.constant 0 : i32
        %dma_wait3A_119 = arith.constant 0 : i32
        %dma_wait3A_120 = tpu.memref_slice %arg12[%dma_wait3A_118, %dma_wait3A_119] : memref<25x128xf32, #tpu.memory_space<vmem>> -> memref<16x128xf32, #tpu.memory_space<vmem>>
        tpu.wait_dma2 semaphore(%run_scoped3A : memref<!tpu.dma_semaphore, #tpu.memory_space<semaphore_mem>>) src(%dma_wait3A_120 : memref<16x128xf32, #tpu.memory_space<vmem>>) dst(%dma_wait3A_117 : memref<16x128xf32, #tpu.memory_space<vmem_shared>>)
        tpu.yield
      }) : () -> ()
    }
    %scan3A_8 = arith.constant 40 : i32
    %barrier3A = arith.constant 0 : index
    tpu.barrier barrier_id(%barrier3A)
    %dma_start3A = arith.constant 0 : i32
    %dma_start3A_9 = arith.constant 0 : i32
    %dma_start3A_10 = arith.constant 0 : i32
    %dma_start3A_11 = arith.constant 0 : i32
    %dma_start3A_12 = tpu.memref_slice %arg3[%arg1, %dma_start3A_9, %dma_start3A_10, %dma_start3A_11] : memref<16x20x40x25xi32, #tpu.memory_space<hbm>> -> memref<1x20x40x25xi32, #tpu.memory_space<hbm>>
    %dma_start3A_13 = tpu.memref_squeeze %dma_start3A_12 : memref<1x20x40x25xi32, #tpu.memory_space<hbm>> -> memref<20x40x25xi32, #tpu.memory_space<hbm>>
    %dma_start3A_14 = arith.constant 0 : i32
    %dma_start3A_15 = arith.constant 0 : i32
    %dma_start3A_16 = tpu.memref_slice %dma_start3A_13[%dma_start3A, %dma_start3A_14, %dma_start3A_15] : memref<20x40x25xi32, #tpu.memory_space<hbm>> -> memref<1x40x25xi32, #tpu.memory_space<hbm>>
    %dma_start3A_17 = tpu.memref_squeeze %dma_start3A_16 : memref<1x40x25xi32, #tpu.memory_space<hbm>> -> memref<40x25xi32, #tpu.memory_space<hbm>>
    %dma_start3A_18 = arith.constant 0 : i32
    %dma_start3A_19 = arith.constant 0 : i32
    %dma_start3A_20 = arith.constant 0 : i32
    %dma_start3A_21 = tpu.memref_slice %arg3[%arg1, %dma_start3A_18, %dma_start3A_19, %dma_start3A_20] : memref<16x20x40x25xi32, #tpu.memory_space<hbm>> -> memref<1x20x40x25xi32, #tpu.memory_space<hbm>>
    %dma_start3A_22 = tpu.memref_squeeze %dma_start3A_21 : memref<1x20x40x25xi32, #tpu.memory_space<hbm>> -> memref<20x40x25xi32, #tpu.memory_space<hbm>>
    %dma_start3A_23 = arith.constant 0 : i32
    %dma_start3A_24 = arith.constant 0 : i32
    %dma_start3A_25 = tpu.memref_slice %dma_start3A_22[%dma_start3A, %dma_start3A_23, %dma_start3A_24] : memref<20x40x25xi32, #tpu.memory_space<hbm>> -> memref<1x40x25xi32, #tpu.memory_space<hbm>>
    %dma_start3A_26 = tpu.memref_squeeze %dma_start3A_25 : memref<1x40x25xi32, #tpu.memory_space<hbm>> -> memref<40x25xi32, #tpu.memory_space<hbm>>
    tpu.enqueue_dma source(%dma_start3A_26 : memref<40x25xi32, #tpu.memory_space<hbm>>) target(%arg6 : memref<40x25xi32, #tpu.memory_space<vmem>>) target_semaphore(%arg10 : memref<!tpu.dma_semaphore, #tpu.memory_space<semaphore_mem>>)
    %dma_start3A_27 = arith.constant 0 : i32
    %dma_start3A_28 = arith.constant 0 : i32
    %dma_start3A_29 = arith.constant 0 : i32
    %dma_start3A_30 = arith.constant 0 : i32
    %dma_start3A_31 = tpu.memref_slice %arg4[%arg1, %dma_start3A_28, %dma_start3A_29, %dma_start3A_30] : memref<16x20x40x25xi32, #tpu.memory_space<hbm>> -> memref<1x20x40x25xi32, #tpu.memory_space<hbm>>
    %dma_start3A_32 = tpu.memref_squeeze %dma_start3A_31 : memref<1x20x40x25xi32, #tpu.memory_space<hbm>> -> memref<20x40x25xi32, #tpu.memory_space<hbm>>
    %dma_start3A_33 = arith.constant 0 : i32
    %dma_start3A_34 = arith.constant 0 : i32
    %dma_start3A_35 = tpu.memref_slice %dma_start3A_32[%dma_start3A_27, %dma_start3A_33, %dma_start3A_34] : memref<20x40x25xi32, #tpu.memory_space<hbm>> -> memref<1x40x25xi32, #tpu.memory_space<hbm>>
    %dma_start3A_36 = tpu.memref_squeeze %dma_start3A_35 : memref<1x40x25xi32, #tpu.memory_space<hbm>> -> memref<40x25xi32, #tpu.memory_space<hbm>>
    %dma_start3A_37 = arith.constant 0 : i32
    %dma_start3A_38 = arith.constant 0 : i32
    %dma_start3A_39 = arith.constant 0 : i32
    %dma_start3A_40 = tpu.memref_slice %arg4[%arg1, %dma_start3A_37, %dma_start3A_38, %dma_start3A_39] : memref<16x20x40x25xi32, #tpu.memory_space<hbm>> -> memref<1x20x40x25xi32, #tpu.memory_space<hbm>>
    %dma_start3A_41 = tpu.memref_squeeze %dma_start3A_40 : memref<1x20x40x25xi32, #tpu.memory_space<hbm>> -> memref<20x40x25xi32, #tpu.memory_space<hbm>>
    %dma_start3A_42 = arith.constant 0 : i32
    %dma_start3A_43 = arith.constant 0 : i32
    %dma_start3A_44 = tpu.memref_slice %dma_start3A_41[%dma_start3A_27, %dma_start3A_42, %dma_start3A_43] : memref<20x40x25xi32, #tpu.memory_space<hbm>> -> memref<1x40x25xi32, #tpu.memory_space<hbm>>
    %dma_start3A_45 = tpu.memref_squeeze %dma_start3A_44 : memref<1x40x25xi32, #tpu.memory_space<hbm>> -> memref<40x25xi32, #tpu.memory_space<hbm>>
    tpu.enqueue_dma source(%dma_start3A_45 : memref<40x25xi32, #tpu.memory_space<hbm>>) target(%arg7 : memref<40x25xi32, #tpu.memory_space<vmem>>) target_semaphore(%arg10 : memref<!tpu.dma_semaphore, #tpu.memory_space<semaphore_mem>>)
    %dma_start3A_46 = arith.constant 1 : i32
    %dma_start3A_47 = arith.constant 0 : i32
    %dma_start3A_48 = arith.constant 0 : i32
    %dma_start3A_49 = arith.constant 0 : i32
    %dma_start3A_50 = tpu.memref_slice %arg3[%arg1, %dma_start3A_47, %dma_start3A_48, %dma_start3A_49] : memref<16x20x40x25xi32, #tpu.memory_space<hbm>> -> memref<1x20x40x25xi32, #tpu.memory_space<hbm>>
    %dma_start3A_51 = tpu.memref_squeeze %dma_start3A_50 : memref<1x20x40x25xi32, #tpu.memory_space<hbm>> -> memref<20x40x25xi32, #tpu.memory_space<hbm>>
    %dma_start3A_52 = arith.constant 0 : i32
    %dma_start3A_53 = arith.constant 0 : i32
    %dma_start3A_54 = tpu.memref_slice %dma_start3A_51[%dma_start3A_46, %dma_start3A_52, %dma_start3A_53] : memref<20x40x25xi32, #tpu.memory_space<hbm>> -> memref<1x40x25xi32, #tpu.memory_space<hbm>>
    %dma_start3A_55 = tpu.memref_squeeze %dma_start3A_54 : memref<1x40x25xi32, #tpu.memory_space<hbm>> -> memref<40x25xi32, #tpu.memory_space<hbm>>
    %dma_start3A_56 = arith.constant 0 : i32
    %dma_start3A_57 = arith.constant 0 : i32
    %dma_start3A_58 = arith.constant 0 : i32
    %dma_start3A_59 = tpu.memref_slice %arg3[%arg1, %dma_start3A_56, %dma_start3A_57, %dma_start3A_58] : memref<16x20x40x25xi32, #tpu.memory_space<hbm>> -> memref<1x20x40x25xi32, #tpu.memory_space<hbm>>
    %dma_start3A_60 = tpu.memref_squeeze %dma_start3A_59 : memref<1x20x40x25xi32, #tpu.memory_space<hbm>> -> memref<20x40x25xi32, #tpu.memory_space<hbm>>
    %dma_start3A_61 = arith.constant 0 : i32
    %dma_start3A_62 = arith.constant 0 : i32
    %dma_start3A_63 = tpu.memref_slice %dma_start3A_60[%dma_start3A_46, %dma_start3A_61, %dma_start3A_62] : memref<20x40x25xi32, #tpu.memory_space<hbm>> -> memref<1x40x25xi32, #tpu.memory_space<hbm>>
    %dma_start3A_64 = tpu.memref_squeeze %dma_start3A_63 : memref<1x40x25xi32, #tpu.memory_space<hbm>> -> memref<40x25xi32, #tpu.memory_space<hbm>>
    tpu.enqueue_dma source(%dma_start3A_64 : memref<40x25xi32, #tpu.memory_space<hbm>>) target(%arg8 : memref<40x25xi32, #tpu.memory_space<vmem>>) target_semaphore(%arg11 : memref<!tpu.dma_semaphore, #tpu.memory_space<semaphore_mem>>)
    %dma_start3A_65 = arith.constant 1 : i32
    %dma_start3A_66 = arith.constant 0 : i32
    %dma_start3A_67 = arith.constant 0 : i32
    %dma_start3A_68 = arith.constant 0 : i32
    %dma_start3A_69 = tpu.memref_slice %arg4[%arg1, %dma_start3A_66, %dma_start3A_67, %dma_start3A_68] : memref<16x20x40x25xi32, #tpu.memory_space<hbm>> -> memref<1x20x40x25xi32, #tpu.memory_space<hbm>>
    %dma_start3A_70 = tpu.memref_squeeze %dma_start3A_69 : memref<1x20x40x25xi32, #tpu.memory_space<hbm>> -> memref<20x40x25xi32, #tpu.memory_space<hbm>>
    %dma_start3A_71 = arith.constant 0 : i32
    %dma_start3A_72 = arith.constant 0 : i32
    %dma_start3A_73 = tpu.memref_slice %dma_start3A_70[%dma_start3A_65, %dma_start3A_71, %dma_start3A_72] : memref<20x40x25xi32, #tpu.memory_space<hbm>> -> memref<1x40x25xi32, #tpu.memory_space<hbm>>
    %dma_start3A_74 = tpu.memref_squeeze %dma_start3A_73 : memref<1x40x25xi32, #tpu.memory_space<hbm>> -> memref<40x25xi32, #tpu.memory_space<hbm>>
    %dma_start3A_75 = arith.constant 0 : i32
    %dma_start3A_76 = arith.constant 0 : i32
    %dma_start3A_77 = arith.constant 0 : i32
    %dma_start3A_78 = tpu.memref_slice %arg4[%arg1, %dma_start3A_75, %dma_start3A_76, %dma_start3A_77] : memref<16x20x40x25xi32, #tpu.memory_space<hbm>> -> memref<1x20x40x25xi32, #tpu.memory_space<hbm>>
    %dma_start3A_79 = tpu.memref_squeeze %dma_start3A_78 : memref<1x20x40x25xi32, #tpu.memory_space<hbm>> -> memref<20x40x25xi32, #tpu.memory_space<hbm>>
    %dma_start3A_80 = arith.constant 0 : i32
    %dma_start3A_81 = arith.constant 0 : i32
    %dma_start3A_82 = tpu.memref_slice %dma_start3A_79[%dma_start3A_65, %dma_start3A_80, %dma_start3A_81] : memref<20x40x25xi32, #tpu.memory_space<hbm>> -> memref<1x40x25xi32, #tpu.memory_space<hbm>>
    %dma_start3A_83 = tpu.memref_squeeze %dma_start3A_82 : memref<1x40x25xi32, #tpu.memory_space<hbm>> -> memref<40x25xi32, #tpu.memory_space<hbm>>
    tpu.enqueue_dma source(%dma_start3A_83 : memref<40x25xi32, #tpu.memory_space<hbm>>) target(%arg9 : memref<40x25xi32, #tpu.memory_space<vmem>>) target_semaphore(%arg11 : memref<!tpu.dma_semaphore, #tpu.memory_space<semaphore_mem>>)
    %scan3A_84 = arith.constant 0 : i32
    %scan3A_85 = arith.constant 10 : i32
    %scan3A_86 = arith.addi %scan3A_84, %scan3A_85 : i32
    %scan3A_87 = arith.constant 1 : i32
    scf.for %scan3A_93 = %scan3A_84 to %scan3A_86 step %scan3A_87  : i32 {
      %mul3A_94 = arith.constant 1 : i32
      %mul3A_95 = arith.muli %scan3A_93, %mul3A_94 : i32
      %add3A = arith.constant 0 : i32
      %add3A_96 = arith.addi %add3A, %mul3A_95 : i32
      %mul3A_97 = arith.constant 2 : i32
      %mul3A_98 = arith.muli %add3A_96, %mul3A_97 : i32
      %dma_wait3A = arith.constant 0 : i32
      %dma_wait3A_99 = arith.constant 0 : i32
      %dma_wait3A_100 = arith.constant 0 : i32
      %dma_wait3A_101 = tpu.memref_slice %arg3[%arg1, %dma_wait3A, %dma_wait3A_99, %dma_wait3A_100] : memref<16x20x40x25xi32, #tpu.memory_space<hbm>> -> memref<1x20x40x25xi32, #tpu.memory_space<hbm>>
      %dma_wait3A_102 = tpu.memref_squeeze %dma_wait3A_101 : memref<1x20x40x25xi32, #tpu.memory_space<hbm>> -> memref<20x40x25xi32, #tpu.memory_space<hbm>>
      %dma_wait3A_103 = arith.constant 0 : i32
      %dma_wait3A_104 = arith.constant 0 : i32
      %dma_wait3A_105 = tpu.memref_slice %dma_wait3A_102[%mul3A_98, %dma_wait3A_103, %dma_wait3A_104] : memref<20x40x25xi32, #tpu.memory_space<hbm>> -> memref<1x40x25xi32, #tpu.memory_space<hbm>>
      %dma_wait3A_106 = tpu.memref_squeeze %dma_wait3A_105 : memref<1x40x25xi32, #tpu.memory_space<hbm>> -> memref<40x25xi32, #tpu.memory_space<hbm>>
      %dma_wait3A_107 = arith.constant 0 : i32
      %dma_wait3A_108 = arith.constant 0 : i32
      %dma_wait3A_109 = arith.constant 0 : i32
      %dma_wait3A_110 = tpu.memref_slice %arg3[%arg1, %dma_wait3A_107, %dma_wait3A_108, %dma_wait3A_109] : memref<16x20x40x25xi32, #tpu.memory_space<hbm>> -> memref<1x20x40x25xi32, #tpu.memory_space<hbm>>
      %dma_wait3A_111 = tpu.memref_squeeze %dma_wait3A_110 : memref<1x20x40x25xi32, #tpu.memory_space<hbm>> -> memref<20x40x25xi32, #tpu.memory_space<hbm>>
      %dma_wait3A_112 = arith.constant 0 : i32
      %dma_wait3A_113 = arith.constant 0 : i32
      %dma_wait3A_114 = tpu.memref_slice %dma_wait3A_111[%mul3A_98, %dma_wait3A_112, %dma_wait3A_113] : memref<20x40x25xi32, #tpu.memory_space<hbm>> -> memref<1x40x25xi32, #tpu.memory_space<hbm>>
      %dma_wait3A_115 = tpu.memref_squeeze %dma_wait3A_114 : memref<1x40x25xi32, #tpu.memory_space<hbm>> -> memref<40x25xi32, #tpu.memory_space<hbm>>
      tpu.wait_dma2 semaphore(%arg10 : memref<!tpu.dma_semaphore, #tpu.memory_space<semaphore_mem>>) src(%dma_wait3A_115 : memref<40x25xi32, #tpu.memory_space<hbm>>) dst(%arg6 : memref<40x25xi32, #tpu.memory_space<vmem>>)
      %dma_wait3A_116 = arith.constant 0 : i32
      %dma_wait3A_117 = arith.constant 0 : i32
      %dma_wait3A_118 = arith.constant 0 : i32
      %dma_wait3A_119 = tpu.memref_slice %arg4[%arg1, %dma_wait3A_116, %dma_wait3A_117, %dma_wait3A_118] : memref<16x20x40x25xi32, #tpu.memory_space<hbm>> -> memref<1x20x40x25xi32, #tpu.memory_space<hbm>>
      %dma_wait3A_120 = tpu.memref_squeeze %dma_wait3A_119 : memref<1x20x40x25xi32, #tpu.memory_space<hbm>> -> memref<20x40x25xi32, #tpu.memory_space<hbm>>
      %dma_wait3A_121 = arith.constant 0 : i32
      %dma_wait3A_122 = arith.constant 0 : i32
      %dma_wait3A_123 = tpu.memref_slice %dma_wait3A_120[%mul3A_98, %dma_wait3A_121, %dma_wait3A_122] : memref<20x40x25xi32, #tpu.memory_space<hbm>> -> memref<1x40x25xi32, #tpu.memory_space<hbm>>
      %dma_wait3A_124 = tpu.memref_squeeze %dma_wait3A_123 : memref<1x40x25xi32, #tpu.memory_space<hbm>> -> memref<40x25xi32, #tpu.memory_space<hbm>>
      %dma_wait3A_125 = arith.constant 0 : i32
      %dma_wait3A_126 = arith.constant 0 : i32
      %dma_wait3A_127 = arith.constant 0 : i32
      %dma_wait3A_128 = tpu.memref_slice %arg4[%arg1, %dma_wait3A_125, %dma_wait3A_126, %dma_wait3A_127] : memref<16x20x40x25xi32, #tpu.memory_space<hbm>> -> memref<1x20x40x25xi32, #tpu.memory_space<hbm>>
      %dma_wait3A_129 = tpu.memref_squeeze %dma_wait3A_128 : memref<1x20x40x25xi32, #tpu.memory_space<hbm>> -> memref<20x40x25xi32, #tpu.memory_space<hbm>>
      %dma_wait3A_130 = arith.constant 0 : i32
      %dma_wait3A_131 = arith.constant 0 : i32
      %dma_wait3A_132 = tpu.memref_slice %dma_wait3A_129[%mul3A_98, %dma_wait3A_130, %dma_wait3A_131] : memref<20x40x25xi32, #tpu.memory_space<hbm>> -> memref<1x40x25xi32, #tpu.memory_space<hbm>>
      %dma_wait3A_133 = tpu.memref_squeeze %dma_wait3A_132 : memref<1x40x25xi32, #tpu.memory_space<hbm>> -> memref<40x25xi32, #tpu.memory_space<hbm>>
      tpu.wait_dma2 semaphore(%arg10 : memref<!tpu.dma_semaphore, #tpu.memory_space<semaphore_mem>>) src(%dma_wait3A_133 : memref<40x25xi32, #tpu.memory_space<hbm>>) dst(%arg7 : memref<40x25xi32, #tpu.memory_space<vmem>>)
      %dma_start3A_134 = arith.constant 0 : i32
      %dma_start3A_135 = arith.constant 0 : i32
      %dma_start3A_136 = tpu.memref_slice %arg6[%dma_start3A_134, %dma_start3A_135] : memref<40x25xi32, #tpu.memory_space<vmem>> -> memref<1x25xi32, #tpu.memory_space<vmem>>
      %dma_start3A_137 = tpu.memref_squeeze %dma_start3A_136 : memref<1x25xi32, #tpu.memory_space<vmem>> -> memref<25xi32, #tpu.memory_space<vmem>>
      %dma_start3A_138 = arith.constant 0 : i32
      %dma_start3A_139 = arith.constant 0 : i32
      %dma_start3A_140 = tpu.memref_slice %arg2[%arg0, %dma_start3A_138, %dma_start3A_139] : memref<2x10000x128xf32, #tpu.memory_space<hbm>> -> memref<1x10000x128xf32, #tpu.memory_space<hbm>>
      %dma_start3A_141 = tpu.memref_squeeze %dma_start3A_140 : memref<1x10000x128xf32, #tpu.memory_space<hbm>> -> memref<10000x128xf32, #tpu.memory_space<hbm>>
      %dma_start3A_142 = arith.constant 0 : i32
      %dma_start3A_143 = arith.constant 0 : i32
      %dma_start3A_144 = tpu.memref_slice %dma_start3A_141[%dma_start3A_142, %dma_start3A_143] : memref<10000x128xf32, #tpu.memory_space<hbm>> -> memref<10000x128xf32, #tpu.memory_space<hbm>>
      tpu.enqueue_indirect_dma source(%dma_start3A_144 : memref<10000x128xf32, #tpu.memory_space<hbm>>) target(%arg12 : memref<25x128xf32, #tpu.memory_space<vmem>>) offsets(%dma_start3A_137 : memref<25xi32, #tpu.memory_space<vmem>>) semaphore(%arg17 : memref<!tpu.dma_semaphore, #tpu.memory_space<semaphore_mem>>)
      %dma_start3A_145 = arith.constant 1 : i32
      %dma_start3A_146 = arith.constant 0 : i32
      %dma_start3A_147 = tpu.memref_slice %arg6[%dma_start3A_145, %dma_start3A_146] : memref<40x25xi32, #tpu.memory_space<vmem>> -> memref<1x25xi32, #tpu.memory_space<vmem>>
      %dma_start3A_148 = tpu.memref_squeeze %dma_start3A_147 : memref<1x25xi32, #tpu.memory_space<vmem>> -> memref<25xi32, #tpu.memory_space<vmem>>
      %dma_start3A_149 = arith.constant 0 : i32
      %dma_start3A_150 = arith.constant 0 : i32
      %dma_start3A_151 = tpu.memref_slice %arg2[%arg0, %dma_start3A_149, %dma_start3A_150] : memref<2x10000x128xf32, #tpu.memory_space<hbm>> -> memref<1x10000x128xf32, #tpu.memory_space<hbm>>
      %dma_start3A_152 = tpu.memref_squeeze %dma_start3A_151 : memref<1x10000x128xf32, #tpu.memory_space<hbm>> -> memref<10000x128xf32, #tpu.memory_space<hbm>>
      %dma_start3A_153 = arith.constant 0 : i32
      %dma_start3A_154 = arith.constant 0 : i32
      %dma_start3A_155 = tpu.memref_slice %dma_start3A_152[%dma_start3A_153, %dma_start3A_154] : memref<10000x128xf32, #tpu.memory_space<hbm>> -> memref<10000x128xf32, #tpu.memory_space<hbm>>
      tpu.enqueue_indirect_dma source(%dma_start3A_155 : memref<10000x128xf32, #tpu.memory_space<hbm>>) target(%arg13 : memref<25x128xf32, #tpu.memory_space<vmem>>) offsets(%dma_start3A_148 : memref<25xi32, #tpu.memory_space<vmem>>) semaphore(%arg18 : memref<!tpu.dma_semaphore, #tpu.memory_space<semaphore_mem>>)
      %dma_start3A_156 = arith.constant 2 : i32
      %dma_start3A_157 = arith.constant 0 : i32
      %dma_start3A_158 = tpu.memref_slice %arg6[%dma_start3A_156, %dma_start3A_157] : memref<40x25xi32, #tpu.memory_space<vmem>> -> memref<1x25xi32, #tpu.memory_space<vmem>>
      %dma_start3A_159 = tpu.memref_squeeze %dma_start3A_158 : memref<1x25xi32, #tpu.memory_space<vmem>> -> memref<25xi32, #tpu.memory_space<vmem>>
      %dma_start3A_160 = arith.constant 0 : i32
      %dma_start3A_161 = arith.constant 0 : i32
      %dma_start3A_162 = tpu.memref_slice %arg2[%arg0, %dma_start3A_160, %dma_start3A_161] : memref<2x10000x128xf32, #tpu.memory_space<hbm>> -> memref<1x10000x128xf32, #tpu.memory_space<hbm>>
      %dma_start3A_163 = tpu.memref_squeeze %dma_start3A_162 : memref<1x10000x128xf32, #tpu.memory_space<hbm>> -> memref<10000x128xf32, #tpu.memory_space<hbm>>
      %dma_start3A_164 = arith.constant 0 : i32
      %dma_start3A_165 = arith.constant 0 : i32
      %dma_start3A_166 = tpu.memref_slice %dma_start3A_163[%dma_start3A_164, %dma_start3A_165] : memref<10000x128xf32, #tpu.memory_space<hbm>> -> memref<10000x128xf32, #tpu.memory_space<hbm>>
      tpu.enqueue_indirect_dma source(%dma_start3A_166 : memref<10000x128xf32, #tpu.memory_space<hbm>>) target(%arg14 : memref<25x128xf32, #tpu.memory_space<vmem>>) offsets(%dma_start3A_159 : memref<25xi32, #tpu.memory_space<vmem>>) semaphore(%arg19 : memref<!tpu.dma_semaphore, #tpu.memory_space<semaphore_mem>>)
      %dma_start3A_167 = arith.constant 3 : i32
      %dma_start3A_168 = arith.constant 0 : i32
      %dma_start3A_169 = tpu.memref_slice %arg6[%dma_start3A_167, %dma_start3A_168] : memref<40x25xi32, #tpu.memory_space<vmem>> -> memref<1x25xi32, #tpu.memory_space<vmem>>
      %dma_start3A_170 = tpu.memref_squeeze %dma_start3A_169 : memref<1x25xi32, #tpu.memory_space<vmem>> -> memref<25xi32, #tpu.memory_space<vmem>>
      %dma_start3A_171 = arith.constant 0 : i32
      %dma_start3A_172 = arith.constant 0 : i32
      %dma_start3A_173 = tpu.memref_slice %arg2[%arg0, %dma_start3A_171, %dma_start3A_172] : memref<2x10000x128xf32, #tpu.memory_space<hbm>> -> memref<1x10000x128xf32, #tpu.memory_space<hbm>>
      %dma_start3A_174 = tpu.memref_squeeze %dma_start3A_173 : memref<1x10000x128xf32, #tpu.memory_space<hbm>> -> memref<10000x128xf32, #tpu.memory_space<hbm>>
      %dma_start3A_175 = arith.constant 0 : i32
      %dma_start3A_176 = arith.constant 0 : i32
      %dma_start3A_177 = tpu.memref_slice %dma_start3A_174[%dma_start3A_175, %dma_start3A_176] : memref<10000x128xf32, #tpu.memory_space<hbm>> -> memref<10000x128xf32, #tpu.memory_space<hbm>>
      tpu.enqueue_indirect_dma source(%dma_start3A_177 : memref<10000x128xf32, #tpu.memory_space<hbm>>) target(%arg15 : memref<25x128xf32, #tpu.memory_space<vmem>>) offsets(%dma_start3A_170 : memref<25xi32, #tpu.memory_space<vmem>>) semaphore(%arg20 : memref<!tpu.dma_semaphore, #tpu.memory_space<semaphore_mem>>)
      %dma_start3A_178 = arith.constant 4 : i32
      %dma_start3A_179 = arith.constant 0 : i32
      %dma_start3A_180 = tpu.memref_slice %arg6[%dma_start3A_178, %dma_start3A_179] : memref<40x25xi32, #tpu.memory_space<vmem>> -> memref<1x25xi32, #tpu.memory_space<vmem>>
      %dma_start3A_181 = tpu.memref_squeeze %dma_start3A_180 : memref<1x25xi32, #tpu.memory_space<vmem>> -> memref<25xi32, #tpu.memory_space<vmem>>
      %dma_start3A_182 = arith.constant 0 : i32
      %dma_start3A_183 = arith.constant 0 : i32
      %dma_start3A_184 = tpu.memref_slice %arg2[%arg0, %dma_start3A_182, %dma_start3A_183] : memref<2x10000x128xf32, #tpu.memory_space<hbm>> -> memref<1x10000x128xf32, #tpu.memory_space<hbm>>
      %dma_start3A_185 = tpu.memref_squeeze %dma_start3A_184 : memref<1x10000x128xf32, #tpu.memory_space<hbm>> -> memref<10000x128xf32, #tpu.memory_space<hbm>>
      %dma_start3A_186 = arith.constant 0 : i32
      %dma_start3A_187 = arith.constant 0 : i32
      %dma_start3A_188 = tpu.memref_slice %dma_start3A_185[%dma_start3A_186, %dma_start3A_187] : memref<10000x128xf32, #tpu.memory_space<hbm>> -> memref<10000x128xf32, #tpu.memory_space<hbm>>
      tpu.enqueue_indirect_dma source(%dma_start3A_188 : memref<10000x128xf32, #tpu.memory_space<hbm>>) target(%arg16 : memref<25x128xf32, #tpu.memory_space<vmem>>) offsets(%dma_start3A_181 : memref<25xi32, #tpu.memory_space<vmem>>) semaphore(%arg21 : memref<!tpu.dma_semaphore, #tpu.memory_space<semaphore_mem>>)
      %scan3A_189 = arith.constant 0 : i32
      %scan3A_190 = arith.constant 7 : i32
      %scan3A_191 = arith.addi %scan3A_189, %scan3A_190 : i32
      %scan3A_192 = arith.constant 1 : i32
      scf.for %scan3A_553 = %scan3A_189 to %scan3A_191 step %scan3A_192  : i32 {
        %mul3A_554 = arith.constant 1 : i32
        %mul3A_555 = arith.muli %scan3A_553, %mul3A_554 : i32
        %add3A_556 = arith.constant 0 : i32
        %add3A_557 = arith.addi %add3A_556, %mul3A_555 : i32
        %mul3A_558 = arith.constant 5 : i32
        %mul3A_559 = arith.muli %add3A_557, %mul3A_558 : i32
        %add3A_560 = arith.constant 0 : i32
        %add3A_561 = arith.addi %mul3A_559, %add3A_560 : i32
        %dma_wait3A_562 = arith.constant 0 : i32
        %dma_wait3A_563 = tpu.memref_slice %arg6[%add3A_561, %dma_wait3A_562] : memref<40x25xi32, #tpu.memory_space<vmem>> -> memref<1x25xi32, #tpu.memory_space<vmem>>
        %dma_wait3A_564 = tpu.memref_squeeze %dma_wait3A_563 : memref<1x25xi32, #tpu.memory_space<vmem>> -> memref<25xi32, #tpu.memory_space<vmem>>
        %dma_wait3A_565 = arith.constant 0 : i32
        %dma_wait3A_566 = arith.constant 0 : i32
        %dma_wait3A_567 = tpu.memref_slice %arg2[%arg0, %dma_wait3A_565, %dma_wait3A_566] : memref<2x10000x128xf32, #tpu.memory_space<hbm>> -> memref<1x10000x128xf32, #tpu.memory_space<hbm>>
        %dma_wait3A_568 = tpu.memref_squeeze %dma_wait3A_567 : memref<1x10000x128xf32, #tpu.memory_space<hbm>> -> memref<10000x128xf32, #tpu.memory_space<hbm>>
        %dma_wait3A_569 = arith.constant 0 : i32
        %dma_wait3A_570 = arith.constant 0 : i32
        %dma_wait3A_571 = tpu.memref_slice %dma_wait3A_568[%dma_wait3A_569, %dma_wait3A_570] : memref<10000x128xf32, #tpu.memory_space<hbm>> -> memref<10000x128xf32, #tpu.memory_space<hbm>>
        tpu.wait_indirect_dma semaphore(%arg17 : memref<!tpu.dma_semaphore, #tpu.memory_space<semaphore_mem>>) src(%dma_wait3A_571 : memref<10000x128xf32, #tpu.memory_space<hbm>>) dst(%arg12 : memref<25x128xf32, #tpu.memory_space<vmem>>)
        %add3A_572 = arith.constant 0 : i32
        %add3A_573 = arith.addi %mul3A_559, %add3A_572 : i32
        %dma_start3A_574 = arith.constant 0 : i32
        %dma_start3A_575 = tpu.memref_slice %arg7[%add3A_573, %dma_start3A_574] : memref<40x25xi32, #tpu.memory_space<vmem>> -> memref<1x25xi32, #tpu.memory_space<vmem>>
        %dma_start3A_576 = tpu.memref_squeeze %dma_start3A_575 : memref<1x25xi32, #tpu.memory_space<vmem>> -> memref<25xi32, #tpu.memory_space<vmem>>
        %dma_start3A_577 = arith.constant 0 : i32
        %dma_start3A_578 = arith.constant 0 : i32
        %dma_start3A_579 = tpu.memref_slice %arg27[%dma_start3A_577, %dma_start3A_578] : memref<10240x128xf32, #tpu.memory_space<vmem_shared>> -> memref<10240x128xf32, #tpu.memory_space<vmem_shared>>
        tpu.enqueue_indirect_dma source(%arg12 : memref<25x128xf32, #tpu.memory_space<vmem>>) target(%dma_start3A_579 : memref<10240x128xf32, #tpu.memory_space<vmem_shared>>) offsets(%dma_start3A_576 : memref<25xi32, #tpu.memory_space<vmem>>) semaphore(%arg22 : memref<!tpu.dma_semaphore, #tpu.memory_space<semaphore_mem>>) {add = true}
        %add3A_580 = arith.constant 1 : i32
        %add3A_581 = arith.addi %mul3A_559, %add3A_580 : i32
        %dma_wait3A_582 = arith.constant 0 : i32
        %dma_wait3A_583 = tpu.memref_slice %arg6[%add3A_581, %dma_wait3A_582] : memref<40x25xi32, #tpu.memory_space<vmem>> -> memref<1x25xi32, #tpu.memory_space<vmem>>
        %dma_wait3A_584 = tpu.memref_squeeze %dma_wait3A_583 : memref<1x25xi32, #tpu.memory_space<vmem>> -> memref<25xi32, #tpu.memory_space<vmem>>
        %dma_wait3A_585 = arith.constant 0 : i32
        %dma_wait3A_586 = arith.constant 0 : i32
        %dma_wait3A_587 = tpu.memref_slice %arg2[%arg0, %dma_wait3A_585, %dma_wait3A_586] : memref<2x10000x128xf32, #tpu.memory_space<hbm>> -> memref<1x10000x128xf32, #tpu.memory_space<hbm>>
        %dma_wait3A_588 = tpu.memref_squeeze %dma_wait3A_587 : memref<1x10000x128xf32, #tpu.memory_space<hbm>> -> memref<10000x128xf32, #tpu.memory_space<hbm>>
        %dma_wait3A_589 = arith.constant 0 : i32
        %dma_wait3A_590 = arith.constant 0 : i32
        %dma_wait3A_591 = tpu.memref_slice %dma_wait3A_588[%dma_wait3A_589, %dma_wait3A_590] : memref<10000x128xf32, #tpu.memory_space<hbm>> -> memref<10000x128xf32, #tpu.memory_space<hbm>>
        tpu.wait_indirect_dma semaphore(%arg18 : memref<!tpu.dma_semaphore, #tpu.memory_space<semaphore_mem>>) src(%dma_wait3A_591 : memref<10000x128xf32, #tpu.memory_space<hbm>>) dst(%arg13 : memref<25x128xf32, #tpu.memory_space<vmem>>)
        %add3A_592 = arith.constant 1 : i32
        %add3A_593 = arith.addi %mul3A_559, %add3A_592 : i32
        %dma_start3A_594 = arith.constant 0 : i32
        %dma_start3A_595 = tpu.memref_slice %arg7[%add3A_593, %dma_start3A_594] : memref<40x25xi32, #tpu.memory_space<vmem>> -> memref<1x25xi32, #tpu.memory_space<vmem>>
        %dma_start3A_596 = tpu.memref_squeeze %dma_start3A_595 : memref<1x25xi32, #tpu.memory_space<vmem>> -> memref<25xi32, #tpu.memory_space<vmem>>
        %dma_start3A_597 = arith.constant 0 : i32
        %dma_start3A_598 = arith.constant 0 : i32
        %dma_start3A_599 = tpu.memref_slice %arg27[%dma_start3A_597, %dma_start3A_598] : memref<10240x128xf32, #tpu.memory_space<vmem_shared>> -> memref<10240x128xf32, #tpu.memory_space<vmem_shared>>
        tpu.enqueue_indirect_dma source(%arg13 : memref<25x128xf32, #tpu.memory_space<vmem>>) target(%dma_start3A_599 : memref<10240x128xf32, #tpu.memory_space<vmem_shared>>) offsets(%dma_start3A_596 : memref<25xi32, #tpu.memory_space<vmem>>) semaphore(%arg23 : memref<!tpu.dma_semaphore, #tpu.memory_space<semaphore_mem>>) {add = true}
        %add3A_600 = arith.constant 2 : i32
        %add3A_601 = arith.addi %mul3A_559, %add3A_600 : i32
        %dma_wait3A_602 = arith.constant 0 : i32
        %dma_wait3A_603 = tpu.memref_slice %arg6[%add3A_601, %dma_wait3A_602] : memref<40x25xi32, #tpu.memory_space<vmem>> -> memref<1x25xi32, #tpu.memory_space<vmem>>
        %dma_wait3A_604 = tpu.memref_squeeze %dma_wait3A_603 : memref<1x25xi32, #tpu.memory_space<vmem>> -> memref<25xi32, #tpu.memory_space<vmem>>
        %dma_wait3A_605 = arith.constant 0 : i32
        %dma_wait3A_606 = arith.constant 0 : i32
        %dma_wait3A_607 = tpu.memref_slice %arg2[%arg0, %dma_wait3A_605, %dma_wait3A_606] : memref<2x10000x128xf32, #tpu.memory_space<hbm>> -> memref<1x10000x128xf32, #tpu.memory_space<hbm>>
        %dma_wait3A_608 = tpu.memref_squeeze %dma_wait3A_607 : memref<1x10000x128xf32, #tpu.memory_space<hbm>> -> memref<10000x128xf32, #tpu.memory_space<hbm>>
        %dma_wait3A_609 = arith.constant 0 : i32
        %dma_wait3A_610 = arith.constant 0 : i32
        %dma_wait3A_611 = tpu.memref_slice %dma_wait3A_608[%dma_wait3A_609, %dma_wait3A_610] : memref<10000x128xf32, #tpu.memory_space<hbm>> -> memref<10000x128xf32, #tpu.memory_space<hbm>>
        tpu.wait_indirect_dma semaphore(%arg19 : memref<!tpu.dma_semaphore, #tpu.memory_space<semaphore_mem>>) src(%dma_wait3A_611 : memref<10000x128xf32, #tpu.memory_space<hbm>>) dst(%arg14 : memref<25x128xf32, #tpu.memory_space<vmem>>)
        %add3A_612 = arith.constant 2 : i32
        %add3A_613 = arith.addi %mul3A_559, %add3A_612 : i32
        %dma_start3A_614 = arith.constant 0 : i32
        %dma_start3A_615 = tpu.memref_slice %arg7[%add3A_613, %dma_start3A_614] : memref<40x25xi32, #tpu.memory_space<vmem>> -> memref<1x25xi32, #tpu.memory_space<vmem>>
        %dma_start3A_616 = tpu.memref_squeeze %dma_start3A_615 : memref<1x25xi32, #tpu.memory_space<vmem>> -> memref<25xi32, #tpu.memory_space<vmem>>
        %dma_start3A_617 = arith.constant 0 : i32
        %dma_start3A_618 = arith.constant 0 : i32
        %dma_start3A_619 = tpu.memref_slice %arg27[%dma_start3A_617, %dma_start3A_618] : memref<10240x128xf32, #tpu.memory_space<vmem_shared>> -> memref<10240x128xf32, #tpu.memory_space<vmem_shared>>
        tpu.enqueue_indirect_dma source(%arg14 : memref<25x128xf32, #tpu.memory_space<vmem>>) target(%dma_start3A_619 : memref<10240x128xf32, #tpu.memory_space<vmem_shared>>) offsets(%dma_start3A_616 : memref<25xi32, #tpu.memory_space<vmem>>) semaphore(%arg24 : memref<!tpu.dma_semaphore, #tpu.memory_space<semaphore_mem>>) {add = true}
        %add3A_620 = arith.constant 3 : i32
        %add3A_621 = arith.addi %mul3A_559, %add3A_620 : i32
        %dma_wait3A_622 = arith.constant 0 : i32
        %dma_wait3A_623 = tpu.memref_slice %arg6[%add3A_621, %dma_wait3A_622] : memref<40x25xi32, #tpu.memory_space<vmem>> -> memref<1x25xi32, #tpu.memory_space<vmem>>
        %dma_wait3A_624 = tpu.memref_squeeze %dma_wait3A_623 : memref<1x25xi32, #tpu.memory_space<vmem>> -> memref<25xi32, #tpu.memory_space<vmem>>
        %dma_wait3A_625 = arith.constant 0 : i32
        %dma_wait3A_626 = arith.constant 0 : i32
        %dma_wait3A_627 = tpu.memref_slice %arg2[%arg0, %dma_wait3A_625, %dma_wait3A_626] : memref<2x10000x128xf32, #tpu.memory_space<hbm>> -> memref<1x10000x128xf32, #tpu.memory_space<hbm>>
        %dma_wait3A_628 = tpu.memref_squeeze %dma_wait3A_627 : memref<1x10000x128xf32, #tpu.memory_space<hbm>> -> memref<10000x128xf32, #tpu.memory_space<hbm>>
        %dma_wait3A_629 = arith.constant 0 : i32
        %dma_wait3A_630 = arith.constant 0 : i32
        %dma_wait3A_631 = tpu.memref_slice %dma_wait3A_628[%dma_wait3A_629, %dma_wait3A_630] : memref<10000x128xf32, #tpu.memory_space<hbm>> -> memref<10000x128xf32, #tpu.memory_space<hbm>>
        tpu.wait_indirect_dma semaphore(%arg20 : memref<!tpu.dma_semaphore, #tpu.memory_space<semaphore_mem>>) src(%dma_wait3A_631 : memref<10000x128xf32, #tpu.memory_space<hbm>>) dst(%arg15 : memref<25x128xf32, #tpu.memory_space<vmem>>)
        %add3A_632 = arith.constant 3 : i32
        %add3A_633 = arith.addi %mul3A_559, %add3A_632 : i32
        %dma_start3A_634 = arith.constant 0 : i32
        %dma_start3A_635 = tpu.memref_slice %arg7[%add3A_633, %dma_start3A_634] : memref<40x25xi32, #tpu.memory_space<vmem>> -> memref<1x25xi32, #tpu.memory_space<vmem>>
        %dma_start3A_636 = tpu.memref_squeeze %dma_start3A_635 : memref<1x25xi32, #tpu.memory_space<vmem>> -> memref<25xi32, #tpu.memory_space<vmem>>
        %dma_start3A_637 = arith.constant 0 : i32
        %dma_start3A_638 = arith.constant 0 : i32
        %dma_start3A_639 = tpu.memref_slice %arg27[%dma_start3A_637, %dma_start3A_638] : memref<10240x128xf32, #tpu.memory_space<vmem_shared>> -> memref<10240x128xf32, #tpu.memory_space<vmem_shared>>
        tpu.enqueue_indirect_dma source(%arg15 : memref<25x128xf32, #tpu.memory_space<vmem>>) target(%dma_start3A_639 : memref<10240x128xf32, #tpu.memory_space<vmem_shared>>) offsets(%dma_start3A_636 : memref<25xi32, #tpu.memory_space<vmem>>) semaphore(%arg25 : memref<!tpu.dma_semaphore, #tpu.memory_space<semaphore_mem>>) {add = true}
        %add3A_640 = arith.constant 4 : i32
        %add3A_641 = arith.addi %mul3A_559, %add3A_640 : i32
        %dma_wait3A_642 = arith.constant 0 : i32
        %dma_wait3A_643 = tpu.memref_slice %arg6[%add3A_641, %dma_wait3A_642] : memref<40x25xi32, #tpu.memory_space<vmem>> -> memref<1x25xi32, #tpu.memory_space<vmem>>
        %dma_wait3A_644 = tpu.memref_squeeze %dma_wait3A_643 : memref<1x25xi32, #tpu.memory_space<vmem>> -> memref<25xi32, #tpu.memory_space<vmem>>
        %dma_wait3A_645 = arith.constant 0 : i32
        %dma_wait3A_646 = arith.constant 0 : i32
        %dma_wait3A_647 = tpu.memref_slice %arg2[%arg0, %dma_wait3A_645, %dma_wait3A_646] : memref<2x10000x128xf32, #tpu.memory_space<hbm>> -> memref<1x10000x128xf32, #tpu.memory_space<hbm>>
        %dma_wait3A_648 = tpu.memref_squeeze %dma_wait3A_647 : memref<1x10000x128xf32, #tpu.memory_space<hbm>> -> memref<10000x128xf32, #tpu.memory_space<hbm>>
        %dma_wait3A_649 = arith.constant 0 : i32
        %dma_wait3A_650 = arith.constant 0 : i32
        %dma_wait3A_651 = tpu.memref_slice %dma_wait3A_648[%dma_wait3A_649, %dma_wait3A_650] : memref<10000x128xf32, #tpu.memory_space<hbm>> -> memref<10000x128xf32, #tpu.memory_space<hbm>>
        tpu.wait_indirect_dma semaphore(%arg21 : memref<!tpu.dma_semaphore, #tpu.memory_space<semaphore_mem>>) src(%dma_wait3A_651 : memref<10000x128xf32, #tpu.memory_space<hbm>>) dst(%arg16 : memref<25x128xf32, #tpu.memory_space<vmem>>)
        %add3A_652 = arith.constant 4 : i32
        %add3A_653 = arith.addi %mul3A_559, %add3A_652 : i32
        %dma_start3A_654 = arith.constant 0 : i32
        %dma_start3A_655 = tpu.memref_slice %arg7[%add3A_653, %dma_start3A_654] : memref<40x25xi32, #tpu.memory_space<vmem>> -> memref<1x25xi32, #tpu.memory_space<vmem>>
        %dma_start3A_656 = tpu.memref_squeeze %dma_start3A_655 : memref<1x25xi32, #tpu.memory_space<vmem>> -> memref<25xi32, #tpu.memory_space<vmem>>
        %dma_start3A_657 = arith.constant 0 : i32
        %dma_start3A_658 = arith.constant 0 : i32
        %dma_start3A_659 = tpu.memref_slice %arg27[%dma_start3A_657, %dma_start3A_658] : memref<10240x128xf32, #tpu.memory_space<vmem_shared>> -> memref<10240x128xf32, #tpu.memory_space<vmem_shared>>
        tpu.enqueue_indirect_dma source(%arg16 : memref<25x128xf32, #tpu.memory_space<vmem>>) target(%dma_start3A_659 : memref<10240x128xf32, #tpu.memory_space<vmem_shared>>) offsets(%dma_start3A_656 : memref<25xi32, #tpu.memory_space<vmem>>) semaphore(%arg26 : memref<!tpu.dma_semaphore, #tpu.memory_space<semaphore_mem>>) {add = true}
        %add3A_660 = arith.constant 0 : i32
        %add3A_661 = arith.addi %mul3A_559, %add3A_660 : i32
        %dma_wait3A_662 = arith.constant 0 : i32
        %dma_wait3A_663 = tpu.memref_slice %arg7[%add3A_661, %dma_wait3A_662] : memref<40x25xi32, #tpu.memory_space<vmem>> -> memref<1x25xi32, #tpu.memory_space<vmem>>
        %dma_wait3A_664 = tpu.memref_squeeze %dma_wait3A_663 : memref<1x25xi32, #tpu.memory_space<vmem>> -> memref<25xi32, #tpu.memory_space<vmem>>
        %dma_wait3A_665 = arith.constant 0 : i32
        %dma_wait3A_666 = arith.constant 0 : i32
        %dma_wait3A_667 = tpu.memref_slice %arg27[%dma_wait3A_665, %dma_wait3A_666] : memref<10240x128xf32, #tpu.memory_space<vmem_shared>> -> memref<10240x128xf32, #tpu.memory_space<vmem_shared>>
        tpu.wait_indirect_dma semaphore(%arg22 : memref<!tpu.dma_semaphore, #tpu.memory_space<semaphore_mem>>) src(%arg12 : memref<25x128xf32, #tpu.memory_space<vmem>>) dst(%dma_wait3A_667 : memref<10240x128xf32, #tpu.memory_space<vmem_shared>>)
        %add3A_668 = arith.constant 5 : i32
        %add3A_669 = arith.addi %mul3A_559, %add3A_668 : i32
        %add3A_670 = arith.constant 0 : i32
        %add3A_671 = arith.addi %add3A_669, %add3A_670 : i32
        %dma_start3A_672 = arith.constant 0 : i32
        %dma_start3A_673 = tpu.memref_slice %arg6[%add3A_671, %dma_start3A_672] : memref<40x25xi32, #tpu.memory_space<vmem>> -> memref<1x25xi32, #tpu.memory_space<vmem>>
        %dma_start3A_674 = tpu.memref_squeeze %dma_start3A_673 : memref<1x25xi32, #tpu.memory_space<vmem>> -> memref<25xi32, #tpu.memory_space<vmem>>
        %dma_start3A_675 = arith.constant 0 : i32
        %dma_start3A_676 = arith.constant 0 : i32
        %dma_start3A_677 = tpu.memref_slice %arg2[%arg0, %dma_start3A_675, %dma_start3A_676] : memref<2x10000x128xf32, #tpu.memory_space<hbm>> -> memref<1x10000x128xf32, #tpu.memory_space<hbm>>
        %dma_start3A_678 = tpu.memref_squeeze %dma_start3A_677 : memref<1x10000x128xf32, #tpu.memory_space<hbm>> -> memref<10000x128xf32, #tpu.memory_space<hbm>>
        %dma_start3A_679 = arith.constant 0 : i32
        %dma_start3A_680 = arith.constant 0 : i32
        %dma_start3A_681 = tpu.memref_slice %dma_start3A_678[%dma_start3A_679, %dma_start3A_680] : memref<10000x128xf32, #tpu.memory_space<hbm>> -> memref<10000x128xf32, #tpu.memory_space<hbm>>
        tpu.enqueue_indirect_dma source(%dma_start3A_681 : memref<10000x128xf32, #tpu.memory_space<hbm>>) target(%arg12 : memref<25x128xf32, #tpu.memory_space<vmem>>) offsets(%dma_start3A_674 : memref<25xi32, #tpu.memory_space<vmem>>) semaphore(%arg17 : memref<!tpu.dma_semaphore, #tpu.memory_space<semaphore_mem>>)
        %add3A_682 = arith.constant 1 : i32
        %add3A_683 = arith.addi %mul3A_559, %add3A_682 : i32
        %dma_wait3A_684 = arith.constant 0 : i32
        %dma_wait3A_685 = tpu.memref_slice %arg7[%add3A_683, %dma_wait3A_684] : memref<40x25xi32, #tpu.memory_space<vmem>> -> memref<1x25xi32, #tpu.memory_space<vmem>>
        %dma_wait3A_686 = tpu.memref_squeeze %dma_wait3A_685 : memref<1x25xi32, #tpu.memory_space<vmem>> -> memref<25xi32, #tpu.memory_space<vmem>>
        %dma_wait3A_687 = arith.constant 0 : i32
        %dma_wait3A_688 = arith.constant 0 : i32
        %dma_wait3A_689 = tpu.memref_slice %arg27[%dma_wait3A_687, %dma_wait3A_688] : memref<10240x128xf32, #tpu.memory_space<vmem_shared>> -> memref<10240x128xf32, #tpu.memory_space<vmem_shared>>
        tpu.wait_indirect_dma semaphore(%arg23 : memref<!tpu.dma_semaphore, #tpu.memory_space<semaphore_mem>>) src(%arg13 : memref<25x128xf32, #tpu.memory_space<vmem>>) dst(%dma_wait3A_689 : memref<10240x128xf32, #tpu.memory_space<vmem_shared>>)
        %add3A_690 = arith.constant 5 : i32
        %add3A_691 = arith.addi %mul3A_559, %add3A_690 : i32
        %add3A_692 = arith.constant 1 : i32
        %add3A_693 = arith.addi %add3A_691, %add3A_692 : i32
        %dma_start3A_694 = arith.constant 0 : i32
        %dma_start3A_695 = tpu.memref_slice %arg6[%add3A_693, %dma_start3A_694] : memref<40x25xi32, #tpu.memory_space<vmem>> -> memref<1x25xi32, #tpu.memory_space<vmem>>
        %dma_start3A_696 = tpu.memref_squeeze %dma_start3A_695 : memref<1x25xi32, #tpu.memory_space<vmem>> -> memref<25xi32, #tpu.memory_space<vmem>>
        %dma_start3A_697 = arith.constant 0 : i32
        %dma_start3A_698 = arith.constant 0 : i32
        %dma_start3A_699 = tpu.memref_slice %arg2[%arg0, %dma_start3A_697, %dma_start3A_698] : memref<2x10000x128xf32, #tpu.memory_space<hbm>> -> memref<1x10000x128xf32, #tpu.memory_space<hbm>>
        %dma_start3A_700 = tpu.memref_squeeze %dma_start3A_699 : memref<1x10000x128xf32, #tpu.memory_space<hbm>> -> memref<10000x128xf32, #tpu.memory_space<hbm>>
        %dma_start3A_701 = arith.constant 0 : i32
        %dma_start3A_702 = arith.constant 0 : i32
        %dma_start3A_703 = tpu.memref_slice %dma_start3A_700[%dma_start3A_701, %dma_start3A_702] : memref<10000x128xf32, #tpu.memory_space<hbm>> -> memref<10000x128xf32, #tpu.memory_space<hbm>>
        tpu.enqueue_indirect_dma source(%dma_start3A_703 : memref<10000x128xf32, #tpu.memory_space<hbm>>) target(%arg13 : memref<25x128xf32, #tpu.memory_space<vmem>>) offsets(%dma_start3A_696 : memref<25xi32, #tpu.memory_space<vmem>>) semaphore(%arg18 : memref<!tpu.dma_semaphore, #tpu.memory_space<semaphore_mem>>)
        %add3A_704 = arith.constant 2 : i32
        %add3A_705 = arith.addi %mul3A_559, %add3A_704 : i32
        %dma_wait3A_706 = arith.constant 0 : i32
        %dma_wait3A_707 = tpu.memref_slice %arg7[%add3A_705, %dma_wait3A_706] : memref<40x25xi32, #tpu.memory_space<vmem>> -> memref<1x25xi32, #tpu.memory_space<vmem>>
        %dma_wait3A_708 = tpu.memref_squeeze %dma_wait3A_707 : memref<1x25xi32, #tpu.memory_space<vmem>> -> memref<25xi32, #tpu.memory_space<vmem>>
        %dma_wait3A_709 = arith.constant 0 : i32
        %dma_wait3A_710 = arith.constant 0 : i32
        %dma_wait3A_711 = tpu.memref_slice %arg27[%dma_wait3A_709, %dma_wait3A_710] : memref<10240x128xf32, #tpu.memory_space<vmem_shared>> -> memref<10240x128xf32, #tpu.memory_space<vmem_shared>>
        tpu.wait_indirect_dma semaphore(%arg24 : memref<!tpu.dma_semaphore, #tpu.memory_space<semaphore_mem>>) src(%arg14 : memref<25x128xf32, #tpu.memory_space<vmem>>) dst(%dma_wait3A_711 : memref<10240x128xf32, #tpu.memory_space<vmem_shared>>)
        %add3A_712 = arith.constant 5 : i32
        %add3A_713 = arith.addi %mul3A_559, %add3A_712 : i32
        %add3A_714 = arith.constant 2 : i32
        %add3A_715 = arith.addi %add3A_713, %add3A_714 : i32
        %dma_start3A_716 = arith.constant 0 : i32
        %dma_start3A_717 = tpu.memref_slice %arg6[%add3A_715, %dma_start3A_716] : memref<40x25xi32, #tpu.memory_space<vmem>> -> memref<1x25xi32, #tpu.memory_space<vmem>>
        %dma_start3A_718 = tpu.memref_squeeze %dma_start3A_717 : memref<1x25xi32, #tpu.memory_space<vmem>> -> memref<25xi32, #tpu.memory_space<vmem>>
        %dma_start3A_719 = arith.constant 0 : i32
        %dma_start3A_720 = arith.constant 0 : i32
        %dma_start3A_721 = tpu.memref_slice %arg2[%arg0, %dma_start3A_719, %dma_start3A_720] : memref<2x10000x128xf32, #tpu.memory_space<hbm>> -> memref<1x10000x128xf32, #tpu.memory_space<hbm>>
        %dma_start3A_722 = tpu.memref_squeeze %dma_start3A_721 : memref<1x10000x128xf32, #tpu.memory_space<hbm>> -> memref<10000x128xf32, #tpu.memory_space<hbm>>
        %dma_start3A_723 = arith.constant 0 : i32
        %dma_start3A_724 = arith.constant 0 : i32
        %dma_start3A_725 = tpu.memref_slice %dma_start3A_722[%dma_start3A_723, %dma_start3A_724] : memref<10000x128xf32, #tpu.memory_space<hbm>> -> memref<10000x128xf32, #tpu.memory_space<hbm>>
        tpu.enqueue_indirect_dma source(%dma_start3A_725 : memref<10000x128xf32, #tpu.memory_space<hbm>>) target(%arg14 : memref<25x128xf32, #tpu.memory_space<vmem>>) offsets(%dma_start3A_718 : memref<25xi32, #tpu.memory_space<vmem>>) semaphore(%arg19 : memref<!tpu.dma_semaphore, #tpu.memory_space<semaphore_mem>>)
        %add3A_726 = arith.constant 3 : i32
        %add3A_727 = arith.addi %mul3A_559, %add3A_726 : i32
        %dma_wait3A_728 = arith.constant 0 : i32
        %dma_wait3A_729 = tpu.memref_slice %arg7[%add3A_727, %dma_wait3A_728] : memref<40x25xi32, #tpu.memory_space<vmem>> -> memref<1x25xi32, #tpu.memory_space<vmem>>
        %dma_wait3A_730 = tpu.memref_squeeze %dma_wait3A_729 : memref<1x25xi32, #tpu.memory_space<vmem>> -> memref<25xi32, #tpu.memory_space<vmem>>
        %dma_wait3A_731 = arith.constant 0 : i32
        %dma_wait3A_732 = arith.constant 0 : i32
        %dma_wait3A_733 = tpu.memref_slice %arg27[%dma_wait3A_731, %dma_wait3A_732] : memref<10240x128xf32, #tpu.memory_space<vmem_shared>> -> memref<10240x128xf32, #tpu.memory_space<vmem_shared>>
        tpu.wait_indirect_dma semaphore(%arg25 : memref<!tpu.dma_semaphore, #tpu.memory_space<semaphore_mem>>) src(%arg15 : memref<25x128xf32, #tpu.memory_space<vmem>>) dst(%dma_wait3A_733 : memref<10240x128xf32, #tpu.memory_space<vmem_shared>>)
        %add3A_734 = arith.constant 5 : i32
        %add3A_735 = arith.addi %mul3A_559, %add3A_734 : i32
        %add3A_736 = arith.constant 3 : i32
        %add3A_737 = arith.addi %add3A_735, %add3A_736 : i32
        %dma_start3A_738 = arith.constant 0 : i32
        %dma_start3A_739 = tpu.memref_slice %arg6[%add3A_737, %dma_start3A_738] : memref<40x25xi32, #tpu.memory_space<vmem>> -> memref<1x25xi32, #tpu.memory_space<vmem>>
        %dma_start3A_740 = tpu.memref_squeeze %dma_start3A_739 : memref<1x25xi32, #tpu.memory_space<vmem>> -> memref<25xi32, #tpu.memory_space<vmem>>
        %dma_start3A_741 = arith.constant 0 : i32
        %dma_start3A_742 = arith.constant 0 : i32
        %dma_start3A_743 = tpu.memref_slice %arg2[%arg0, %dma_start3A_741, %dma_start3A_742] : memref<2x10000x128xf32, #tpu.memory_space<hbm>> -> memref<1x10000x128xf32, #tpu.memory_space<hbm>>
        %dma_start3A_744 = tpu.memref_squeeze %dma_start3A_743 : memref<1x10000x128xf32, #tpu.memory_space<hbm>> -> memref<10000x128xf32, #tpu.memory_space<hbm>>
        %dma_start3A_745 = arith.constant 0 : i32
        %dma_start3A_746 = arith.constant 0 : i32
        %dma_start3A_747 = tpu.memref_slice %dma_start3A_744[%dma_start3A_745, %dma_start3A_746] : memref<10000x128xf32, #tpu.memory_space<hbm>> -> memref<10000x128xf32, #tpu.memory_space<hbm>>
        tpu.enqueue_indirect_dma source(%dma_start3A_747 : memref<10000x128xf32, #tpu.memory_space<hbm>>) target(%arg15 : memref<25x128xf32, #tpu.memory_space<vmem>>) offsets(%dma_start3A_740 : memref<25xi32, #tpu.memory_space<vmem>>) semaphore(%arg20 : memref<!tpu.dma_semaphore, #tpu.memory_space<semaphore_mem>>)
        %add3A_748 = arith.constant 4 : i32
        %add3A_749 = arith.addi %mul3A_559, %add3A_748 : i32
        %dma_wait3A_750 = arith.constant 0 : i32
        %dma_wait3A_751 = tpu.memref_slice %arg7[%add3A_749, %dma_wait3A_750] : memref<40x25xi32, #tpu.memory_space<vmem>> -> memref<1x25xi32, #tpu.memory_space<vmem>>
        %dma_wait3A_752 = tpu.memref_squeeze %dma_wait3A_751 : memref<1x25xi32, #tpu.memory_space<vmem>> -> memref<25xi32, #tpu.memory_space<vmem>>
        %dma_wait3A_753 = arith.constant 0 : i32
        %dma_wait3A_754 = arith.constant 0 : i32
        %dma_wait3A_755 = tpu.memref_slice %arg27[%dma_wait3A_753, %dma_wait3A_754] : memref<10240x128xf32, #tpu.memory_space<vmem_shared>> -> memref<10240x128xf32, #tpu.memory_space<vmem_shared>>
        tpu.wait_indirect_dma semaphore(%arg26 : memref<!tpu.dma_semaphore, #tpu.memory_space<semaphore_mem>>) src(%arg16 : memref<25x128xf32, #tpu.memory_space<vmem>>) dst(%dma_wait3A_755 : memref<10240x128xf32, #tpu.memory_space<vmem_shared>>)
        %add3A_756 = arith.constant 5 : i32
        %add3A_757 = arith.addi %mul3A_559, %add3A_756 : i32
        %add3A_758 = arith.constant 4 : i32
        %add3A_759 = arith.addi %add3A_757, %add3A_758 : i32
        %dma_start3A_760 = arith.constant 0 : i32
        %dma_start3A_761 = tpu.memref_slice %arg6[%add3A_759, %dma_start3A_760] : memref<40x25xi32, #tpu.memory_space<vmem>> -> memref<1x25xi32, #tpu.memory_space<vmem>>
        %dma_start3A_762 = tpu.memref_squeeze %dma_start3A_761 : memref<1x25xi32, #tpu.memory_space<vmem>> -> memref<25xi32, #tpu.memory_space<vmem>>
        %dma_start3A_763 = arith.constant 0 : i32
        %dma_start3A_764 = arith.constant 0 : i32
        %dma_start3A_765 = tpu.memref_slice %arg2[%arg0, %dma_start3A_763, %dma_start3A_764] : memref<2x10000x128xf32, #tpu.memory_space<hbm>> -> memref<1x10000x128xf32, #tpu.memory_space<hbm>>
        %dma_start3A_766 = tpu.memref_squeeze %dma_start3A_765 : memref<1x10000x128xf32, #tpu.memory_space<hbm>> -> memref<10000x128xf32, #tpu.memory_space<hbm>>
        %dma_start3A_767 = arith.constant 0 : i32
        %dma_start3A_768 = arith.constant 0 : i32
        %dma_start3A_769 = tpu.memref_slice %dma_start3A_766[%dma_start3A_767, %dma_start3A_768] : memref<10000x128xf32, #tpu.memory_space<hbm>> -> memref<10000x128xf32, #tpu.memory_space<hbm>>
        tpu.enqueue_indirect_dma source(%dma_start3A_769 : memref<10000x128xf32, #tpu.memory_space<hbm>>) target(%arg16 : memref<25x128xf32, #tpu.memory_space<vmem>>) offsets(%dma_start3A_762 : memref<25xi32, #tpu.memory_space<vmem>>) semaphore(%arg21 : memref<!tpu.dma_semaphore, #tpu.memory_space<semaphore_mem>>)
      }
      %scan3A_193 = arith.constant 7 : i32
      %dma_wait3A_194 = arith.constant 35 : i32
      %dma_wait3A_195 = arith.constant 0 : i32
      %dma_wait3A_196 = tpu.memref_slice %arg6[%dma_wait3A_194, %dma_wait3A_195] : memref<40x25xi32, #tpu.memory_space<vmem>> -> memref<1x25xi32, #tpu.memory_space<vmem>>
      %dma_wait3A_197 = tpu.memref_squeeze %dma_wait3A_196 : memref<1x25xi32, #tpu.memory_space<vmem>> -> memref<25xi32, #tpu.memory_space<vmem>>
      %dma_wait3A_198 = arith.constant 0 : i32
      %dma_wait3A_199 = arith.constant 0 : i32
      %dma_wait3A_200 = tpu.memref_slice %arg2[%arg0, %dma_wait3A_198, %dma_wait3A_199] : memref<2x10000x128xf32, #tpu.memory_space<hbm>> -> memref<1x10000x128xf32, #tpu.memory_space<hbm>>
      %dma_wait3A_201 = tpu.memref_squeeze %dma_wait3A_200 : memref<1x10000x128xf32, #tpu.memory_space<hbm>> -> memref<10000x128xf32, #tpu.memory_space<hbm>>
      %dma_wait3A_202 = arith.constant 0 : i32
      %dma_wait3A_203 = arith.constant 0 : i32
      %dma_wait3A_204 = tpu.memref_slice %dma_wait3A_201[%dma_wait3A_202, %dma_wait3A_203] : memref<10000x128xf32, #tpu.memory_space<hbm>> -> memref<10000x128xf32, #tpu.memory_space<hbm>>
      tpu.wait_indirect_dma semaphore(%arg17 : memref<!tpu.dma_semaphore, #tpu.memory_space<semaphore_mem>>) src(%dma_wait3A_204 : memref<10000x128xf32, #tpu.memory_space<hbm>>) dst(%arg12 : memref<25x128xf32, #tpu.memory_space<vmem>>)
      %dma_start3A_205 = arith.constant 35 : i32
      %dma_start3A_206 = arith.constant 0 : i32
      %dma_start3A_207 = tpu.memref_slice %arg7[%dma_start3A_205, %dma_start3A_206] : memref<40x25xi32, #tpu.memory_space<vmem>> -> memref<1x25xi32, #tpu.memory_space<vmem>>
      %dma_start3A_208 = tpu.memref_squeeze %dma_start3A_207 : memref<1x25xi32, #tpu.memory_space<vmem>> -> memref<25xi32, #tpu.memory_space<vmem>>
      %dma_start3A_209 = arith.constant 0 : i32
      %dma_start3A_210 = arith.constant 0 : i32
      %dma_start3A_211 = tpu.memref_slice %arg27[%dma_start3A_209, %dma_start3A_210] : memref<10240x128xf32, #tpu.memory_space<vmem_shared>> -> memref<10240x128xf32, #tpu.memory_space<vmem_shared>>
      tpu.enqueue_indirect_dma source(%arg12 : memref<25x128xf32, #tpu.memory_space<vmem>>) target(%dma_start3A_211 : memref<10240x128xf32, #tpu.memory_space<vmem_shared>>) offsets(%dma_start3A_208 : memref<25xi32, #tpu.memory_space<vmem>>) semaphore(%arg22 : memref<!tpu.dma_semaphore, #tpu.memory_space<semaphore_mem>>) {add = true}
      %dma_wait3A_212 = arith.constant 36 : i32
      %dma_wait3A_213 = arith.constant 0 : i32
      %dma_wait3A_214 = tpu.memref_slice %arg6[%dma_wait3A_212, %dma_wait3A_213] : memref<40x25xi32, #tpu.memory_space<vmem>> -> memref<1x25xi32, #tpu.memory_space<vmem>>
      %dma_wait3A_215 = tpu.memref_squeeze %dma_wait3A_214 : memref<1x25xi32, #tpu.memory_space<vmem>> -> memref<25xi32, #tpu.memory_space<vmem>>
      %dma_wait3A_216 = arith.constant 0 : i32
      %dma_wait3A_217 = arith.constant 0 : i32
      %dma_wait3A_218 = tpu.memref_slice %arg2[%arg0, %dma_wait3A_216, %dma_wait3A_217] : memref<2x10000x128xf32, #tpu.memory_space<hbm>> -> memref<1x10000x128xf32, #tpu.memory_space<hbm>>
      %dma_wait3A_219 = tpu.memref_squeeze %dma_wait3A_218 : memref<1x10000x128xf32, #tpu.memory_space<hbm>> -> memref<10000x128xf32, #tpu.memory_space<hbm>>
      %dma_wait3A_220 = arith.constant 0 : i32
      %dma_wait3A_221 = arith.constant 0 : i32
      %dma_wait3A_222 = tpu.memref_slice %dma_wait3A_219[%dma_wait3A_220, %dma_wait3A_221] : memref<10000x128xf32, #tpu.memory_space<hbm>> -> memref<10000x128xf32, #tpu.memory_space<hbm>>
      tpu.wait_indirect_dma semaphore(%arg18 : memref<!tpu.dma_semaphore, #tpu.memory_space<semaphore_mem>>) src(%dma_wait3A_222 : memref<10000x128xf32, #tpu.memory_space<hbm>>) dst(%arg13 : memref<25x128xf32, #tpu.memory_space<vmem>>)
      %dma_start3A_223 = arith.constant 36 : i32
      %dma_start3A_224 = arith.constant 0 : i32
      %dma_start3A_225 = tpu.memref_slice %arg7[%dma_start3A_223, %dma_start3A_224] : memref<40x25xi32, #tpu.memory_space<vmem>> -> memref<1x25xi32, #tpu.memory_space<vmem>>
      %dma_start3A_226 = tpu.memref_squeeze %dma_start3A_225 : memref<1x25xi32, #tpu.memory_space<vmem>> -> memref<25xi32, #tpu.memory_space<vmem>>
      %dma_start3A_227 = arith.constant 0 : i32
      %dma_start3A_228 = arith.constant 0 : i32
      %dma_start3A_229 = tpu.memref_slice %arg27[%dma_start3A_227, %dma_start3A_228] : memref<10240x128xf32, #tpu.memory_space<vmem_shared>> -> memref<10240x128xf32, #tpu.memory_space<vmem_shared>>
      tpu.enqueue_indirect_dma source(%arg13 : memref<25x128xf32, #tpu.memory_space<vmem>>) target(%dma_start3A_229 : memref<10240x128xf32, #tpu.memory_space<vmem_shared>>) offsets(%dma_start3A_226 : memref<25xi32, #tpu.memory_space<vmem>>) semaphore(%arg23 : memref<!tpu.dma_semaphore, #tpu.memory_space<semaphore_mem>>) {add = true}
      %dma_wait3A_230 = arith.constant 37 : i32
      %dma_wait3A_231 = arith.constant 0 : i32
      %dma_wait3A_232 = tpu.memref_slice %arg6[%dma_wait3A_230, %dma_wait3A_231] : memref<40x25xi32, #tpu.memory_space<vmem>> -> memref<1x25xi32, #tpu.memory_space<vmem>>
      %dma_wait3A_233 = tpu.memref_squeeze %dma_wait3A_232 : memref<1x25xi32, #tpu.memory_space<vmem>> -> memref<25xi32, #tpu.memory_space<vmem>>
      %dma_wait3A_234 = arith.constant 0 : i32
      %dma_wait3A_235 = arith.constant 0 : i32
      %dma_wait3A_236 = tpu.memref_slice %arg2[%arg0, %dma_wait3A_234, %dma_wait3A_235] : memref<2x10000x128xf32, #tpu.memory_space<hbm>> -> memref<1x10000x128xf32, #tpu.memory_space<hbm>>
      %dma_wait3A_237 = tpu.memref_squeeze %dma_wait3A_236 : memref<1x10000x128xf32, #tpu.memory_space<hbm>> -> memref<10000x128xf32, #tpu.memory_space<hbm>>
      %dma_wait3A_238 = arith.constant 0 : i32
      %dma_wait3A_239 = arith.constant 0 : i32
      %dma_wait3A_240 = tpu.memref_slice %dma_wait3A_237[%dma_wait3A_238, %dma_wait3A_239] : memref<10000x128xf32, #tpu.memory_space<hbm>> -> memref<10000x128xf32, #tpu.memory_space<hbm>>
      tpu.wait_indirect_dma semaphore(%arg19 : memref<!tpu.dma_semaphore, #tpu.memory_space<semaphore_mem>>) src(%dma_wait3A_240 : memref<10000x128xf32, #tpu.memory_space<hbm>>) dst(%arg14 : memref<25x128xf32, #tpu.memory_space<vmem>>)
      %dma_start3A_241 = arith.constant 37 : i32
      %dma_start3A_242 = arith.constant 0 : i32
      %dma_start3A_243 = tpu.memref_slice %arg7[%dma_start3A_241, %dma_start3A_242] : memref<40x25xi32, #tpu.memory_space<vmem>> -> memref<1x25xi32, #tpu.memory_space<vmem>>
      %dma_start3A_244 = tpu.memref_squeeze %dma_start3A_243 : memref<1x25xi32, #tpu.memory_space<vmem>> -> memref<25xi32, #tpu.memory_space<vmem>>
      %dma_start3A_245 = arith.constant 0 : i32
      %dma_start3A_246 = arith.constant 0 : i32
      %dma_start3A_247 = tpu.memref_slice %arg27[%dma_start3A_245, %dma_start3A_246] : memref<10240x128xf32, #tpu.memory_space<vmem_shared>> -> memref<10240x128xf32, #tpu.memory_space<vmem_shared>>
      tpu.enqueue_indirect_dma source(%arg14 : memref<25x128xf32, #tpu.memory_space<vmem>>) target(%dma_start3A_247 : memref<10240x128xf32, #tpu.memory_space<vmem_shared>>) offsets(%dma_start3A_244 : memref<25xi32, #tpu.memory_space<vmem>>) semaphore(%arg24 : memref<!tpu.dma_semaphore, #tpu.memory_space<semaphore_mem>>) {add = true}
      %dma_wait3A_248 = arith.constant 38 : i32
      %dma_wait3A_249 = arith.constant 0 : i32
      %dma_wait3A_250 = tpu.memref_slice %arg6[%dma_wait3A_248, %dma_wait3A_249] : memref<40x25xi32, #tpu.memory_space<vmem>> -> memref<1x25xi32, #tpu.memory_space<vmem>>
      %dma_wait3A_251 = tpu.memref_squeeze %dma_wait3A_250 : memref<1x25xi32, #tpu.memory_space<vmem>> -> memref<25xi32, #tpu.memory_space<vmem>>
      %dma_wait3A_252 = arith.constant 0 : i32
      %dma_wait3A_253 = arith.constant 0 : i32
      %dma_wait3A_254 = tpu.memref_slice %arg2[%arg0, %dma_wait3A_252, %dma_wait3A_253] : memref<2x10000x128xf32, #tpu.memory_space<hbm>> -> memref<1x10000x128xf32, #tpu.memory_space<hbm>>
      %dma_wait3A_255 = tpu.memref_squeeze %dma_wait3A_254 : memref<1x10000x128xf32, #tpu.memory_space<hbm>> -> memref<10000x128xf32, #tpu.memory_space<hbm>>
      %dma_wait3A_256 = arith.constant 0 : i32
      %dma_wait3A_257 = arith.constant 0 : i32
      %dma_wait3A_258 = tpu.memref_slice %dma_wait3A_255[%dma_wait3A_256, %dma_wait3A_257] : memref<10000x128xf32, #tpu.memory_space<hbm>> -> memref<10000x128xf32, #tpu.memory_space<hbm>>
      tpu.wait_indirect_dma semaphore(%arg20 : memref<!tpu.dma_semaphore, #tpu.memory_space<semaphore_mem>>) src(%dma_wait3A_258 : memref<10000x128xf32, #tpu.memory_space<hbm>>) dst(%arg15 : memref<25x128xf32, #tpu.memory_space<vmem>>)
      %dma_start3A_259 = arith.constant 38 : i32
      %dma_start3A_260 = arith.constant 0 : i32
      %dma_start3A_261 = tpu.memref_slice %arg7[%dma_start3A_259, %dma_start3A_260] : memref<40x25xi32, #tpu.memory_space<vmem>> -> memref<1x25xi32, #tpu.memory_space<vmem>>
      %dma_start3A_262 = tpu.memref_squeeze %dma_start3A_261 : memref<1x25xi32, #tpu.memory_space<vmem>> -> memref<25xi32, #tpu.memory_space<vmem>>
      %dma_start3A_263 = arith.constant 0 : i32
      %dma_start3A_264 = arith.constant 0 : i32
      %dma_start3A_265 = tpu.memref_slice %arg27[%dma_start3A_263, %dma_start3A_264] : memref<10240x128xf32, #tpu.memory_space<vmem_shared>> -> memref<10240x128xf32, #tpu.memory_space<vmem_shared>>
      tpu.enqueue_indirect_dma source(%arg15 : memref<25x128xf32, #tpu.memory_space<vmem>>) target(%dma_start3A_265 : memref<10240x128xf32, #tpu.memory_space<vmem_shared>>) offsets(%dma_start3A_262 : memref<25xi32, #tpu.memory_space<vmem>>) semaphore(%arg25 : memref<!tpu.dma_semaphore, #tpu.memory_space<semaphore_mem>>) {add = true}
      %dma_wait3A_266 = arith.constant 39 : i32
      %dma_wait3A_267 = arith.constant 0 : i32
      %dma_wait3A_268 = tpu.memref_slice %arg6[%dma_wait3A_266, %dma_wait3A_267] : memref<40x25xi32, #tpu.memory_space<vmem>> -> memref<1x25xi32, #tpu.memory_space<vmem>>
      %dma_wait3A_269 = tpu.memref_squeeze %dma_wait3A_268 : memref<1x25xi32, #tpu.memory_space<vmem>> -> memref<25xi32, #tpu.memory_space<vmem>>
      %dma_wait3A_270 = arith.constant 0 : i32
      %dma_wait3A_271 = arith.constant 0 : i32
      %dma_wait3A_272 = tpu.memref_slice %arg2[%arg0, %dma_wait3A_270, %dma_wait3A_271] : memref<2x10000x128xf32, #tpu.memory_space<hbm>> -> memref<1x10000x128xf32, #tpu.memory_space<hbm>>
      %dma_wait3A_273 = tpu.memref_squeeze %dma_wait3A_272 : memref<1x10000x128xf32, #tpu.memory_space<hbm>> -> memref<10000x128xf32, #tpu.memory_space<hbm>>
      %dma_wait3A_274 = arith.constant 0 : i32
      %dma_wait3A_275 = arith.constant 0 : i32
      %dma_wait3A_276 = tpu.memref_slice %dma_wait3A_273[%dma_wait3A_274, %dma_wait3A_275] : memref<10000x128xf32, #tpu.memory_space<hbm>> -> memref<10000x128xf32, #tpu.memory_space<hbm>>
      tpu.wait_indirect_dma semaphore(%arg21 : memref<!tpu.dma_semaphore, #tpu.memory_space<semaphore_mem>>) src(%dma_wait3A_276 : memref<10000x128xf32, #tpu.memory_space<hbm>>) dst(%arg16 : memref<25x128xf32, #tpu.memory_space<vmem>>)
      %dma_start3A_277 = arith.constant 39 : i32
      %dma_start3A_278 = arith.constant 0 : i32
      %dma_start3A_279 = tpu.memref_slice %arg7[%dma_start3A_277, %dma_start3A_278] : memref<40x25xi32, #tpu.memory_space<vmem>> -> memref<1x25xi32, #tpu.memory_space<vmem>>
      %dma_start3A_280 = tpu.memref_squeeze %dma_start3A_279 : memref<1x25xi32, #tpu.memory_space<vmem>> -> memref<25xi32, #tpu.memory_space<vmem>>
      %dma_start3A_281 = arith.constant 0 : i32
      %dma_start3A_282 = arith.constant 0 : i32
      %dma_start3A_283 = tpu.memref_slice %arg27[%dma_start3A_281, %dma_start3A_282] : memref<10240x128xf32, #tpu.memory_space<vmem_shared>> -> memref<10240x128xf32, #tpu.memory_space<vmem_shared>>
      tpu.enqueue_indirect_dma source(%arg16 : memref<25x128xf32, #tpu.memory_space<vmem>>) target(%dma_start3A_283 : memref<10240x128xf32, #tpu.memory_space<vmem_shared>>) offsets(%dma_start3A_280 : memref<25xi32, #tpu.memory_space<vmem>>) semaphore(%arg26 : memref<!tpu.dma_semaphore, #tpu.memory_space<semaphore_mem>>) {add = true}
      %dma_wait3A_284 = arith.constant 35 : i32
      %dma_wait3A_285 = arith.constant 0 : i32
      %dma_wait3A_286 = tpu.memref_slice %arg7[%dma_wait3A_284, %dma_wait3A_285] : memref<40x25xi32, #tpu.memory_space<vmem>> -> memref<1x25xi32, #tpu.memory_space<vmem>>
      %dma_wait3A_287 = tpu.memref_squeeze %dma_wait3A_286 : memref<1x25xi32, #tpu.memory_space<vmem>> -> memref<25xi32, #tpu.memory_space<vmem>>
      %dma_wait3A_288 = arith.constant 0 : i32
      %dma_wait3A_289 = arith.constant 0 : i32
      %dma_wait3A_290 = tpu.memref_slice %arg27[%dma_wait3A_288, %dma_wait3A_289] : memref<10240x128xf32, #tpu.memory_space<vmem_shared>> -> memref<10240x128xf32, #tpu.memory_space<vmem_shared>>
      tpu.wait_indirect_dma semaphore(%arg22 : memref<!tpu.dma_semaphore, #tpu.memory_space<semaphore_mem>>) src(%arg12 : memref<25x128xf32, #tpu.memory_space<vmem>>) dst(%dma_wait3A_290 : memref<10240x128xf32, #tpu.memory_space<vmem_shared>>)
      %dma_wait3A_291 = arith.constant 36 : i32
      %dma_wait3A_292 = arith.constant 0 : i32
      %dma_wait3A_293 = tpu.memref_slice %arg7[%dma_wait3A_291, %dma_wait3A_292] : memref<40x25xi32, #tpu.memory_space<vmem>> -> memref<1x25xi32, #tpu.memory_space<vmem>>
      %dma_wait3A_294 = tpu.memref_squeeze %dma_wait3A_293 : memref<1x25xi32, #tpu.memory_space<vmem>> -> memref<25xi32, #tpu.memory_space<vmem>>
      %dma_wait3A_295 = arith.constant 0 : i32
      %dma_wait3A_296 = arith.constant 0 : i32
      %dma_wait3A_297 = tpu.memref_slice %arg27[%dma_wait3A_295, %dma_wait3A_296] : memref<10240x128xf32, #tpu.memory_space<vmem_shared>> -> memref<10240x128xf32, #tpu.memory_space<vmem_shared>>
      tpu.wait_indirect_dma semaphore(%arg23 : memref<!tpu.dma_semaphore, #tpu.memory_space<semaphore_mem>>) src(%arg13 : memref<25x128xf32, #tpu.memory_space<vmem>>) dst(%dma_wait3A_297 : memref<10240x128xf32, #tpu.memory_space<vmem_shared>>)
      %dma_wait3A_298 = arith.constant 37 : i32
      %dma_wait3A_299 = arith.constant 0 : i32
      %dma_wait3A_300 = tpu.memref_slice %arg7[%dma_wait3A_298, %dma_wait3A_299] : memref<40x25xi32, #tpu.memory_space<vmem>> -> memref<1x25xi32, #tpu.memory_space<vmem>>
      %dma_wait3A_301 = tpu.memref_squeeze %dma_wait3A_300 : memref<1x25xi32, #tpu.memory_space<vmem>> -> memref<25xi32, #tpu.memory_space<vmem>>
      %dma_wait3A_302 = arith.constant 0 : i32
      %dma_wait3A_303 = arith.constant 0 : i32
      %dma_wait3A_304 = tpu.memref_slice %arg27[%dma_wait3A_302, %dma_wait3A_303] : memref<10240x128xf32, #tpu.memory_space<vmem_shared>> -> memref<10240x128xf32, #tpu.memory_space<vmem_shared>>
      tpu.wait_indirect_dma semaphore(%arg24 : memref<!tpu.dma_semaphore, #tpu.memory_space<semaphore_mem>>) src(%arg14 : memref<25x128xf32, #tpu.memory_space<vmem>>) dst(%dma_wait3A_304 : memref<10240x128xf32, #tpu.memory_space<vmem_shared>>)
      %dma_wait3A_305 = arith.constant 38 : i32
      %dma_wait3A_306 = arith.constant 0 : i32
      %dma_wait3A_307 = tpu.memref_slice %arg7[%dma_wait3A_305, %dma_wait3A_306] : memref<40x25xi32, #tpu.memory_space<vmem>> -> memref<1x25xi32, #tpu.memory_space<vmem>>
      %dma_wait3A_308 = tpu.memref_squeeze %dma_wait3A_307 : memref<1x25xi32, #tpu.memory_space<vmem>> -> memref<25xi32, #tpu.memory_space<vmem>>
      %dma_wait3A_309 = arith.constant 0 : i32
      %dma_wait3A_310 = arith.constant 0 : i32
      %dma_wait3A_311 = tpu.memref_slice %arg27[%dma_wait3A_309, %dma_wait3A_310] : memref<10240x128xf32, #tpu.memory_space<vmem_shared>> -> memref<10240x128xf32, #tpu.memory_space<vmem_shared>>
      tpu.wait_indirect_dma semaphore(%arg25 : memref<!tpu.dma_semaphore, #tpu.memory_space<semaphore_mem>>) src(%arg15 : memref<25x128xf32, #tpu.memory_space<vmem>>) dst(%dma_wait3A_311 : memref<10240x128xf32, #tpu.memory_space<vmem_shared>>)
      %dma_wait3A_312 = arith.constant 39 : i32
      %dma_wait3A_313 = arith.constant 0 : i32
      %dma_wait3A_314 = tpu.memref_slice %arg7[%dma_wait3A_312, %dma_wait3A_313] : memref<40x25xi32, #tpu.memory_space<vmem>> -> memref<1x25xi32, #tpu.memory_space<vmem>>
      %dma_wait3A_315 = tpu.memref_squeeze %dma_wait3A_314 : memref<1x25xi32, #tpu.memory_space<vmem>> -> memref<25xi32, #tpu.memory_space<vmem>>
      %dma_wait3A_316 = arith.constant 0 : i32
      %dma_wait3A_317 = arith.constant 0 : i32
      %dma_wait3A_318 = tpu.memref_slice %arg27[%dma_wait3A_316, %dma_wait3A_317] : memref<10240x128xf32, #tpu.memory_space<vmem_shared>> -> memref<10240x128xf32, #tpu.memory_space<vmem_shared>>
      tpu.wait_indirect_dma semaphore(%arg26 : memref<!tpu.dma_semaphore, #tpu.memory_space<semaphore_mem>>) src(%arg16 : memref<25x128xf32, #tpu.memory_space<vmem>>) dst(%dma_wait3A_318 : memref<10240x128xf32, #tpu.memory_space<vmem_shared>>)
      %add3A_319 = arith.constant 2 : i32
      %add3A_320 = arith.addi %mul3A_98, %add3A_319 : i32
      %lt3A = arith.constant 20 : i32
      %lt3A_321 = arith.cmpi slt, %add3A_320, %lt3A : i32
      %convert_element_type3A = arith.extui %lt3A_321 : i1 to i32
      %cond3A = arith.constant 0 : i32
      %cond3A_322 = arith.cmpi ne, %convert_element_type3A, %cond3A : i32
      scf.if %cond3A_322 {
        %add3A_553 = arith.constant 2 : i32
        %add3A_554 = arith.addi %mul3A_98, %add3A_553 : i32
        %dma_start3A_555 = arith.constant 0 : i32
        %dma_start3A_556 = arith.constant 0 : i32
        %dma_start3A_557 = arith.constant 0 : i32
        %dma_start3A_558 = tpu.memref_slice %arg3[%arg1, %dma_start3A_555, %dma_start3A_556, %dma_start3A_557] : memref<16x20x40x25xi32, #tpu.memory_space<hbm>> -> memref<1x20x40x25xi32, #tpu.memory_space<hbm>>
        %dma_start3A_559 = tpu.memref_squeeze %dma_start3A_558 : memref<1x20x40x25xi32, #tpu.memory_space<hbm>> -> memref<20x40x25xi32, #tpu.memory_space<hbm>>
        %dma_start3A_560 = arith.constant 0 : i32
        %dma_start3A_561 = arith.constant 0 : i32
        %dma_start3A_562 = tpu.memref_slice %dma_start3A_559[%add3A_554, %dma_start3A_560, %dma_start3A_561] : memref<20x40x25xi32, #tpu.memory_space<hbm>> -> memref<1x40x25xi32, #tpu.memory_space<hbm>>
        %dma_start3A_563 = tpu.memref_squeeze %dma_start3A_562 : memref<1x40x25xi32, #tpu.memory_space<hbm>> -> memref<40x25xi32, #tpu.memory_space<hbm>>
        %dma_start3A_564 = arith.constant 0 : i32
        %dma_start3A_565 = arith.constant 0 : i32
        %dma_start3A_566 = arith.constant 0 : i32
        %dma_start3A_567 = tpu.memref_slice %arg3[%arg1, %dma_start3A_564, %dma_start3A_565, %dma_start3A_566] : memref<16x20x40x25xi32, #tpu.memory_space<hbm>> -> memref<1x20x40x25xi32, #tpu.memory_space<hbm>>
        %dma_start3A_568 = tpu.memref_squeeze %dma_start3A_567 : memref<1x20x40x25xi32, #tpu.memory_space<hbm>> -> memref<20x40x25xi32, #tpu.memory_space<hbm>>
        %dma_start3A_569 = arith.constant 0 : i32
        %dma_start3A_570 = arith.constant 0 : i32
        %dma_start3A_571 = tpu.memref_slice %dma_start3A_568[%add3A_554, %dma_start3A_569, %dma_start3A_570] : memref<20x40x25xi32, #tpu.memory_space<hbm>> -> memref<1x40x25xi32, #tpu.memory_space<hbm>>
        %dma_start3A_572 = tpu.memref_squeeze %dma_start3A_571 : memref<1x40x25xi32, #tpu.memory_space<hbm>> -> memref<40x25xi32, #tpu.memory_space<hbm>>
        tpu.enqueue_dma source(%dma_start3A_572 : memref<40x25xi32, #tpu.memory_space<hbm>>) target(%arg6 : memref<40x25xi32, #tpu.memory_space<vmem>>) target_semaphore(%arg10 : memref<!tpu.dma_semaphore, #tpu.memory_space<semaphore_mem>>)
        %dma_start3A_573 = arith.constant 0 : i32
        %dma_start3A_574 = arith.constant 0 : i32
        %dma_start3A_575 = arith.constant 0 : i32
        %dma_start3A_576 = tpu.memref_slice %arg4[%arg1, %dma_start3A_573, %dma_start3A_574, %dma_start3A_575] : memref<16x20x40x25xi32, #tpu.memory_space<hbm>> -> memref<1x20x40x25xi32, #tpu.memory_space<hbm>>
        %dma_start3A_577 = tpu.memref_squeeze %dma_start3A_576 : memref<1x20x40x25xi32, #tpu.memory_space<hbm>> -> memref<20x40x25xi32, #tpu.memory_space<hbm>>
        %dma_start3A_578 = arith.constant 0 : i32
        %dma_start3A_579 = arith.constant 0 : i32
        %dma_start3A_580 = tpu.memref_slice %dma_start3A_577[%add3A_554, %dma_start3A_578, %dma_start3A_579] : memref<20x40x25xi32, #tpu.memory_space<hbm>> -> memref<1x40x25xi32, #tpu.memory_space<hbm>>
        %dma_start3A_581 = tpu.memref_squeeze %dma_start3A_580 : memref<1x40x25xi32, #tpu.memory_space<hbm>> -> memref<40x25xi32, #tpu.memory_space<hbm>>
        %dma_start3A_582 = arith.constant 0 : i32
        %dma_start3A_583 = arith.constant 0 : i32
        %dma_start3A_584 = arith.constant 0 : i32
        %dma_start3A_585 = tpu.memref_slice %arg4[%arg1, %dma_start3A_582, %dma_start3A_583, %dma_start3A_584] : memref<16x20x40x25xi32, #tpu.memory_space<hbm>> -> memref<1x20x40x25xi32, #tpu.memory_space<hbm>>
        %dma_start3A_586 = tpu.memref_squeeze %dma_start3A_585 : memref<1x20x40x25xi32, #tpu.memory_space<hbm>> -> memref<20x40x25xi32, #tpu.memory_space<hbm>>
        %dma_start3A_587 = arith.constant 0 : i32
        %dma_start3A_588 = arith.constant 0 : i32
        %dma_start3A_589 = tpu.memref_slice %dma_start3A_586[%add3A_554, %dma_start3A_587, %dma_start3A_588] : memref<20x40x25xi32, #tpu.memory_space<hbm>> -> memref<1x40x25xi32, #tpu.memory_space<hbm>>
        %dma_start3A_590 = tpu.memref_squeeze %dma_start3A_589 : memref<1x40x25xi32, #tpu.memory_space<hbm>> -> memref<40x25xi32, #tpu.memory_space<hbm>>
        tpu.enqueue_dma source(%dma_start3A_590 : memref<40x25xi32, #tpu.memory_space<hbm>>) target(%arg7 : memref<40x25xi32, #tpu.memory_space<vmem>>) target_semaphore(%arg10 : memref<!tpu.dma_semaphore, #tpu.memory_space<semaphore_mem>>)
      } else {
      }
      %add3A_323 = arith.constant 1 : i32
      %add3A_324 = arith.addi %mul3A_98, %add3A_323 : i32
      %dma_wait3A_325 = arith.constant 0 : i32
      %dma_wait3A_326 = arith.constant 0 : i32
      %dma_wait3A_327 = arith.constant 0 : i32
      %dma_wait3A_328 = tpu.memref_slice %arg3[%arg1, %dma_wait3A_325, %dma_wait3A_326, %dma_wait3A_327] : memref<16x20x40x25xi32, #tpu.memory_space<hbm>> -> memref<1x20x40x25xi32, #tpu.memory_space<hbm>>
      %dma_wait3A_329 = tpu.memref_squeeze %dma_wait3A_328 : memref<1x20x40x25xi32, #tpu.memory_space<hbm>> -> memref<20x40x25xi32, #tpu.memory_space<hbm>>
      %dma_wait3A_330 = arith.constant 0 : i32
      %dma_wait3A_331 = arith.constant 0 : i32
      %dma_wait3A_332 = tpu.memref_slice %dma_wait3A_329[%add3A_324, %dma_wait3A_330, %dma_wait3A_331] : memref<20x40x25xi32, #tpu.memory_space<hbm>> -> memref<1x40x25xi32, #tpu.memory_space<hbm>>
      %dma_wait3A_333 = tpu.memref_squeeze %dma_wait3A_332 : memref<1x40x25xi32, #tpu.memory_space<hbm>> -> memref<40x25xi32, #tpu.memory_space<hbm>>
      %dma_wait3A_334 = arith.constant 0 : i32
      %dma_wait3A_335 = arith.constant 0 : i32
      %dma_wait3A_336 = arith.constant 0 : i32
      %dma_wait3A_337 = tpu.memref_slice %arg3[%arg1, %dma_wait3A_334, %dma_wait3A_335, %dma_wait3A_336] : memref<16x20x40x25xi32, #tpu.memory_space<hbm>> -> memref<1x20x40x25xi32, #tpu.memory_space<hbm>>
      %dma_wait3A_338 = tpu.memref_squeeze %dma_wait3A_337 : memref<1x20x40x25xi32, #tpu.memory_space<hbm>> -> memref<20x40x25xi32, #tpu.memory_space<hbm>>
      %dma_wait3A_339 = arith.constant 0 : i32
      %dma_wait3A_340 = arith.constant 0 : i32
      %dma_wait3A_341 = tpu.memref_slice %dma_wait3A_338[%add3A_324, %dma_wait3A_339, %dma_wait3A_340] : memref<20x40x25xi32, #tpu.memory_space<hbm>> -> memref<1x40x25xi32, #tpu.memory_space<hbm>>
      %dma_wait3A_342 = tpu.memref_squeeze %dma_wait3A_341 : memref<1x40x25xi32, #tpu.memory_space<hbm>> -> memref<40x25xi32, #tpu.memory_space<hbm>>
      tpu.wait_dma2 semaphore(%arg11 : memref<!tpu.dma_semaphore, #tpu.memory_space<semaphore_mem>>) src(%dma_wait3A_342 : memref<40x25xi32, #tpu.memory_space<hbm>>) dst(%arg8 : memref<40x25xi32, #tpu.memory_space<vmem>>)
      %dma_wait3A_343 = arith.constant 0 : i32
      %dma_wait3A_344 = arith.constant 0 : i32
      %dma_wait3A_345 = arith.constant 0 : i32
      %dma_wait3A_346 = tpu.memref_slice %arg4[%arg1, %dma_wait3A_343, %dma_wait3A_344, %dma_wait3A_345] : memref<16x20x40x25xi32, #tpu.memory_space<hbm>> -> memref<1x20x40x25xi32, #tpu.memory_space<hbm>>
      %dma_wait3A_347 = tpu.memref_squeeze %dma_wait3A_346 : memref<1x20x40x25xi32, #tpu.memory_space<hbm>> -> memref<20x40x25xi32, #tpu.memory_space<hbm>>
      %dma_wait3A_348 = arith.constant 0 : i32
      %dma_wait3A_349 = arith.constant 0 : i32
      %dma_wait3A_350 = tpu.memref_slice %dma_wait3A_347[%add3A_324, %dma_wait3A_348, %dma_wait3A_349] : memref<20x40x25xi32, #tpu.memory_space<hbm>> -> memref<1x40x25xi32, #tpu.memory_space<hbm>>
      %dma_wait3A_351 = tpu.memref_squeeze %dma_wait3A_350 : memref<1x40x25xi32, #tpu.memory_space<hbm>> -> memref<40x25xi32, #tpu.memory_space<hbm>>
      %dma_wait3A_352 = arith.constant 0 : i32
      %dma_wait3A_353 = arith.constant 0 : i32
      %dma_wait3A_354 = arith.constant 0 : i32
      %dma_wait3A_355 = tpu.memref_slice %arg4[%arg1, %dma_wait3A_352, %dma_wait3A_353, %dma_wait3A_354] : memref<16x20x40x25xi32, #tpu.memory_space<hbm>> -> memref<1x20x40x25xi32, #tpu.memory_space<hbm>>
      %dma_wait3A_356 = tpu.memref_squeeze %dma_wait3A_355 : memref<1x20x40x25xi32, #tpu.memory_space<hbm>> -> memref<20x40x25xi32, #tpu.memory_space<hbm>>
      %dma_wait3A_357 = arith.constant 0 : i32
      %dma_wait3A_358 = arith.constant 0 : i32
      %dma_wait3A_359 = tpu.memref_slice %dma_wait3A_356[%add3A_324, %dma_wait3A_357, %dma_wait3A_358] : memref<20x40x25xi32, #tpu.memory_space<hbm>> -> memref<1x40x25xi32, #tpu.memory_space<hbm>>
      %dma_wait3A_360 = tpu.memref_squeeze %dma_wait3A_359 : memref<1x40x25xi32, #tpu.memory_space<hbm>> -> memref<40x25xi32, #tpu.memory_space<hbm>>
      tpu.wait_dma2 semaphore(%arg11 : memref<!tpu.dma_semaphore, #tpu.memory_space<semaphore_mem>>) src(%dma_wait3A_360 : memref<40x25xi32, #tpu.memory_space<hbm>>) dst(%arg9 : memref<40x25xi32, #tpu.memory_space<vmem>>)
      %dma_start3A_361 = arith.constant 0 : i32
      %dma_start3A_362 = arith.constant 0 : i32
      %dma_start3A_363 = tpu.memref_slice %arg8[%dma_start3A_361, %dma_start3A_362] : memref<40x25xi32, #tpu.memory_space<vmem>> -> memref<1x25xi32, #tpu.memory_space<vmem>>
      %dma_start3A_364 = tpu.memref_squeeze %dma_start3A_363 : memref<1x25xi32, #tpu.memory_space<vmem>> -> memref<25xi32, #tpu.memory_space<vmem>>
      %dma_start3A_365 = arith.constant 0 : i32
      %dma_start3A_366 = arith.constant 0 : i32
      %dma_start3A_367 = tpu.memref_slice %arg2[%arg0, %dma_start3A_365, %dma_start3A_366] : memref<2x10000x128xf32, #tpu.memory_space<hbm>> -> memref<1x10000x128xf32, #tpu.memory_space<hbm>>
      %dma_start3A_368 = tpu.memref_squeeze %dma_start3A_367 : memref<1x10000x128xf32, #tpu.memory_space<hbm>> -> memref<10000x128xf32, #tpu.memory_space<hbm>>
      %dma_start3A_369 = arith.constant 0 : i32
      %dma_start3A_370 = arith.constant 0 : i32
      %dma_start3A_371 = tpu.memref_slice %dma_start3A_368[%dma_start3A_369, %dma_start3A_370] : memref<10000x128xf32, #tpu.memory_space<hbm>> -> memref<10000x128xf32, #tpu.memory_space<hbm>>
      tpu.enqueue_indirect_dma source(%dma_start3A_371 : memref<10000x128xf32, #tpu.memory_space<hbm>>) target(%arg12 : memref<25x128xf32, #tpu.memory_space<vmem>>) offsets(%dma_start3A_364 : memref<25xi32, #tpu.memory_space<vmem>>) semaphore(%arg17 : memref<!tpu.dma_semaphore, #tpu.memory_space<semaphore_mem>>)
      %dma_start3A_372 = arith.constant 1 : i32
      %dma_start3A_373 = arith.constant 0 : i32
      %dma_start3A_374 = tpu.memref_slice %arg8[%dma_start3A_372, %dma_start3A_373] : memref<40x25xi32, #tpu.memory_space<vmem>> -> memref<1x25xi32, #tpu.memory_space<vmem>>
      %dma_start3A_375 = tpu.memref_squeeze %dma_start3A_374 : memref<1x25xi32, #tpu.memory_space<vmem>> -> memref<25xi32, #tpu.memory_space<vmem>>
      %dma_start3A_376 = arith.constant 0 : i32
      %dma_start3A_377 = arith.constant 0 : i32
      %dma_start3A_378 = tpu.memref_slice %arg2[%arg0, %dma_start3A_376, %dma_start3A_377] : memref<2x10000x128xf32, #tpu.memory_space<hbm>> -> memref<1x10000x128xf32, #tpu.memory_space<hbm>>
      %dma_start3A_379 = tpu.memref_squeeze %dma_start3A_378 : memref<1x10000x128xf32, #tpu.memory_space<hbm>> -> memref<10000x128xf32, #tpu.memory_space<hbm>>
      %dma_start3A_380 = arith.constant 0 : i32
      %dma_start3A_381 = arith.constant 0 : i32
      %dma_start3A_382 = tpu.memref_slice %dma_start3A_379[%dma_start3A_380, %dma_start3A_381] : memref<10000x128xf32, #tpu.memory_space<hbm>> -> memref<10000x128xf32, #tpu.memory_space<hbm>>
      tpu.enqueue_indirect_dma source(%dma_start3A_382 : memref<10000x128xf32, #tpu.memory_space<hbm>>) target(%arg13 : memref<25x128xf32, #tpu.memory_space<vmem>>) offsets(%dma_start3A_375 : memref<25xi32, #tpu.memory_space<vmem>>) semaphore(%arg18 : memref<!tpu.dma_semaphore, #tpu.memory_space<semaphore_mem>>)
      %dma_start3A_383 = arith.constant 2 : i32
      %dma_start3A_384 = arith.constant 0 : i32
      %dma_start3A_385 = tpu.memref_slice %arg8[%dma_start3A_383, %dma_start3A_384] : memref<40x25xi32, #tpu.memory_space<vmem>> -> memref<1x25xi32, #tpu.memory_space<vmem>>
      %dma_start3A_386 = tpu.memref_squeeze %dma_start3A_385 : memref<1x25xi32, #tpu.memory_space<vmem>> -> memref<25xi32, #tpu.memory_space<vmem>>
      %dma_start3A_387 = arith.constant 0 : i32
      %dma_start3A_388 = arith.constant 0 : i32
      %dma_start3A_389 = tpu.memref_slice %arg2[%arg0, %dma_start3A_387, %dma_start3A_388] : memref<2x10000x128xf32, #tpu.memory_space<hbm>> -> memref<1x10000x128xf32, #tpu.memory_space<hbm>>
      %dma_start3A_390 = tpu.memref_squeeze %dma_start3A_389 : memref<1x10000x128xf32, #tpu.memory_space<hbm>> -> memref<10000x128xf32, #tpu.memory_space<hbm>>
      %dma_start3A_391 = arith.constant 0 : i32
      %dma_start3A_392 = arith.constant 0 : i32
      %dma_start3A_393 = tpu.memref_slice %dma_start3A_390[%dma_start3A_391, %dma_start3A_392] : memref<10000x128xf32, #tpu.memory_space<hbm>> -> memref<10000x128xf32, #tpu.memory_space<hbm>>
      tpu.enqueue_indirect_dma source(%dma_start3A_393 : memref<10000x128xf32, #tpu.memory_space<hbm>>) target(%arg14 : memref<25x128xf32, #tpu.memory_space<vmem>>) offsets(%dma_start3A_386 : memref<25xi32, #tpu.memory_space<vmem>>) semaphore(%arg19 : memref<!tpu.dma_semaphore, #tpu.memory_space<semaphore_mem>>)
      %dma_start3A_394 = arith.constant 3 : i32
      %dma_start3A_395 = arith.constant 0 : i32
      %dma_start3A_396 = tpu.memref_slice %arg8[%dma_start3A_394, %dma_start3A_395] : memref<40x25xi32, #tpu.memory_space<vmem>> -> memref<1x25xi32, #tpu.memory_space<vmem>>
      %dma_start3A_397 = tpu.memref_squeeze %dma_start3A_396 : memref<1x25xi32, #tpu.memory_space<vmem>> -> memref<25xi32, #tpu.memory_space<vmem>>
      %dma_start3A_398 = arith.constant 0 : i32
      %dma_start3A_399 = arith.constant 0 : i32
      %dma_start3A_400 = tpu.memref_slice %arg2[%arg0, %dma_start3A_398, %dma_start3A_399] : memref<2x10000x128xf32, #tpu.memory_space<hbm>> -> memref<1x10000x128xf32, #tpu.memory_space<hbm>>
      %dma_start3A_401 = tpu.memref_squeeze %dma_start3A_400 : memref<1x10000x128xf32, #tpu.memory_space<hbm>> -> memref<10000x128xf32, #tpu.memory_space<hbm>>
      %dma_start3A_402 = arith.constant 0 : i32
      %dma_start3A_403 = arith.constant 0 : i32
      %dma_start3A_404 = tpu.memref_slice %dma_start3A_401[%dma_start3A_402, %dma_start3A_403] : memref<10000x128xf32, #tpu.memory_space<hbm>> -> memref<10000x128xf32, #tpu.memory_space<hbm>>
      tpu.enqueue_indirect_dma source(%dma_start3A_404 : memref<10000x128xf32, #tpu.memory_space<hbm>>) target(%arg15 : memref<25x128xf32, #tpu.memory_space<vmem>>) offsets(%dma_start3A_397 : memref<25xi32, #tpu.memory_space<vmem>>) semaphore(%arg20 : memref<!tpu.dma_semaphore, #tpu.memory_space<semaphore_mem>>)
      %dma_start3A_405 = arith.constant 4 : i32
      %dma_start3A_406 = arith.constant 0 : i32
      %dma_start3A_407 = tpu.memref_slice %arg8[%dma_start3A_405, %dma_start3A_406] : memref<40x25xi32, #tpu.memory_space<vmem>> -> memref<1x25xi32, #tpu.memory_space<vmem>>
      %dma_start3A_408 = tpu.memref_squeeze %dma_start3A_407 : memref<1x25xi32, #tpu.memory_space<vmem>> -> memref<25xi32, #tpu.memory_space<vmem>>
      %dma_start3A_409 = arith.constant 0 : i32
      %dma_start3A_410 = arith.constant 0 : i32
      %dma_start3A_411 = tpu.memref_slice %arg2[%arg0, %dma_start3A_409, %dma_start3A_410] : memref<2x10000x128xf32, #tpu.memory_space<hbm>> -> memref<1x10000x128xf32, #tpu.memory_space<hbm>>
      %dma_start3A_412 = tpu.memref_squeeze %dma_start3A_411 : memref<1x10000x128xf32, #tpu.memory_space<hbm>> -> memref<10000x128xf32, #tpu.memory_space<hbm>>
      %dma_start3A_413 = arith.constant 0 : i32
      %dma_start3A_414 = arith.constant 0 : i32
      %dma_start3A_415 = tpu.memref_slice %dma_start3A_412[%dma_start3A_413, %dma_start3A_414] : memref<10000x128xf32, #tpu.memory_space<hbm>> -> memref<10000x128xf32, #tpu.memory_space<hbm>>
      tpu.enqueue_indirect_dma source(%dma_start3A_415 : memref<10000x128xf32, #tpu.memory_space<hbm>>) target(%arg16 : memref<25x128xf32, #tpu.memory_space<vmem>>) offsets(%dma_start3A_408 : memref<25xi32, #tpu.memory_space<vmem>>) semaphore(%arg21 : memref<!tpu.dma_semaphore, #tpu.memory_space<semaphore_mem>>)
      %scan3A_416 = arith.constant 0 : i32
      %scan3A_417 = arith.constant 7 : i32
      %scan3A_418 = arith.addi %scan3A_416, %scan3A_417 : i32
      %scan3A_419 = arith.constant 1 : i32
      scf.for %scan3A_553 = %scan3A_416 to %scan3A_418 step %scan3A_419  : i32 {
        %mul3A_554 = arith.constant 1 : i32
        %mul3A_555 = arith.muli %scan3A_553, %mul3A_554 : i32
        %add3A_556 = arith.constant 0 : i32
        %add3A_557 = arith.addi %add3A_556, %mul3A_555 : i32
        %mul3A_558 = arith.constant 5 : i32
        %mul3A_559 = arith.muli %add3A_557, %mul3A_558 : i32
        %add3A_560 = arith.constant 0 : i32
        %add3A_561 = arith.addi %mul3A_559, %add3A_560 : i32
        %dma_wait3A_562 = arith.constant 0 : i32
        %dma_wait3A_563 = tpu.memref_slice %arg8[%add3A_561, %dma_wait3A_562] : memref<40x25xi32, #tpu.memory_space<vmem>> -> memref<1x25xi32, #tpu.memory_space<vmem>>
        %dma_wait3A_564 = tpu.memref_squeeze %dma_wait3A_563 : memref<1x25xi32, #tpu.memory_space<vmem>> -> memref<25xi32, #tpu.memory_space<vmem>>
        %dma_wait3A_565 = arith.constant 0 : i32
        %dma_wait3A_566 = arith.constant 0 : i32
        %dma_wait3A_567 = tpu.memref_slice %arg2[%arg0, %dma_wait3A_565, %dma_wait3A_566] : memref<2x10000x128xf32, #tpu.memory_space<hbm>> -> memref<1x10000x128xf32, #tpu.memory_space<hbm>>
        %dma_wait3A_568 = tpu.memref_squeeze %dma_wait3A_567 : memref<1x10000x128xf32, #tpu.memory_space<hbm>> -> memref<10000x128xf32, #tpu.memory_space<hbm>>
        %dma_wait3A_569 = arith.constant 0 : i32
        %dma_wait3A_570 = arith.constant 0 : i32
        %dma_wait3A_571 = tpu.memref_slice %dma_wait3A_568[%dma_wait3A_569, %dma_wait3A_570] : memref<10000x128xf32, #tpu.memory_space<hbm>> -> memref<10000x128xf32, #tpu.memory_space<hbm>>
        tpu.wait_indirect_dma semaphore(%arg17 : memref<!tpu.dma_semaphore, #tpu.memory_space<semaphore_mem>>) src(%dma_wait3A_571 : memref<10000x128xf32, #tpu.memory_space<hbm>>) dst(%arg12 : memref<25x128xf32, #tpu.memory_space<vmem>>)
        %add3A_572 = arith.constant 0 : i32
        %add3A_573 = arith.addi %mul3A_559, %add3A_572 : i32
        %dma_start3A_574 = arith.constant 0 : i32
        %dma_start3A_575 = tpu.memref_slice %arg9[%add3A_573, %dma_start3A_574] : memref<40x25xi32, #tpu.memory_space<vmem>> -> memref<1x25xi32, #tpu.memory_space<vmem>>
        %dma_start3A_576 = tpu.memref_squeeze %dma_start3A_575 : memref<1x25xi32, #tpu.memory_space<vmem>> -> memref<25xi32, #tpu.memory_space<vmem>>
        %dma_start3A_577 = arith.constant 0 : i32
        %dma_start3A_578 = arith.constant 0 : i32
        %dma_start3A_579 = tpu.memref_slice %arg27[%dma_start3A_577, %dma_start3A_578] : memref<10240x128xf32, #tpu.memory_space<vmem_shared>> -> memref<10240x128xf32, #tpu.memory_space<vmem_shared>>
        tpu.enqueue_indirect_dma source(%arg12 : memref<25x128xf32, #tpu.memory_space<vmem>>) target(%dma_start3A_579 : memref<10240x128xf32, #tpu.memory_space<vmem_shared>>) offsets(%dma_start3A_576 : memref<25xi32, #tpu.memory_space<vmem>>) semaphore(%arg22 : memref<!tpu.dma_semaphore, #tpu.memory_space<semaphore_mem>>) {add = true}
        %add3A_580 = arith.constant 1 : i32
        %add3A_581 = arith.addi %mul3A_559, %add3A_580 : i32
        %dma_wait3A_582 = arith.constant 0 : i32
        %dma_wait3A_583 = tpu.memref_slice %arg8[%add3A_581, %dma_wait3A_582] : memref<40x25xi32, #tpu.memory_space<vmem>> -> memref<1x25xi32, #tpu.memory_space<vmem>>
        %dma_wait3A_584 = tpu.memref_squeeze %dma_wait3A_583 : memref<1x25xi32, #tpu.memory_space<vmem>> -> memref<25xi32, #tpu.memory_space<vmem>>
        %dma_wait3A_585 = arith.constant 0 : i32
        %dma_wait3A_586 = arith.constant 0 : i32
        %dma_wait3A_587 = tpu.memref_slice %arg2[%arg0, %dma_wait3A_585, %dma_wait3A_586] : memref<2x10000x128xf32, #tpu.memory_space<hbm>> -> memref<1x10000x128xf32, #tpu.memory_space<hbm>>
        %dma_wait3A_588 = tpu.memref_squeeze %dma_wait3A_587 : memref<1x10000x128xf32, #tpu.memory_space<hbm>> -> memref<10000x128xf32, #tpu.memory_space<hbm>>
        %dma_wait3A_589 = arith.constant 0 : i32
        %dma_wait3A_590 = arith.constant 0 : i32
        %dma_wait3A_591 = tpu.memref_slice %dma_wait3A_588[%dma_wait3A_589, %dma_wait3A_590] : memref<10000x128xf32, #tpu.memory_space<hbm>> -> memref<10000x128xf32, #tpu.memory_space<hbm>>
        tpu.wait_indirect_dma semaphore(%arg18 : memref<!tpu.dma_semaphore, #tpu.memory_space<semaphore_mem>>) src(%dma_wait3A_591 : memref<10000x128xf32, #tpu.memory_space<hbm>>) dst(%arg13 : memref<25x128xf32, #tpu.memory_space<vmem>>)
        %add3A_592 = arith.constant 1 : i32
        %add3A_593 = arith.addi %mul3A_559, %add3A_592 : i32
        %dma_start3A_594 = arith.constant 0 : i32
        %dma_start3A_595 = tpu.memref_slice %arg9[%add3A_593, %dma_start3A_594] : memref<40x25xi32, #tpu.memory_space<vmem>> -> memref<1x25xi32, #tpu.memory_space<vmem>>
        %dma_start3A_596 = tpu.memref_squeeze %dma_start3A_595 : memref<1x25xi32, #tpu.memory_space<vmem>> -> memref<25xi32, #tpu.memory_space<vmem>>
        %dma_start3A_597 = arith.constant 0 : i32
        %dma_start3A_598 = arith.constant 0 : i32
        %dma_start3A_599 = tpu.memref_slice %arg27[%dma_start3A_597, %dma_start3A_598] : memref<10240x128xf32, #tpu.memory_space<vmem_shared>> -> memref<10240x128xf32, #tpu.memory_space<vmem_shared>>
        tpu.enqueue_indirect_dma source(%arg13 : memref<25x128xf32, #tpu.memory_space<vmem>>) target(%dma_start3A_599 : memref<10240x128xf32, #tpu.memory_space<vmem_shared>>) offsets(%dma_start3A_596 : memref<25xi32, #tpu.memory_space<vmem>>) semaphore(%arg23 : memref<!tpu.dma_semaphore, #tpu.memory_space<semaphore_mem>>) {add = true}
        %add3A_600 = arith.constant 2 : i32
        %add3A_601 = arith.addi %mul3A_559, %add3A_600 : i32
        %dma_wait3A_602 = arith.constant 0 : i32
        %dma_wait3A_603 = tpu.memref_slice %arg8[%add3A_601, %dma_wait3A_602] : memref<40x25xi32, #tpu.memory_space<vmem>> -> memref<1x25xi32, #tpu.memory_space<vmem>>
        %dma_wait3A_604 = tpu.memref_squeeze %dma_wait3A_603 : memref<1x25xi32, #tpu.memory_space<vmem>> -> memref<25xi32, #tpu.memory_space<vmem>>
        %dma_wait3A_605 = arith.constant 0 : i32
        %dma_wait3A_606 = arith.constant 0 : i32
        %dma_wait3A_607 = tpu.memref_slice %arg2[%arg0, %dma_wait3A_605, %dma_wait3A_606] : memref<2x10000x128xf32, #tpu.memory_space<hbm>> -> memref<1x10000x128xf32, #tpu.memory_space<hbm>>
        %dma_wait3A_608 = tpu.memref_squeeze %dma_wait3A_607 : memref<1x10000x128xf32, #tpu.memory_space<hbm>> -> memref<10000x128xf32, #tpu.memory_space<hbm>>
        %dma_wait3A_609 = arith.constant 0 : i32
        %dma_wait3A_610 = arith.constant 0 : i32
        %dma_wait3A_611 = tpu.memref_slice %dma_wait3A_608[%dma_wait3A_609, %dma_wait3A_610] : memref<10000x128xf32, #tpu.memory_space<hbm>> -> memref<10000x128xf32, #tpu.memory_space<hbm>>
        tpu.wait_indirect_dma semaphore(%arg19 : memref<!tpu.dma_semaphore, #tpu.memory_space<semaphore_mem>>) src(%dma_wait3A_611 : memref<10000x128xf32, #tpu.memory_space<hbm>>) dst(%arg14 : memref<25x128xf32, #tpu.memory_space<vmem>>)
        %add3A_612 = arith.constant 2 : i32
        %add3A_613 = arith.addi %mul3A_559, %add3A_612 : i32
        %dma_start3A_614 = arith.constant 0 : i32
        %dma_start3A_615 = tpu.memref_slice %arg9[%add3A_613, %dma_start3A_614] : memref<40x25xi32, #tpu.memory_space<vmem>> -> memref<1x25xi32, #tpu.memory_space<vmem>>
        %dma_start3A_616 = tpu.memref_squeeze %dma_start3A_615 : memref<1x25xi32, #tpu.memory_space<vmem>> -> memref<25xi32, #tpu.memory_space<vmem>>
        %dma_start3A_617 = arith.constant 0 : i32
        %dma_start3A_618 = arith.constant 0 : i32
        %dma_start3A_619 = tpu.memref_slice %arg27[%dma_start3A_617, %dma_start3A_618] : memref<10240x128xf32, #tpu.memory_space<vmem_shared>> -> memref<10240x128xf32, #tpu.memory_space<vmem_shared>>
        tpu.enqueue_indirect_dma source(%arg14 : memref<25x128xf32, #tpu.memory_space<vmem>>) target(%dma_start3A_619 : memref<10240x128xf32, #tpu.memory_space<vmem_shared>>) offsets(%dma_start3A_616 : memref<25xi32, #tpu.memory_space<vmem>>) semaphore(%arg24 : memref<!tpu.dma_semaphore, #tpu.memory_space<semaphore_mem>>) {add = true}
        %add3A_620 = arith.constant 3 : i32
        %add3A_621 = arith.addi %mul3A_559, %add3A_620 : i32
        %dma_wait3A_622 = arith.constant 0 : i32
        %dma_wait3A_623 = tpu.memref_slice %arg8[%add3A_621, %dma_wait3A_622] : memref<40x25xi32, #tpu.memory_space<vmem>> -> memref<1x25xi32, #tpu.memory_space<vmem>>
        %dma_wait3A_624 = tpu.memref_squeeze %dma_wait3A_623 : memref<1x25xi32, #tpu.memory_space<vmem>> -> memref<25xi32, #tpu.memory_space<vmem>>
        %dma_wait3A_625 = arith.constant 0 : i32
        %dma_wait3A_626 = arith.constant 0 : i32
        %dma_wait3A_627 = tpu.memref_slice %arg2[%arg0, %dma_wait3A_625, %dma_wait3A_626] : memref<2x10000x128xf32, #tpu.memory_space<hbm>> -> memref<1x10000x128xf32, #tpu.memory_space<hbm>>
        %dma_wait3A_628 = tpu.memref_squeeze %dma_wait3A_627 : memref<1x10000x128xf32, #tpu.memory_space<hbm>> -> memref<10000x128xf32, #tpu.memory_space<hbm>>
        %dma_wait3A_629 = arith.constant 0 : i32
        %dma_wait3A_630 = arith.constant 0 : i32
        %dma_wait3A_631 = tpu.memref_slice %dma_wait3A_628[%dma_wait3A_629, %dma_wait3A_630] : memref<10000x128xf32, #tpu.memory_space<hbm>> -> memref<10000x128xf32, #tpu.memory_space<hbm>>
        tpu.wait_indirect_dma semaphore(%arg20 : memref<!tpu.dma_semaphore, #tpu.memory_space<semaphore_mem>>) src(%dma_wait3A_631 : memref<10000x128xf32, #tpu.memory_space<hbm>>) dst(%arg15 : memref<25x128xf32, #tpu.memory_space<vmem>>)
        %add3A_632 = arith.constant 3 : i32
        %add3A_633 = arith.addi %mul3A_559, %add3A_632 : i32
        %dma_start3A_634 = arith.constant 0 : i32
        %dma_start3A_635 = tpu.memref_slice %arg9[%add3A_633, %dma_start3A_634] : memref<40x25xi32, #tpu.memory_space<vmem>> -> memref<1x25xi32, #tpu.memory_space<vmem>>
        %dma_start3A_636 = tpu.memref_squeeze %dma_start3A_635 : memref<1x25xi32, #tpu.memory_space<vmem>> -> memref<25xi32, #tpu.memory_space<vmem>>
        %dma_start3A_637 = arith.constant 0 : i32
        %dma_start3A_638 = arith.constant 0 : i32
        %dma_start3A_639 = tpu.memref_slice %arg27[%dma_start3A_637, %dma_start3A_638] : memref<10240x128xf32, #tpu.memory_space<vmem_shared>> -> memref<10240x128xf32, #tpu.memory_space<vmem_shared>>
        tpu.enqueue_indirect_dma source(%arg15 : memref<25x128xf32, #tpu.memory_space<vmem>>) target(%dma_start3A_639 : memref<10240x128xf32, #tpu.memory_space<vmem_shared>>) offsets(%dma_start3A_636 : memref<25xi32, #tpu.memory_space<vmem>>) semaphore(%arg25 : memref<!tpu.dma_semaphore, #tpu.memory_space<semaphore_mem>>) {add = true}
        %add3A_640 = arith.constant 4 : i32
        %add3A_641 = arith.addi %mul3A_559, %add3A_640 : i32
        %dma_wait3A_642 = arith.constant 0 : i32
        %dma_wait3A_643 = tpu.memref_slice %arg8[%add3A_641, %dma_wait3A_642] : memref<40x25xi32, #tpu.memory_space<vmem>> -> memref<1x25xi32, #tpu.memory_space<vmem>>
        %dma_wait3A_644 = tpu.memref_squeeze %dma_wait3A_643 : memref<1x25xi32, #tpu.memory_space<vmem>> -> memref<25xi32, #tpu.memory_space<vmem>>
        %dma_wait3A_645 = arith.constant 0 : i32
        %dma_wait3A_646 = arith.constant 0 : i32
        %dma_wait3A_647 = tpu.memref_slice %arg2[%arg0, %dma_wait3A_645, %dma_wait3A_646] : memref<2x10000x128xf32, #tpu.memory_space<hbm>> -> memref<1x10000x128xf32, #tpu.memory_space<hbm>>
        %dma_wait3A_648 = tpu.memref_squeeze %dma_wait3A_647 : memref<1x10000x128xf32, #tpu.memory_space<hbm>> -> memref<10000x128xf32, #tpu.memory_space<hbm>>
        %dma_wait3A_649 = arith.constant 0 : i32
        %dma_wait3A_650 = arith.constant 0 : i32
        %dma_wait3A_651 = tpu.memref_slice %dma_wait3A_648[%dma_wait3A_649, %dma_wait3A_650] : memref<10000x128xf32, #tpu.memory_space<hbm>> -> memref<10000x128xf32, #tpu.memory_space<hbm>>
        tpu.wait_indirect_dma semaphore(%arg21 : memref<!tpu.dma_semaphore, #tpu.memory_space<semaphore_mem>>) src(%dma_wait3A_651 : memref<10000x128xf32, #tpu.memory_space<hbm>>) dst(%arg16 : memref<25x128xf32, #tpu.memory_space<vmem>>)
        %add3A_652 = arith.constant 4 : i32
        %add3A_653 = arith.addi %mul3A_559, %add3A_652 : i32
        %dma_start3A_654 = arith.constant 0 : i32
        %dma_start3A_655 = tpu.memref_slice %arg9[%add3A_653, %dma_start3A_654] : memref<40x25xi32, #tpu.memory_space<vmem>> -> memref<1x25xi32, #tpu.memory_space<vmem>>
        %dma_start3A_656 = tpu.memref_squeeze %dma_start3A_655 : memref<1x25xi32, #tpu.memory_space<vmem>> -> memref<25xi32, #tpu.memory_space<vmem>>
        %dma_start3A_657 = arith.constant 0 : i32
        %dma_start3A_658 = arith.constant 0 : i32
        %dma_start3A_659 = tpu.memref_slice %arg27[%dma_start3A_657, %dma_start3A_658] : memref<10240x128xf32, #tpu.memory_space<vmem_shared>> -> memref<10240x128xf32, #tpu.memory_space<vmem_shared>>
        tpu.enqueue_indirect_dma source(%arg16 : memref<25x128xf32, #tpu.memory_space<vmem>>) target(%dma_start3A_659 : memref<10240x128xf32, #tpu.memory_space<vmem_shared>>) offsets(%dma_start3A_656 : memref<25xi32, #tpu.memory_space<vmem>>) semaphore(%arg26 : memref<!tpu.dma_semaphore, #tpu.memory_space<semaphore_mem>>) {add = true}
        %add3A_660 = arith.constant 0 : i32
        %add3A_661 = arith.addi %mul3A_559, %add3A_660 : i32
        %dma_wait3A_662 = arith.constant 0 : i32
        %dma_wait3A_663 = tpu.memref_slice %arg9[%add3A_661, %dma_wait3A_662] : memref<40x25xi32, #tpu.memory_space<vmem>> -> memref<1x25xi32, #tpu.memory_space<vmem>>
        %dma_wait3A_664 = tpu.memref_squeeze %dma_wait3A_663 : memref<1x25xi32, #tpu.memory_space<vmem>> -> memref<25xi32, #tpu.memory_space<vmem>>
        %dma_wait3A_665 = arith.constant 0 : i32
        %dma_wait3A_666 = arith.constant 0 : i32
        %dma_wait3A_667 = tpu.memref_slice %arg27[%dma_wait3A_665, %dma_wait3A_666] : memref<10240x128xf32, #tpu.memory_space<vmem_shared>> -> memref<10240x128xf32, #tpu.memory_space<vmem_shared>>
        tpu.wait_indirect_dma semaphore(%arg22 : memref<!tpu.dma_semaphore, #tpu.memory_space<semaphore_mem>>) src(%arg12 : memref<25x128xf32, #tpu.memory_space<vmem>>) dst(%dma_wait3A_667 : memref<10240x128xf32, #tpu.memory_space<vmem_shared>>)
        %add3A_668 = arith.constant 5 : i32
        %add3A_669 = arith.addi %mul3A_559, %add3A_668 : i32
        %add3A_670 = arith.constant 0 : i32
        %add3A_671 = arith.addi %add3A_669, %add3A_670 : i32
        %dma_start3A_672 = arith.constant 0 : i32
        %dma_start3A_673 = tpu.memref_slice %arg8[%add3A_671, %dma_start3A_672] : memref<40x25xi32, #tpu.memory_space<vmem>> -> memref<1x25xi32, #tpu.memory_space<vmem>>
        %dma_start3A_674 = tpu.memref_squeeze %dma_start3A_673 : memref<1x25xi32, #tpu.memory_space<vmem>> -> memref<25xi32, #tpu.memory_space<vmem>>
        %dma_start3A_675 = arith.constant 0 : i32
        %dma_start3A_676 = arith.constant 0 : i32
        %dma_start3A_677 = tpu.memref_slice %arg2[%arg0, %dma_start3A_675, %dma_start3A_676] : memref<2x10000x128xf32, #tpu.memory_space<hbm>> -> memref<1x10000x128xf32, #tpu.memory_space<hbm>>
        %dma_start3A_678 = tpu.memref_squeeze %dma_start3A_677 : memref<1x10000x128xf32, #tpu.memory_space<hbm>> -> memref<10000x128xf32, #tpu.memory_space<hbm>>
        %dma_start3A_679 = arith.constant 0 : i32
        %dma_start3A_680 = arith.constant 0 : i32
        %dma_start3A_681 = tpu.memref_slice %dma_start3A_678[%dma_start3A_679, %dma_start3A_680] : memref<10000x128xf32, #tpu.memory_space<hbm>> -> memref<10000x128xf32, #tpu.memory_space<hbm>>
        tpu.enqueue_indirect_dma source(%dma_start3A_681 : memref<10000x128xf32, #tpu.memory_space<hbm>>) target(%arg12 : memref<25x128xf32, #tpu.memory_space<vmem>>) offsets(%dma_start3A_674 : memref<25xi32, #tpu.memory_space<vmem>>) semaphore(%arg17 : memref<!tpu.dma_semaphore, #tpu.memory_space<semaphore_mem>>)
        %add3A_682 = arith.constant 1 : i32
        %add3A_683 = arith.addi %mul3A_559, %add3A_682 : i32
        %dma_wait3A_684 = arith.constant 0 : i32
        %dma_wait3A_685 = tpu.memref_slice %arg9[%add3A_683, %dma_wait3A_684] : memref<40x25xi32, #tpu.memory_space<vmem>> -> memref<1x25xi32, #tpu.memory_space<vmem>>
        %dma_wait3A_686 = tpu.memref_squeeze %dma_wait3A_685 : memref<1x25xi32, #tpu.memory_space<vmem>> -> memref<25xi32, #tpu.memory_space<vmem>>
        %dma_wait3A_687 = arith.constant 0 : i32
        %dma_wait3A_688 = arith.constant 0 : i32
        %dma_wait3A_689 = tpu.memref_slice %arg27[%dma_wait3A_687, %dma_wait3A_688] : memref<10240x128xf32, #tpu.memory_space<vmem_shared>> -> memref<10240x128xf32, #tpu.memory_space<vmem_shared>>
        tpu.wait_indirect_dma semaphore(%arg23 : memref<!tpu.dma_semaphore, #tpu.memory_space<semaphore_mem>>) src(%arg13 : memref<25x128xf32, #tpu.memory_space<vmem>>) dst(%dma_wait3A_689 : memref<10240x128xf32, #tpu.memory_space<vmem_shared>>)
        %add3A_690 = arith.constant 5 : i32
        %add3A_691 = arith.addi %mul3A_559, %add3A_690 : i32
        %add3A_692 = arith.constant 1 : i32
        %add3A_693 = arith.addi %add3A_691, %add3A_692 : i32
        %dma_start3A_694 = arith.constant 0 : i32
        %dma_start3A_695 = tpu.memref_slice %arg8[%add3A_693, %dma_start3A_694] : memref<40x25xi32, #tpu.memory_space<vmem>> -> memref<1x25xi32, #tpu.memory_space<vmem>>
        %dma_start3A_696 = tpu.memref_squeeze %dma_start3A_695 : memref<1x25xi32, #tpu.memory_space<vmem>> -> memref<25xi32, #tpu.memory_space<vmem>>
        %dma_start3A_697 = arith.constant 0 : i32
        %dma_start3A_698 = arith.constant 0 : i32
        %dma_start3A_699 = tpu.memref_slice %arg2[%arg0, %dma_start3A_697, %dma_start3A_698] : memref<2x10000x128xf32, #tpu.memory_space<hbm>> -> memref<1x10000x128xf32, #tpu.memory_space<hbm>>
        %dma_start3A_700 = tpu.memref_squeeze %dma_start3A_699 : memref<1x10000x128xf32, #tpu.memory_space<hbm>> -> memref<10000x128xf32, #tpu.memory_space<hbm>>
        %dma_start3A_701 = arith.constant 0 : i32
        %dma_start3A_702 = arith.constant 0 : i32
        %dma_start3A_703 = tpu.memref_slice %dma_start3A_700[%dma_start3A_701, %dma_start3A_702] : memref<10000x128xf32, #tpu.memory_space<hbm>> -> memref<10000x128xf32, #tpu.memory_space<hbm>>
        tpu.enqueue_indirect_dma source(%dma_start3A_703 : memref<10000x128xf32, #tpu.memory_space<hbm>>) target(%arg13 : memref<25x128xf32, #tpu.memory_space<vmem>>) offsets(%dma_start3A_696 : memref<25xi32, #tpu.memory_space<vmem>>) semaphore(%arg18 : memref<!tpu.dma_semaphore, #tpu.memory_space<semaphore_mem>>)
        %add3A_704 = arith.constant 2 : i32
        %add3A_705 = arith.addi %mul3A_559, %add3A_704 : i32
        %dma_wait3A_706 = arith.constant 0 : i32
        %dma_wait3A_707 = tpu.memref_slice %arg9[%add3A_705, %dma_wait3A_706] : memref<40x25xi32, #tpu.memory_space<vmem>> -> memref<1x25xi32, #tpu.memory_space<vmem>>
        %dma_wait3A_708 = tpu.memref_squeeze %dma_wait3A_707 : memref<1x25xi32, #tpu.memory_space<vmem>> -> memref<25xi32, #tpu.memory_space<vmem>>
        %dma_wait3A_709 = arith.constant 0 : i32
        %dma_wait3A_710 = arith.constant 0 : i32
        %dma_wait3A_711 = tpu.memref_slice %arg27[%dma_wait3A_709, %dma_wait3A_710] : memref<10240x128xf32, #tpu.memory_space<vmem_shared>> -> memref<10240x128xf32, #tpu.memory_space<vmem_shared>>
        tpu.wait_indirect_dma semaphore(%arg24 : memref<!tpu.dma_semaphore, #tpu.memory_space<semaphore_mem>>) src(%arg14 : memref<25x128xf32, #tpu.memory_space<vmem>>) dst(%dma_wait3A_711 : memref<10240x128xf32, #tpu.memory_space<vmem_shared>>)
        %add3A_712 = arith.constant 5 : i32
        %add3A_713 = arith.addi %mul3A_559, %add3A_712 : i32
        %add3A_714 = arith.constant 2 : i32
        %add3A_715 = arith.addi %add3A_713, %add3A_714 : i32
        %dma_start3A_716 = arith.constant 0 : i32
        %dma_start3A_717 = tpu.memref_slice %arg8[%add3A_715, %dma_start3A_716] : memref<40x25xi32, #tpu.memory_space<vmem>> -> memref<1x25xi32, #tpu.memory_space<vmem>>
        %dma_start3A_718 = tpu.memref_squeeze %dma_start3A_717 : memref<1x25xi32, #tpu.memory_space<vmem>> -> memref<25xi32, #tpu.memory_space<vmem>>
        %dma_start3A_719 = arith.constant 0 : i32
        %dma_start3A_720 = arith.constant 0 : i32
        %dma_start3A_721 = tpu.memref_slice %arg2[%arg0, %dma_start3A_719, %dma_start3A_720] : memref<2x10000x128xf32, #tpu.memory_space<hbm>> -> memref<1x10000x128xf32, #tpu.memory_space<hbm>>
        %dma_start3A_722 = tpu.memref_squeeze %dma_start3A_721 : memref<1x10000x128xf32, #tpu.memory_space<hbm>> -> memref<10000x128xf32, #tpu.memory_space<hbm>>
        %dma_start3A_723 = arith.constant 0 : i32
        %dma_start3A_724 = arith.constant 0 : i32
        %dma_start3A_725 = tpu.memref_slice %dma_start3A_722[%dma_start3A_723, %dma_start3A_724] : memref<10000x128xf32, #tpu.memory_space<hbm>> -> memref<10000x128xf32, #tpu.memory_space<hbm>>
        tpu.enqueue_indirect_dma source(%dma_start3A_725 : memref<10000x128xf32, #tpu.memory_space<hbm>>) target(%arg14 : memref<25x128xf32, #tpu.memory_space<vmem>>) offsets(%dma_start3A_718 : memref<25xi32, #tpu.memory_space<vmem>>) semaphore(%arg19 : memref<!tpu.dma_semaphore, #tpu.memory_space<semaphore_mem>>)
        %add3A_726 = arith.constant 3 : i32
        %add3A_727 = arith.addi %mul3A_559, %add3A_726 : i32
        %dma_wait3A_728 = arith.constant 0 : i32
        %dma_wait3A_729 = tpu.memref_slice %arg9[%add3A_727, %dma_wait3A_728] : memref<40x25xi32, #tpu.memory_space<vmem>> -> memref<1x25xi32, #tpu.memory_space<vmem>>
        %dma_wait3A_730 = tpu.memref_squeeze %dma_wait3A_729 : memref<1x25xi32, #tpu.memory_space<vmem>> -> memref<25xi32, #tpu.memory_space<vmem>>
        %dma_wait3A_731 = arith.constant 0 : i32
        %dma_wait3A_732 = arith.constant 0 : i32
        %dma_wait3A_733 = tpu.memref_slice %arg27[%dma_wait3A_731, %dma_wait3A_732] : memref<10240x128xf32, #tpu.memory_space<vmem_shared>> -> memref<10240x128xf32, #tpu.memory_space<vmem_shared>>
        tpu.wait_indirect_dma semaphore(%arg25 : memref<!tpu.dma_semaphore, #tpu.memory_space<semaphore_mem>>) src(%arg15 : memref<25x128xf32, #tpu.memory_space<vmem>>) dst(%dma_wait3A_733 : memref<10240x128xf32, #tpu.memory_space<vmem_shared>>)
        %add3A_734 = arith.constant 5 : i32
        %add3A_735 = arith.addi %mul3A_559, %add3A_734 : i32
        %add3A_736 = arith.constant 3 : i32
        %add3A_737 = arith.addi %add3A_735, %add3A_736 : i32
        %dma_start3A_738 = arith.constant 0 : i32
        %dma_start3A_739 = tpu.memref_slice %arg8[%add3A_737, %dma_start3A_738] : memref<40x25xi32, #tpu.memory_space<vmem>> -> memref<1x25xi32, #tpu.memory_space<vmem>>
        %dma_start3A_740 = tpu.memref_squeeze %dma_start3A_739 : memref<1x25xi32, #tpu.memory_space<vmem>> -> memref<25xi32, #tpu.memory_space<vmem>>
        %dma_start3A_741 = arith.constant 0 : i32
        %dma_start3A_742 = arith.constant 0 : i32
        %dma_start3A_743 = tpu.memref_slice %arg2[%arg0, %dma_start3A_741, %dma_start3A_742] : memref<2x10000x128xf32, #tpu.memory_space<hbm>> -> memref<1x10000x128xf32, #tpu.memory_space<hbm>>
        %dma_start3A_744 = tpu.memref_squeeze %dma_start3A_743 : memref<1x10000x128xf32, #tpu.memory_space<hbm>> -> memref<10000x128xf32, #tpu.memory_space<hbm>>
        %dma_start3A_745 = arith.constant 0 : i32
        %dma_start3A_746 = arith.constant 0 : i32
        %dma_start3A_747 = tpu.memref_slice %dma_start3A_744[%dma_start3A_745, %dma_start3A_746] : memref<10000x128xf32, #tpu.memory_space<hbm>> -> memref<10000x128xf32, #tpu.memory_space<hbm>>
        tpu.enqueue_indirect_dma source(%dma_start3A_747 : memref<10000x128xf32, #tpu.memory_space<hbm>>) target(%arg15 : memref<25x128xf32, #tpu.memory_space<vmem>>) offsets(%dma_start3A_740 : memref<25xi32, #tpu.memory_space<vmem>>) semaphore(%arg20 : memref<!tpu.dma_semaphore, #tpu.memory_space<semaphore_mem>>)
        %add3A_748 = arith.constant 4 : i32
        %add3A_749 = arith.addi %mul3A_559, %add3A_748 : i32
        %dma_wait3A_750 = arith.constant 0 : i32
        %dma_wait3A_751 = tpu.memref_slice %arg9[%add3A_749, %dma_wait3A_750] : memref<40x25xi32, #tpu.memory_space<vmem>> -> memref<1x25xi32, #tpu.memory_space<vmem>>
        %dma_wait3A_752 = tpu.memref_squeeze %dma_wait3A_751 : memref<1x25xi32, #tpu.memory_space<vmem>> -> memref<25xi32, #tpu.memory_space<vmem>>
        %dma_wait3A_753 = arith.constant 0 : i32
        %dma_wait3A_754 = arith.constant 0 : i32
        %dma_wait3A_755 = tpu.memref_slice %arg27[%dma_wait3A_753, %dma_wait3A_754] : memref<10240x128xf32, #tpu.memory_space<vmem_shared>> -> memref<10240x128xf32, #tpu.memory_space<vmem_shared>>
        tpu.wait_indirect_dma semaphore(%arg26 : memref<!tpu.dma_semaphore, #tpu.memory_space<semaphore_mem>>) src(%arg16 : memref<25x128xf32, #tpu.memory_space<vmem>>) dst(%dma_wait3A_755 : memref<10240x128xf32, #tpu.memory_space<vmem_shared>>)
        %add3A_756 = arith.constant 5 : i32
        %add3A_757 = arith.addi %mul3A_559, %add3A_756 : i32
        %add3A_758 = arith.constant 4 : i32
        %add3A_759 = arith.addi %add3A_757, %add3A_758 : i32
        %dma_start3A_760 = arith.constant 0 : i32
        %dma_start3A_761 = tpu.memref_slice %arg8[%add3A_759, %dma_start3A_760] : memref<40x25xi32, #tpu.memory_space<vmem>> -> memref<1x25xi32, #tpu.memory_space<vmem>>
        %dma_start3A_762 = tpu.memref_squeeze %dma_start3A_761 : memref<1x25xi32, #tpu.memory_space<vmem>> -> memref<25xi32, #tpu.memory_space<vmem>>
        %dma_start3A_763 = arith.constant 0 : i32
        %dma_start3A_764 = arith.constant 0 : i32
        %dma_start3A_765 = tpu.memref_slice %arg2[%arg0, %dma_start3A_763, %dma_start3A_764] : memref<2x10000x128xf32, #tpu.memory_space<hbm>> -> memref<1x10000x128xf32, #tpu.memory_space<hbm>>
        %dma_start3A_766 = tpu.memref_squeeze %dma_start3A_765 : memref<1x10000x128xf32, #tpu.memory_space<hbm>> -> memref<10000x128xf32, #tpu.memory_space<hbm>>
        %dma_start3A_767 = arith.constant 0 : i32
        %dma_start3A_768 = arith.constant 0 : i32
        %dma_start3A_769 = tpu.memref_slice %dma_start3A_766[%dma_start3A_767, %dma_start3A_768] : memref<10000x128xf32, #tpu.memory_space<hbm>> -> memref<10000x128xf32, #tpu.memory_space<hbm>>
        tpu.enqueue_indirect_dma source(%dma_start3A_769 : memref<10000x128xf32, #tpu.memory_space<hbm>>) target(%arg16 : memref<25x128xf32, #tpu.memory_space<vmem>>) offsets(%dma_start3A_762 : memref<25xi32, #tpu.memory_space<vmem>>) semaphore(%arg21 : memref<!tpu.dma_semaphore, #tpu.memory_space<semaphore_mem>>)
      }
      %scan3A_420 = arith.constant 7 : i32
      %dma_wait3A_421 = arith.constant 35 : i32
      %dma_wait3A_422 = arith.constant 0 : i32
      %dma_wait3A_423 = tpu.memref_slice %arg8[%dma_wait3A_421, %dma_wait3A_422] : memref<40x25xi32, #tpu.memory_space<vmem>> -> memref<1x25xi32, #tpu.memory_space<vmem>>
      %dma_wait3A_424 = tpu.memref_squeeze %dma_wait3A_423 : memref<1x25xi32, #tpu.memory_space<vmem>> -> memref<25xi32, #tpu.memory_space<vmem>>
      %dma_wait3A_425 = arith.constant 0 : i32
      %dma_wait3A_426 = arith.constant 0 : i32
      %dma_wait3A_427 = tpu.memref_slice %arg2[%arg0, %dma_wait3A_425, %dma_wait3A_426] : memref<2x10000x128xf32, #tpu.memory_space<hbm>> -> memref<1x10000x128xf32, #tpu.memory_space<hbm>>
      %dma_wait3A_428 = tpu.memref_squeeze %dma_wait3A_427 : memref<1x10000x128xf32, #tpu.memory_space<hbm>> -> memref<10000x128xf32, #tpu.memory_space<hbm>>
      %dma_wait3A_429 = arith.constant 0 : i32
      %dma_wait3A_430 = arith.constant 0 : i32
      %dma_wait3A_431 = tpu.memref_slice %dma_wait3A_428[%dma_wait3A_429, %dma_wait3A_430] : memref<10000x128xf32, #tpu.memory_space<hbm>> -> memref<10000x128xf32, #tpu.memory_space<hbm>>
      tpu.wait_indirect_dma semaphore(%arg17 : memref<!tpu.dma_semaphore, #tpu.memory_space<semaphore_mem>>) src(%dma_wait3A_431 : memref<10000x128xf32, #tpu.memory_space<hbm>>) dst(%arg12 : memref<25x128xf32, #tpu.memory_space<vmem>>)
      %dma_start3A_432 = arith.constant 35 : i32
      %dma_start3A_433 = arith.constant 0 : i32
      %dma_start3A_434 = tpu.memref_slice %arg9[%dma_start3A_432, %dma_start3A_433] : memref<40x25xi32, #tpu.memory_space<vmem>> -> memref<1x25xi32, #tpu.memory_space<vmem>>
      %dma_start3A_435 = tpu.memref_squeeze %dma_start3A_434 : memref<1x25xi32, #tpu.memory_space<vmem>> -> memref<25xi32, #tpu.memory_space<vmem>>
      %dma_start3A_436 = arith.constant 0 : i32
      %dma_start3A_437 = arith.constant 0 : i32
      %dma_start3A_438 = tpu.memref_slice %arg27[%dma_start3A_436, %dma_start3A_437] : memref<10240x128xf32, #tpu.memory_space<vmem_shared>> -> memref<10240x128xf32, #tpu.memory_space<vmem_shared>>
      tpu.enqueue_indirect_dma source(%arg12 : memref<25x128xf32, #tpu.memory_space<vmem>>) target(%dma_start3A_438 : memref<10240x128xf32, #tpu.memory_space<vmem_shared>>) offsets(%dma_start3A_435 : memref<25xi32, #tpu.memory_space<vmem>>) semaphore(%arg22 : memref<!tpu.dma_semaphore, #tpu.memory_space<semaphore_mem>>) {add = true}
      %dma_wait3A_439 = arith.constant 36 : i32
      %dma_wait3A_440 = arith.constant 0 : i32
      %dma_wait3A_441 = tpu.memref_slice %arg8[%dma_wait3A_439, %dma_wait3A_440] : memref<40x25xi32, #tpu.memory_space<vmem>> -> memref<1x25xi32, #tpu.memory_space<vmem>>
      %dma_wait3A_442 = tpu.memref_squeeze %dma_wait3A_441 : memref<1x25xi32, #tpu.memory_space<vmem>> -> memref<25xi32, #tpu.memory_space<vmem>>
      %dma_wait3A_443 = arith.constant 0 : i32
      %dma_wait3A_444 = arith.constant 0 : i32
      %dma_wait3A_445 = tpu.memref_slice %arg2[%arg0, %dma_wait3A_443, %dma_wait3A_444] : memref<2x10000x128xf32, #tpu.memory_space<hbm>> -> memref<1x10000x128xf32, #tpu.memory_space<hbm>>
      %dma_wait3A_446 = tpu.memref_squeeze %dma_wait3A_445 : memref<1x10000x128xf32, #tpu.memory_space<hbm>> -> memref<10000x128xf32, #tpu.memory_space<hbm>>
      %dma_wait3A_447 = arith.constant 0 : i32
      %dma_wait3A_448 = arith.constant 0 : i32
      %dma_wait3A_449 = tpu.memref_slice %dma_wait3A_446[%dma_wait3A_447, %dma_wait3A_448] : memref<10000x128xf32, #tpu.memory_space<hbm>> -> memref<10000x128xf32, #tpu.memory_space<hbm>>
      tpu.wait_indirect_dma semaphore(%arg18 : memref<!tpu.dma_semaphore, #tpu.memory_space<semaphore_mem>>) src(%dma_wait3A_449 : memref<10000x128xf32, #tpu.memory_space<hbm>>) dst(%arg13 : memref<25x128xf32, #tpu.memory_space<vmem>>)
      %dma_start3A_450 = arith.constant 36 : i32
      %dma_start3A_451 = arith.constant 0 : i32
      %dma_start3A_452 = tpu.memref_slice %arg9[%dma_start3A_450, %dma_start3A_451] : memref<40x25xi32, #tpu.memory_space<vmem>> -> memref<1x25xi32, #tpu.memory_space<vmem>>
      %dma_start3A_453 = tpu.memref_squeeze %dma_start3A_452 : memref<1x25xi32, #tpu.memory_space<vmem>> -> memref<25xi32, #tpu.memory_space<vmem>>
      %dma_start3A_454 = arith.constant 0 : i32
      %dma_start3A_455 = arith.constant 0 : i32
      %dma_start3A_456 = tpu.memref_slice %arg27[%dma_start3A_454, %dma_start3A_455] : memref<10240x128xf32, #tpu.memory_space<vmem_shared>> -> memref<10240x128xf32, #tpu.memory_space<vmem_shared>>
      tpu.enqueue_indirect_dma source(%arg13 : memref<25x128xf32, #tpu.memory_space<vmem>>) target(%dma_start3A_456 : memref<10240x128xf32, #tpu.memory_space<vmem_shared>>) offsets(%dma_start3A_453 : memref<25xi32, #tpu.memory_space<vmem>>) semaphore(%arg23 : memref<!tpu.dma_semaphore, #tpu.memory_space<semaphore_mem>>) {add = true}
      %dma_wait3A_457 = arith.constant 37 : i32
      %dma_wait3A_458 = arith.constant 0 : i32
      %dma_wait3A_459 = tpu.memref_slice %arg8[%dma_wait3A_457, %dma_wait3A_458] : memref<40x25xi32, #tpu.memory_space<vmem>> -> memref<1x25xi32, #tpu.memory_space<vmem>>
      %dma_wait3A_460 = tpu.memref_squeeze %dma_wait3A_459 : memref<1x25xi32, #tpu.memory_space<vmem>> -> memref<25xi32, #tpu.memory_space<vmem>>
      %dma_wait3A_461 = arith.constant 0 : i32
      %dma_wait3A_462 = arith.constant 0 : i32
      %dma_wait3A_463 = tpu.memref_slice %arg2[%arg0, %dma_wait3A_461, %dma_wait3A_462] : memref<2x10000x128xf32, #tpu.memory_space<hbm>> -> memref<1x10000x128xf32, #tpu.memory_space<hbm>>
      %dma_wait3A_464 = tpu.memref_squeeze %dma_wait3A_463 : memref<1x10000x128xf32, #tpu.memory_space<hbm>> -> memref<10000x128xf32, #tpu.memory_space<hbm>>
      %dma_wait3A_465 = arith.constant 0 : i32
      %dma_wait3A_466 = arith.constant 0 : i32
      %dma_wait3A_467 = tpu.memref_slice %dma_wait3A_464[%dma_wait3A_465, %dma_wait3A_466] : memref<10000x128xf32, #tpu.memory_space<hbm>> -> memref<10000x128xf32, #tpu.memory_space<hbm>>
      tpu.wait_indirect_dma semaphore(%arg19 : memref<!tpu.dma_semaphore, #tpu.memory_space<semaphore_mem>>) src(%dma_wait3A_467 : memref<10000x128xf32, #tpu.memory_space<hbm>>) dst(%arg14 : memref<25x128xf32, #tpu.memory_space<vmem>>)
      %dma_start3A_468 = arith.constant 37 : i32
      %dma_start3A_469 = arith.constant 0 : i32
      %dma_start3A_470 = tpu.memref_slice %arg9[%dma_start3A_468, %dma_start3A_469] : memref<40x25xi32, #tpu.memory_space<vmem>> -> memref<1x25xi32, #tpu.memory_space<vmem>>
      %dma_start3A_471 = tpu.memref_squeeze %dma_start3A_470 : memref<1x25xi32, #tpu.memory_space<vmem>> -> memref<25xi32, #tpu.memory_space<vmem>>
      %dma_start3A_472 = arith.constant 0 : i32
      %dma_start3A_473 = arith.constant 0 : i32
      %dma_start3A_474 = tpu.memref_slice %arg27[%dma_start3A_472, %dma_start3A_473] : memref<10240x128xf32, #tpu.memory_space<vmem_shared>> -> memref<10240x128xf32, #tpu.memory_space<vmem_shared>>
      tpu.enqueue_indirect_dma source(%arg14 : memref<25x128xf32, #tpu.memory_space<vmem>>) target(%dma_start3A_474 : memref<10240x128xf32, #tpu.memory_space<vmem_shared>>) offsets(%dma_start3A_471 : memref<25xi32, #tpu.memory_space<vmem>>) semaphore(%arg24 : memref<!tpu.dma_semaphore, #tpu.memory_space<semaphore_mem>>) {add = true}
      %dma_wait3A_475 = arith.constant 38 : i32
      %dma_wait3A_476 = arith.constant 0 : i32
      %dma_wait3A_477 = tpu.memref_slice %arg8[%dma_wait3A_475, %dma_wait3A_476] : memref<40x25xi32, #tpu.memory_space<vmem>> -> memref<1x25xi32, #tpu.memory_space<vmem>>
      %dma_wait3A_478 = tpu.memref_squeeze %dma_wait3A_477 : memref<1x25xi32, #tpu.memory_space<vmem>> -> memref<25xi32, #tpu.memory_space<vmem>>
      %dma_wait3A_479 = arith.constant 0 : i32
      %dma_wait3A_480 = arith.constant 0 : i32
      %dma_wait3A_481 = tpu.memref_slice %arg2[%arg0, %dma_wait3A_479, %dma_wait3A_480] : memref<2x10000x128xf32, #tpu.memory_space<hbm>> -> memref<1x10000x128xf32, #tpu.memory_space<hbm>>
      %dma_wait3A_482 = tpu.memref_squeeze %dma_wait3A_481 : memref<1x10000x128xf32, #tpu.memory_space<hbm>> -> memref<10000x128xf32, #tpu.memory_space<hbm>>
      %dma_wait3A_483 = arith.constant 0 : i32
      %dma_wait3A_484 = arith.constant 0 : i32
      %dma_wait3A_485 = tpu.memref_slice %dma_wait3A_482[%dma_wait3A_483, %dma_wait3A_484] : memref<10000x128xf32, #tpu.memory_space<hbm>> -> memref<10000x128xf32, #tpu.memory_space<hbm>>
      tpu.wait_indirect_dma semaphore(%arg20 : memref<!tpu.dma_semaphore, #tpu.memory_space<semaphore_mem>>) src(%dma_wait3A_485 : memref<10000x128xf32, #tpu.memory_space<hbm>>) dst(%arg15 : memref<25x128xf32, #tpu.memory_space<vmem>>)
      %dma_start3A_486 = arith.constant 38 : i32
      %dma_start3A_487 = arith.constant 0 : i32
      %dma_start3A_488 = tpu.memref_slice %arg9[%dma_start3A_486, %dma_start3A_487] : memref<40x25xi32, #tpu.memory_space<vmem>> -> memref<1x25xi32, #tpu.memory_space<vmem>>
      %dma_start3A_489 = tpu.memref_squeeze %dma_start3A_488 : memref<1x25xi32, #tpu.memory_space<vmem>> -> memref<25xi32, #tpu.memory_space<vmem>>
      %dma_start3A_490 = arith.constant 0 : i32
      %dma_start3A_491 = arith.constant 0 : i32
      %dma_start3A_492 = tpu.memref_slice %arg27[%dma_start3A_490, %dma_start3A_491] : memref<10240x128xf32, #tpu.memory_space<vmem_shared>> -> memref<10240x128xf32, #tpu.memory_space<vmem_shared>>
      tpu.enqueue_indirect_dma source(%arg15 : memref<25x128xf32, #tpu.memory_space<vmem>>) target(%dma_start3A_492 : memref<10240x128xf32, #tpu.memory_space<vmem_shared>>) offsets(%dma_start3A_489 : memref<25xi32, #tpu.memory_space<vmem>>) semaphore(%arg25 : memref<!tpu.dma_semaphore, #tpu.memory_space<semaphore_mem>>) {add = true}
      %dma_wait3A_493 = arith.constant 39 : i32
      %dma_wait3A_494 = arith.constant 0 : i32
      %dma_wait3A_495 = tpu.memref_slice %arg8[%dma_wait3A_493, %dma_wait3A_494] : memref<40x25xi32, #tpu.memory_space<vmem>> -> memref<1x25xi32, #tpu.memory_space<vmem>>
      %dma_wait3A_496 = tpu.memref_squeeze %dma_wait3A_495 : memref<1x25xi32, #tpu.memory_space<vmem>> -> memref<25xi32, #tpu.memory_space<vmem>>
      %dma_wait3A_497 = arith.constant 0 : i32
      %dma_wait3A_498 = arith.constant 0 : i32
      %dma_wait3A_499 = tpu.memref_slice %arg2[%arg0, %dma_wait3A_497, %dma_wait3A_498] : memref<2x10000x128xf32, #tpu.memory_space<hbm>> -> memref<1x10000x128xf32, #tpu.memory_space<hbm>>
      %dma_wait3A_500 = tpu.memref_squeeze %dma_wait3A_499 : memref<1x10000x128xf32, #tpu.memory_space<hbm>> -> memref<10000x128xf32, #tpu.memory_space<hbm>>
      %dma_wait3A_501 = arith.constant 0 : i32
      %dma_wait3A_502 = arith.constant 0 : i32
      %dma_wait3A_503 = tpu.memref_slice %dma_wait3A_500[%dma_wait3A_501, %dma_wait3A_502] : memref<10000x128xf32, #tpu.memory_space<hbm>> -> memref<10000x128xf32, #tpu.memory_space<hbm>>
      tpu.wait_indirect_dma semaphore(%arg21 : memref<!tpu.dma_semaphore, #tpu.memory_space<semaphore_mem>>) src(%dma_wait3A_503 : memref<10000x128xf32, #tpu.memory_space<hbm>>) dst(%arg16 : memref<25x128xf32, #tpu.memory_space<vmem>>)
      %dma_start3A_504 = arith.constant 39 : i32
      %dma_start3A_505 = arith.constant 0 : i32
      %dma_start3A_506 = tpu.memref_slice %arg9[%dma_start3A_504, %dma_start3A_505] : memref<40x25xi32, #tpu.memory_space<vmem>> -> memref<1x25xi32, #tpu.memory_space<vmem>>
      %dma_start3A_507 = tpu.memref_squeeze %dma_start3A_506 : memref<1x25xi32, #tpu.memory_space<vmem>> -> memref<25xi32, #tpu.memory_space<vmem>>
      %dma_start3A_508 = arith.constant 0 : i32
      %dma_start3A_509 = arith.constant 0 : i32
      %dma_start3A_510 = tpu.memref_slice %arg27[%dma_start3A_508, %dma_start3A_509] : memref<10240x128xf32, #tpu.memory_space<vmem_shared>> -> memref<10240x128xf32, #tpu.memory_space<vmem_shared>>
      tpu.enqueue_indirect_dma source(%arg16 : memref<25x128xf32, #tpu.memory_space<vmem>>) target(%dma_start3A_510 : memref<10240x128xf32, #tpu.memory_space<vmem_shared>>) offsets(%dma_start3A_507 : memref<25xi32, #tpu.memory_space<vmem>>) semaphore(%arg26 : memref<!tpu.dma_semaphore, #tpu.memory_space<semaphore_mem>>) {add = true}
      %dma_wait3A_511 = arith.constant 35 : i32
      %dma_wait3A_512 = arith.constant 0 : i32
      %dma_wait3A_513 = tpu.memref_slice %arg9[%dma_wait3A_511, %dma_wait3A_512] : memref<40x25xi32, #tpu.memory_space<vmem>> -> memref<1x25xi32, #tpu.memory_space<vmem>>
      %dma_wait3A_514 = tpu.memref_squeeze %dma_wait3A_513 : memref<1x25xi32, #tpu.memory_space<vmem>> -> memref<25xi32, #tpu.memory_space<vmem>>
      %dma_wait3A_515 = arith.constant 0 : i32
      %dma_wait3A_516 = arith.constant 0 : i32
      %dma_wait3A_517 = tpu.memref_slice %arg27[%dma_wait3A_515, %dma_wait3A_516] : memref<10240x128xf32, #tpu.memory_space<vmem_shared>> -> memref<10240x128xf32, #tpu.memory_space<vmem_shared>>
      tpu.wait_indirect_dma semaphore(%arg22 : memref<!tpu.dma_semaphore, #tpu.memory_space<semaphore_mem>>) src(%arg12 : memref<25x128xf32, #tpu.memory_space<vmem>>) dst(%dma_wait3A_517 : memref<10240x128xf32, #tpu.memory_space<vmem_shared>>)
      %dma_wait3A_518 = arith.constant 36 : i32
      %dma_wait3A_519 = arith.constant 0 : i32
      %dma_wait3A_520 = tpu.memref_slice %arg9[%dma_wait3A_518, %dma_wait3A_519] : memref<40x25xi32, #tpu.memory_space<vmem>> -> memref<1x25xi32, #tpu.memory_space<vmem>>
      %dma_wait3A_521 = tpu.memref_squeeze %dma_wait3A_520 : memref<1x25xi32, #tpu.memory_space<vmem>> -> memref<25xi32, #tpu.memory_space<vmem>>
      %dma_wait3A_522 = arith.constant 0 : i32
      %dma_wait3A_523 = arith.constant 0 : i32
      %dma_wait3A_524 = tpu.memref_slice %arg27[%dma_wait3A_522, %dma_wait3A_523] : memref<10240x128xf32, #tpu.memory_space<vmem_shared>> -> memref<10240x128xf32, #tpu.memory_space<vmem_shared>>
      tpu.wait_indirect_dma semaphore(%arg23 : memref<!tpu.dma_semaphore, #tpu.memory_space<semaphore_mem>>) src(%arg13 : memref<25x128xf32, #tpu.memory_space<vmem>>) dst(%dma_wait3A_524 : memref<10240x128xf32, #tpu.memory_space<vmem_shared>>)
      %dma_wait3A_525 = arith.constant 37 : i32
      %dma_wait3A_526 = arith.constant 0 : i32
      %dma_wait3A_527 = tpu.memref_slice %arg9[%dma_wait3A_525, %dma_wait3A_526] : memref<40x25xi32, #tpu.memory_space<vmem>> -> memref<1x25xi32, #tpu.memory_space<vmem>>
      %dma_wait3A_528 = tpu.memref_squeeze %dma_wait3A_527 : memref<1x25xi32, #tpu.memory_space<vmem>> -> memref<25xi32, #tpu.memory_space<vmem>>
      %dma_wait3A_529 = arith.constant 0 : i32
      %dma_wait3A_530 = arith.constant 0 : i32
      %dma_wait3A_531 = tpu.memref_slice %arg27[%dma_wait3A_529, %dma_wait3A_530] : memref<10240x128xf32, #tpu.memory_space<vmem_shared>> -> memref<10240x128xf32, #tpu.memory_space<vmem_shared>>
      tpu.wait_indirect_dma semaphore(%arg24 : memref<!tpu.dma_semaphore, #tpu.memory_space<semaphore_mem>>) src(%arg14 : memref<25x128xf32, #tpu.memory_space<vmem>>) dst(%dma_wait3A_531 : memref<10240x128xf32, #tpu.memory_space<vmem_shared>>)
      %dma_wait3A_532 = arith.constant 38 : i32
      %dma_wait3A_533 = arith.constant 0 : i32
      %dma_wait3A_534 = tpu.memref_slice %arg9[%dma_wait3A_532, %dma_wait3A_533] : memref<40x25xi32, #tpu.memory_space<vmem>> -> memref<1x25xi32, #tpu.memory_space<vmem>>
      %dma_wait3A_535 = tpu.memref_squeeze %dma_wait3A_534 : memref<1x25xi32, #tpu.memory_space<vmem>> -> memref<25xi32, #tpu.memory_space<vmem>>
      %dma_wait3A_536 = arith.constant 0 : i32
      %dma_wait3A_537 = arith.constant 0 : i32
      %dma_wait3A_538 = tpu.memref_slice %arg27[%dma_wait3A_536, %dma_wait3A_537] : memref<10240x128xf32, #tpu.memory_space<vmem_shared>> -> memref<10240x128xf32, #tpu.memory_space<vmem_shared>>
      tpu.wait_indirect_dma semaphore(%arg25 : memref<!tpu.dma_semaphore, #tpu.memory_space<semaphore_mem>>) src(%arg15 : memref<25x128xf32, #tpu.memory_space<vmem>>) dst(%dma_wait3A_538 : memref<10240x128xf32, #tpu.memory_space<vmem_shared>>)
      %dma_wait3A_539 = arith.constant 39 : i32
      %dma_wait3A_540 = arith.constant 0 : i32
      %dma_wait3A_541 = tpu.memref_slice %arg9[%dma_wait3A_539, %dma_wait3A_540] : memref<40x25xi32, #tpu.memory_space<vmem>> -> memref<1x25xi32, #tpu.memory_space<vmem>>
      %dma_wait3A_542 = tpu.memref_squeeze %dma_wait3A_541 : memref<1x25xi32, #tpu.memory_space<vmem>> -> memref<25xi32, #tpu.memory_space<vmem>>
      %dma_wait3A_543 = arith.constant 0 : i32
      %dma_wait3A_544 = arith.constant 0 : i32
      %dma_wait3A_545 = tpu.memref_slice %arg27[%dma_wait3A_543, %dma_wait3A_544] : memref<10240x128xf32, #tpu.memory_space<vmem_shared>> -> memref<10240x128xf32, #tpu.memory_space<vmem_shared>>
      tpu.wait_indirect_dma semaphore(%arg26 : memref<!tpu.dma_semaphore, #tpu.memory_space<semaphore_mem>>) src(%arg16 : memref<25x128xf32, #tpu.memory_space<vmem>>) dst(%dma_wait3A_545 : memref<10240x128xf32, #tpu.memory_space<vmem_shared>>)
      %add3A_546 = arith.constant 3 : i32
      %add3A_547 = arith.addi %mul3A_98, %add3A_546 : i32
      %lt3A_548 = arith.constant 20 : i32
      %lt3A_549 = arith.cmpi slt, %add3A_547, %lt3A_548 : i32
      %convert_element_type3A_550 = arith.extui %lt3A_549 : i1 to i32
      %cond3A_551 = arith.constant 0 : i32
      %cond3A_552 = arith.cmpi ne, %convert_element_type3A_550, %cond3A_551 : i32
      scf.if %cond3A_552 {
        %add3A_553 = arith.constant 3 : i32
        %add3A_554 = arith.addi %mul3A_98, %add3A_553 : i32
        %dma_start3A_555 = arith.constant 0 : i32
        %dma_start3A_556 = arith.constant 0 : i32
        %dma_start3A_557 = arith.constant 0 : i32
        %dma_start3A_558 = tpu.memref_slice %arg3[%arg1, %dma_start3A_555, %dma_start3A_556, %dma_start3A_557] : memref<16x20x40x25xi32, #tpu.memory_space<hbm>> -> memref<1x20x40x25xi32, #tpu.memory_space<hbm>>
        %dma_start3A_559 = tpu.memref_squeeze %dma_start3A_558 : memref<1x20x40x25xi32, #tpu.memory_space<hbm>> -> memref<20x40x25xi32, #tpu.memory_space<hbm>>
        %dma_start3A_560 = arith.constant 0 : i32
        %dma_start3A_561 = arith.constant 0 : i32
        %dma_start3A_562 = tpu.memref_slice %dma_start3A_559[%add3A_554, %dma_start3A_560, %dma_start3A_561] : memref<20x40x25xi32, #tpu.memory_space<hbm>> -> memref<1x40x25xi32, #tpu.memory_space<hbm>>
        %dma_start3A_563 = tpu.memref_squeeze %dma_start3A_562 : memref<1x40x25xi32, #tpu.memory_space<hbm>> -> memref<40x25xi32, #tpu.memory_space<hbm>>
        %dma_start3A_564 = arith.constant 0 : i32
        %dma_start3A_565 = arith.constant 0 : i32
        %dma_start3A_566 = arith.constant 0 : i32
        %dma_start3A_567 = tpu.memref_slice %arg3[%arg1, %dma_start3A_564, %dma_start3A_565, %dma_start3A_566] : memref<16x20x40x25xi32, #tpu.memory_space<hbm>> -> memref<1x20x40x25xi32, #tpu.memory_space<hbm>>
        %dma_start3A_568 = tpu.memref_squeeze %dma_start3A_567 : memref<1x20x40x25xi32, #tpu.memory_space<hbm>> -> memref<20x40x25xi32, #tpu.memory_space<hbm>>
        %dma_start3A_569 = arith.constant 0 : i32
        %dma_start3A_570 = arith.constant 0 : i32
        %dma_start3A_571 = tpu.memref_slice %dma_start3A_568[%add3A_554, %dma_start3A_569, %dma_start3A_570] : memref<20x40x25xi32, #tpu.memory_space<hbm>> -> memref<1x40x25xi32, #tpu.memory_space<hbm>>
        %dma_start3A_572 = tpu.memref_squeeze %dma_start3A_571 : memref<1x40x25xi32, #tpu.memory_space<hbm>> -> memref<40x25xi32, #tpu.memory_space<hbm>>
        tpu.enqueue_dma source(%dma_start3A_572 : memref<40x25xi32, #tpu.memory_space<hbm>>) target(%arg8 : memref<40x25xi32, #tpu.memory_space<vmem>>) target_semaphore(%arg11 : memref<!tpu.dma_semaphore, #tpu.memory_space<semaphore_mem>>)
        %dma_start3A_573 = arith.constant 0 : i32
        %dma_start3A_574 = arith.constant 0 : i32
        %dma_start3A_575 = arith.constant 0 : i32
        %dma_start3A_576 = tpu.memref_slice %arg4[%arg1, %dma_start3A_573, %dma_start3A_574, %dma_start3A_575] : memref<16x20x40x25xi32, #tpu.memory_space<hbm>> -> memref<1x20x40x25xi32, #tpu.memory_space<hbm>>
        %dma_start3A_577 = tpu.memref_squeeze %dma_start3A_576 : memref<1x20x40x25xi32, #tpu.memory_space<hbm>> -> memref<20x40x25xi32, #tpu.memory_space<hbm>>
        %dma_start3A_578 = arith.constant 0 : i32
        %dma_start3A_579 = arith.constant 0 : i32
        %dma_start3A_580 = tpu.memref_slice %dma_start3A_577[%add3A_554, %dma_start3A_578, %dma_start3A_579] : memref<20x40x25xi32, #tpu.memory_space<hbm>> -> memref<1x40x25xi32, #tpu.memory_space<hbm>>
        %dma_start3A_581 = tpu.memref_squeeze %dma_start3A_580 : memref<1x40x25xi32, #tpu.memory_space<hbm>> -> memref<40x25xi32, #tpu.memory_space<hbm>>
        %dma_start3A_582 = arith.constant 0 : i32
        %dma_start3A_583 = arith.constant 0 : i32
        %dma_start3A_584 = arith.constant 0 : i32
        %dma_start3A_585 = tpu.memref_slice %arg4[%arg1, %dma_start3A_582, %dma_start3A_583, %dma_start3A_584] : memref<16x20x40x25xi32, #tpu.memory_space<hbm>> -> memref<1x20x40x25xi32, #tpu.memory_space<hbm>>
        %dma_start3A_586 = tpu.memref_squeeze %dma_start3A_585 : memref<1x20x40x25xi32, #tpu.memory_space<hbm>> -> memref<20x40x25xi32, #tpu.memory_space<hbm>>
        %dma_start3A_587 = arith.constant 0 : i32
        %dma_start3A_588 = arith.constant 0 : i32
        %dma_start3A_589 = tpu.memref_slice %dma_start3A_586[%add3A_554, %dma_start3A_587, %dma_start3A_588] : memref<20x40x25xi32, #tpu.memory_space<hbm>> -> memref<1x40x25xi32, #tpu.memory_space<hbm>>
        %dma_start3A_590 = tpu.memref_squeeze %dma_start3A_589 : memref<1x40x25xi32, #tpu.memory_space<hbm>> -> memref<40x25xi32, #tpu.memory_space<hbm>>
        tpu.enqueue_dma source(%dma_start3A_590 : memref<40x25xi32, #tpu.memory_space<hbm>>) target(%arg9 : memref<40x25xi32, #tpu.memory_space<vmem>>) target_semaphore(%arg11 : memref<!tpu.dma_semaphore, #tpu.memory_space<semaphore_mem>>)
      } else {
      }
    }
    %scan3A_88 = arith.constant 10 : i32
    %barrier3A_89 = arith.constant 0 : index
    tpu.barrier barrier_id(%barrier3A_89)
    %mul3A = arith.constant 640 : i32
    %mul3A_90 = arith.muli %arg1, %mul3A : i32
    %mul3A_91 = arith.constant 640 : i32
    %mul3A_92 = arith.muli %arg1, %mul3A_91 : i32
    "tpu.region"() ({
      %run_scoped3A = tpu.sem_alloc : memref<!tpu.dma_semaphore, #tpu.memory_space<semaphore_mem>>
      %dma_start3A_93 = arith.constant 0 : i32
      %dma_start3A_94 = arith.constant 0 : i32
      %dma_start3A_95 = tpu.memref_slice %arg5[%arg0, %dma_start3A_93, %dma_start3A_94] : memref<2x10240x128xf32, #tpu.memory_space<hbm>> -> memref<1x10240x128xf32, #tpu.memory_space<hbm>>
      %dma_start3A_96 = tpu.memref_squeeze %dma_start3A_95 : memref<1x10240x128xf32, #tpu.memory_space<hbm>> -> memref<10240x128xf32, #tpu.memory_space<hbm>>
      %dma_start3A_97 = arith.constant 0 : i32
      %dma_start3A_98 = tpu.memref_slice %dma_start3A_96[%mul3A_92, %dma_start3A_97] : memref<10240x128xf32, #tpu.memory_space<hbm>> -> memref<640x128xf32, #tpu.memory_space<hbm>>
      %dma_start3A_99 = arith.constant 0 : i32
      %dma_start3A_100 = tpu.memref_slice %arg27[%mul3A_90, %dma_start3A_99] : memref<10240x128xf32, #tpu.memory_space<vmem_shared>> -> memref<640x128xf32, #tpu.memory_space<vmem_shared>>
      tpu.enqueue_dma source(%dma_start3A_100 : memref<640x128xf32, #tpu.memory_space<vmem_shared>>) target(%dma_start3A_98 : memref<640x128xf32, #tpu.memory_space<hbm>>) target_semaphore(%run_scoped3A : memref<!tpu.dma_semaphore, #tpu.memory_space<semaphore_mem>>)
      %dma_wait3A = arith.constant 0 : i32
      %dma_wait3A_101 = arith.constant 0 : i32
      %dma_wait3A_102 = tpu.memref_slice %arg5[%arg0, %dma_wait3A, %dma_wait3A_101] : memref<2x10240x128xf32, #tpu.memory_space<hbm>> -> memref<1x10240x128xf32, #tpu.memory_space<hbm>>
      %dma_wait3A_103 = tpu.memref_squeeze %dma_wait3A_102 : memref<1x10240x128xf32, #tpu.memory_space<hbm>> -> memref<10240x128xf32, #tpu.memory_space<hbm>>
      %dma_wait3A_104 = arith.constant 0 : i32
      %dma_wait3A_105 = tpu.memref_slice %dma_wait3A_103[%mul3A_92, %dma_wait3A_104] : memref<10240x128xf32, #tpu.memory_space<hbm>> -> memref<640x128xf32, #tpu.memory_space<hbm>>
      %dma_wait3A_106 = arith.constant 0 : i32
      %dma_wait3A_107 = tpu.memref_slice %arg27[%mul3A_90, %dma_wait3A_106] : memref<10240x128xf32, #tpu.memory_space<vmem_shared>> -> memref<640x128xf32, #tpu.memory_space<vmem_shared>>
      tpu.wait_dma2 semaphore(%run_scoped3A : memref<!tpu.dma_semaphore, #tpu.memory_space<semaphore_mem>>) src(%dma_wait3A_107 : memref<640x128xf32, #tpu.memory_space<vmem_shared>>) dst(%dma_wait3A_105 : memref<640x128xf32, #tpu.memory_space<hbm>>)
      tpu.yield
    }) : () -> ()
    return
  }
}

#map = affine_map<(d0, d1) -> (0, 0)>
#map1 = affine_map<(d0, d1) -> (0, 0, 0)>
module attributes {stable_mosaic.version = 14 : i64} {
  func.func @_deg_body(%arg0: i32, %arg1: i32, %arg2: memref<32x10000xi32, #tpu.memory_space<hbm>>, %arg3: memref<2x80x128xf32, #tpu.memory_space<hbm>>, %arg4: memref<10000xi32, #tpu.memory_space<vmem>>, %arg5: memref<80x128xf32, #tpu.memory_space<vmem>>, %arg6: memref<1x80xi32, #tpu.memory_space<vmem>>, %arg7: memref<80x128xf32, #tpu.memory_space<vmem_shared>>) attributes {dimension_semantics = [#tpu.dimension_semantics<core_parallel>, #tpu.dimension_semantics<subcore_parallel>], iteration_bounds = array<i64: 2, 16>, scalar_prefetch = 0 : i64, scratch_operands = 4 : i64, tpu.core_type = #tpu.core_type<sc_vector_subcore>, window_params = [{transform_indices = #map}, {transform_indices = #map1}]} {
    %mul3A = arith.constant 16 : i32
    %mul3A_0 = arith.muli %arg0, %mul3A : i32
    %add3A = arith.addi %mul3A_0, %arg1 : i32
    %scan3A = arith.constant 0 : i32
    %scan3A_1 = arith.constant 80 : i32
    %scan3A_2 = arith.addi %scan3A, %scan3A_1 : i32
    %scan3A_3 = arith.constant 1 : i32
    scf.for %scan3A_23 = %scan3A to %scan3A_2 step %scan3A_3  : i32 {
      %mul3A_24 = arith.constant 1 : i32
      %mul3A_25 = arith.muli %scan3A_23, %mul3A_24 : i32
      %add3A_26 = arith.constant 0 : i32
      %add3A_27 = arith.addi %add3A_26, %mul3A_25 : i32
      %scan3A_28 = arith.constant 0 : i32
      %scan3A_29 = arith.constant 8 : i32
      %scan3A_30 = arith.addi %scan3A_28, %scan3A_29 : i32
      %scan3A_31 = arith.constant 1 : i32
      scf.for %scan3A_33 = %scan3A_28 to %scan3A_30 step %scan3A_31  : i32 {
        %mul3A_34 = arith.constant 1 : i32
        %mul3A_35 = arith.muli %scan3A_33, %mul3A_34 : i32
        %add3A_36 = arith.constant 0 : i32
        %add3A_37 = arith.addi %add3A_36, %mul3A_35 : i32
        %broadcast_in_dim3A_38 = arith.constant 0.000000e+00 : f32
        %broadcast_in_dim3A_39 = vector.broadcast %broadcast_in_dim3A_38 : f32 to vector<16xf32>
        %mul3A_40 = arith.constant 16 : i32
        %mul3A_41 = arith.muli %add3A_37, %mul3A_40 : i32
        %swap3A = arith.index_cast %add3A_27 : i32 to index
        %swap3A_42 = arith.index_cast %mul3A_41 : i32 to index
        %swap3A_43 = tpu.vector_load %arg5[%swap3A, %swap3A_42] {strides = array<i32>} : memref<80x128xf32, #tpu.memory_space<vmem>>, vector<16xf32>,
        tpu.vector_store %arg5[%swap3A, %swap3A_42], %broadcast_in_dim3A_39 {strides = array<i32>} : memref<80x128xf32, #tpu.memory_space<vmem>>, vector<16xf32>,
      }
      %scan3A_32 = arith.constant 8 : i32
    }
    %scan3A_4 = arith.constant 80 : i32
    %lt3A = arith.constant 10 : i32
    %lt3A_5 = arith.cmpi slt, %arg1, %lt3A : i32
    %convert_element_type3A = arith.extui %lt3A_5 : i1 to i32
    %cond3A = arith.constant 0 : i32
    %cond3A_6 = arith.cmpi ne, %convert_element_type3A, %cond3A : i32
    scf.if %cond3A_6 {
      %mul3A_23 = arith.constant 8 : i32
      %mul3A_24 = arith.muli %arg1, %mul3A_23 : i32
      %mul3A_25 = arith.constant 8 : i32
      %mul3A_26 = arith.muli %arg1, %mul3A_25 : i32
      "tpu.region"() ({
        %run_scoped3A_27 = tpu.sem_alloc : memref<!tpu.dma_semaphore, #tpu.memory_space<semaphore_mem>>
        %dma_start3A = arith.constant 0 : i32
        %dma_start3A_28 = tpu.memref_slice %arg5[%mul3A_24, %dma_start3A] : memref<80x128xf32, #tpu.memory_space<vmem>> -> memref<8x128xf32, #tpu.memory_space<vmem>>
        %dma_start3A_29 = arith.constant 0 : i32
        %dma_start3A_30 = tpu.memref_slice %arg7[%mul3A_26, %dma_start3A_29] : memref<80x128xf32, #tpu.memory_space<vmem_shared>> -> memref<8x128xf32, #tpu.memory_space<vmem_shared>>
        %dma_start3A_31 = arith.constant 0 : i32
        %dma_start3A_32 = tpu.memref_slice %arg7[%mul3A_26, %dma_start3A_31] : memref<80x128xf32, #tpu.memory_space<vmem_shared>> -> memref<8x128xf32, #tpu.memory_space<vmem_shared>>
        %dma_start3A_33 = arith.constant 0 : i32
        %dma_start3A_34 = tpu.memref_slice %arg5[%mul3A_24, %dma_start3A_33] : memref<80x128xf32, #tpu.memory_space<vmem>> -> memref<8x128xf32, #tpu.memory_space<vmem>>
        tpu.enqueue_dma source(%dma_start3A_34 : memref<8x128xf32, #tpu.memory_space<vmem>>) target(%dma_start3A_32 : memref<8x128xf32, #tpu.memory_space<vmem_shared>>) target_semaphore(%run_scoped3A_27 : memref<!tpu.dma_semaphore, #tpu.memory_space<semaphore_mem>>)
        %dma_wait3A = arith.constant 0 : i32
        %dma_wait3A_35 = tpu.memref_slice %arg5[%mul3A_24, %dma_wait3A] : memref<80x128xf32, #tpu.memory_space<vmem>> -> memref<8x128xf32, #tpu.memory_space<vmem>>
        %dma_wait3A_36 = arith.constant 0 : i32
        %dma_wait3A_37 = tpu.memref_slice %arg7[%mul3A_26, %dma_wait3A_36] : memref<80x128xf32, #tpu.memory_space<vmem_shared>> -> memref<8x128xf32, #tpu.memory_space<vmem_shared>>
        %dma_wait3A_38 = arith.constant 0 : i32
        %dma_wait3A_39 = tpu.memref_slice %arg7[%mul3A_26, %dma_wait3A_38] : memref<80x128xf32, #tpu.memory_space<vmem_shared>> -> memref<8x128xf32, #tpu.memory_space<vmem_shared>>
        %dma_wait3A_40 = arith.constant 0 : i32
        %dma_wait3A_41 = tpu.memref_slice %arg5[%mul3A_24, %dma_wait3A_40] : memref<80x128xf32, #tpu.memory_space<vmem>> -> memref<8x128xf32, #tpu.memory_space<vmem>>
        tpu.wait_dma2 semaphore(%run_scoped3A_27 : memref<!tpu.dma_semaphore, #tpu.memory_space<semaphore_mem>>) src(%dma_wait3A_41 : memref<8x128xf32, #tpu.memory_space<vmem>>) dst(%dma_wait3A_39 : memref<8x128xf32, #tpu.memory_space<vmem_shared>>)
        tpu.yield
      }) : () -> ()
    } else {
    }
    %scan3A_7 = arith.constant 0 : i32
    %scan3A_8 = arith.constant 5 : i32
    %scan3A_9 = arith.addi %scan3A_7, %scan3A_8 : i32
    %scan3A_10 = arith.constant 1 : i32
    scf.for %scan3A_23 = %scan3A_7 to %scan3A_9 step %scan3A_10  : i32 {
      %mul3A_24 = arith.constant 1 : i32
      %mul3A_25 = arith.muli %scan3A_23, %mul3A_24 : i32
      %add3A_26 = arith.constant 0 : i32
      %add3A_27 = arith.addi %add3A_26, %mul3A_25 : i32
      %iota3A = tpu.iota {dimensions = array<i32: 0>} : vector<16xi32>
      %mul3A_28 = arith.constant 16 : i32
      %mul3A_29 = arith.muli %add3A_27, %mul3A_28 : i32
      %add3A_30 = vector.broadcast %mul3A_29 : i32 to vector<16xi32>
      %add3A_31 = arith.addi %iota3A, %add3A_30 : vector<16xi32>
      %mul3A_32 = arith.constant 16 : i32
      %mul3A_33 = arith.muli %add3A_27, %mul3A_32 : i32
      %swap3A = arith.constant 0 : i32
      %swap3A_34 = arith.index_cast %swap3A : i32 to index
      %swap3A_35 = arith.index_cast %mul3A_33 : i32 to index
      %swap3A_36 = tpu.vector_load %arg6[%swap3A_34, %swap3A_35] {strides = array<i32>} : memref<1x80xi32, #tpu.memory_space<vmem>>, vector<16xi32>,
      tpu.vector_store %arg6[%swap3A_34, %swap3A_35], %add3A_31 {strides = array<i32>} : memref<1x80xi32, #tpu.memory_space<vmem>>, vector<16xi32>,
    }
    %scan3A_11 = arith.constant 5 : i32
    "tpu.region"() ({
      %run_scoped3A_23 = tpu.sem_alloc : memref<!tpu.dma_semaphore, #tpu.memory_space<semaphore_mem>>
      %dma_start3A = arith.constant 0 : i32
      %dma_start3A_24 = tpu.memref_slice %arg2[%add3A, %dma_start3A] : memref<32x10000xi32, #tpu.memory_space<hbm>> -> memref<1x10000xi32, #tpu.memory_space<hbm>>
      %dma_start3A_25 = tpu.memref_squeeze %dma_start3A_24 : memref<1x10000xi32, #tpu.memory_space<hbm>> -> memref<10000xi32, #tpu.memory_space<hbm>>
      %dma_start3A_26 = arith.constant 0 : i32
      %dma_start3A_27 = tpu.memref_slice %arg2[%add3A, %dma_start3A_26] : memref<32x10000xi32, #tpu.memory_space<hbm>> -> memref<1x10000xi32, #tpu.memory_space<hbm>>
      %dma_start3A_28 = tpu.memref_squeeze %dma_start3A_27 : memref<1x10000xi32, #tpu.memory_space<hbm>> -> memref<10000xi32, #tpu.memory_space<hbm>>
      tpu.enqueue_dma source(%dma_start3A_28 : memref<10000xi32, #tpu.memory_space<hbm>>) target(%arg4 : memref<10000xi32, #tpu.memory_space<vmem>>) target_semaphore(%run_scoped3A_23 : memref<!tpu.dma_semaphore, #tpu.memory_space<semaphore_mem>>)
      %dma_wait3A = arith.constant 0 : i32
      %dma_wait3A_29 = tpu.memref_slice %arg2[%add3A, %dma_wait3A] : memref<32x10000xi32, #tpu.memory_space<hbm>> -> memref<1x10000xi32, #tpu.memory_space<hbm>>
      %dma_wait3A_30 = tpu.memref_squeeze %dma_wait3A_29 : memref<1x10000xi32, #tpu.memory_space<hbm>> -> memref<10000xi32, #tpu.memory_space<hbm>>
      %dma_wait3A_31 = arith.constant 0 : i32
      %dma_wait3A_32 = tpu.memref_slice %arg2[%add3A, %dma_wait3A_31] : memref<32x10000xi32, #tpu.memory_space<hbm>> -> memref<1x10000xi32, #tpu.memory_space<hbm>>
      %dma_wait3A_33 = tpu.memref_squeeze %dma_wait3A_32 : memref<1x10000xi32, #tpu.memory_space<hbm>> -> memref<10000xi32, #tpu.memory_space<hbm>>
      tpu.wait_dma2 semaphore(%run_scoped3A_23 : memref<!tpu.dma_semaphore, #tpu.memory_space<semaphore_mem>>) src(%dma_wait3A_33 : memref<10000xi32, #tpu.memory_space<hbm>>) dst(%arg4 : memref<10000xi32, #tpu.memory_space<vmem>>)
      tpu.yield
    }) : () -> ()
    %broadcast_in_dim3A = arith.constant 1.000000e+00 : f32
    %broadcast_in_dim3A_12 = vector.broadcast %broadcast_in_dim3A : f32 to vector<16xf32>
    %scan3A_13 = arith.constant 0 : i32
    %scan3A_14 = arith.constant 625 : i32
    %scan3A_15 = arith.addi %scan3A_13, %scan3A_14 : i32
    %scan3A_16 = arith.constant 1 : i32
    scf.for %scan3A_23 = %scan3A_13 to %scan3A_15 step %scan3A_16  : i32 {
      %mul3A_24 = arith.constant 1 : i32
      %mul3A_25 = arith.muli %scan3A_23, %mul3A_24 : i32
      %add3A_26 = arith.constant 0 : i32
      %add3A_27 = arith.addi %add3A_26, %mul3A_25 : i32
      %mul3A_28 = arith.constant 16 : i32
      %mul3A_29 = arith.muli %add3A_27, %mul3A_28 : i32
      %get3A = arith.index_cast %mul3A_29 : i32 to index
      %get3A_30 = tpu.vector_load %arg4[%get3A] {strides = array<i32>} : memref<10000xi32, #tpu.memory_space<vmem>>, vector<16xi32>,
      %shift_right_logical3A = arith.constant 7 : i32
      %shift_right_logical3A_31 = vector.broadcast %shift_right_logical3A : i32 to vector<16xi32>
      %shift_right_logical3A_32 = arith.shrui %get3A_30, %shift_right_logical3A_31 : vector<16xi32>
      %and3A = arith.constant 127 : i32
      %and3A_33 = vector.broadcast %and3A : i32 to vector<16xi32>
      %and3A_34 = arith.andi %get3A_30, %and3A_33 : vector<16xi32>
      tpu.vector_store_idx %arg5[%shift_right_logical3A_32, %and3A_34], %broadcast_in_dim3A_12 {add = true} : memref<80x128xf32, #tpu.memory_space<vmem>>[vector<16xi32>, vector<16xi32>], vector<16xf32>,
    }
    %scan3A_17 = arith.constant 625 : i32
    %barrier3A = arith.constant 0 : index
    tpu.barrier barrier_id(%barrier3A)
    %run_scoped3A = arith.constant 0 : i32
    "tpu.region"() ({
      %run_scoped3A_23 = tpu.sem_alloc : memref<!tpu.dma_semaphore, #tpu.memory_space<semaphore_mem>>
      %dma_start3A = arith.constant 0 : i32
      %dma_start3A_24 = tpu.memref_slice %arg6[%run_scoped3A, %dma_start3A] : memref<1x80xi32, #tpu.memory_space<vmem>> -> memref<1x80xi32, #tpu.memory_space<vmem>>
      %dma_start3A_25 = tpu.memref_squeeze %dma_start3A_24 : memref<1x80xi32, #tpu.memory_space<vmem>> -> memref<80xi32, #tpu.memory_space<vmem>>
      %dma_start3A_26 = arith.constant 0 : i32
      %dma_start3A_27 = arith.constant 0 : i32
      %dma_start3A_28 = tpu.memref_slice %arg7[%dma_start3A_26, %dma_start3A_27] : memref<80x128xf32, #tpu.memory_space<vmem_shared>> -> memref<80x128xf32, #tpu.memory_space<vmem_shared>>
      tpu.enqueue_indirect_dma source(%arg5 : memref<80x128xf32, #tpu.memory_space<vmem>>) target(%dma_start3A_28 : memref<80x128xf32, #tpu.memory_space<vmem_shared>>) offsets(%dma_start3A_25 : memref<80xi32, #tpu.memory_space<vmem>>) semaphore(%run_scoped3A_23 : memref<!tpu.dma_semaphore, #tpu.memory_space<semaphore_mem>>) {add = true}
      %dma_wait3A = arith.constant 0 : i32
      %dma_wait3A_29 = tpu.memref_slice %arg6[%run_scoped3A, %dma_wait3A] : memref<1x80xi32, #tpu.memory_space<vmem>> -> memref<1x80xi32, #tpu.memory_space<vmem>>
      %dma_wait3A_30 = tpu.memref_squeeze %dma_wait3A_29 : memref<1x80xi32, #tpu.memory_space<vmem>> -> memref<80xi32, #tpu.memory_space<vmem>>
      %dma_wait3A_31 = arith.constant 0 : i32
      %dma_wait3A_32 = arith.constant 0 : i32
      %dma_wait3A_33 = tpu.memref_slice %arg7[%dma_wait3A_31, %dma_wait3A_32] : memref<80x128xf32, #tpu.memory_space<vmem_shared>> -> memref<80x128xf32, #tpu.memory_space<vmem_shared>>
      tpu.wait_indirect_dma semaphore(%run_scoped3A_23 : memref<!tpu.dma_semaphore, #tpu.memory_space<semaphore_mem>>) src(%arg5 : memref<80x128xf32, #tpu.memory_space<vmem>>) dst(%dma_wait3A_33 : memref<80x128xf32, #tpu.memory_space<vmem_shared>>)
      tpu.yield
    }) : () -> ()
    %barrier3A_18 = arith.constant 0 : index
    tpu.barrier barrier_id(%barrier3A_18)
    %eq3A = arith.constant 0 : i32
    %eq3A_19 = arith.cmpi eq, %arg1, %eq3A : i32
    %convert_element_type3A_20 = arith.extui %eq3A_19 : i1 to i32
    %cond3A_21 = arith.constant 0 : i32
    %cond3A_22 = arith.cmpi ne, %convert_element_type3A_20, %cond3A_21 : i32
    scf.if %cond3A_22 {
      "tpu.region"() ({
        %run_scoped3A_23 = tpu.sem_alloc : memref<!tpu.dma_semaphore, #tpu.memory_space<semaphore_mem>>
        %dma_start3A = arith.constant 0 : i32
        %dma_start3A_24 = arith.constant 0 : i32
        %dma_start3A_25 = tpu.memref_slice %arg3[%arg0, %dma_start3A, %dma_start3A_24] : memref<2x80x128xf32, #tpu.memory_space<hbm>> -> memref<1x80x128xf32, #tpu.memory_space<hbm>>
        %dma_start3A_26 = tpu.memref_squeeze %dma_start3A_25 : memref<1x80x128xf32, #tpu.memory_space<hbm>> -> memref<80x128xf32, #tpu.memory_space<hbm>>
        tpu.enqueue_dma source(%arg7 : memref<80x128xf32, #tpu.memory_space<vmem_shared>>) target(%dma_start3A_26 : memref<80x128xf32, #tpu.memory_space<hbm>>) target_semaphore(%run_scoped3A_23 : memref<!tpu.dma_semaphore, #tpu.memory_space<semaphore_mem>>)
        %dma_wait3A = arith.constant 0 : i32
        %dma_wait3A_27 = arith.constant 0 : i32
        %dma_wait3A_28 = tpu.memref_slice %arg3[%arg0, %dma_wait3A, %dma_wait3A_27] : memref<2x80x128xf32, #tpu.memory_space<hbm>> -> memref<1x80x128xf32, #tpu.memory_space<hbm>>
        %dma_wait3A_29 = tpu.memref_squeeze %dma_wait3A_28 : memref<1x80x128xf32, #tpu.memory_space<hbm>> -> memref<80x128xf32, #tpu.memory_space<hbm>>
        tpu.wait_dma2 semaphore(%run_scoped3A_23 : memref<!tpu.dma_semaphore, #tpu.memory_space<semaphore_mem>>) src(%arg7 : memref<80x128xf32, #tpu.memory_space<vmem_shared>>) dst(%dma_wait3A_29 : memref<80x128xf32, #tpu.memory_space<hbm>>)
        tpu.yield
      }) : () -> ()
    } else {
    }
    return
  }
}

#map = affine_map<(d0, d1) -> (0, 0)>
#map1 = affine_map<(d0, d1) -> (0, 0, 0, 0, 0)>
#map2 = affine_map<(d0, d1) -> (0, 0, 0)>
module attributes {stable_mosaic.version = 14 : i64} {
  func.func @_agg_body(%arg0: i32, %arg1: i32, %arg2: memref<10000x128xf32, #tpu.memory_space<hbm>>, %arg3: memref<2x16x10x40x25xi32, #tpu.memory_space<hbm>>, %arg4: memref<2x16x10x40x25xi32, #tpu.memory_space<hbm>>, %arg5: memref<2x10240x128xf32, #tpu.memory_space<hbm>>, %arg6: memref<40x25xi32, #tpu.memory_space<vmem>>, %arg7: memref<40x25xi32, #tpu.memory_space<vmem>>, %arg8: memref<40x25xi32, #tpu.memory_space<vmem>>, %arg9: memref<40x25xi32, #tpu.memory_space<vmem>>, %arg10: memref<!tpu.dma_semaphore, #tpu.memory_space<semaphore_mem>>, %arg11: memref<!tpu.dma_semaphore, #tpu.memory_space<semaphore_mem>>, %arg12: memref<25x128xf32, #tpu.memory_space<vmem>>, %arg13: memref<25x128xf32, #tpu.memory_space<vmem>>, %arg14: memref<25x128xf32, #tpu.memory_space<vmem>>, %arg15: memref<25x128xf32, #tpu.memory_space<vmem>>, %arg16: memref<25x128xf32, #tpu.memory_space<vmem>>, %arg17: memref<!tpu.dma_semaphore, #tpu.memory_space<semaphore_mem>>, %arg18: memref<!tpu.dma_semaphore, #tpu.memory_space<semaphore_mem>>, %arg19: memref<!tpu.dma_semaphore, #tpu.memory_space<semaphore_mem>>, %arg20: memref<!tpu.dma_semaphore, #tpu.memory_space<semaphore_mem>>, %arg21: memref<!tpu.dma_semaphore, #tpu.memory_space<semaphore_mem>>, %arg22: memref<!tpu.dma_semaphore, #tpu.memory_space<semaphore_mem>>, %arg23: memref<!tpu.dma_semaphore, #tpu.memory_space<semaphore_mem>>, %arg24: memref<!tpu.dma_semaphore, #tpu.memory_space<semaphore_mem>>, %arg25: memref<!tpu.dma_semaphore, #tpu.memory_space<semaphore_mem>>, %arg26: memref<!tpu.dma_semaphore, #tpu.memory_space<semaphore_mem>>, %arg27: memref<10240x128xf32, #tpu.memory_space<vmem_shared>>) attributes {dimension_semantics = [#tpu.dimension_semantics<core_parallel>, #tpu.dimension_semantics<subcore_parallel>], iteration_bounds = array<i64: 2, 16>, scalar_prefetch = 0 : i64, scratch_operands = 22 : i64, tpu.core_type = #tpu.core_type<sc_vector_subcore>, window_params = [{transform_indices = #map}, {transform_indices = #map1}, {transform_indices = #map1}, {transform_indices = #map2}]} {
    %scan3A = arith.constant 0 : i32
    %scan3A_0 = arith.constant 25 : i32
    %scan3A_1 = arith.addi %scan3A, %scan3A_0 : i32
    %scan3A_2 = arith.constant 1 : i32
    scf.for %scan3A_141 = %scan3A to %scan3A_1 step %scan3A_2  : i32 {
      %mul3A_142 = arith.constant 1 : i32
      %mul3A_143 = arith.muli %scan3A_141, %mul3A_142 : i32
      %add3A = arith.constant 0 : i32
      %add3A_144 = arith.addi %add3A, %mul3A_143 : i32
      %scan3A_145 = arith.constant 0 : i32
      %scan3A_146 = arith.constant 8 : i32
      %scan3A_147 = arith.addi %scan3A_145, %scan3A_146 : i32
      %scan3A_148 = arith.constant 1 : i32
      scf.for %scan3A_150 = %scan3A_145 to %scan3A_147 step %scan3A_148  : i32 {
        %mul3A_151 = arith.constant 1 : i32
        %mul3A_152 = arith.muli %scan3A_150, %mul3A_151 : i32
        %add3A_153 = arith.constant 0 : i32
        %add3A_154 = arith.addi %add3A_153, %mul3A_152 : i32
        %broadcast_in_dim3A = arith.constant 0.000000e+00 : f32
        %broadcast_in_dim3A_155 = vector.broadcast %broadcast_in_dim3A : f32 to vector<16xf32>
        %mul3A_156 = arith.constant 16 : i32
        %mul3A_157 = arith.muli %add3A_154, %mul3A_156 : i32
        %swap3A = arith.index_cast %add3A_144 : i32 to index
        %swap3A_158 = arith.index_cast %mul3A_157 : i32 to index
        %swap3A_159 = tpu.vector_load %arg12[%swap3A, %swap3A_158] {strides = array<i32>} : memref<25x128xf32, #tpu.memory_space<vmem>>, vector<16xf32>,
        tpu.vector_store %arg12[%swap3A, %swap3A_158], %broadcast_in_dim3A_155 {strides = array<i32>} : memref<25x128xf32, #tpu.memory_space<vmem>>, vector<16xf32>,
      }
      %scan3A_149 = arith.constant 8 : i32
    }
    %scan3A_3 = arith.constant 25 : i32
    %scan3A_4 = arith.constant 0 : i32
    %scan3A_5 = arith.constant 40 : i32
    %scan3A_6 = arith.addi %scan3A_4, %scan3A_5 : i32
    %scan3A_7 = arith.constant 1 : i32
    scf.for %scan3A_141 = %scan3A_4 to %scan3A_6 step %scan3A_7  : i32 {
      %mul3A_142 = arith.constant 1 : i32
      %mul3A_143 = arith.muli %scan3A_141, %mul3A_142 : i32
      %add3A = arith.constant 0 : i32
      %add3A_144 = arith.addi %add3A, %mul3A_143 : i32
      %mul3A_145 = arith.constant 640 : i32
      %mul3A_146 = arith.muli %arg1, %mul3A_145 : i32
      %mul3A_147 = arith.constant 16 : i32
      %mul3A_148 = arith.muli %add3A_144, %mul3A_147 : i32
      %add3A_149 = arith.addi %mul3A_146, %mul3A_148 : i32
      "tpu.region"() ({
        %run_scoped3A = tpu.sem_alloc : memref<!tpu.dma_semaphore, #tpu.memory_space<semaphore_mem>>
        %dma_start3A_150 = arith.constant 0 : i32
        %dma_start3A_151 = arith.constant 0 : i32
        %dma_start3A_152 = tpu.memref_slice %arg12[%dma_start3A_150, %dma_start3A_151] : memref<25x128xf32, #tpu.memory_space<vmem>> -> memref<16x128xf32, #tpu.memory_space<vmem>>
        %dma_start3A_153 = arith.constant 0 : i32
        %dma_start3A_154 = tpu.memref_slice %arg27[%add3A_149, %dma_start3A_153] : memref<10240x128xf32, #tpu.memory_space<vmem_shared>> -> memref<16x128xf32, #tpu.memory_space<vmem_shared>>
        %dma_start3A_155 = arith.constant 0 : i32
        %dma_start3A_156 = tpu.memref_slice %arg27[%add3A_149, %dma_start3A_155] : memref<10240x128xf32, #tpu.memory_space<vmem_shared>> -> memref<16x128xf32, #tpu.memory_space<vmem_shared>>
        %dma_start3A_157 = arith.constant 0 : i32
        %dma_start3A_158 = arith.constant 0 : i32
        %dma_start3A_159 = tpu.memref_slice %arg12[%dma_start3A_157, %dma_start3A_158] : memref<25x128xf32, #tpu.memory_space<vmem>> -> memref<16x128xf32, #tpu.memory_space<vmem>>
        tpu.enqueue_dma source(%dma_start3A_159 : memref<16x128xf32, #tpu.memory_space<vmem>>) target(%dma_start3A_156 : memref<16x128xf32, #tpu.memory_space<vmem_shared>>) target_semaphore(%run_scoped3A : memref<!tpu.dma_semaphore, #tpu.memory_space<semaphore_mem>>)
        %dma_wait3A = arith.constant 0 : i32
        %dma_wait3A_160 = arith.constant 0 : i32
        %dma_wait3A_161 = tpu.memref_slice %arg12[%dma_wait3A, %dma_wait3A_160] : memref<25x128xf32, #tpu.memory_space<vmem>> -> memref<16x128xf32, #tpu.memory_space<vmem>>
        %dma_wait3A_162 = arith.constant 0 : i32
        %dma_wait3A_163 = tpu.memref_slice %arg27[%add3A_149, %dma_wait3A_162] : memref<10240x128xf32, #tpu.memory_space<vmem_shared>> -> memref<16x128xf32, #tpu.memory_space<vmem_shared>>
        %dma_wait3A_164 = arith.constant 0 : i32
        %dma_wait3A_165 = tpu.memref_slice %arg27[%add3A_149, %dma_wait3A_164] : memref<10240x128xf32, #tpu.memory_space<vmem_shared>> -> memref<16x128xf32, #tpu.memory_space<vmem_shared>>
        %dma_wait3A_166 = arith.constant 0 : i32
        %dma_wait3A_167 = arith.constant 0 : i32
        %dma_wait3A_168 = tpu.memref_slice %arg12[%dma_wait3A_166, %dma_wait3A_167] : memref<25x128xf32, #tpu.memory_space<vmem>> -> memref<16x128xf32, #tpu.memory_space<vmem>>
        tpu.wait_dma2 semaphore(%run_scoped3A : memref<!tpu.dma_semaphore, #tpu.memory_space<semaphore_mem>>) src(%dma_wait3A_168 : memref<16x128xf32, #tpu.memory_space<vmem>>) dst(%dma_wait3A_165 : memref<16x128xf32, #tpu.memory_space<vmem_shared>>)
        tpu.yield
      }) : () -> ()
    }
    %scan3A_8 = arith.constant 40 : i32
    %barrier3A = arith.constant 0 : index
    tpu.barrier barrier_id(%barrier3A)
    %dma_start3A = arith.constant 0 : i32
    %dma_start3A_9 = arith.constant 0 : i32
    %dma_start3A_10 = arith.constant 0 : i32
    %dma_start3A_11 = arith.constant 0 : i32
    %dma_start3A_12 = arith.constant 0 : i32
    %dma_start3A_13 = tpu.memref_slice %arg3[%arg0, %dma_start3A_9, %dma_start3A_10, %dma_start3A_11, %dma_start3A_12] : memref<2x16x10x40x25xi32, #tpu.memory_space<hbm>> -> memref<1x16x10x40x25xi32, #tpu.memory_space<hbm>>
    %dma_start3A_14 = tpu.memref_squeeze %dma_start3A_13 : memref<1x16x10x40x25xi32, #tpu.memory_space<hbm>> -> memref<16x10x40x25xi32, #tpu.memory_space<hbm>>
    %dma_start3A_15 = arith.constant 0 : i32
    %dma_start3A_16 = arith.constant 0 : i32
    %dma_start3A_17 = arith.constant 0 : i32
    %dma_start3A_18 = tpu.memref_slice %dma_start3A_14[%arg1, %dma_start3A_15, %dma_start3A_16, %dma_start3A_17] : memref<16x10x40x25xi32, #tpu.memory_space<hbm>> -> memref<1x10x40x25xi32, #tpu.memory_space<hbm>>
    %dma_start3A_19 = tpu.memref_squeeze %dma_start3A_18 : memref<1x10x40x25xi32, #tpu.memory_space<hbm>> -> memref<10x40x25xi32, #tpu.memory_space<hbm>>
    %dma_start3A_20 = arith.constant 0 : i32
    %dma_start3A_21 = arith.constant 0 : i32
    %dma_start3A_22 = tpu.memref_slice %dma_start3A_19[%dma_start3A, %dma_start3A_20, %dma_start3A_21] : memref<10x40x25xi32, #tpu.memory_space<hbm>> -> memref<1x40x25xi32, #tpu.memory_space<hbm>>
    %dma_start3A_23 = tpu.memref_squeeze %dma_start3A_22 : memref<1x40x25xi32, #tpu.memory_space<hbm>> -> memref<40x25xi32, #tpu.memory_space<hbm>>
    %dma_start3A_24 = arith.constant 0 : i32
    %dma_start3A_25 = arith.constant 0 : i32
    %dma_start3A_26 = arith.constant 0 : i32
    %dma_start3A_27 = arith.constant 0 : i32
    %dma_start3A_28 = tpu.memref_slice %arg3[%arg0, %dma_start3A_24, %dma_start3A_25, %dma_start3A_26, %dma_start3A_27] : memref<2x16x10x40x25xi32, #tpu.memory_space<hbm>> -> memref<1x16x10x40x25xi32, #tpu.memory_space<hbm>>
    %dma_start3A_29 = tpu.memref_squeeze %dma_start3A_28 : memref<1x16x10x40x25xi32, #tpu.memory_space<hbm>> -> memref<16x10x40x25xi32, #tpu.memory_space<hbm>>
    %dma_start3A_30 = arith.constant 0 : i32
    %dma_start3A_31 = arith.constant 0 : i32
    %dma_start3A_32 = arith.constant 0 : i32
    %dma_start3A_33 = tpu.memref_slice %dma_start3A_29[%arg1, %dma_start3A_30, %dma_start3A_31, %dma_start3A_32] : memref<16x10x40x25xi32, #tpu.memory_space<hbm>> -> memref<1x10x40x25xi32, #tpu.memory_space<hbm>>
    %dma_start3A_34 = tpu.memref_squeeze %dma_start3A_33 : memref<1x10x40x25xi32, #tpu.memory_space<hbm>> -> memref<10x40x25xi32, #tpu.memory_space<hbm>>
    %dma_start3A_35 = arith.constant 0 : i32
    %dma_start3A_36 = arith.constant 0 : i32
    %dma_start3A_37 = tpu.memref_slice %dma_start3A_34[%dma_start3A, %dma_start3A_35, %dma_start3A_36] : memref<10x40x25xi32, #tpu.memory_space<hbm>> -> memref<1x40x25xi32, #tpu.memory_space<hbm>>
    %dma_start3A_38 = tpu.memref_squeeze %dma_start3A_37 : memref<1x40x25xi32, #tpu.memory_space<hbm>> -> memref<40x25xi32, #tpu.memory_space<hbm>>
    tpu.enqueue_dma source(%dma_start3A_38 : memref<40x25xi32, #tpu.memory_space<hbm>>) target(%arg6 : memref<40x25xi32, #tpu.memory_space<vmem>>) target_semaphore(%arg10 : memref<!tpu.dma_semaphore, #tpu.memory_space<semaphore_mem>>)
    %dma_start3A_39 = arith.constant 0 : i32
    %dma_start3A_40 = arith.constant 0 : i32
    %dma_start3A_41 = arith.constant 0 : i32
    %dma_start3A_42 = arith.constant 0 : i32
    %dma_start3A_43 = arith.constant 0 : i32
    %dma_start3A_44 = tpu.memref_slice %arg4[%arg0, %dma_start3A_40, %dma_start3A_41, %dma_start3A_42, %dma_start3A_43] : memref<2x16x10x40x25xi32, #tpu.memory_space<hbm>> -> memref<1x16x10x40x25xi32, #tpu.memory_space<hbm>>
    %dma_start3A_45 = tpu.memref_squeeze %dma_start3A_44 : memref<1x16x10x40x25xi32, #tpu.memory_space<hbm>> -> memref<16x10x40x25xi32, #tpu.memory_space<hbm>>
    %dma_start3A_46 = arith.constant 0 : i32
    %dma_start3A_47 = arith.constant 0 : i32
    %dma_start3A_48 = arith.constant 0 : i32
    %dma_start3A_49 = tpu.memref_slice %dma_start3A_45[%arg1, %dma_start3A_46, %dma_start3A_47, %dma_start3A_48] : memref<16x10x40x25xi32, #tpu.memory_space<hbm>> -> memref<1x10x40x25xi32, #tpu.memory_space<hbm>>
    %dma_start3A_50 = tpu.memref_squeeze %dma_start3A_49 : memref<1x10x40x25xi32, #tpu.memory_space<hbm>> -> memref<10x40x25xi32, #tpu.memory_space<hbm>>
    %dma_start3A_51 = arith.constant 0 : i32
    %dma_start3A_52 = arith.constant 0 : i32
    %dma_start3A_53 = tpu.memref_slice %dma_start3A_50[%dma_start3A_39, %dma_start3A_51, %dma_start3A_52] : memref<10x40x25xi32, #tpu.memory_space<hbm>> -> memref<1x40x25xi32, #tpu.memory_space<hbm>>
    %dma_start3A_54 = tpu.memref_squeeze %dma_start3A_53 : memref<1x40x25xi32, #tpu.memory_space<hbm>> -> memref<40x25xi32, #tpu.memory_space<hbm>>
    %dma_start3A_55 = arith.constant 0 : i32
    %dma_start3A_56 = arith.constant 0 : i32
    %dma_start3A_57 = arith.constant 0 : i32
    %dma_start3A_58 = arith.constant 0 : i32
    %dma_start3A_59 = tpu.memref_slice %arg4[%arg0, %dma_start3A_55, %dma_start3A_56, %dma_start3A_57, %dma_start3A_58] : memref<2x16x10x40x25xi32, #tpu.memory_space<hbm>> -> memref<1x16x10x40x25xi32, #tpu.memory_space<hbm>>
    %dma_start3A_60 = tpu.memref_squeeze %dma_start3A_59 : memref<1x16x10x40x25xi32, #tpu.memory_space<hbm>> -> memref<16x10x40x25xi32, #tpu.memory_space<hbm>>
    %dma_start3A_61 = arith.constant 0 : i32
    %dma_start3A_62 = arith.constant 0 : i32
    %dma_start3A_63 = arith.constant 0 : i32
    %dma_start3A_64 = tpu.memref_slice %dma_start3A_60[%arg1, %dma_start3A_61, %dma_start3A_62, %dma_start3A_63] : memref<16x10x40x25xi32, #tpu.memory_space<hbm>> -> memref<1x10x40x25xi32, #tpu.memory_space<hbm>>
    %dma_start3A_65 = tpu.memref_squeeze %dma_start3A_64 : memref<1x10x40x25xi32, #tpu.memory_space<hbm>> -> memref<10x40x25xi32, #tpu.memory_space<hbm>>
    %dma_start3A_66 = arith.constant 0 : i32
    %dma_start3A_67 = arith.constant 0 : i32
    %dma_start3A_68 = tpu.memref_slice %dma_start3A_65[%dma_start3A_39, %dma_start3A_66, %dma_start3A_67] : memref<10x40x25xi32, #tpu.memory_space<hbm>> -> memref<1x40x25xi32, #tpu.memory_space<hbm>>
    %dma_start3A_69 = tpu.memref_squeeze %dma_start3A_68 : memref<1x40x25xi32, #tpu.memory_space<hbm>> -> memref<40x25xi32, #tpu.memory_space<hbm>>
    tpu.enqueue_dma source(%dma_start3A_69 : memref<40x25xi32, #tpu.memory_space<hbm>>) target(%arg7 : memref<40x25xi32, #tpu.memory_space<vmem>>) target_semaphore(%arg10 : memref<!tpu.dma_semaphore, #tpu.memory_space<semaphore_mem>>)
    %dma_start3A_70 = arith.constant 1 : i32
    %dma_start3A_71 = arith.constant 0 : i32
    %dma_start3A_72 = arith.constant 0 : i32
    %dma_start3A_73 = arith.constant 0 : i32
    %dma_start3A_74 = arith.constant 0 : i32
    %dma_start3A_75 = tpu.memref_slice %arg3[%arg0, %dma_start3A_71, %dma_start3A_72, %dma_start3A_73, %dma_start3A_74] : memref<2x16x10x40x25xi32, #tpu.memory_space<hbm>> -> memref<1x16x10x40x25xi32, #tpu.memory_space<hbm>>
    %dma_start3A_76 = tpu.memref_squeeze %dma_start3A_75 : memref<1x16x10x40x25xi32, #tpu.memory_space<hbm>> -> memref<16x10x40x25xi32, #tpu.memory_space<hbm>>
    %dma_start3A_77 = arith.constant 0 : i32
    %dma_start3A_78 = arith.constant 0 : i32
    %dma_start3A_79 = arith.constant 0 : i32
    %dma_start3A_80 = tpu.memref_slice %dma_start3A_76[%arg1, %dma_start3A_77, %dma_start3A_78, %dma_start3A_79] : memref<16x10x40x25xi32, #tpu.memory_space<hbm>> -> memref<1x10x40x25xi32, #tpu.memory_space<hbm>>
    %dma_start3A_81 = tpu.memref_squeeze %dma_start3A_80 : memref<1x10x40x25xi32, #tpu.memory_space<hbm>> -> memref<10x40x25xi32, #tpu.memory_space<hbm>>
    %dma_start3A_82 = arith.constant 0 : i32
    %dma_start3A_83 = arith.constant 0 : i32
    %dma_start3A_84 = tpu.memref_slice %dma_start3A_81[%dma_start3A_70, %dma_start3A_82, %dma_start3A_83] : memref<10x40x25xi32, #tpu.memory_space<hbm>> -> memref<1x40x25xi32, #tpu.memory_space<hbm>>
    %dma_start3A_85 = tpu.memref_squeeze %dma_start3A_84 : memref<1x40x25xi32, #tpu.memory_space<hbm>> -> memref<40x25xi32, #tpu.memory_space<hbm>>
    %dma_start3A_86 = arith.constant 0 : i32
    %dma_start3A_87 = arith.constant 0 : i32
    %dma_start3A_88 = arith.constant 0 : i32
    %dma_start3A_89 = arith.constant 0 : i32
    %dma_start3A_90 = tpu.memref_slice %arg3[%arg0, %dma_start3A_86, %dma_start3A_87, %dma_start3A_88, %dma_start3A_89] : memref<2x16x10x40x25xi32, #tpu.memory_space<hbm>> -> memref<1x16x10x40x25xi32, #tpu.memory_space<hbm>>
    %dma_start3A_91 = tpu.memref_squeeze %dma_start3A_90 : memref<1x16x10x40x25xi32, #tpu.memory_space<hbm>> -> memref<16x10x40x25xi32, #tpu.memory_space<hbm>>
    %dma_start3A_92 = arith.constant 0 : i32
    %dma_start3A_93 = arith.constant 0 : i32
    %dma_start3A_94 = arith.constant 0 : i32
    %dma_start3A_95 = tpu.memref_slice %dma_start3A_91[%arg1, %dma_start3A_92, %dma_start3A_93, %dma_start3A_94] : memref<16x10x40x25xi32, #tpu.memory_space<hbm>> -> memref<1x10x40x25xi32, #tpu.memory_space<hbm>>
    %dma_start3A_96 = tpu.memref_squeeze %dma_start3A_95 : memref<1x10x40x25xi32, #tpu.memory_space<hbm>> -> memref<10x40x25xi32, #tpu.memory_space<hbm>>
    %dma_start3A_97 = arith.constant 0 : i32
    %dma_start3A_98 = arith.constant 0 : i32
    %dma_start3A_99 = tpu.memref_slice %dma_start3A_96[%dma_start3A_70, %dma_start3A_97, %dma_start3A_98] : memref<10x40x25xi32, #tpu.memory_space<hbm>> -> memref<1x40x25xi32, #tpu.memory_space<hbm>>
    %dma_start3A_100 = tpu.memref_squeeze %dma_start3A_99 : memref<1x40x25xi32, #tpu.memory_space<hbm>> -> memref<40x25xi32, #tpu.memory_space<hbm>>
    tpu.enqueue_dma source(%dma_start3A_100 : memref<40x25xi32, #tpu.memory_space<hbm>>) target(%arg8 : memref<40x25xi32, #tpu.memory_space<vmem>>) target_semaphore(%arg11 : memref<!tpu.dma_semaphore, #tpu.memory_space<semaphore_mem>>)
    %dma_start3A_101 = arith.constant 1 : i32
    %dma_start3A_102 = arith.constant 0 : i32
    %dma_start3A_103 = arith.constant 0 : i32
    %dma_start3A_104 = arith.constant 0 : i32
    %dma_start3A_105 = arith.constant 0 : i32
    %dma_start3A_106 = tpu.memref_slice %arg4[%arg0, %dma_start3A_102, %dma_start3A_103, %dma_start3A_104, %dma_start3A_105] : memref<2x16x10x40x25xi32, #tpu.memory_space<hbm>> -> memref<1x16x10x40x25xi32, #tpu.memory_space<hbm>>
    %dma_start3A_107 = tpu.memref_squeeze %dma_start3A_106 : memref<1x16x10x40x25xi32, #tpu.memory_space<hbm>> -> memref<16x10x40x25xi32, #tpu.memory_space<hbm>>
    %dma_start3A_108 = arith.constant 0 : i32
    %dma_start3A_109 = arith.constant 0 : i32
    %dma_start3A_110 = arith.constant 0 : i32
    %dma_start3A_111 = tpu.memref_slice %dma_start3A_107[%arg1, %dma_start3A_108, %dma_start3A_109, %dma_start3A_110] : memref<16x10x40x25xi32, #tpu.memory_space<hbm>> -> memref<1x10x40x25xi32, #tpu.memory_space<hbm>>
    %dma_start3A_112 = tpu.memref_squeeze %dma_start3A_111 : memref<1x10x40x25xi32, #tpu.memory_space<hbm>> -> memref<10x40x25xi32, #tpu.memory_space<hbm>>
    %dma_start3A_113 = arith.constant 0 : i32
    %dma_start3A_114 = arith.constant 0 : i32
    %dma_start3A_115 = tpu.memref_slice %dma_start3A_112[%dma_start3A_101, %dma_start3A_113, %dma_start3A_114] : memref<10x40x25xi32, #tpu.memory_space<hbm>> -> memref<1x40x25xi32, #tpu.memory_space<hbm>>
    %dma_start3A_116 = tpu.memref_squeeze %dma_start3A_115 : memref<1x40x25xi32, #tpu.memory_space<hbm>> -> memref<40x25xi32, #tpu.memory_space<hbm>>
    %dma_start3A_117 = arith.constant 0 : i32
    %dma_start3A_118 = arith.constant 0 : i32
    %dma_start3A_119 = arith.constant 0 : i32
    %dma_start3A_120 = arith.constant 0 : i32
    %dma_start3A_121 = tpu.memref_slice %arg4[%arg0, %dma_start3A_117, %dma_start3A_118, %dma_start3A_119, %dma_start3A_120] : memref<2x16x10x40x25xi32, #tpu.memory_space<hbm>> -> memref<1x16x10x40x25xi32, #tpu.memory_space<hbm>>
    %dma_start3A_122 = tpu.memref_squeeze %dma_start3A_121 : memref<1x16x10x40x25xi32, #tpu.memory_space<hbm>> -> memref<16x10x40x25xi32, #tpu.memory_space<hbm>>
    %dma_start3A_123 = arith.constant 0 : i32
    %dma_start3A_124 = arith.constant 0 : i32
    %dma_start3A_125 = arith.constant 0 : i32
    %dma_start3A_126 = tpu.memref_slice %dma_start3A_122[%arg1, %dma_start3A_123, %dma_start3A_124, %dma_start3A_125] : memref<16x10x40x25xi32, #tpu.memory_space<hbm>> -> memref<1x10x40x25xi32, #tpu.memory_space<hbm>>
    %dma_start3A_127 = tpu.memref_squeeze %dma_start3A_126 : memref<1x10x40x25xi32, #tpu.memory_space<hbm>> -> memref<10x40x25xi32, #tpu.memory_space<hbm>>
    %dma_start3A_128 = arith.constant 0 : i32
    %dma_start3A_129 = arith.constant 0 : i32
    %dma_start3A_130 = tpu.memref_slice %dma_start3A_127[%dma_start3A_101, %dma_start3A_128, %dma_start3A_129] : memref<10x40x25xi32, #tpu.memory_space<hbm>> -> memref<1x40x25xi32, #tpu.memory_space<hbm>>
    %dma_start3A_131 = tpu.memref_squeeze %dma_start3A_130 : memref<1x40x25xi32, #tpu.memory_space<hbm>> -> memref<40x25xi32, #tpu.memory_space<hbm>>
    tpu.enqueue_dma source(%dma_start3A_131 : memref<40x25xi32, #tpu.memory_space<hbm>>) target(%arg9 : memref<40x25xi32, #tpu.memory_space<vmem>>) target_semaphore(%arg11 : memref<!tpu.dma_semaphore, #tpu.memory_space<semaphore_mem>>)
    %scan3A_132 = arith.constant 0 : i32
    %scan3A_133 = arith.constant 5 : i32
    %scan3A_134 = arith.addi %scan3A_132, %scan3A_133 : i32
    %scan3A_135 = arith.constant 1 : i32
    scf.for %scan3A_141 = %scan3A_132 to %scan3A_134 step %scan3A_135  : i32 {
      %mul3A_142 = arith.constant 1 : i32
      %mul3A_143 = arith.muli %scan3A_141, %mul3A_142 : i32
      %add3A = arith.constant 0 : i32
      %add3A_144 = arith.addi %add3A, %mul3A_143 : i32
      %mul3A_145 = arith.constant 2 : i32
      %mul3A_146 = arith.muli %add3A_144, %mul3A_145 : i32
      %dma_wait3A = arith.constant 0 : i32
      %dma_wait3A_147 = arith.constant 0 : i32
      %dma_wait3A_148 = arith.constant 0 : i32
      %dma_wait3A_149 = arith.constant 0 : i32
      %dma_wait3A_150 = tpu.memref_slice %arg3[%arg0, %dma_wait3A, %dma_wait3A_147, %dma_wait3A_148, %dma_wait3A_149] : memref<2x16x10x40x25xi32, #tpu.memory_space<hbm>> -> memref<1x16x10x40x25xi32, #tpu.memory_space<hbm>>
      %dma_wait3A_151 = tpu.memref_squeeze %dma_wait3A_150 : memref<1x16x10x40x25xi32, #tpu.memory_space<hbm>> -> memref<16x10x40x25xi32, #tpu.memory_space<hbm>>
      %dma_wait3A_152 = arith.constant 0 : i32
      %dma_wait3A_153 = arith.constant 0 : i32
      %dma_wait3A_154 = arith.constant 0 : i32
      %dma_wait3A_155 = tpu.memref_slice %dma_wait3A_151[%arg1, %dma_wait3A_152, %dma_wait3A_153, %dma_wait3A_154] : memref<16x10x40x25xi32, #tpu.memory_space<hbm>> -> memref<1x10x40x25xi32, #tpu.memory_space<hbm>>
      %dma_wait3A_156 = tpu.memref_squeeze %dma_wait3A_155 : memref<1x10x40x25xi32, #tpu.memory_space<hbm>> -> memref<10x40x25xi32, #tpu.memory_space<hbm>>
      %dma_wait3A_157 = arith.constant 0 : i32
      %dma_wait3A_158 = arith.constant 0 : i32
      %dma_wait3A_159 = tpu.memref_slice %dma_wait3A_156[%mul3A_146, %dma_wait3A_157, %dma_wait3A_158] : memref<10x40x25xi32, #tpu.memory_space<hbm>> -> memref<1x40x25xi32, #tpu.memory_space<hbm>>
      %dma_wait3A_160 = tpu.memref_squeeze %dma_wait3A_159 : memref<1x40x25xi32, #tpu.memory_space<hbm>> -> memref<40x25xi32, #tpu.memory_space<hbm>>
      %dma_wait3A_161 = arith.constant 0 : i32
      %dma_wait3A_162 = arith.constant 0 : i32
      %dma_wait3A_163 = arith.constant 0 : i32
      %dma_wait3A_164 = arith.constant 0 : i32
      %dma_wait3A_165 = tpu.memref_slice %arg3[%arg0, %dma_wait3A_161, %dma_wait3A_162, %dma_wait3A_163, %dma_wait3A_164] : memref<2x16x10x40x25xi32, #tpu.memory_space<hbm>> -> memref<1x16x10x40x25xi32, #tpu.memory_space<hbm>>
      %dma_wait3A_166 = tpu.memref_squeeze %dma_wait3A_165 : memref<1x16x10x40x25xi32, #tpu.memory_space<hbm>> -> memref<16x10x40x25xi32, #tpu.memory_space<hbm>>
      %dma_wait3A_167 = arith.constant 0 : i32
      %dma_wait3A_168 = arith.constant 0 : i32
      %dma_wait3A_169 = arith.constant 0 : i32
      %dma_wait3A_170 = tpu.memref_slice %dma_wait3A_166[%arg1, %dma_wait3A_167, %dma_wait3A_168, %dma_wait3A_169] : memref<16x10x40x25xi32, #tpu.memory_space<hbm>> -> memref<1x10x40x25xi32, #tpu.memory_space<hbm>>
      %dma_wait3A_171 = tpu.memref_squeeze %dma_wait3A_170 : memref<1x10x40x25xi32, #tpu.memory_space<hbm>> -> memref<10x40x25xi32, #tpu.memory_space<hbm>>
      %dma_wait3A_172 = arith.constant 0 : i32
      %dma_wait3A_173 = arith.constant 0 : i32
      %dma_wait3A_174 = tpu.memref_slice %dma_wait3A_171[%mul3A_146, %dma_wait3A_172, %dma_wait3A_173] : memref<10x40x25xi32, #tpu.memory_space<hbm>> -> memref<1x40x25xi32, #tpu.memory_space<hbm>>
      %dma_wait3A_175 = tpu.memref_squeeze %dma_wait3A_174 : memref<1x40x25xi32, #tpu.memory_space<hbm>> -> memref<40x25xi32, #tpu.memory_space<hbm>>
      tpu.wait_dma2 semaphore(%arg10 : memref<!tpu.dma_semaphore, #tpu.memory_space<semaphore_mem>>) src(%dma_wait3A_175 : memref<40x25xi32, #tpu.memory_space<hbm>>) dst(%arg6 : memref<40x25xi32, #tpu.memory_space<vmem>>)
      %dma_wait3A_176 = arith.constant 0 : i32
      %dma_wait3A_177 = arith.constant 0 : i32
      %dma_wait3A_178 = arith.constant 0 : i32
      %dma_wait3A_179 = arith.constant 0 : i32
      %dma_wait3A_180 = tpu.memref_slice %arg4[%arg0, %dma_wait3A_176, %dma_wait3A_177, %dma_wait3A_178, %dma_wait3A_179] : memref<2x16x10x40x25xi32, #tpu.memory_space<hbm>> -> memref<1x16x10x40x25xi32, #tpu.memory_space<hbm>>
      %dma_wait3A_181 = tpu.memref_squeeze %dma_wait3A_180 : memref<1x16x10x40x25xi32, #tpu.memory_space<hbm>> -> memref<16x10x40x25xi32, #tpu.memory_space<hbm>>
      %dma_wait3A_182 = arith.constant 0 : i32
      %dma_wait3A_183 = arith.constant 0 : i32
      %dma_wait3A_184 = arith.constant 0 : i32
      %dma_wait3A_185 = tpu.memref_slice %dma_wait3A_181[%arg1, %dma_wait3A_182, %dma_wait3A_183, %dma_wait3A_184] : memref<16x10x40x25xi32, #tpu.memory_space<hbm>> -> memref<1x10x40x25xi32, #tpu.memory_space<hbm>>
      %dma_wait3A_186 = tpu.memref_squeeze %dma_wait3A_185 : memref<1x10x40x25xi32, #tpu.memory_space<hbm>> -> memref<10x40x25xi32, #tpu.memory_space<hbm>>
      %dma_wait3A_187 = arith.constant 0 : i32
      %dma_wait3A_188 = arith.constant 0 : i32
      %dma_wait3A_189 = tpu.memref_slice %dma_wait3A_186[%mul3A_146, %dma_wait3A_187, %dma_wait3A_188] : memref<10x40x25xi32, #tpu.memory_space<hbm>> -> memref<1x40x25xi32, #tpu.memory_space<hbm>>
      %dma_wait3A_190 = tpu.memref_squeeze %dma_wait3A_189 : memref<1x40x25xi32, #tpu.memory_space<hbm>> -> memref<40x25xi32, #tpu.memory_space<hbm>>
      %dma_wait3A_191 = arith.constant 0 : i32
      %dma_wait3A_192 = arith.constant 0 : i32
      %dma_wait3A_193 = arith.constant 0 : i32
      %dma_wait3A_194 = arith.constant 0 : i32
      %dma_wait3A_195 = tpu.memref_slice %arg4[%arg0, %dma_wait3A_191, %dma_wait3A_192, %dma_wait3A_193, %dma_wait3A_194] : memref<2x16x10x40x25xi32, #tpu.memory_space<hbm>> -> memref<1x16x10x40x25xi32, #tpu.memory_space<hbm>>
      %dma_wait3A_196 = tpu.memref_squeeze %dma_wait3A_195 : memref<1x16x10x40x25xi32, #tpu.memory_space<hbm>> -> memref<16x10x40x25xi32, #tpu.memory_space<hbm>>
      %dma_wait3A_197 = arith.constant 0 : i32
      %dma_wait3A_198 = arith.constant 0 : i32
      %dma_wait3A_199 = arith.constant 0 : i32
      %dma_wait3A_200 = tpu.memref_slice %dma_wait3A_196[%arg1, %dma_wait3A_197, %dma_wait3A_198, %dma_wait3A_199] : memref<16x10x40x25xi32, #tpu.memory_space<hbm>> -> memref<1x10x40x25xi32, #tpu.memory_space<hbm>>
      %dma_wait3A_201 = tpu.memref_squeeze %dma_wait3A_200 : memref<1x10x40x25xi32, #tpu.memory_space<hbm>> -> memref<10x40x25xi32, #tpu.memory_space<hbm>>
      %dma_wait3A_202 = arith.constant 0 : i32
      %dma_wait3A_203 = arith.constant 0 : i32
      %dma_wait3A_204 = tpu.memref_slice %dma_wait3A_201[%mul3A_146, %dma_wait3A_202, %dma_wait3A_203] : memref<10x40x25xi32, #tpu.memory_space<hbm>> -> memref<1x40x25xi32, #tpu.memory_space<hbm>>
      %dma_wait3A_205 = tpu.memref_squeeze %dma_wait3A_204 : memref<1x40x25xi32, #tpu.memory_space<hbm>> -> memref<40x25xi32, #tpu.memory_space<hbm>>
      tpu.wait_dma2 semaphore(%arg10 : memref<!tpu.dma_semaphore, #tpu.memory_space<semaphore_mem>>) src(%dma_wait3A_205 : memref<40x25xi32, #tpu.memory_space<hbm>>) dst(%arg7 : memref<40x25xi32, #tpu.memory_space<vmem>>)
      %dma_start3A_206 = arith.constant 0 : i32
      %dma_start3A_207 = arith.constant 0 : i32
      %dma_start3A_208 = tpu.memref_slice %arg6[%dma_start3A_206, %dma_start3A_207] : memref<40x25xi32, #tpu.memory_space<vmem>> -> memref<1x25xi32, #tpu.memory_space<vmem>>
      %dma_start3A_209 = tpu.memref_squeeze %dma_start3A_208 : memref<1x25xi32, #tpu.memory_space<vmem>> -> memref<25xi32, #tpu.memory_space<vmem>>
      %dma_start3A_210 = arith.constant 0 : i32
      %dma_start3A_211 = arith.constant 0 : i32
      %dma_start3A_212 = tpu.memref_slice %arg2[%dma_start3A_210, %dma_start3A_211] : memref<10000x128xf32, #tpu.memory_space<hbm>> -> memref<10000x128xf32, #tpu.memory_space<hbm>>
      tpu.enqueue_indirect_dma source(%dma_start3A_212 : memref<10000x128xf32, #tpu.memory_space<hbm>>) target(%arg12 : memref<25x128xf32, #tpu.memory_space<vmem>>) offsets(%dma_start3A_209 : memref<25xi32, #tpu.memory_space<vmem>>) semaphore(%arg17 : memref<!tpu.dma_semaphore, #tpu.memory_space<semaphore_mem>>)
      %dma_start3A_213 = arith.constant 1 : i32
      %dma_start3A_214 = arith.constant 0 : i32
      %dma_start3A_215 = tpu.memref_slice %arg6[%dma_start3A_213, %dma_start3A_214] : memref<40x25xi32, #tpu.memory_space<vmem>> -> memref<1x25xi32, #tpu.memory_space<vmem>>
      %dma_start3A_216 = tpu.memref_squeeze %dma_start3A_215 : memref<1x25xi32, #tpu.memory_space<vmem>> -> memref<25xi32, #tpu.memory_space<vmem>>
      %dma_start3A_217 = arith.constant 0 : i32
      %dma_start3A_218 = arith.constant 0 : i32
      %dma_start3A_219 = tpu.memref_slice %arg2[%dma_start3A_217, %dma_start3A_218] : memref<10000x128xf32, #tpu.memory_space<hbm>> -> memref<10000x128xf32, #tpu.memory_space<hbm>>
      tpu.enqueue_indirect_dma source(%dma_start3A_219 : memref<10000x128xf32, #tpu.memory_space<hbm>>) target(%arg13 : memref<25x128xf32, #tpu.memory_space<vmem>>) offsets(%dma_start3A_216 : memref<25xi32, #tpu.memory_space<vmem>>) semaphore(%arg18 : memref<!tpu.dma_semaphore, #tpu.memory_space<semaphore_mem>>)
      %dma_start3A_220 = arith.constant 2 : i32
      %dma_start3A_221 = arith.constant 0 : i32
      %dma_start3A_222 = tpu.memref_slice %arg6[%dma_start3A_220, %dma_start3A_221] : memref<40x25xi32, #tpu.memory_space<vmem>> -> memref<1x25xi32, #tpu.memory_space<vmem>>
      %dma_start3A_223 = tpu.memref_squeeze %dma_start3A_222 : memref<1x25xi32, #tpu.memory_space<vmem>> -> memref<25xi32, #tpu.memory_space<vmem>>
      %dma_start3A_224 = arith.constant 0 : i32
      %dma_start3A_225 = arith.constant 0 : i32
      %dma_start3A_226 = tpu.memref_slice %arg2[%dma_start3A_224, %dma_start3A_225] : memref<10000x128xf32, #tpu.memory_space<hbm>> -> memref<10000x128xf32, #tpu.memory_space<hbm>>
      tpu.enqueue_indirect_dma source(%dma_start3A_226 : memref<10000x128xf32, #tpu.memory_space<hbm>>) target(%arg14 : memref<25x128xf32, #tpu.memory_space<vmem>>) offsets(%dma_start3A_223 : memref<25xi32, #tpu.memory_space<vmem>>) semaphore(%arg19 : memref<!tpu.dma_semaphore, #tpu.memory_space<semaphore_mem>>)
      %dma_start3A_227 = arith.constant 3 : i32
      %dma_start3A_228 = arith.constant 0 : i32
      %dma_start3A_229 = tpu.memref_slice %arg6[%dma_start3A_227, %dma_start3A_228] : memref<40x25xi32, #tpu.memory_space<vmem>> -> memref<1x25xi32, #tpu.memory_space<vmem>>
      %dma_start3A_230 = tpu.memref_squeeze %dma_start3A_229 : memref<1x25xi32, #tpu.memory_space<vmem>> -> memref<25xi32, #tpu.memory_space<vmem>>
      %dma_start3A_231 = arith.constant 0 : i32
      %dma_start3A_232 = arith.constant 0 : i32
      %dma_start3A_233 = tpu.memref_slice %arg2[%dma_start3A_231, %dma_start3A_232] : memref<10000x128xf32, #tpu.memory_space<hbm>> -> memref<10000x128xf32, #tpu.memory_space<hbm>>
      tpu.enqueue_indirect_dma source(%dma_start3A_233 : memref<10000x128xf32, #tpu.memory_space<hbm>>) target(%arg15 : memref<25x128xf32, #tpu.memory_space<vmem>>) offsets(%dma_start3A_230 : memref<25xi32, #tpu.memory_space<vmem>>) semaphore(%arg20 : memref<!tpu.dma_semaphore, #tpu.memory_space<semaphore_mem>>)
      %dma_start3A_234 = arith.constant 4 : i32
      %dma_start3A_235 = arith.constant 0 : i32
      %dma_start3A_236 = tpu.memref_slice %arg6[%dma_start3A_234, %dma_start3A_235] : memref<40x25xi32, #tpu.memory_space<vmem>> -> memref<1x25xi32, #tpu.memory_space<vmem>>
      %dma_start3A_237 = tpu.memref_squeeze %dma_start3A_236 : memref<1x25xi32, #tpu.memory_space<vmem>> -> memref<25xi32, #tpu.memory_space<vmem>>
      %dma_start3A_238 = arith.constant 0 : i32
      %dma_start3A_239 = arith.constant 0 : i32
      %dma_start3A_240 = tpu.memref_slice %arg2[%dma_start3A_238, %dma_start3A_239] : memref<10000x128xf32, #tpu.memory_space<hbm>> -> memref<10000x128xf32, #tpu.memory_space<hbm>>
      tpu.enqueue_indirect_dma source(%dma_start3A_240 : memref<10000x128xf32, #tpu.memory_space<hbm>>) target(%arg16 : memref<25x128xf32, #tpu.memory_space<vmem>>) offsets(%dma_start3A_237 : memref<25xi32, #tpu.memory_space<vmem>>) semaphore(%arg21 : memref<!tpu.dma_semaphore, #tpu.memory_space<semaphore_mem>>)
      %scan3A_241 = arith.constant 0 : i32
      %scan3A_242 = arith.constant 7 : i32
      %scan3A_243 = arith.addi %scan3A_241, %scan3A_242 : i32
      %scan3A_244 = arith.constant 1 : i32
      scf.for %scan3A_569 = %scan3A_241 to %scan3A_243 step %scan3A_244  : i32 {
        %mul3A_570 = arith.constant 1 : i32
        %mul3A_571 = arith.muli %scan3A_569, %mul3A_570 : i32
        %add3A_572 = arith.constant 0 : i32
        %add3A_573 = arith.addi %add3A_572, %mul3A_571 : i32
        %mul3A_574 = arith.constant 5 : i32
        %mul3A_575 = arith.muli %add3A_573, %mul3A_574 : i32
        %add3A_576 = arith.constant 0 : i32
        %add3A_577 = arith.addi %mul3A_575, %add3A_576 : i32
        %dma_wait3A_578 = arith.constant 0 : i32
        %dma_wait3A_579 = tpu.memref_slice %arg6[%add3A_577, %dma_wait3A_578] : memref<40x25xi32, #tpu.memory_space<vmem>> -> memref<1x25xi32, #tpu.memory_space<vmem>>
        %dma_wait3A_580 = tpu.memref_squeeze %dma_wait3A_579 : memref<1x25xi32, #tpu.memory_space<vmem>> -> memref<25xi32, #tpu.memory_space<vmem>>
        %dma_wait3A_581 = arith.constant 0 : i32
        %dma_wait3A_582 = arith.constant 0 : i32
        %dma_wait3A_583 = tpu.memref_slice %arg2[%dma_wait3A_581, %dma_wait3A_582] : memref<10000x128xf32, #tpu.memory_space<hbm>> -> memref<10000x128xf32, #tpu.memory_space<hbm>>
        tpu.wait_indirect_dma semaphore(%arg17 : memref<!tpu.dma_semaphore, #tpu.memory_space<semaphore_mem>>) src(%dma_wait3A_583 : memref<10000x128xf32, #tpu.memory_space<hbm>>) dst(%arg12 : memref<25x128xf32, #tpu.memory_space<vmem>>)
        %add3A_584 = arith.constant 0 : i32
        %add3A_585 = arith.addi %mul3A_575, %add3A_584 : i32
        %dma_start3A_586 = arith.constant 0 : i32
        %dma_start3A_587 = tpu.memref_slice %arg7[%add3A_585, %dma_start3A_586] : memref<40x25xi32, #tpu.memory_space<vmem>> -> memref<1x25xi32, #tpu.memory_space<vmem>>
        %dma_start3A_588 = tpu.memref_squeeze %dma_start3A_587 : memref<1x25xi32, #tpu.memory_space<vmem>> -> memref<25xi32, #tpu.memory_space<vmem>>
        %dma_start3A_589 = arith.constant 0 : i32
        %dma_start3A_590 = arith.constant 0 : i32
        %dma_start3A_591 = tpu.memref_slice %arg27[%dma_start3A_589, %dma_start3A_590] : memref<10240x128xf32, #tpu.memory_space<vmem_shared>> -> memref<10240x128xf32, #tpu.memory_space<vmem_shared>>
        tpu.enqueue_indirect_dma source(%arg12 : memref<25x128xf32, #tpu.memory_space<vmem>>) target(%dma_start3A_591 : memref<10240x128xf32, #tpu.memory_space<vmem_shared>>) offsets(%dma_start3A_588 : memref<25xi32, #tpu.memory_space<vmem>>) semaphore(%arg22 : memref<!tpu.dma_semaphore, #tpu.memory_space<semaphore_mem>>) {add = true}
        %add3A_592 = arith.constant 1 : i32
        %add3A_593 = arith.addi %mul3A_575, %add3A_592 : i32
        %dma_wait3A_594 = arith.constant 0 : i32
        %dma_wait3A_595 = tpu.memref_slice %arg6[%add3A_593, %dma_wait3A_594] : memref<40x25xi32, #tpu.memory_space<vmem>> -> memref<1x25xi32, #tpu.memory_space<vmem>>
        %dma_wait3A_596 = tpu.memref_squeeze %dma_wait3A_595 : memref<1x25xi32, #tpu.memory_space<vmem>> -> memref<25xi32, #tpu.memory_space<vmem>>
        %dma_wait3A_597 = arith.constant 0 : i32
        %dma_wait3A_598 = arith.constant 0 : i32
        %dma_wait3A_599 = tpu.memref_slice %arg2[%dma_wait3A_597, %dma_wait3A_598] : memref<10000x128xf32, #tpu.memory_space<hbm>> -> memref<10000x128xf32, #tpu.memory_space<hbm>>
        tpu.wait_indirect_dma semaphore(%arg18 : memref<!tpu.dma_semaphore, #tpu.memory_space<semaphore_mem>>) src(%dma_wait3A_599 : memref<10000x128xf32, #tpu.memory_space<hbm>>) dst(%arg13 : memref<25x128xf32, #tpu.memory_space<vmem>>)
        %add3A_600 = arith.constant 1 : i32
        %add3A_601 = arith.addi %mul3A_575, %add3A_600 : i32
        %dma_start3A_602 = arith.constant 0 : i32
        %dma_start3A_603 = tpu.memref_slice %arg7[%add3A_601, %dma_start3A_602] : memref<40x25xi32, #tpu.memory_space<vmem>> -> memref<1x25xi32, #tpu.memory_space<vmem>>
        %dma_start3A_604 = tpu.memref_squeeze %dma_start3A_603 : memref<1x25xi32, #tpu.memory_space<vmem>> -> memref<25xi32, #tpu.memory_space<vmem>>
        %dma_start3A_605 = arith.constant 0 : i32
        %dma_start3A_606 = arith.constant 0 : i32
        %dma_start3A_607 = tpu.memref_slice %arg27[%dma_start3A_605, %dma_start3A_606] : memref<10240x128xf32, #tpu.memory_space<vmem_shared>> -> memref<10240x128xf32, #tpu.memory_space<vmem_shared>>
        tpu.enqueue_indirect_dma source(%arg13 : memref<25x128xf32, #tpu.memory_space<vmem>>) target(%dma_start3A_607 : memref<10240x128xf32, #tpu.memory_space<vmem_shared>>) offsets(%dma_start3A_604 : memref<25xi32, #tpu.memory_space<vmem>>) semaphore(%arg23 : memref<!tpu.dma_semaphore, #tpu.memory_space<semaphore_mem>>) {add = true}
        %add3A_608 = arith.constant 2 : i32
        %add3A_609 = arith.addi %mul3A_575, %add3A_608 : i32
        %dma_wait3A_610 = arith.constant 0 : i32
        %dma_wait3A_611 = tpu.memref_slice %arg6[%add3A_609, %dma_wait3A_610] : memref<40x25xi32, #tpu.memory_space<vmem>> -> memref<1x25xi32, #tpu.memory_space<vmem>>
        %dma_wait3A_612 = tpu.memref_squeeze %dma_wait3A_611 : memref<1x25xi32, #tpu.memory_space<vmem>> -> memref<25xi32, #tpu.memory_space<vmem>>
        %dma_wait3A_613 = arith.constant 0 : i32
        %dma_wait3A_614 = arith.constant 0 : i32
        %dma_wait3A_615 = tpu.memref_slice %arg2[%dma_wait3A_613, %dma_wait3A_614] : memref<10000x128xf32, #tpu.memory_space<hbm>> -> memref<10000x128xf32, #tpu.memory_space<hbm>>
        tpu.wait_indirect_dma semaphore(%arg19 : memref<!tpu.dma_semaphore, #tpu.memory_space<semaphore_mem>>) src(%dma_wait3A_615 : memref<10000x128xf32, #tpu.memory_space<hbm>>) dst(%arg14 : memref<25x128xf32, #tpu.memory_space<vmem>>)
        %add3A_616 = arith.constant 2 : i32
        %add3A_617 = arith.addi %mul3A_575, %add3A_616 : i32
        %dma_start3A_618 = arith.constant 0 : i32
        %dma_start3A_619 = tpu.memref_slice %arg7[%add3A_617, %dma_start3A_618] : memref<40x25xi32, #tpu.memory_space<vmem>> -> memref<1x25xi32, #tpu.memory_space<vmem>>
        %dma_start3A_620 = tpu.memref_squeeze %dma_start3A_619 : memref<1x25xi32, #tpu.memory_space<vmem>> -> memref<25xi32, #tpu.memory_space<vmem>>
        %dma_start3A_621 = arith.constant 0 : i32
        %dma_start3A_622 = arith.constant 0 : i32
        %dma_start3A_623 = tpu.memref_slice %arg27[%dma_start3A_621, %dma_start3A_622] : memref<10240x128xf32, #tpu.memory_space<vmem_shared>> -> memref<10240x128xf32, #tpu.memory_space<vmem_shared>>
        tpu.enqueue_indirect_dma source(%arg14 : memref<25x128xf32, #tpu.memory_space<vmem>>) target(%dma_start3A_623 : memref<10240x128xf32, #tpu.memory_space<vmem_shared>>) offsets(%dma_start3A_620 : memref<25xi32, #tpu.memory_space<vmem>>) semaphore(%arg24 : memref<!tpu.dma_semaphore, #tpu.memory_space<semaphore_mem>>) {add = true}
        %add3A_624 = arith.constant 3 : i32
        %add3A_625 = arith.addi %mul3A_575, %add3A_624 : i32
        %dma_wait3A_626 = arith.constant 0 : i32
        %dma_wait3A_627 = tpu.memref_slice %arg6[%add3A_625, %dma_wait3A_626] : memref<40x25xi32, #tpu.memory_space<vmem>> -> memref<1x25xi32, #tpu.memory_space<vmem>>
        %dma_wait3A_628 = tpu.memref_squeeze %dma_wait3A_627 : memref<1x25xi32, #tpu.memory_space<vmem>> -> memref<25xi32, #tpu.memory_space<vmem>>
        %dma_wait3A_629 = arith.constant 0 : i32
        %dma_wait3A_630 = arith.constant 0 : i32
        %dma_wait3A_631 = tpu.memref_slice %arg2[%dma_wait3A_629, %dma_wait3A_630] : memref<10000x128xf32, #tpu.memory_space<hbm>> -> memref<10000x128xf32, #tpu.memory_space<hbm>>
        tpu.wait_indirect_dma semaphore(%arg20 : memref<!tpu.dma_semaphore, #tpu.memory_space<semaphore_mem>>) src(%dma_wait3A_631 : memref<10000x128xf32, #tpu.memory_space<hbm>>) dst(%arg15 : memref<25x128xf32, #tpu.memory_space<vmem>>)
        %add3A_632 = arith.constant 3 : i32
        %add3A_633 = arith.addi %mul3A_575, %add3A_632 : i32
        %dma_start3A_634 = arith.constant 0 : i32
        %dma_start3A_635 = tpu.memref_slice %arg7[%add3A_633, %dma_start3A_634] : memref<40x25xi32, #tpu.memory_space<vmem>> -> memref<1x25xi32, #tpu.memory_space<vmem>>
        %dma_start3A_636 = tpu.memref_squeeze %dma_start3A_635 : memref<1x25xi32, #tpu.memory_space<vmem>> -> memref<25xi32, #tpu.memory_space<vmem>>
        %dma_start3A_637 = arith.constant 0 : i32
        %dma_start3A_638 = arith.constant 0 : i32
        %dma_start3A_639 = tpu.memref_slice %arg27[%dma_start3A_637, %dma_start3A_638] : memref<10240x128xf32, #tpu.memory_space<vmem_shared>> -> memref<10240x128xf32, #tpu.memory_space<vmem_shared>>
        tpu.enqueue_indirect_dma source(%arg15 : memref<25x128xf32, #tpu.memory_space<vmem>>) target(%dma_start3A_639 : memref<10240x128xf32, #tpu.memory_space<vmem_shared>>) offsets(%dma_start3A_636 : memref<25xi32, #tpu.memory_space<vmem>>) semaphore(%arg25 : memref<!tpu.dma_semaphore, #tpu.memory_space<semaphore_mem>>) {add = true}
        %add3A_640 = arith.constant 4 : i32
        %add3A_641 = arith.addi %mul3A_575, %add3A_640 : i32
        %dma_wait3A_642 = arith.constant 0 : i32
        %dma_wait3A_643 = tpu.memref_slice %arg6[%add3A_641, %dma_wait3A_642] : memref<40x25xi32, #tpu.memory_space<vmem>> -> memref<1x25xi32, #tpu.memory_space<vmem>>
        %dma_wait3A_644 = tpu.memref_squeeze %dma_wait3A_643 : memref<1x25xi32, #tpu.memory_space<vmem>> -> memref<25xi32, #tpu.memory_space<vmem>>
        %dma_wait3A_645 = arith.constant 0 : i32
        %dma_wait3A_646 = arith.constant 0 : i32
        %dma_wait3A_647 = tpu.memref_slice %arg2[%dma_wait3A_645, %dma_wait3A_646] : memref<10000x128xf32, #tpu.memory_space<hbm>> -> memref<10000x128xf32, #tpu.memory_space<hbm>>
        tpu.wait_indirect_dma semaphore(%arg21 : memref<!tpu.dma_semaphore, #tpu.memory_space<semaphore_mem>>) src(%dma_wait3A_647 : memref<10000x128xf32, #tpu.memory_space<hbm>>) dst(%arg16 : memref<25x128xf32, #tpu.memory_space<vmem>>)
        %add3A_648 = arith.constant 4 : i32
        %add3A_649 = arith.addi %mul3A_575, %add3A_648 : i32
        %dma_start3A_650 = arith.constant 0 : i32
        %dma_start3A_651 = tpu.memref_slice %arg7[%add3A_649, %dma_start3A_650] : memref<40x25xi32, #tpu.memory_space<vmem>> -> memref<1x25xi32, #tpu.memory_space<vmem>>
        %dma_start3A_652 = tpu.memref_squeeze %dma_start3A_651 : memref<1x25xi32, #tpu.memory_space<vmem>> -> memref<25xi32, #tpu.memory_space<vmem>>
        %dma_start3A_653 = arith.constant 0 : i32
        %dma_start3A_654 = arith.constant 0 : i32
        %dma_start3A_655 = tpu.memref_slice %arg27[%dma_start3A_653, %dma_start3A_654] : memref<10240x128xf32, #tpu.memory_space<vmem_shared>> -> memref<10240x128xf32, #tpu.memory_space<vmem_shared>>
        tpu.enqueue_indirect_dma source(%arg16 : memref<25x128xf32, #tpu.memory_space<vmem>>) target(%dma_start3A_655 : memref<10240x128xf32, #tpu.memory_space<vmem_shared>>) offsets(%dma_start3A_652 : memref<25xi32, #tpu.memory_space<vmem>>) semaphore(%arg26 : memref<!tpu.dma_semaphore, #tpu.memory_space<semaphore_mem>>) {add = true}
        %add3A_656 = arith.constant 0 : i32
        %add3A_657 = arith.addi %mul3A_575, %add3A_656 : i32
        %dma_wait3A_658 = arith.constant 0 : i32
        %dma_wait3A_659 = tpu.memref_slice %arg7[%add3A_657, %dma_wait3A_658] : memref<40x25xi32, #tpu.memory_space<vmem>> -> memref<1x25xi32, #tpu.memory_space<vmem>>
        %dma_wait3A_660 = tpu.memref_squeeze %dma_wait3A_659 : memref<1x25xi32, #tpu.memory_space<vmem>> -> memref<25xi32, #tpu.memory_space<vmem>>
        %dma_wait3A_661 = arith.constant 0 : i32
        %dma_wait3A_662 = arith.constant 0 : i32
        %dma_wait3A_663 = tpu.memref_slice %arg27[%dma_wait3A_661, %dma_wait3A_662] : memref<10240x128xf32, #tpu.memory_space<vmem_shared>> -> memref<10240x128xf32, #tpu.memory_space<vmem_shared>>
        tpu.wait_indirect_dma semaphore(%arg22 : memref<!tpu.dma_semaphore, #tpu.memory_space<semaphore_mem>>) src(%arg12 : memref<25x128xf32, #tpu.memory_space<vmem>>) dst(%dma_wait3A_663 : memref<10240x128xf32, #tpu.memory_space<vmem_shared>>)
        %add3A_664 = arith.constant 5 : i32
        %add3A_665 = arith.addi %mul3A_575, %add3A_664 : i32
        %add3A_666 = arith.constant 0 : i32
        %add3A_667 = arith.addi %add3A_665, %add3A_666 : i32
        %dma_start3A_668 = arith.constant 0 : i32
        %dma_start3A_669 = tpu.memref_slice %arg6[%add3A_667, %dma_start3A_668] : memref<40x25xi32, #tpu.memory_space<vmem>> -> memref<1x25xi32, #tpu.memory_space<vmem>>
        %dma_start3A_670 = tpu.memref_squeeze %dma_start3A_669 : memref<1x25xi32, #tpu.memory_space<vmem>> -> memref<25xi32, #tpu.memory_space<vmem>>
        %dma_start3A_671 = arith.constant 0 : i32
        %dma_start3A_672 = arith.constant 0 : i32
        %dma_start3A_673 = tpu.memref_slice %arg2[%dma_start3A_671, %dma_start3A_672] : memref<10000x128xf32, #tpu.memory_space<hbm>> -> memref<10000x128xf32, #tpu.memory_space<hbm>>
        tpu.enqueue_indirect_dma source(%dma_start3A_673 : memref<10000x128xf32, #tpu.memory_space<hbm>>) target(%arg12 : memref<25x128xf32, #tpu.memory_space<vmem>>) offsets(%dma_start3A_670 : memref<25xi32, #tpu.memory_space<vmem>>) semaphore(%arg17 : memref<!tpu.dma_semaphore, #tpu.memory_space<semaphore_mem>>)
        %add3A_674 = arith.constant 1 : i32
        %add3A_675 = arith.addi %mul3A_575, %add3A_674 : i32
        %dma_wait3A_676 = arith.constant 0 : i32
        %dma_wait3A_677 = tpu.memref_slice %arg7[%add3A_675, %dma_wait3A_676] : memref<40x25xi32, #tpu.memory_space<vmem>> -> memref<1x25xi32, #tpu.memory_space<vmem>>
        %dma_wait3A_678 = tpu.memref_squeeze %dma_wait3A_677 : memref<1x25xi32, #tpu.memory_space<vmem>> -> memref<25xi32, #tpu.memory_space<vmem>>
        %dma_wait3A_679 = arith.constant 0 : i32
        %dma_wait3A_680 = arith.constant 0 : i32
        %dma_wait3A_681 = tpu.memref_slice %arg27[%dma_wait3A_679, %dma_wait3A_680] : memref<10240x128xf32, #tpu.memory_space<vmem_shared>> -> memref<10240x128xf32, #tpu.memory_space<vmem_shared>>
        tpu.wait_indirect_dma semaphore(%arg23 : memref<!tpu.dma_semaphore, #tpu.memory_space<semaphore_mem>>) src(%arg13 : memref<25x128xf32, #tpu.memory_space<vmem>>) dst(%dma_wait3A_681 : memref<10240x128xf32, #tpu.memory_space<vmem_shared>>)
        %add3A_682 = arith.constant 5 : i32
        %add3A_683 = arith.addi %mul3A_575, %add3A_682 : i32
        %add3A_684 = arith.constant 1 : i32
        %add3A_685 = arith.addi %add3A_683, %add3A_684 : i32
        %dma_start3A_686 = arith.constant 0 : i32
        %dma_start3A_687 = tpu.memref_slice %arg6[%add3A_685, %dma_start3A_686] : memref<40x25xi32, #tpu.memory_space<vmem>> -> memref<1x25xi32, #tpu.memory_space<vmem>>
        %dma_start3A_688 = tpu.memref_squeeze %dma_start3A_687 : memref<1x25xi32, #tpu.memory_space<vmem>> -> memref<25xi32, #tpu.memory_space<vmem>>
        %dma_start3A_689 = arith.constant 0 : i32
        %dma_start3A_690 = arith.constant 0 : i32
        %dma_start3A_691 = tpu.memref_slice %arg2[%dma_start3A_689, %dma_start3A_690] : memref<10000x128xf32, #tpu.memory_space<hbm>> -> memref<10000x128xf32, #tpu.memory_space<hbm>>
        tpu.enqueue_indirect_dma source(%dma_start3A_691 : memref<10000x128xf32, #tpu.memory_space<hbm>>) target(%arg13 : memref<25x128xf32, #tpu.memory_space<vmem>>) offsets(%dma_start3A_688 : memref<25xi32, #tpu.memory_space<vmem>>) semaphore(%arg18 : memref<!tpu.dma_semaphore, #tpu.memory_space<semaphore_mem>>)
        %add3A_692 = arith.constant 2 : i32
        %add3A_693 = arith.addi %mul3A_575, %add3A_692 : i32
        %dma_wait3A_694 = arith.constant 0 : i32
        %dma_wait3A_695 = tpu.memref_slice %arg7[%add3A_693, %dma_wait3A_694] : memref<40x25xi32, #tpu.memory_space<vmem>> -> memref<1x25xi32, #tpu.memory_space<vmem>>
        %dma_wait3A_696 = tpu.memref_squeeze %dma_wait3A_695 : memref<1x25xi32, #tpu.memory_space<vmem>> -> memref<25xi32, #tpu.memory_space<vmem>>
        %dma_wait3A_697 = arith.constant 0 : i32
        %dma_wait3A_698 = arith.constant 0 : i32
        %dma_wait3A_699 = tpu.memref_slice %arg27[%dma_wait3A_697, %dma_wait3A_698] : memref<10240x128xf32, #tpu.memory_space<vmem_shared>> -> memref<10240x128xf32, #tpu.memory_space<vmem_shared>>
        tpu.wait_indirect_dma semaphore(%arg24 : memref<!tpu.dma_semaphore, #tpu.memory_space<semaphore_mem>>) src(%arg14 : memref<25x128xf32, #tpu.memory_space<vmem>>) dst(%dma_wait3A_699 : memref<10240x128xf32, #tpu.memory_space<vmem_shared>>)
        %add3A_700 = arith.constant 5 : i32
        %add3A_701 = arith.addi %mul3A_575, %add3A_700 : i32
        %add3A_702 = arith.constant 2 : i32
        %add3A_703 = arith.addi %add3A_701, %add3A_702 : i32
        %dma_start3A_704 = arith.constant 0 : i32
        %dma_start3A_705 = tpu.memref_slice %arg6[%add3A_703, %dma_start3A_704] : memref<40x25xi32, #tpu.memory_space<vmem>> -> memref<1x25xi32, #tpu.memory_space<vmem>>
        %dma_start3A_706 = tpu.memref_squeeze %dma_start3A_705 : memref<1x25xi32, #tpu.memory_space<vmem>> -> memref<25xi32, #tpu.memory_space<vmem>>
        %dma_start3A_707 = arith.constant 0 : i32
        %dma_start3A_708 = arith.constant 0 : i32
        %dma_start3A_709 = tpu.memref_slice %arg2[%dma_start3A_707, %dma_start3A_708] : memref<10000x128xf32, #tpu.memory_space<hbm>> -> memref<10000x128xf32, #tpu.memory_space<hbm>>
        tpu.enqueue_indirect_dma source(%dma_start3A_709 : memref<10000x128xf32, #tpu.memory_space<hbm>>) target(%arg14 : memref<25x128xf32, #tpu.memory_space<vmem>>) offsets(%dma_start3A_706 : memref<25xi32, #tpu.memory_space<vmem>>) semaphore(%arg19 : memref<!tpu.dma_semaphore, #tpu.memory_space<semaphore_mem>>)
        %add3A_710 = arith.constant 3 : i32
        %add3A_711 = arith.addi %mul3A_575, %add3A_710 : i32
        %dma_wait3A_712 = arith.constant 0 : i32
        %dma_wait3A_713 = tpu.memref_slice %arg7[%add3A_711, %dma_wait3A_712] : memref<40x25xi32, #tpu.memory_space<vmem>> -> memref<1x25xi32, #tpu.memory_space<vmem>>
        %dma_wait3A_714 = tpu.memref_squeeze %dma_wait3A_713 : memref<1x25xi32, #tpu.memory_space<vmem>> -> memref<25xi32, #tpu.memory_space<vmem>>
        %dma_wait3A_715 = arith.constant 0 : i32
        %dma_wait3A_716 = arith.constant 0 : i32
        %dma_wait3A_717 = tpu.memref_slice %arg27[%dma_wait3A_715, %dma_wait3A_716] : memref<10240x128xf32, #tpu.memory_space<vmem_shared>> -> memref<10240x128xf32, #tpu.memory_space<vmem_shared>>
        tpu.wait_indirect_dma semaphore(%arg25 : memref<!tpu.dma_semaphore, #tpu.memory_space<semaphore_mem>>) src(%arg15 : memref<25x128xf32, #tpu.memory_space<vmem>>) dst(%dma_wait3A_717 : memref<10240x128xf32, #tpu.memory_space<vmem_shared>>)
        %add3A_718 = arith.constant 5 : i32
        %add3A_719 = arith.addi %mul3A_575, %add3A_718 : i32
        %add3A_720 = arith.constant 3 : i32
        %add3A_721 = arith.addi %add3A_719, %add3A_720 : i32
        %dma_start3A_722 = arith.constant 0 : i32
        %dma_start3A_723 = tpu.memref_slice %arg6[%add3A_721, %dma_start3A_722] : memref<40x25xi32, #tpu.memory_space<vmem>> -> memref<1x25xi32, #tpu.memory_space<vmem>>
        %dma_start3A_724 = tpu.memref_squeeze %dma_start3A_723 : memref<1x25xi32, #tpu.memory_space<vmem>> -> memref<25xi32, #tpu.memory_space<vmem>>
        %dma_start3A_725 = arith.constant 0 : i32
        %dma_start3A_726 = arith.constant 0 : i32
        %dma_start3A_727 = tpu.memref_slice %arg2[%dma_start3A_725, %dma_start3A_726] : memref<10000x128xf32, #tpu.memory_space<hbm>> -> memref<10000x128xf32, #tpu.memory_space<hbm>>
        tpu.enqueue_indirect_dma source(%dma_start3A_727 : memref<10000x128xf32, #tpu.memory_space<hbm>>) target(%arg15 : memref<25x128xf32, #tpu.memory_space<vmem>>) offsets(%dma_start3A_724 : memref<25xi32, #tpu.memory_space<vmem>>) semaphore(%arg20 : memref<!tpu.dma_semaphore, #tpu.memory_space<semaphore_mem>>)
        %add3A_728 = arith.constant 4 : i32
        %add3A_729 = arith.addi %mul3A_575, %add3A_728 : i32
        %dma_wait3A_730 = arith.constant 0 : i32
        %dma_wait3A_731 = tpu.memref_slice %arg7[%add3A_729, %dma_wait3A_730] : memref<40x25xi32, #tpu.memory_space<vmem>> -> memref<1x25xi32, #tpu.memory_space<vmem>>
        %dma_wait3A_732 = tpu.memref_squeeze %dma_wait3A_731 : memref<1x25xi32, #tpu.memory_space<vmem>> -> memref<25xi32, #tpu.memory_space<vmem>>
        %dma_wait3A_733 = arith.constant 0 : i32
        %dma_wait3A_734 = arith.constant 0 : i32
        %dma_wait3A_735 = tpu.memref_slice %arg27[%dma_wait3A_733, %dma_wait3A_734] : memref<10240x128xf32, #tpu.memory_space<vmem_shared>> -> memref<10240x128xf32, #tpu.memory_space<vmem_shared>>
        tpu.wait_indirect_dma semaphore(%arg26 : memref<!tpu.dma_semaphore, #tpu.memory_space<semaphore_mem>>) src(%arg16 : memref<25x128xf32, #tpu.memory_space<vmem>>) dst(%dma_wait3A_735 : memref<10240x128xf32, #tpu.memory_space<vmem_shared>>)
        %add3A_736 = arith.constant 5 : i32
        %add3A_737 = arith.addi %mul3A_575, %add3A_736 : i32
        %add3A_738 = arith.constant 4 : i32
        %add3A_739 = arith.addi %add3A_737, %add3A_738 : i32
        %dma_start3A_740 = arith.constant 0 : i32
        %dma_start3A_741 = tpu.memref_slice %arg6[%add3A_739, %dma_start3A_740] : memref<40x25xi32, #tpu.memory_space<vmem>> -> memref<1x25xi32, #tpu.memory_space<vmem>>
        %dma_start3A_742 = tpu.memref_squeeze %dma_start3A_741 : memref<1x25xi32, #tpu.memory_space<vmem>> -> memref<25xi32, #tpu.memory_space<vmem>>
        %dma_start3A_743 = arith.constant 0 : i32
        %dma_start3A_744 = arith.constant 0 : i32
        %dma_start3A_745 = tpu.memref_slice %arg2[%dma_start3A_743, %dma_start3A_744] : memref<10000x128xf32, #tpu.memory_space<hbm>> -> memref<10000x128xf32, #tpu.memory_space<hbm>>
        tpu.enqueue_indirect_dma source(%dma_start3A_745 : memref<10000x128xf32, #tpu.memory_space<hbm>>) target(%arg16 : memref<25x128xf32, #tpu.memory_space<vmem>>) offsets(%dma_start3A_742 : memref<25xi32, #tpu.memory_space<vmem>>) semaphore(%arg21 : memref<!tpu.dma_semaphore, #tpu.memory_space<semaphore_mem>>)
      }
      %scan3A_245 = arith.constant 7 : i32
      %dma_wait3A_246 = arith.constant 35 : i32
      %dma_wait3A_247 = arith.constant 0 : i32
      %dma_wait3A_248 = tpu.memref_slice %arg6[%dma_wait3A_246, %dma_wait3A_247] : memref<40x25xi32, #tpu.memory_space<vmem>> -> memref<1x25xi32, #tpu.memory_space<vmem>>
      %dma_wait3A_249 = tpu.memref_squeeze %dma_wait3A_248 : memref<1x25xi32, #tpu.memory_space<vmem>> -> memref<25xi32, #tpu.memory_space<vmem>>
      %dma_wait3A_250 = arith.constant 0 : i32
      %dma_wait3A_251 = arith.constant 0 : i32
      %dma_wait3A_252 = tpu.memref_slice %arg2[%dma_wait3A_250, %dma_wait3A_251] : memref<10000x128xf32, #tpu.memory_space<hbm>> -> memref<10000x128xf32, #tpu.memory_space<hbm>>
      tpu.wait_indirect_dma semaphore(%arg17 : memref<!tpu.dma_semaphore, #tpu.memory_space<semaphore_mem>>) src(%dma_wait3A_252 : memref<10000x128xf32, #tpu.memory_space<hbm>>) dst(%arg12 : memref<25x128xf32, #tpu.memory_space<vmem>>)
      %dma_start3A_253 = arith.constant 35 : i32
      %dma_start3A_254 = arith.constant 0 : i32
      %dma_start3A_255 = tpu.memref_slice %arg7[%dma_start3A_253, %dma_start3A_254] : memref<40x25xi32, #tpu.memory_space<vmem>> -> memref<1x25xi32, #tpu.memory_space<vmem>>
      %dma_start3A_256 = tpu.memref_squeeze %dma_start3A_255 : memref<1x25xi32, #tpu.memory_space<vmem>> -> memref<25xi32, #tpu.memory_space<vmem>>
      %dma_start3A_257 = arith.constant 0 : i32
      %dma_start3A_258 = arith.constant 0 : i32
      %dma_start3A_259 = tpu.memref_slice %arg27[%dma_start3A_257, %dma_start3A_258] : memref<10240x128xf32, #tpu.memory_space<vmem_shared>> -> memref<10240x128xf32, #tpu.memory_space<vmem_shared>>
      tpu.enqueue_indirect_dma source(%arg12 : memref<25x128xf32, #tpu.memory_space<vmem>>) target(%dma_start3A_259 : memref<10240x128xf32, #tpu.memory_space<vmem_shared>>) offsets(%dma_start3A_256 : memref<25xi32, #tpu.memory_space<vmem>>) semaphore(%arg22 : memref<!tpu.dma_semaphore, #tpu.memory_space<semaphore_mem>>) {add = true}
      %dma_wait3A_260 = arith.constant 36 : i32
      %dma_wait3A_261 = arith.constant 0 : i32
      %dma_wait3A_262 = tpu.memref_slice %arg6[%dma_wait3A_260, %dma_wait3A_261] : memref<40x25xi32, #tpu.memory_space<vmem>> -> memref<1x25xi32, #tpu.memory_space<vmem>>
      %dma_wait3A_263 = tpu.memref_squeeze %dma_wait3A_262 : memref<1x25xi32, #tpu.memory_space<vmem>> -> memref<25xi32, #tpu.memory_space<vmem>>
      %dma_wait3A_264 = arith.constant 0 : i32
      %dma_wait3A_265 = arith.constant 0 : i32
      %dma_wait3A_266 = tpu.memref_slice %arg2[%dma_wait3A_264, %dma_wait3A_265] : memref<10000x128xf32, #tpu.memory_space<hbm>> -> memref<10000x128xf32, #tpu.memory_space<hbm>>
      tpu.wait_indirect_dma semaphore(%arg18 : memref<!tpu.dma_semaphore, #tpu.memory_space<semaphore_mem>>) src(%dma_wait3A_266 : memref<10000x128xf32, #tpu.memory_space<hbm>>) dst(%arg13 : memref<25x128xf32, #tpu.memory_space<vmem>>)
      %dma_start3A_267 = arith.constant 36 : i32
      %dma_start3A_268 = arith.constant 0 : i32
      %dma_start3A_269 = tpu.memref_slice %arg7[%dma_start3A_267, %dma_start3A_268] : memref<40x25xi32, #tpu.memory_space<vmem>> -> memref<1x25xi32, #tpu.memory_space<vmem>>
      %dma_start3A_270 = tpu.memref_squeeze %dma_start3A_269 : memref<1x25xi32, #tpu.memory_space<vmem>> -> memref<25xi32, #tpu.memory_space<vmem>>
      %dma_start3A_271 = arith.constant 0 : i32
      %dma_start3A_272 = arith.constant 0 : i32
      %dma_start3A_273 = tpu.memref_slice %arg27[%dma_start3A_271, %dma_start3A_272] : memref<10240x128xf32, #tpu.memory_space<vmem_shared>> -> memref<10240x128xf32, #tpu.memory_space<vmem_shared>>
      tpu.enqueue_indirect_dma source(%arg13 : memref<25x128xf32, #tpu.memory_space<vmem>>) target(%dma_start3A_273 : memref<10240x128xf32, #tpu.memory_space<vmem_shared>>) offsets(%dma_start3A_270 : memref<25xi32, #tpu.memory_space<vmem>>) semaphore(%arg23 : memref<!tpu.dma_semaphore, #tpu.memory_space<semaphore_mem>>) {add = true}
      %dma_wait3A_274 = arith.constant 37 : i32
      %dma_wait3A_275 = arith.constant 0 : i32
      %dma_wait3A_276 = tpu.memref_slice %arg6[%dma_wait3A_274, %dma_wait3A_275] : memref<40x25xi32, #tpu.memory_space<vmem>> -> memref<1x25xi32, #tpu.memory_space<vmem>>
      %dma_wait3A_277 = tpu.memref_squeeze %dma_wait3A_276 : memref<1x25xi32, #tpu.memory_space<vmem>> -> memref<25xi32, #tpu.memory_space<vmem>>
      %dma_wait3A_278 = arith.constant 0 : i32
      %dma_wait3A_279 = arith.constant 0 : i32
      %dma_wait3A_280 = tpu.memref_slice %arg2[%dma_wait3A_278, %dma_wait3A_279] : memref<10000x128xf32, #tpu.memory_space<hbm>> -> memref<10000x128xf32, #tpu.memory_space<hbm>>
      tpu.wait_indirect_dma semaphore(%arg19 : memref<!tpu.dma_semaphore, #tpu.memory_space<semaphore_mem>>) src(%dma_wait3A_280 : memref<10000x128xf32, #tpu.memory_space<hbm>>) dst(%arg14 : memref<25x128xf32, #tpu.memory_space<vmem>>)
      %dma_start3A_281 = arith.constant 37 : i32
      %dma_start3A_282 = arith.constant 0 : i32
      %dma_start3A_283 = tpu.memref_slice %arg7[%dma_start3A_281, %dma_start3A_282] : memref<40x25xi32, #tpu.memory_space<vmem>> -> memref<1x25xi32, #tpu.memory_space<vmem>>
      %dma_start3A_284 = tpu.memref_squeeze %dma_start3A_283 : memref<1x25xi32, #tpu.memory_space<vmem>> -> memref<25xi32, #tpu.memory_space<vmem>>
      %dma_start3A_285 = arith.constant 0 : i32
      %dma_start3A_286 = arith.constant 0 : i32
      %dma_start3A_287 = tpu.memref_slice %arg27[%dma_start3A_285, %dma_start3A_286] : memref<10240x128xf32, #tpu.memory_space<vmem_shared>> -> memref<10240x128xf32, #tpu.memory_space<vmem_shared>>
      tpu.enqueue_indirect_dma source(%arg14 : memref<25x128xf32, #tpu.memory_space<vmem>>) target(%dma_start3A_287 : memref<10240x128xf32, #tpu.memory_space<vmem_shared>>) offsets(%dma_start3A_284 : memref<25xi32, #tpu.memory_space<vmem>>) semaphore(%arg24 : memref<!tpu.dma_semaphore, #tpu.memory_space<semaphore_mem>>) {add = true}
      %dma_wait3A_288 = arith.constant 38 : i32
      %dma_wait3A_289 = arith.constant 0 : i32
      %dma_wait3A_290 = tpu.memref_slice %arg6[%dma_wait3A_288, %dma_wait3A_289] : memref<40x25xi32, #tpu.memory_space<vmem>> -> memref<1x25xi32, #tpu.memory_space<vmem>>
      %dma_wait3A_291 = tpu.memref_squeeze %dma_wait3A_290 : memref<1x25xi32, #tpu.memory_space<vmem>> -> memref<25xi32, #tpu.memory_space<vmem>>
      %dma_wait3A_292 = arith.constant 0 : i32
      %dma_wait3A_293 = arith.constant 0 : i32
      %dma_wait3A_294 = tpu.memref_slice %arg2[%dma_wait3A_292, %dma_wait3A_293] : memref<10000x128xf32, #tpu.memory_space<hbm>> -> memref<10000x128xf32, #tpu.memory_space<hbm>>
      tpu.wait_indirect_dma semaphore(%arg20 : memref<!tpu.dma_semaphore, #tpu.memory_space<semaphore_mem>>) src(%dma_wait3A_294 : memref<10000x128xf32, #tpu.memory_space<hbm>>) dst(%arg15 : memref<25x128xf32, #tpu.memory_space<vmem>>)
      %dma_start3A_295 = arith.constant 38 : i32
      %dma_start3A_296 = arith.constant 0 : i32
      %dma_start3A_297 = tpu.memref_slice %arg7[%dma_start3A_295, %dma_start3A_296] : memref<40x25xi32, #tpu.memory_space<vmem>> -> memref<1x25xi32, #tpu.memory_space<vmem>>
      %dma_start3A_298 = tpu.memref_squeeze %dma_start3A_297 : memref<1x25xi32, #tpu.memory_space<vmem>> -> memref<25xi32, #tpu.memory_space<vmem>>
      %dma_start3A_299 = arith.constant 0 : i32
      %dma_start3A_300 = arith.constant 0 : i32
      %dma_start3A_301 = tpu.memref_slice %arg27[%dma_start3A_299, %dma_start3A_300] : memref<10240x128xf32, #tpu.memory_space<vmem_shared>> -> memref<10240x128xf32, #tpu.memory_space<vmem_shared>>
      tpu.enqueue_indirect_dma source(%arg15 : memref<25x128xf32, #tpu.memory_space<vmem>>) target(%dma_start3A_301 : memref<10240x128xf32, #tpu.memory_space<vmem_shared>>) offsets(%dma_start3A_298 : memref<25xi32, #tpu.memory_space<vmem>>) semaphore(%arg25 : memref<!tpu.dma_semaphore, #tpu.memory_space<semaphore_mem>>) {add = true}
      %dma_wait3A_302 = arith.constant 39 : i32
      %dma_wait3A_303 = arith.constant 0 : i32
      %dma_wait3A_304 = tpu.memref_slice %arg6[%dma_wait3A_302, %dma_wait3A_303] : memref<40x25xi32, #tpu.memory_space<vmem>> -> memref<1x25xi32, #tpu.memory_space<vmem>>
      %dma_wait3A_305 = tpu.memref_squeeze %dma_wait3A_304 : memref<1x25xi32, #tpu.memory_space<vmem>> -> memref<25xi32, #tpu.memory_space<vmem>>
      %dma_wait3A_306 = arith.constant 0 : i32
      %dma_wait3A_307 = arith.constant 0 : i32
      %dma_wait3A_308 = tpu.memref_slice %arg2[%dma_wait3A_306, %dma_wait3A_307] : memref<10000x128xf32, #tpu.memory_space<hbm>> -> memref<10000x128xf32, #tpu.memory_space<hbm>>
      tpu.wait_indirect_dma semaphore(%arg21 : memref<!tpu.dma_semaphore, #tpu.memory_space<semaphore_mem>>) src(%dma_wait3A_308 : memref<10000x128xf32, #tpu.memory_space<hbm>>) dst(%arg16 : memref<25x128xf32, #tpu.memory_space<vmem>>)
      %dma_start3A_309 = arith.constant 39 : i32
      %dma_start3A_310 = arith.constant 0 : i32
      %dma_start3A_311 = tpu.memref_slice %arg7[%dma_start3A_309, %dma_start3A_310] : memref<40x25xi32, #tpu.memory_space<vmem>> -> memref<1x25xi32, #tpu.memory_space<vmem>>
      %dma_start3A_312 = tpu.memref_squeeze %dma_start3A_311 : memref<1x25xi32, #tpu.memory_space<vmem>> -> memref<25xi32, #tpu.memory_space<vmem>>
      %dma_start3A_313 = arith.constant 0 : i32
      %dma_start3A_314 = arith.constant 0 : i32
      %dma_start3A_315 = tpu.memref_slice %arg27[%dma_start3A_313, %dma_start3A_314] : memref<10240x128xf32, #tpu.memory_space<vmem_shared>> -> memref<10240x128xf32, #tpu.memory_space<vmem_shared>>
      tpu.enqueue_indirect_dma source(%arg16 : memref<25x128xf32, #tpu.memory_space<vmem>>) target(%dma_start3A_315 : memref<10240x128xf32, #tpu.memory_space<vmem_shared>>) offsets(%dma_start3A_312 : memref<25xi32, #tpu.memory_space<vmem>>) semaphore(%arg26 : memref<!tpu.dma_semaphore, #tpu.memory_space<semaphore_mem>>) {add = true}
      %dma_wait3A_316 = arith.constant 35 : i32
      %dma_wait3A_317 = arith.constant 0 : i32
      %dma_wait3A_318 = tpu.memref_slice %arg7[%dma_wait3A_316, %dma_wait3A_317] : memref<40x25xi32, #tpu.memory_space<vmem>> -> memref<1x25xi32, #tpu.memory_space<vmem>>
      %dma_wait3A_319 = tpu.memref_squeeze %dma_wait3A_318 : memref<1x25xi32, #tpu.memory_space<vmem>> -> memref<25xi32, #tpu.memory_space<vmem>>
      %dma_wait3A_320 = arith.constant 0 : i32
      %dma_wait3A_321 = arith.constant 0 : i32
      %dma_wait3A_322 = tpu.memref_slice %arg27[%dma_wait3A_320, %dma_wait3A_321] : memref<10240x128xf32, #tpu.memory_space<vmem_shared>> -> memref<10240x128xf32, #tpu.memory_space<vmem_shared>>
      tpu.wait_indirect_dma semaphore(%arg22 : memref<!tpu.dma_semaphore, #tpu.memory_space<semaphore_mem>>) src(%arg12 : memref<25x128xf32, #tpu.memory_space<vmem>>) dst(%dma_wait3A_322 : memref<10240x128xf32, #tpu.memory_space<vmem_shared>>)
      %dma_wait3A_323 = arith.constant 36 : i32
      %dma_wait3A_324 = arith.constant 0 : i32
      %dma_wait3A_325 = tpu.memref_slice %arg7[%dma_wait3A_323, %dma_wait3A_324] : memref<40x25xi32, #tpu.memory_space<vmem>> -> memref<1x25xi32, #tpu.memory_space<vmem>>
      %dma_wait3A_326 = tpu.memref_squeeze %dma_wait3A_325 : memref<1x25xi32, #tpu.memory_space<vmem>> -> memref<25xi32, #tpu.memory_space<vmem>>
      %dma_wait3A_327 = arith.constant 0 : i32
      %dma_wait3A_328 = arith.constant 0 : i32
      %dma_wait3A_329 = tpu.memref_slice %arg27[%dma_wait3A_327, %dma_wait3A_328] : memref<10240x128xf32, #tpu.memory_space<vmem_shared>> -> memref<10240x128xf32, #tpu.memory_space<vmem_shared>>
      tpu.wait_indirect_dma semaphore(%arg23 : memref<!tpu.dma_semaphore, #tpu.memory_space<semaphore_mem>>) src(%arg13 : memref<25x128xf32, #tpu.memory_space<vmem>>) dst(%dma_wait3A_329 : memref<10240x128xf32, #tpu.memory_space<vmem_shared>>)
      %dma_wait3A_330 = arith.constant 37 : i32
      %dma_wait3A_331 = arith.constant 0 : i32
      %dma_wait3A_332 = tpu.memref_slice %arg7[%dma_wait3A_330, %dma_wait3A_331] : memref<40x25xi32, #tpu.memory_space<vmem>> -> memref<1x25xi32, #tpu.memory_space<vmem>>
      %dma_wait3A_333 = tpu.memref_squeeze %dma_wait3A_332 : memref<1x25xi32, #tpu.memory_space<vmem>> -> memref<25xi32, #tpu.memory_space<vmem>>
      %dma_wait3A_334 = arith.constant 0 : i32
      %dma_wait3A_335 = arith.constant 0 : i32
      %dma_wait3A_336 = tpu.memref_slice %arg27[%dma_wait3A_334, %dma_wait3A_335] : memref<10240x128xf32, #tpu.memory_space<vmem_shared>> -> memref<10240x128xf32, #tpu.memory_space<vmem_shared>>
      tpu.wait_indirect_dma semaphore(%arg24 : memref<!tpu.dma_semaphore, #tpu.memory_space<semaphore_mem>>) src(%arg14 : memref<25x128xf32, #tpu.memory_space<vmem>>) dst(%dma_wait3A_336 : memref<10240x128xf32, #tpu.memory_space<vmem_shared>>)
      %dma_wait3A_337 = arith.constant 38 : i32
      %dma_wait3A_338 = arith.constant 0 : i32
      %dma_wait3A_339 = tpu.memref_slice %arg7[%dma_wait3A_337, %dma_wait3A_338] : memref<40x25xi32, #tpu.memory_space<vmem>> -> memref<1x25xi32, #tpu.memory_space<vmem>>
      %dma_wait3A_340 = tpu.memref_squeeze %dma_wait3A_339 : memref<1x25xi32, #tpu.memory_space<vmem>> -> memref<25xi32, #tpu.memory_space<vmem>>
      %dma_wait3A_341 = arith.constant 0 : i32
      %dma_wait3A_342 = arith.constant 0 : i32
      %dma_wait3A_343 = tpu.memref_slice %arg27[%dma_wait3A_341, %dma_wait3A_342] : memref<10240x128xf32, #tpu.memory_space<vmem_shared>> -> memref<10240x128xf32, #tpu.memory_space<vmem_shared>>
      tpu.wait_indirect_dma semaphore(%arg25 : memref<!tpu.dma_semaphore, #tpu.memory_space<semaphore_mem>>) src(%arg15 : memref<25x128xf32, #tpu.memory_space<vmem>>) dst(%dma_wait3A_343 : memref<10240x128xf32, #tpu.memory_space<vmem_shared>>)
      %dma_wait3A_344 = arith.constant 39 : i32
      %dma_wait3A_345 = arith.constant 0 : i32
      %dma_wait3A_346 = tpu.memref_slice %arg7[%dma_wait3A_344, %dma_wait3A_345] : memref<40x25xi32, #tpu.memory_space<vmem>> -> memref<1x25xi32, #tpu.memory_space<vmem>>
      %dma_wait3A_347 = tpu.memref_squeeze %dma_wait3A_346 : memref<1x25xi32, #tpu.memory_space<vmem>> -> memref<25xi32, #tpu.memory_space<vmem>>
      %dma_wait3A_348 = arith.constant 0 : i32
      %dma_wait3A_349 = arith.constant 0 : i32
      %dma_wait3A_350 = tpu.memref_slice %arg27[%dma_wait3A_348, %dma_wait3A_349] : memref<10240x128xf32, #tpu.memory_space<vmem_shared>> -> memref<10240x128xf32, #tpu.memory_space<vmem_shared>>
      tpu.wait_indirect_dma semaphore(%arg26 : memref<!tpu.dma_semaphore, #tpu.memory_space<semaphore_mem>>) src(%arg16 : memref<25x128xf32, #tpu.memory_space<vmem>>) dst(%dma_wait3A_350 : memref<10240x128xf32, #tpu.memory_space<vmem_shared>>)
      %add3A_351 = arith.constant 2 : i32
      %add3A_352 = arith.addi %mul3A_146, %add3A_351 : i32
      %lt3A = arith.constant 10 : i32
      %lt3A_353 = arith.cmpi slt, %add3A_352, %lt3A : i32
      %convert_element_type3A = arith.extui %lt3A_353 : i1 to i32
      %cond3A = arith.constant 0 : i32
      %cond3A_354 = arith.cmpi ne, %convert_element_type3A, %cond3A : i32
      scf.if %cond3A_354 {
        %add3A_569 = arith.constant 2 : i32
        %add3A_570 = arith.addi %mul3A_146, %add3A_569 : i32
        %dma_start3A_571 = arith.constant 0 : i32
        %dma_start3A_572 = arith.constant 0 : i32
        %dma_start3A_573 = arith.constant 0 : i32
        %dma_start3A_574 = arith.constant 0 : i32
        %dma_start3A_575 = tpu.memref_slice %arg3[%arg0, %dma_start3A_571, %dma_start3A_572, %dma_start3A_573, %dma_start3A_574] : memref<2x16x10x40x25xi32, #tpu.memory_space<hbm>> -> memref<1x16x10x40x25xi32, #tpu.memory_space<hbm>>
        %dma_start3A_576 = tpu.memref_squeeze %dma_start3A_575 : memref<1x16x10x40x25xi32, #tpu.memory_space<hbm>> -> memref<16x10x40x25xi32, #tpu.memory_space<hbm>>
        %dma_start3A_577 = arith.constant 0 : i32
        %dma_start3A_578 = arith.constant 0 : i32
        %dma_start3A_579 = arith.constant 0 : i32
        %dma_start3A_580 = tpu.memref_slice %dma_start3A_576[%arg1, %dma_start3A_577, %dma_start3A_578, %dma_start3A_579] : memref<16x10x40x25xi32, #tpu.memory_space<hbm>> -> memref<1x10x40x25xi32, #tpu.memory_space<hbm>>
        %dma_start3A_581 = tpu.memref_squeeze %dma_start3A_580 : memref<1x10x40x25xi32, #tpu.memory_space<hbm>> -> memref<10x40x25xi32, #tpu.memory_space<hbm>>
        %dma_start3A_582 = arith.constant 0 : i32
        %dma_start3A_583 = arith.constant 0 : i32
        %dma_start3A_584 = tpu.memref_slice %dma_start3A_581[%add3A_570, %dma_start3A_582, %dma_start3A_583] : memref<10x40x25xi32, #tpu.memory_space<hbm>> -> memref<1x40x25xi32, #tpu.memory_space<hbm>>
        %dma_start3A_585 = tpu.memref_squeeze %dma_start3A_584 : memref<1x40x25xi32, #tpu.memory_space<hbm>> -> memref<40x25xi32, #tpu.memory_space<hbm>>
        %dma_start3A_586 = arith.constant 0 : i32
        %dma_start3A_587 = arith.constant 0 : i32
        %dma_start3A_588 = arith.constant 0 : i32
        %dma_start3A_589 = arith.constant 0 : i32
        %dma_start3A_590 = tpu.memref_slice %arg3[%arg0, %dma_start3A_586, %dma_start3A_587, %dma_start3A_588, %dma_start3A_589] : memref<2x16x10x40x25xi32, #tpu.memory_space<hbm>> -> memref<1x16x10x40x25xi32, #tpu.memory_space<hbm>>
        %dma_start3A_591 = tpu.memref_squeeze %dma_start3A_590 : memref<1x16x10x40x25xi32, #tpu.memory_space<hbm>> -> memref<16x10x40x25xi32, #tpu.memory_space<hbm>>
        %dma_start3A_592 = arith.constant 0 : i32
        %dma_start3A_593 = arith.constant 0 : i32
        %dma_start3A_594 = arith.constant 0 : i32
        %dma_start3A_595 = tpu.memref_slice %dma_start3A_591[%arg1, %dma_start3A_592, %dma_start3A_593, %dma_start3A_594] : memref<16x10x40x25xi32, #tpu.memory_space<hbm>> -> memref<1x10x40x25xi32, #tpu.memory_space<hbm>>
        %dma_start3A_596 = tpu.memref_squeeze %dma_start3A_595 : memref<1x10x40x25xi32, #tpu.memory_space<hbm>> -> memref<10x40x25xi32, #tpu.memory_space<hbm>>
        %dma_start3A_597 = arith.constant 0 : i32
        %dma_start3A_598 = arith.constant 0 : i32
        %dma_start3A_599 = tpu.memref_slice %dma_start3A_596[%add3A_570, %dma_start3A_597, %dma_start3A_598] : memref<10x40x25xi32, #tpu.memory_space<hbm>> -> memref<1x40x25xi32, #tpu.memory_space<hbm>>
        %dma_start3A_600 = tpu.memref_squeeze %dma_start3A_599 : memref<1x40x25xi32, #tpu.memory_space<hbm>> -> memref<40x25xi32, #tpu.memory_space<hbm>>
        tpu.enqueue_dma source(%dma_start3A_600 : memref<40x25xi32, #tpu.memory_space<hbm>>) target(%arg6 : memref<40x25xi32, #tpu.memory_space<vmem>>) target_semaphore(%arg10 : memref<!tpu.dma_semaphore, #tpu.memory_space<semaphore_mem>>)
        %dma_start3A_601 = arith.constant 0 : i32
        %dma_start3A_602 = arith.constant 0 : i32
        %dma_start3A_603 = arith.constant 0 : i32
        %dma_start3A_604 = arith.constant 0 : i32
        %dma_start3A_605 = tpu.memref_slice %arg4[%arg0, %dma_start3A_601, %dma_start3A_602, %dma_start3A_603, %dma_start3A_604] : memref<2x16x10x40x25xi32, #tpu.memory_space<hbm>> -> memref<1x16x10x40x25xi32, #tpu.memory_space<hbm>>
        %dma_start3A_606 = tpu.memref_squeeze %dma_start3A_605 : memref<1x16x10x40x25xi32, #tpu.memory_space<hbm>> -> memref<16x10x40x25xi32, #tpu.memory_space<hbm>>
        %dma_start3A_607 = arith.constant 0 : i32
        %dma_start3A_608 = arith.constant 0 : i32
        %dma_start3A_609 = arith.constant 0 : i32
        %dma_start3A_610 = tpu.memref_slice %dma_start3A_606[%arg1, %dma_start3A_607, %dma_start3A_608, %dma_start3A_609] : memref<16x10x40x25xi32, #tpu.memory_space<hbm>> -> memref<1x10x40x25xi32, #tpu.memory_space<hbm>>
        %dma_start3A_611 = tpu.memref_squeeze %dma_start3A_610 : memref<1x10x40x25xi32, #tpu.memory_space<hbm>> -> memref<10x40x25xi32, #tpu.memory_space<hbm>>
        %dma_start3A_612 = arith.constant 0 : i32
        %dma_start3A_613 = arith.constant 0 : i32
        %dma_start3A_614 = tpu.memref_slice %dma_start3A_611[%add3A_570, %dma_start3A_612, %dma_start3A_613] : memref<10x40x25xi32, #tpu.memory_space<hbm>> -> memref<1x40x25xi32, #tpu.memory_space<hbm>>
        %dma_start3A_615 = tpu.memref_squeeze %dma_start3A_614 : memref<1x40x25xi32, #tpu.memory_space<hbm>> -> memref<40x25xi32, #tpu.memory_space<hbm>>
        %dma_start3A_616 = arith.constant 0 : i32
        %dma_start3A_617 = arith.constant 0 : i32
        %dma_start3A_618 = arith.constant 0 : i32
        %dma_start3A_619 = arith.constant 0 : i32
        %dma_start3A_620 = tpu.memref_slice %arg4[%arg0, %dma_start3A_616, %dma_start3A_617, %dma_start3A_618, %dma_start3A_619] : memref<2x16x10x40x25xi32, #tpu.memory_space<hbm>> -> memref<1x16x10x40x25xi32, #tpu.memory_space<hbm>>
        %dma_start3A_621 = tpu.memref_squeeze %dma_start3A_620 : memref<1x16x10x40x25xi32, #tpu.memory_space<hbm>> -> memref<16x10x40x25xi32, #tpu.memory_space<hbm>>
        %dma_start3A_622 = arith.constant 0 : i32
        %dma_start3A_623 = arith.constant 0 : i32
        %dma_start3A_624 = arith.constant 0 : i32
        %dma_start3A_625 = tpu.memref_slice %dma_start3A_621[%arg1, %dma_start3A_622, %dma_start3A_623, %dma_start3A_624] : memref<16x10x40x25xi32, #tpu.memory_space<hbm>> -> memref<1x10x40x25xi32, #tpu.memory_space<hbm>>
        %dma_start3A_626 = tpu.memref_squeeze %dma_start3A_625 : memref<1x10x40x25xi32, #tpu.memory_space<hbm>> -> memref<10x40x25xi32, #tpu.memory_space<hbm>>
        %dma_start3A_627 = arith.constant 0 : i32
        %dma_start3A_628 = arith.constant 0 : i32
        %dma_start3A_629 = tpu.memref_slice %dma_start3A_626[%add3A_570, %dma_start3A_627, %dma_start3A_628] : memref<10x40x25xi32, #tpu.memory_space<hbm>> -> memref<1x40x25xi32, #tpu.memory_space<hbm>>
        %dma_start3A_630 = tpu.memref_squeeze %dma_start3A_629 : memref<1x40x25xi32, #tpu.memory_space<hbm>> -> memref<40x25xi32, #tpu.memory_space<hbm>>
        tpu.enqueue_dma source(%dma_start3A_630 : memref<40x25xi32, #tpu.memory_space<hbm>>) target(%arg7 : memref<40x25xi32, #tpu.memory_space<vmem>>) target_semaphore(%arg10 : memref<!tpu.dma_semaphore, #tpu.memory_space<semaphore_mem>>)
      } else {
      }
      %add3A_355 = arith.constant 1 : i32
      %add3A_356 = arith.addi %mul3A_146, %add3A_355 : i32
      %dma_wait3A_357 = arith.constant 0 : i32
      %dma_wait3A_358 = arith.constant 0 : i32
      %dma_wait3A_359 = arith.constant 0 : i32
      %dma_wait3A_360 = arith.constant 0 : i32
      %dma_wait3A_361 = tpu.memref_slice %arg3[%arg0, %dma_wait3A_357, %dma_wait3A_358, %dma_wait3A_359, %dma_wait3A_360] : memref<2x16x10x40x25xi32, #tpu.memory_space<hbm>> -> memref<1x16x10x40x25xi32, #tpu.memory_space<hbm>>
      %dma_wait3A_362 = tpu.memref_squeeze %dma_wait3A_361 : memref<1x16x10x40x25xi32, #tpu.memory_space<hbm>> -> memref<16x10x40x25xi32, #tpu.memory_space<hbm>>
      %dma_wait3A_363 = arith.constant 0 : i32
      %dma_wait3A_364 = arith.constant 0 : i32
      %dma_wait3A_365 = arith.constant 0 : i32
      %dma_wait3A_366 = tpu.memref_slice %dma_wait3A_362[%arg1, %dma_wait3A_363, %dma_wait3A_364, %dma_wait3A_365] : memref<16x10x40x25xi32, #tpu.memory_space<hbm>> -> memref<1x10x40x25xi32, #tpu.memory_space<hbm>>
      %dma_wait3A_367 = tpu.memref_squeeze %dma_wait3A_366 : memref<1x10x40x25xi32, #tpu.memory_space<hbm>> -> memref<10x40x25xi32, #tpu.memory_space<hbm>>
      %dma_wait3A_368 = arith.constant 0 : i32
      %dma_wait3A_369 = arith.constant 0 : i32
      %dma_wait3A_370 = tpu.memref_slice %dma_wait3A_367[%add3A_356, %dma_wait3A_368, %dma_wait3A_369] : memref<10x40x25xi32, #tpu.memory_space<hbm>> -> memref<1x40x25xi32, #tpu.memory_space<hbm>>
      %dma_wait3A_371 = tpu.memref_squeeze %dma_wait3A_370 : memref<1x40x25xi32, #tpu.memory_space<hbm>> -> memref<40x25xi32, #tpu.memory_space<hbm>>
      %dma_wait3A_372 = arith.constant 0 : i32
      %dma_wait3A_373 = arith.constant 0 : i32
      %dma_wait3A_374 = arith.constant 0 : i32
      %dma_wait3A_375 = arith.constant 0 : i32
      %dma_wait3A_376 = tpu.memref_slice %arg3[%arg0, %dma_wait3A_372, %dma_wait3A_373, %dma_wait3A_374, %dma_wait3A_375] : memref<2x16x10x40x25xi32, #tpu.memory_space<hbm>> -> memref<1x16x10x40x25xi32, #tpu.memory_space<hbm>>
      %dma_wait3A_377 = tpu.memref_squeeze %dma_wait3A_376 : memref<1x16x10x40x25xi32, #tpu.memory_space<hbm>> -> memref<16x10x40x25xi32, #tpu.memory_space<hbm>>
      %dma_wait3A_378 = arith.constant 0 : i32
      %dma_wait3A_379 = arith.constant 0 : i32
      %dma_wait3A_380 = arith.constant 0 : i32
      %dma_wait3A_381 = tpu.memref_slice %dma_wait3A_377[%arg1, %dma_wait3A_378, %dma_wait3A_379, %dma_wait3A_380] : memref<16x10x40x25xi32, #tpu.memory_space<hbm>> -> memref<1x10x40x25xi32, #tpu.memory_space<hbm>>
      %dma_wait3A_382 = tpu.memref_squeeze %dma_wait3A_381 : memref<1x10x40x25xi32, #tpu.memory_space<hbm>> -> memref<10x40x25xi32, #tpu.memory_space<hbm>>
      %dma_wait3A_383 = arith.constant 0 : i32
      %dma_wait3A_384 = arith.constant 0 : i32
      %dma_wait3A_385 = tpu.memref_slice %dma_wait3A_382[%add3A_356, %dma_wait3A_383, %dma_wait3A_384] : memref<10x40x25xi32, #tpu.memory_space<hbm>> -> memref<1x40x25xi32, #tpu.memory_space<hbm>>
      %dma_wait3A_386 = tpu.memref_squeeze %dma_wait3A_385 : memref<1x40x25xi32, #tpu.memory_space<hbm>> -> memref<40x25xi32, #tpu.memory_space<hbm>>
      tpu.wait_dma2 semaphore(%arg11 : memref<!tpu.dma_semaphore, #tpu.memory_space<semaphore_mem>>) src(%dma_wait3A_386 : memref<40x25xi32, #tpu.memory_space<hbm>>) dst(%arg8 : memref<40x25xi32, #tpu.memory_space<vmem>>)
      %dma_wait3A_387 = arith.constant 0 : i32
      %dma_wait3A_388 = arith.constant 0 : i32
      %dma_wait3A_389 = arith.constant 0 : i32
      %dma_wait3A_390 = arith.constant 0 : i32
      %dma_wait3A_391 = tpu.memref_slice %arg4[%arg0, %dma_wait3A_387, %dma_wait3A_388, %dma_wait3A_389, %dma_wait3A_390] : memref<2x16x10x40x25xi32, #tpu.memory_space<hbm>> -> memref<1x16x10x40x25xi32, #tpu.memory_space<hbm>>
      %dma_wait3A_392 = tpu.memref_squeeze %dma_wait3A_391 : memref<1x16x10x40x25xi32, #tpu.memory_space<hbm>> -> memref<16x10x40x25xi32, #tpu.memory_space<hbm>>
      %dma_wait3A_393 = arith.constant 0 : i32
      %dma_wait3A_394 = arith.constant 0 : i32
      %dma_wait3A_395 = arith.constant 0 : i32
      %dma_wait3A_396 = tpu.memref_slice %dma_wait3A_392[%arg1, %dma_wait3A_393, %dma_wait3A_394, %dma_wait3A_395] : memref<16x10x40x25xi32, #tpu.memory_space<hbm>> -> memref<1x10x40x25xi32, #tpu.memory_space<hbm>>
      %dma_wait3A_397 = tpu.memref_squeeze %dma_wait3A_396 : memref<1x10x40x25xi32, #tpu.memory_space<hbm>> -> memref<10x40x25xi32, #tpu.memory_space<hbm>>
      %dma_wait3A_398 = arith.constant 0 : i32
      %dma_wait3A_399 = arith.constant 0 : i32
      %dma_wait3A_400 = tpu.memref_slice %dma_wait3A_397[%add3A_356, %dma_wait3A_398, %dma_wait3A_399] : memref<10x40x25xi32, #tpu.memory_space<hbm>> -> memref<1x40x25xi32, #tpu.memory_space<hbm>>
      %dma_wait3A_401 = tpu.memref_squeeze %dma_wait3A_400 : memref<1x40x25xi32, #tpu.memory_space<hbm>> -> memref<40x25xi32, #tpu.memory_space<hbm>>
      %dma_wait3A_402 = arith.constant 0 : i32
      %dma_wait3A_403 = arith.constant 0 : i32
      %dma_wait3A_404 = arith.constant 0 : i32
      %dma_wait3A_405 = arith.constant 0 : i32
      %dma_wait3A_406 = tpu.memref_slice %arg4[%arg0, %dma_wait3A_402, %dma_wait3A_403, %dma_wait3A_404, %dma_wait3A_405] : memref<2x16x10x40x25xi32, #tpu.memory_space<hbm>> -> memref<1x16x10x40x25xi32, #tpu.memory_space<hbm>>
      %dma_wait3A_407 = tpu.memref_squeeze %dma_wait3A_406 : memref<1x16x10x40x25xi32, #tpu.memory_space<hbm>> -> memref<16x10x40x25xi32, #tpu.memory_space<hbm>>
      %dma_wait3A_408 = arith.constant 0 : i32
      %dma_wait3A_409 = arith.constant 0 : i32
      %dma_wait3A_410 = arith.constant 0 : i32
      %dma_wait3A_411 = tpu.memref_slice %dma_wait3A_407[%arg1, %dma_wait3A_408, %dma_wait3A_409, %dma_wait3A_410] : memref<16x10x40x25xi32, #tpu.memory_space<hbm>> -> memref<1x10x40x25xi32, #tpu.memory_space<hbm>>
      %dma_wait3A_412 = tpu.memref_squeeze %dma_wait3A_411 : memref<1x10x40x25xi32, #tpu.memory_space<hbm>> -> memref<10x40x25xi32, #tpu.memory_space<hbm>>
      %dma_wait3A_413 = arith.constant 0 : i32
      %dma_wait3A_414 = arith.constant 0 : i32
      %dma_wait3A_415 = tpu.memref_slice %dma_wait3A_412[%add3A_356, %dma_wait3A_413, %dma_wait3A_414] : memref<10x40x25xi32, #tpu.memory_space<hbm>> -> memref<1x40x25xi32, #tpu.memory_space<hbm>>
      %dma_wait3A_416 = tpu.memref_squeeze %dma_wait3A_415 : memref<1x40x25xi32, #tpu.memory_space<hbm>> -> memref<40x25xi32, #tpu.memory_space<hbm>>
      tpu.wait_dma2 semaphore(%arg11 : memref<!tpu.dma_semaphore, #tpu.memory_space<semaphore_mem>>) src(%dma_wait3A_416 : memref<40x25xi32, #tpu.memory_space<hbm>>) dst(%arg9 : memref<40x25xi32, #tpu.memory_space<vmem>>)
      %dma_start3A_417 = arith.constant 0 : i32
      %dma_start3A_418 = arith.constant 0 : i32
      %dma_start3A_419 = tpu.memref_slice %arg8[%dma_start3A_417, %dma_start3A_418] : memref<40x25xi32, #tpu.memory_space<vmem>> -> memref<1x25xi32, #tpu.memory_space<vmem>>
      %dma_start3A_420 = tpu.memref_squeeze %dma_start3A_419 : memref<1x25xi32, #tpu.memory_space<vmem>> -> memref<25xi32, #tpu.memory_space<vmem>>
      %dma_start3A_421 = arith.constant 0 : i32
      %dma_start3A_422 = arith.constant 0 : i32
      %dma_start3A_423 = tpu.memref_slice %arg2[%dma_start3A_421, %dma_start3A_422] : memref<10000x128xf32, #tpu.memory_space<hbm>> -> memref<10000x128xf32, #tpu.memory_space<hbm>>
      tpu.enqueue_indirect_dma source(%dma_start3A_423 : memref<10000x128xf32, #tpu.memory_space<hbm>>) target(%arg12 : memref<25x128xf32, #tpu.memory_space<vmem>>) offsets(%dma_start3A_420 : memref<25xi32, #tpu.memory_space<vmem>>) semaphore(%arg17 : memref<!tpu.dma_semaphore, #tpu.memory_space<semaphore_mem>>)
      %dma_start3A_424 = arith.constant 1 : i32
      %dma_start3A_425 = arith.constant 0 : i32
      %dma_start3A_426 = tpu.memref_slice %arg8[%dma_start3A_424, %dma_start3A_425] : memref<40x25xi32, #tpu.memory_space<vmem>> -> memref<1x25xi32, #tpu.memory_space<vmem>>
      %dma_start3A_427 = tpu.memref_squeeze %dma_start3A_426 : memref<1x25xi32, #tpu.memory_space<vmem>> -> memref<25xi32, #tpu.memory_space<vmem>>
      %dma_start3A_428 = arith.constant 0 : i32
      %dma_start3A_429 = arith.constant 0 : i32
      %dma_start3A_430 = tpu.memref_slice %arg2[%dma_start3A_428, %dma_start3A_429] : memref<10000x128xf32, #tpu.memory_space<hbm>> -> memref<10000x128xf32, #tpu.memory_space<hbm>>
      tpu.enqueue_indirect_dma source(%dma_start3A_430 : memref<10000x128xf32, #tpu.memory_space<hbm>>) target(%arg13 : memref<25x128xf32, #tpu.memory_space<vmem>>) offsets(%dma_start3A_427 : memref<25xi32, #tpu.memory_space<vmem>>) semaphore(%arg18 : memref<!tpu.dma_semaphore, #tpu.memory_space<semaphore_mem>>)
      %dma_start3A_431 = arith.constant 2 : i32
      %dma_start3A_432 = arith.constant 0 : i32
      %dma_start3A_433 = tpu.memref_slice %arg8[%dma_start3A_431, %dma_start3A_432] : memref<40x25xi32, #tpu.memory_space<vmem>> -> memref<1x25xi32, #tpu.memory_space<vmem>>
      %dma_start3A_434 = tpu.memref_squeeze %dma_start3A_433 : memref<1x25xi32, #tpu.memory_space<vmem>> -> memref<25xi32, #tpu.memory_space<vmem>>
      %dma_start3A_435 = arith.constant 0 : i32
      %dma_start3A_436 = arith.constant 0 : i32
      %dma_start3A_437 = tpu.memref_slice %arg2[%dma_start3A_435, %dma_start3A_436] : memref<10000x128xf32, #tpu.memory_space<hbm>> -> memref<10000x128xf32, #tpu.memory_space<hbm>>
      tpu.enqueue_indirect_dma source(%dma_start3A_437 : memref<10000x128xf32, #tpu.memory_space<hbm>>) target(%arg14 : memref<25x128xf32, #tpu.memory_space<vmem>>) offsets(%dma_start3A_434 : memref<25xi32, #tpu.memory_space<vmem>>) semaphore(%arg19 : memref<!tpu.dma_semaphore, #tpu.memory_space<semaphore_mem>>)
      %dma_start3A_438 = arith.constant 3 : i32
      %dma_start3A_439 = arith.constant 0 : i32
      %dma_start3A_440 = tpu.memref_slice %arg8[%dma_start3A_438, %dma_start3A_439] : memref<40x25xi32, #tpu.memory_space<vmem>> -> memref<1x25xi32, #tpu.memory_space<vmem>>
      %dma_start3A_441 = tpu.memref_squeeze %dma_start3A_440 : memref<1x25xi32, #tpu.memory_space<vmem>> -> memref<25xi32, #tpu.memory_space<vmem>>
      %dma_start3A_442 = arith.constant 0 : i32
      %dma_start3A_443 = arith.constant 0 : i32
      %dma_start3A_444 = tpu.memref_slice %arg2[%dma_start3A_442, %dma_start3A_443] : memref<10000x128xf32, #tpu.memory_space<hbm>> -> memref<10000x128xf32, #tpu.memory_space<hbm>>
      tpu.enqueue_indirect_dma source(%dma_start3A_444 : memref<10000x128xf32, #tpu.memory_space<hbm>>) target(%arg15 : memref<25x128xf32, #tpu.memory_space<vmem>>) offsets(%dma_start3A_441 : memref<25xi32, #tpu.memory_space<vmem>>) semaphore(%arg20 : memref<!tpu.dma_semaphore, #tpu.memory_space<semaphore_mem>>)
      %dma_start3A_445 = arith.constant 4 : i32
      %dma_start3A_446 = arith.constant 0 : i32
      %dma_start3A_447 = tpu.memref_slice %arg8[%dma_start3A_445, %dma_start3A_446] : memref<40x25xi32, #tpu.memory_space<vmem>> -> memref<1x25xi32, #tpu.memory_space<vmem>>
      %dma_start3A_448 = tpu.memref_squeeze %dma_start3A_447 : memref<1x25xi32, #tpu.memory_space<vmem>> -> memref<25xi32, #tpu.memory_space<vmem>>
      %dma_start3A_449 = arith.constant 0 : i32
      %dma_start3A_450 = arith.constant 0 : i32
      %dma_start3A_451 = tpu.memref_slice %arg2[%dma_start3A_449, %dma_start3A_450] : memref<10000x128xf32, #tpu.memory_space<hbm>> -> memref<10000x128xf32, #tpu.memory_space<hbm>>
      tpu.enqueue_indirect_dma source(%dma_start3A_451 : memref<10000x128xf32, #tpu.memory_space<hbm>>) target(%arg16 : memref<25x128xf32, #tpu.memory_space<vmem>>) offsets(%dma_start3A_448 : memref<25xi32, #tpu.memory_space<vmem>>) semaphore(%arg21 : memref<!tpu.dma_semaphore, #tpu.memory_space<semaphore_mem>>)
      %scan3A_452 = arith.constant 0 : i32
      %scan3A_453 = arith.constant 7 : i32
      %scan3A_454 = arith.addi %scan3A_452, %scan3A_453 : i32
      %scan3A_455 = arith.constant 1 : i32
      scf.for %scan3A_569 = %scan3A_452 to %scan3A_454 step %scan3A_455  : i32 {
        %mul3A_570 = arith.constant 1 : i32
        %mul3A_571 = arith.muli %scan3A_569, %mul3A_570 : i32
        %add3A_572 = arith.constant 0 : i32
        %add3A_573 = arith.addi %add3A_572, %mul3A_571 : i32
        %mul3A_574 = arith.constant 5 : i32
        %mul3A_575 = arith.muli %add3A_573, %mul3A_574 : i32
        %add3A_576 = arith.constant 0 : i32
        %add3A_577 = arith.addi %mul3A_575, %add3A_576 : i32
        %dma_wait3A_578 = arith.constant 0 : i32
        %dma_wait3A_579 = tpu.memref_slice %arg8[%add3A_577, %dma_wait3A_578] : memref<40x25xi32, #tpu.memory_space<vmem>> -> memref<1x25xi32, #tpu.memory_space<vmem>>
        %dma_wait3A_580 = tpu.memref_squeeze %dma_wait3A_579 : memref<1x25xi32, #tpu.memory_space<vmem>> -> memref<25xi32, #tpu.memory_space<vmem>>
        %dma_wait3A_581 = arith.constant 0 : i32
        %dma_wait3A_582 = arith.constant 0 : i32
        %dma_wait3A_583 = tpu.memref_slice %arg2[%dma_wait3A_581, %dma_wait3A_582] : memref<10000x128xf32, #tpu.memory_space<hbm>> -> memref<10000x128xf32, #tpu.memory_space<hbm>>
        tpu.wait_indirect_dma semaphore(%arg17 : memref<!tpu.dma_semaphore, #tpu.memory_space<semaphore_mem>>) src(%dma_wait3A_583 : memref<10000x128xf32, #tpu.memory_space<hbm>>) dst(%arg12 : memref<25x128xf32, #tpu.memory_space<vmem>>)
        %add3A_584 = arith.constant 0 : i32
        %add3A_585 = arith.addi %mul3A_575, %add3A_584 : i32
        %dma_start3A_586 = arith.constant 0 : i32
        %dma_start3A_587 = tpu.memref_slice %arg9[%add3A_585, %dma_start3A_586] : memref<40x25xi32, #tpu.memory_space<vmem>> -> memref<1x25xi32, #tpu.memory_space<vmem>>
        %dma_start3A_588 = tpu.memref_squeeze %dma_start3A_587 : memref<1x25xi32, #tpu.memory_space<vmem>> -> memref<25xi32, #tpu.memory_space<vmem>>
        %dma_start3A_589 = arith.constant 0 : i32
        %dma_start3A_590 = arith.constant 0 : i32
        %dma_start3A_591 = tpu.memref_slice %arg27[%dma_start3A_589, %dma_start3A_590] : memref<10240x128xf32, #tpu.memory_space<vmem_shared>> -> memref<10240x128xf32, #tpu.memory_space<vmem_shared>>
        tpu.enqueue_indirect_dma source(%arg12 : memref<25x128xf32, #tpu.memory_space<vmem>>) target(%dma_start3A_591 : memref<10240x128xf32, #tpu.memory_space<vmem_shared>>) offsets(%dma_start3A_588 : memref<25xi32, #tpu.memory_space<vmem>>) semaphore(%arg22 : memref<!tpu.dma_semaphore, #tpu.memory_space<semaphore_mem>>) {add = true}
        %add3A_592 = arith.constant 1 : i32
        %add3A_593 = arith.addi %mul3A_575, %add3A_592 : i32
        %dma_wait3A_594 = arith.constant 0 : i32
        %dma_wait3A_595 = tpu.memref_slice %arg8[%add3A_593, %dma_wait3A_594] : memref<40x25xi32, #tpu.memory_space<vmem>> -> memref<1x25xi32, #tpu.memory_space<vmem>>
        %dma_wait3A_596 = tpu.memref_squeeze %dma_wait3A_595 : memref<1x25xi32, #tpu.memory_space<vmem>> -> memref<25xi32, #tpu.memory_space<vmem>>
        %dma_wait3A_597 = arith.constant 0 : i32
        %dma_wait3A_598 = arith.constant 0 : i32
        %dma_wait3A_599 = tpu.memref_slice %arg2[%dma_wait3A_597, %dma_wait3A_598] : memref<10000x128xf32, #tpu.memory_space<hbm>> -> memref<10000x128xf32, #tpu.memory_space<hbm>>
        tpu.wait_indirect_dma semaphore(%arg18 : memref<!tpu.dma_semaphore, #tpu.memory_space<semaphore_mem>>) src(%dma_wait3A_599 : memref<10000x128xf32, #tpu.memory_space<hbm>>) dst(%arg13 : memref<25x128xf32, #tpu.memory_space<vmem>>)
        %add3A_600 = arith.constant 1 : i32
        %add3A_601 = arith.addi %mul3A_575, %add3A_600 : i32
        %dma_start3A_602 = arith.constant 0 : i32
        %dma_start3A_603 = tpu.memref_slice %arg9[%add3A_601, %dma_start3A_602] : memref<40x25xi32, #tpu.memory_space<vmem>> -> memref<1x25xi32, #tpu.memory_space<vmem>>
        %dma_start3A_604 = tpu.memref_squeeze %dma_start3A_603 : memref<1x25xi32, #tpu.memory_space<vmem>> -> memref<25xi32, #tpu.memory_space<vmem>>
        %dma_start3A_605 = arith.constant 0 : i32
        %dma_start3A_606 = arith.constant 0 : i32
        %dma_start3A_607 = tpu.memref_slice %arg27[%dma_start3A_605, %dma_start3A_606] : memref<10240x128xf32, #tpu.memory_space<vmem_shared>> -> memref<10240x128xf32, #tpu.memory_space<vmem_shared>>
        tpu.enqueue_indirect_dma source(%arg13 : memref<25x128xf32, #tpu.memory_space<vmem>>) target(%dma_start3A_607 : memref<10240x128xf32, #tpu.memory_space<vmem_shared>>) offsets(%dma_start3A_604 : memref<25xi32, #tpu.memory_space<vmem>>) semaphore(%arg23 : memref<!tpu.dma_semaphore, #tpu.memory_space<semaphore_mem>>) {add = true}
        %add3A_608 = arith.constant 2 : i32
        %add3A_609 = arith.addi %mul3A_575, %add3A_608 : i32
        %dma_wait3A_610 = arith.constant 0 : i32
        %dma_wait3A_611 = tpu.memref_slice %arg8[%add3A_609, %dma_wait3A_610] : memref<40x25xi32, #tpu.memory_space<vmem>> -> memref<1x25xi32, #tpu.memory_space<vmem>>
        %dma_wait3A_612 = tpu.memref_squeeze %dma_wait3A_611 : memref<1x25xi32, #tpu.memory_space<vmem>> -> memref<25xi32, #tpu.memory_space<vmem>>
        %dma_wait3A_613 = arith.constant 0 : i32
        %dma_wait3A_614 = arith.constant 0 : i32
        %dma_wait3A_615 = tpu.memref_slice %arg2[%dma_wait3A_613, %dma_wait3A_614] : memref<10000x128xf32, #tpu.memory_space<hbm>> -> memref<10000x128xf32, #tpu.memory_space<hbm>>
        tpu.wait_indirect_dma semaphore(%arg19 : memref<!tpu.dma_semaphore, #tpu.memory_space<semaphore_mem>>) src(%dma_wait3A_615 : memref<10000x128xf32, #tpu.memory_space<hbm>>) dst(%arg14 : memref<25x128xf32, #tpu.memory_space<vmem>>)
        %add3A_616 = arith.constant 2 : i32
        %add3A_617 = arith.addi %mul3A_575, %add3A_616 : i32
        %dma_start3A_618 = arith.constant 0 : i32
        %dma_start3A_619 = tpu.memref_slice %arg9[%add3A_617, %dma_start3A_618] : memref<40x25xi32, #tpu.memory_space<vmem>> -> memref<1x25xi32, #tpu.memory_space<vmem>>
        %dma_start3A_620 = tpu.memref_squeeze %dma_start3A_619 : memref<1x25xi32, #tpu.memory_space<vmem>> -> memref<25xi32, #tpu.memory_space<vmem>>
        %dma_start3A_621 = arith.constant 0 : i32
        %dma_start3A_622 = arith.constant 0 : i32
        %dma_start3A_623 = tpu.memref_slice %arg27[%dma_start3A_621, %dma_start3A_622] : memref<10240x128xf32, #tpu.memory_space<vmem_shared>> -> memref<10240x128xf32, #tpu.memory_space<vmem_shared>>
        tpu.enqueue_indirect_dma source(%arg14 : memref<25x128xf32, #tpu.memory_space<vmem>>) target(%dma_start3A_623 : memref<10240x128xf32, #tpu.memory_space<vmem_shared>>) offsets(%dma_start3A_620 : memref<25xi32, #tpu.memory_space<vmem>>) semaphore(%arg24 : memref<!tpu.dma_semaphore, #tpu.memory_space<semaphore_mem>>) {add = true}
        %add3A_624 = arith.constant 3 : i32
        %add3A_625 = arith.addi %mul3A_575, %add3A_624 : i32
        %dma_wait3A_626 = arith.constant 0 : i32
        %dma_wait3A_627 = tpu.memref_slice %arg8[%add3A_625, %dma_wait3A_626] : memref<40x25xi32, #tpu.memory_space<vmem>> -> memref<1x25xi32, #tpu.memory_space<vmem>>
        %dma_wait3A_628 = tpu.memref_squeeze %dma_wait3A_627 : memref<1x25xi32, #tpu.memory_space<vmem>> -> memref<25xi32, #tpu.memory_space<vmem>>
        %dma_wait3A_629 = arith.constant 0 : i32
        %dma_wait3A_630 = arith.constant 0 : i32
        %dma_wait3A_631 = tpu.memref_slice %arg2[%dma_wait3A_629, %dma_wait3A_630] : memref<10000x128xf32, #tpu.memory_space<hbm>> -> memref<10000x128xf32, #tpu.memory_space<hbm>>
        tpu.wait_indirect_dma semaphore(%arg20 : memref<!tpu.dma_semaphore, #tpu.memory_space<semaphore_mem>>) src(%dma_wait3A_631 : memref<10000x128xf32, #tpu.memory_space<hbm>>) dst(%arg15 : memref<25x128xf32, #tpu.memory_space<vmem>>)
        %add3A_632 = arith.constant 3 : i32
        %add3A_633 = arith.addi %mul3A_575, %add3A_632 : i32
        %dma_start3A_634 = arith.constant 0 : i32
        %dma_start3A_635 = tpu.memref_slice %arg9[%add3A_633, %dma_start3A_634] : memref<40x25xi32, #tpu.memory_space<vmem>> -> memref<1x25xi32, #tpu.memory_space<vmem>>
        %dma_start3A_636 = tpu.memref_squeeze %dma_start3A_635 : memref<1x25xi32, #tpu.memory_space<vmem>> -> memref<25xi32, #tpu.memory_space<vmem>>
        %dma_start3A_637 = arith.constant 0 : i32
        %dma_start3A_638 = arith.constant 0 : i32
        %dma_start3A_639 = tpu.memref_slice %arg27[%dma_start3A_637, %dma_start3A_638] : memref<10240x128xf32, #tpu.memory_space<vmem_shared>> -> memref<10240x128xf32, #tpu.memory_space<vmem_shared>>
        tpu.enqueue_indirect_dma source(%arg15 : memref<25x128xf32, #tpu.memory_space<vmem>>) target(%dma_start3A_639 : memref<10240x128xf32, #tpu.memory_space<vmem_shared>>) offsets(%dma_start3A_636 : memref<25xi32, #tpu.memory_space<vmem>>) semaphore(%arg25 : memref<!tpu.dma_semaphore, #tpu.memory_space<semaphore_mem>>) {add = true}
        %add3A_640 = arith.constant 4 : i32
        %add3A_641 = arith.addi %mul3A_575, %add3A_640 : i32
        %dma_wait3A_642 = arith.constant 0 : i32
        %dma_wait3A_643 = tpu.memref_slice %arg8[%add3A_641, %dma_wait3A_642] : memref<40x25xi32, #tpu.memory_space<vmem>> -> memref<1x25xi32, #tpu.memory_space<vmem>>
        %dma_wait3A_644 = tpu.memref_squeeze %dma_wait3A_643 : memref<1x25xi32, #tpu.memory_space<vmem>> -> memref<25xi32, #tpu.memory_space<vmem>>
        %dma_wait3A_645 = arith.constant 0 : i32
        %dma_wait3A_646 = arith.constant 0 : i32
        %dma_wait3A_647 = tpu.memref_slice %arg2[%dma_wait3A_645, %dma_wait3A_646] : memref<10000x128xf32, #tpu.memory_space<hbm>> -> memref<10000x128xf32, #tpu.memory_space<hbm>>
        tpu.wait_indirect_dma semaphore(%arg21 : memref<!tpu.dma_semaphore, #tpu.memory_space<semaphore_mem>>) src(%dma_wait3A_647 : memref<10000x128xf32, #tpu.memory_space<hbm>>) dst(%arg16 : memref<25x128xf32, #tpu.memory_space<vmem>>)
        %add3A_648 = arith.constant 4 : i32
        %add3A_649 = arith.addi %mul3A_575, %add3A_648 : i32
        %dma_start3A_650 = arith.constant 0 : i32
        %dma_start3A_651 = tpu.memref_slice %arg9[%add3A_649, %dma_start3A_650] : memref<40x25xi32, #tpu.memory_space<vmem>> -> memref<1x25xi32, #tpu.memory_space<vmem>>
        %dma_start3A_652 = tpu.memref_squeeze %dma_start3A_651 : memref<1x25xi32, #tpu.memory_space<vmem>> -> memref<25xi32, #tpu.memory_space<vmem>>
        %dma_start3A_653 = arith.constant 0 : i32
        %dma_start3A_654 = arith.constant 0 : i32
        %dma_start3A_655 = tpu.memref_slice %arg27[%dma_start3A_653, %dma_start3A_654] : memref<10240x128xf32, #tpu.memory_space<vmem_shared>> -> memref<10240x128xf32, #tpu.memory_space<vmem_shared>>
        tpu.enqueue_indirect_dma source(%arg16 : memref<25x128xf32, #tpu.memory_space<vmem>>) target(%dma_start3A_655 : memref<10240x128xf32, #tpu.memory_space<vmem_shared>>) offsets(%dma_start3A_652 : memref<25xi32, #tpu.memory_space<vmem>>) semaphore(%arg26 : memref<!tpu.dma_semaphore, #tpu.memory_space<semaphore_mem>>) {add = true}
        %add3A_656 = arith.constant 0 : i32
        %add3A_657 = arith.addi %mul3A_575, %add3A_656 : i32
        %dma_wait3A_658 = arith.constant 0 : i32
        %dma_wait3A_659 = tpu.memref_slice %arg9[%add3A_657, %dma_wait3A_658] : memref<40x25xi32, #tpu.memory_space<vmem>> -> memref<1x25xi32, #tpu.memory_space<vmem>>
        %dma_wait3A_660 = tpu.memref_squeeze %dma_wait3A_659 : memref<1x25xi32, #tpu.memory_space<vmem>> -> memref<25xi32, #tpu.memory_space<vmem>>
        %dma_wait3A_661 = arith.constant 0 : i32
        %dma_wait3A_662 = arith.constant 0 : i32
        %dma_wait3A_663 = tpu.memref_slice %arg27[%dma_wait3A_661, %dma_wait3A_662] : memref<10240x128xf32, #tpu.memory_space<vmem_shared>> -> memref<10240x128xf32, #tpu.memory_space<vmem_shared>>
        tpu.wait_indirect_dma semaphore(%arg22 : memref<!tpu.dma_semaphore, #tpu.memory_space<semaphore_mem>>) src(%arg12 : memref<25x128xf32, #tpu.memory_space<vmem>>) dst(%dma_wait3A_663 : memref<10240x128xf32, #tpu.memory_space<vmem_shared>>)
        %add3A_664 = arith.constant 5 : i32
        %add3A_665 = arith.addi %mul3A_575, %add3A_664 : i32
        %add3A_666 = arith.constant 0 : i32
        %add3A_667 = arith.addi %add3A_665, %add3A_666 : i32
        %dma_start3A_668 = arith.constant 0 : i32
        %dma_start3A_669 = tpu.memref_slice %arg8[%add3A_667, %dma_start3A_668] : memref<40x25xi32, #tpu.memory_space<vmem>> -> memref<1x25xi32, #tpu.memory_space<vmem>>
        %dma_start3A_670 = tpu.memref_squeeze %dma_start3A_669 : memref<1x25xi32, #tpu.memory_space<vmem>> -> memref<25xi32, #tpu.memory_space<vmem>>
        %dma_start3A_671 = arith.constant 0 : i32
        %dma_start3A_672 = arith.constant 0 : i32
        %dma_start3A_673 = tpu.memref_slice %arg2[%dma_start3A_671, %dma_start3A_672] : memref<10000x128xf32, #tpu.memory_space<hbm>> -> memref<10000x128xf32, #tpu.memory_space<hbm>>
        tpu.enqueue_indirect_dma source(%dma_start3A_673 : memref<10000x128xf32, #tpu.memory_space<hbm>>) target(%arg12 : memref<25x128xf32, #tpu.memory_space<vmem>>) offsets(%dma_start3A_670 : memref<25xi32, #tpu.memory_space<vmem>>) semaphore(%arg17 : memref<!tpu.dma_semaphore, #tpu.memory_space<semaphore_mem>>)
        %add3A_674 = arith.constant 1 : i32
        %add3A_675 = arith.addi %mul3A_575, %add3A_674 : i32
        %dma_wait3A_676 = arith.constant 0 : i32
        %dma_wait3A_677 = tpu.memref_slice %arg9[%add3A_675, %dma_wait3A_676] : memref<40x25xi32, #tpu.memory_space<vmem>> -> memref<1x25xi32, #tpu.memory_space<vmem>>
        %dma_wait3A_678 = tpu.memref_squeeze %dma_wait3A_677 : memref<1x25xi32, #tpu.memory_space<vmem>> -> memref<25xi32, #tpu.memory_space<vmem>>
        %dma_wait3A_679 = arith.constant 0 : i32
        %dma_wait3A_680 = arith.constant 0 : i32
        %dma_wait3A_681 = tpu.memref_slice %arg27[%dma_wait3A_679, %dma_wait3A_680] : memref<10240x128xf32, #tpu.memory_space<vmem_shared>> -> memref<10240x128xf32, #tpu.memory_space<vmem_shared>>
        tpu.wait_indirect_dma semaphore(%arg23 : memref<!tpu.dma_semaphore, #tpu.memory_space<semaphore_mem>>) src(%arg13 : memref<25x128xf32, #tpu.memory_space<vmem>>) dst(%dma_wait3A_681 : memref<10240x128xf32, #tpu.memory_space<vmem_shared>>)
        %add3A_682 = arith.constant 5 : i32
        %add3A_683 = arith.addi %mul3A_575, %add3A_682 : i32
        %add3A_684 = arith.constant 1 : i32
        %add3A_685 = arith.addi %add3A_683, %add3A_684 : i32
        %dma_start3A_686 = arith.constant 0 : i32
        %dma_start3A_687 = tpu.memref_slice %arg8[%add3A_685, %dma_start3A_686] : memref<40x25xi32, #tpu.memory_space<vmem>> -> memref<1x25xi32, #tpu.memory_space<vmem>>
        %dma_start3A_688 = tpu.memref_squeeze %dma_start3A_687 : memref<1x25xi32, #tpu.memory_space<vmem>> -> memref<25xi32, #tpu.memory_space<vmem>>
        %dma_start3A_689 = arith.constant 0 : i32
        %dma_start3A_690 = arith.constant 0 : i32
        %dma_start3A_691 = tpu.memref_slice %arg2[%dma_start3A_689, %dma_start3A_690] : memref<10000x128xf32, #tpu.memory_space<hbm>> -> memref<10000x128xf32, #tpu.memory_space<hbm>>
        tpu.enqueue_indirect_dma source(%dma_start3A_691 : memref<10000x128xf32, #tpu.memory_space<hbm>>) target(%arg13 : memref<25x128xf32, #tpu.memory_space<vmem>>) offsets(%dma_start3A_688 : memref<25xi32, #tpu.memory_space<vmem>>) semaphore(%arg18 : memref<!tpu.dma_semaphore, #tpu.memory_space<semaphore_mem>>)
        %add3A_692 = arith.constant 2 : i32
        %add3A_693 = arith.addi %mul3A_575, %add3A_692 : i32
        %dma_wait3A_694 = arith.constant 0 : i32
        %dma_wait3A_695 = tpu.memref_slice %arg9[%add3A_693, %dma_wait3A_694] : memref<40x25xi32, #tpu.memory_space<vmem>> -> memref<1x25xi32, #tpu.memory_space<vmem>>
        %dma_wait3A_696 = tpu.memref_squeeze %dma_wait3A_695 : memref<1x25xi32, #tpu.memory_space<vmem>> -> memref<25xi32, #tpu.memory_space<vmem>>
        %dma_wait3A_697 = arith.constant 0 : i32
        %dma_wait3A_698 = arith.constant 0 : i32
        %dma_wait3A_699 = tpu.memref_slice %arg27[%dma_wait3A_697, %dma_wait3A_698] : memref<10240x128xf32, #tpu.memory_space<vmem_shared>> -> memref<10240x128xf32, #tpu.memory_space<vmem_shared>>
        tpu.wait_indirect_dma semaphore(%arg24 : memref<!tpu.dma_semaphore, #tpu.memory_space<semaphore_mem>>) src(%arg14 : memref<25x128xf32, #tpu.memory_space<vmem>>) dst(%dma_wait3A_699 : memref<10240x128xf32, #tpu.memory_space<vmem_shared>>)
        %add3A_700 = arith.constant 5 : i32
        %add3A_701 = arith.addi %mul3A_575, %add3A_700 : i32
        %add3A_702 = arith.constant 2 : i32
        %add3A_703 = arith.addi %add3A_701, %add3A_702 : i32
        %dma_start3A_704 = arith.constant 0 : i32
        %dma_start3A_705 = tpu.memref_slice %arg8[%add3A_703, %dma_start3A_704] : memref<40x25xi32, #tpu.memory_space<vmem>> -> memref<1x25xi32, #tpu.memory_space<vmem>>
        %dma_start3A_706 = tpu.memref_squeeze %dma_start3A_705 : memref<1x25xi32, #tpu.memory_space<vmem>> -> memref<25xi32, #tpu.memory_space<vmem>>
        %dma_start3A_707 = arith.constant 0 : i32
        %dma_start3A_708 = arith.constant 0 : i32
        %dma_start3A_709 = tpu.memref_slice %arg2[%dma_start3A_707, %dma_start3A_708] : memref<10000x128xf32, #tpu.memory_space<hbm>> -> memref<10000x128xf32, #tpu.memory_space<hbm>>
        tpu.enqueue_indirect_dma source(%dma_start3A_709 : memref<10000x128xf32, #tpu.memory_space<hbm>>) target(%arg14 : memref<25x128xf32, #tpu.memory_space<vmem>>) offsets(%dma_start3A_706 : memref<25xi32, #tpu.memory_space<vmem>>) semaphore(%arg19 : memref<!tpu.dma_semaphore, #tpu.memory_space<semaphore_mem>>)
        %add3A_710 = arith.constant 3 : i32
        %add3A_711 = arith.addi %mul3A_575, %add3A_710 : i32
        %dma_wait3A_712 = arith.constant 0 : i32
        %dma_wait3A_713 = tpu.memref_slice %arg9[%add3A_711, %dma_wait3A_712] : memref<40x25xi32, #tpu.memory_space<vmem>> -> memref<1x25xi32, #tpu.memory_space<vmem>>
        %dma_wait3A_714 = tpu.memref_squeeze %dma_wait3A_713 : memref<1x25xi32, #tpu.memory_space<vmem>> -> memref<25xi32, #tpu.memory_space<vmem>>
        %dma_wait3A_715 = arith.constant 0 : i32
        %dma_wait3A_716 = arith.constant 0 : i32
        %dma_wait3A_717 = tpu.memref_slice %arg27[%dma_wait3A_715, %dma_wait3A_716] : memref<10240x128xf32, #tpu.memory_space<vmem_shared>> -> memref<10240x128xf32, #tpu.memory_space<vmem_shared>>
        tpu.wait_indirect_dma semaphore(%arg25 : memref<!tpu.dma_semaphore, #tpu.memory_space<semaphore_mem>>) src(%arg15 : memref<25x128xf32, #tpu.memory_space<vmem>>) dst(%dma_wait3A_717 : memref<10240x128xf32, #tpu.memory_space<vmem_shared>>)
        %add3A_718 = arith.constant 5 : i32
        %add3A_719 = arith.addi %mul3A_575, %add3A_718 : i32
        %add3A_720 = arith.constant 3 : i32
        %add3A_721 = arith.addi %add3A_719, %add3A_720 : i32
        %dma_start3A_722 = arith.constant 0 : i32
        %dma_start3A_723 = tpu.memref_slice %arg8[%add3A_721, %dma_start3A_722] : memref<40x25xi32, #tpu.memory_space<vmem>> -> memref<1x25xi32, #tpu.memory_space<vmem>>
        %dma_start3A_724 = tpu.memref_squeeze %dma_start3A_723 : memref<1x25xi32, #tpu.memory_space<vmem>> -> memref<25xi32, #tpu.memory_space<vmem>>
        %dma_start3A_725 = arith.constant 0 : i32
        %dma_start3A_726 = arith.constant 0 : i32
        %dma_start3A_727 = tpu.memref_slice %arg2[%dma_start3A_725, %dma_start3A_726] : memref<10000x128xf32, #tpu.memory_space<hbm>> -> memref<10000x128xf32, #tpu.memory_space<hbm>>
        tpu.enqueue_indirect_dma source(%dma_start3A_727 : memref<10000x128xf32, #tpu.memory_space<hbm>>) target(%arg15 : memref<25x128xf32, #tpu.memory_space<vmem>>) offsets(%dma_start3A_724 : memref<25xi32, #tpu.memory_space<vmem>>) semaphore(%arg20 : memref<!tpu.dma_semaphore, #tpu.memory_space<semaphore_mem>>)
        %add3A_728 = arith.constant 4 : i32
        %add3A_729 = arith.addi %mul3A_575, %add3A_728 : i32
        %dma_wait3A_730 = arith.constant 0 : i32
        %dma_wait3A_731 = tpu.memref_slice %arg9[%add3A_729, %dma_wait3A_730] : memref<40x25xi32, #tpu.memory_space<vmem>> -> memref<1x25xi32, #tpu.memory_space<vmem>>
        %dma_wait3A_732 = tpu.memref_squeeze %dma_wait3A_731 : memref<1x25xi32, #tpu.memory_space<vmem>> -> memref<25xi32, #tpu.memory_space<vmem>>
        %dma_wait3A_733 = arith.constant 0 : i32
        %dma_wait3A_734 = arith.constant 0 : i32
        %dma_wait3A_735 = tpu.memref_slice %arg27[%dma_wait3A_733, %dma_wait3A_734] : memref<10240x128xf32, #tpu.memory_space<vmem_shared>> -> memref<10240x128xf32, #tpu.memory_space<vmem_shared>>
        tpu.wait_indirect_dma semaphore(%arg26 : memref<!tpu.dma_semaphore, #tpu.memory_space<semaphore_mem>>) src(%arg16 : memref<25x128xf32, #tpu.memory_space<vmem>>) dst(%dma_wait3A_735 : memref<10240x128xf32, #tpu.memory_space<vmem_shared>>)
        %add3A_736 = arith.constant 5 : i32
        %add3A_737 = arith.addi %mul3A_575, %add3A_736 : i32
        %add3A_738 = arith.constant 4 : i32
        %add3A_739 = arith.addi %add3A_737, %add3A_738 : i32
        %dma_start3A_740 = arith.constant 0 : i32
        %dma_start3A_741 = tpu.memref_slice %arg8[%add3A_739, %dma_start3A_740] : memref<40x25xi32, #tpu.memory_space<vmem>> -> memref<1x25xi32, #tpu.memory_space<vmem>>
        %dma_start3A_742 = tpu.memref_squeeze %dma_start3A_741 : memref<1x25xi32, #tpu.memory_space<vmem>> -> memref<25xi32, #tpu.memory_space<vmem>>
        %dma_start3A_743 = arith.constant 0 : i32
        %dma_start3A_744 = arith.constant 0 : i32
        %dma_start3A_745 = tpu.memref_slice %arg2[%dma_start3A_743, %dma_start3A_744] : memref<10000x128xf32, #tpu.memory_space<hbm>> -> memref<10000x128xf32, #tpu.memory_space<hbm>>
        tpu.enqueue_indirect_dma source(%dma_start3A_745 : memref<10000x128xf32, #tpu.memory_space<hbm>>) target(%arg16 : memref<25x128xf32, #tpu.memory_space<vmem>>) offsets(%dma_start3A_742 : memref<25xi32, #tpu.memory_space<vmem>>) semaphore(%arg21 : memref<!tpu.dma_semaphore, #tpu.memory_space<semaphore_mem>>)
      }
      %scan3A_456 = arith.constant 7 : i32
      %dma_wait3A_457 = arith.constant 35 : i32
      %dma_wait3A_458 = arith.constant 0 : i32
      %dma_wait3A_459 = tpu.memref_slice %arg8[%dma_wait3A_457, %dma_wait3A_458] : memref<40x25xi32, #tpu.memory_space<vmem>> -> memref<1x25xi32, #tpu.memory_space<vmem>>
      %dma_wait3A_460 = tpu.memref_squeeze %dma_wait3A_459 : memref<1x25xi32, #tpu.memory_space<vmem>> -> memref<25xi32, #tpu.memory_space<vmem>>
      %dma_wait3A_461 = arith.constant 0 : i32
      %dma_wait3A_462 = arith.constant 0 : i32
      %dma_wait3A_463 = tpu.memref_slice %arg2[%dma_wait3A_461, %dma_wait3A_462] : memref<10000x128xf32, #tpu.memory_space<hbm>> -> memref<10000x128xf32, #tpu.memory_space<hbm>>
      tpu.wait_indirect_dma semaphore(%arg17 : memref<!tpu.dma_semaphore, #tpu.memory_space<semaphore_mem>>) src(%dma_wait3A_463 : memref<10000x128xf32, #tpu.memory_space<hbm>>) dst(%arg12 : memref<25x128xf32, #tpu.memory_space<vmem>>)
      %dma_start3A_464 = arith.constant 35 : i32
      %dma_start3A_465 = arith.constant 0 : i32
      %dma_start3A_466 = tpu.memref_slice %arg9[%dma_start3A_464, %dma_start3A_465] : memref<40x25xi32, #tpu.memory_space<vmem>> -> memref<1x25xi32, #tpu.memory_space<vmem>>
      %dma_start3A_467 = tpu.memref_squeeze %dma_start3A_466 : memref<1x25xi32, #tpu.memory_space<vmem>> -> memref<25xi32, #tpu.memory_space<vmem>>
      %dma_start3A_468 = arith.constant 0 : i32
      %dma_start3A_469 = arith.constant 0 : i32
      %dma_start3A_470 = tpu.memref_slice %arg27[%dma_start3A_468, %dma_start3A_469] : memref<10240x128xf32, #tpu.memory_space<vmem_shared>> -> memref<10240x128xf32, #tpu.memory_space<vmem_shared>>
      tpu.enqueue_indirect_dma source(%arg12 : memref<25x128xf32, #tpu.memory_space<vmem>>) target(%dma_start3A_470 : memref<10240x128xf32, #tpu.memory_space<vmem_shared>>) offsets(%dma_start3A_467 : memref<25xi32, #tpu.memory_space<vmem>>) semaphore(%arg22 : memref<!tpu.dma_semaphore, #tpu.memory_space<semaphore_mem>>) {add = true}
      %dma_wait3A_471 = arith.constant 36 : i32
      %dma_wait3A_472 = arith.constant 0 : i32
      %dma_wait3A_473 = tpu.memref_slice %arg8[%dma_wait3A_471, %dma_wait3A_472] : memref<40x25xi32, #tpu.memory_space<vmem>> -> memref<1x25xi32, #tpu.memory_space<vmem>>
      %dma_wait3A_474 = tpu.memref_squeeze %dma_wait3A_473 : memref<1x25xi32, #tpu.memory_space<vmem>> -> memref<25xi32, #tpu.memory_space<vmem>>
      %dma_wait3A_475 = arith.constant 0 : i32
      %dma_wait3A_476 = arith.constant 0 : i32
      %dma_wait3A_477 = tpu.memref_slice %arg2[%dma_wait3A_475, %dma_wait3A_476] : memref<10000x128xf32, #tpu.memory_space<hbm>> -> memref<10000x128xf32, #tpu.memory_space<hbm>>
      tpu.wait_indirect_dma semaphore(%arg18 : memref<!tpu.dma_semaphore, #tpu.memory_space<semaphore_mem>>) src(%dma_wait3A_477 : memref<10000x128xf32, #tpu.memory_space<hbm>>) dst(%arg13 : memref<25x128xf32, #tpu.memory_space<vmem>>)
      %dma_start3A_478 = arith.constant 36 : i32
      %dma_start3A_479 = arith.constant 0 : i32
      %dma_start3A_480 = tpu.memref_slice %arg9[%dma_start3A_478, %dma_start3A_479] : memref<40x25xi32, #tpu.memory_space<vmem>> -> memref<1x25xi32, #tpu.memory_space<vmem>>
      %dma_start3A_481 = tpu.memref_squeeze %dma_start3A_480 : memref<1x25xi32, #tpu.memory_space<vmem>> -> memref<25xi32, #tpu.memory_space<vmem>>
      %dma_start3A_482 = arith.constant 0 : i32
      %dma_start3A_483 = arith.constant 0 : i32
      %dma_start3A_484 = tpu.memref_slice %arg27[%dma_start3A_482, %dma_start3A_483] : memref<10240x128xf32, #tpu.memory_space<vmem_shared>> -> memref<10240x128xf32, #tpu.memory_space<vmem_shared>>
      tpu.enqueue_indirect_dma source(%arg13 : memref<25x128xf32, #tpu.memory_space<vmem>>) target(%dma_start3A_484 : memref<10240x128xf32, #tpu.memory_space<vmem_shared>>) offsets(%dma_start3A_481 : memref<25xi32, #tpu.memory_space<vmem>>) semaphore(%arg23 : memref<!tpu.dma_semaphore, #tpu.memory_space<semaphore_mem>>) {add = true}
      %dma_wait3A_485 = arith.constant 37 : i32
      %dma_wait3A_486 = arith.constant 0 : i32
      %dma_wait3A_487 = tpu.memref_slice %arg8[%dma_wait3A_485, %dma_wait3A_486] : memref<40x25xi32, #tpu.memory_space<vmem>> -> memref<1x25xi32, #tpu.memory_space<vmem>>
      %dma_wait3A_488 = tpu.memref_squeeze %dma_wait3A_487 : memref<1x25xi32, #tpu.memory_space<vmem>> -> memref<25xi32, #tpu.memory_space<vmem>>
      %dma_wait3A_489 = arith.constant 0 : i32
      %dma_wait3A_490 = arith.constant 0 : i32
      %dma_wait3A_491 = tpu.memref_slice %arg2[%dma_wait3A_489, %dma_wait3A_490] : memref<10000x128xf32, #tpu.memory_space<hbm>> -> memref<10000x128xf32, #tpu.memory_space<hbm>>
      tpu.wait_indirect_dma semaphore(%arg19 : memref<!tpu.dma_semaphore, #tpu.memory_space<semaphore_mem>>) src(%dma_wait3A_491 : memref<10000x128xf32, #tpu.memory_space<hbm>>) dst(%arg14 : memref<25x128xf32, #tpu.memory_space<vmem>>)
      %dma_start3A_492 = arith.constant 37 : i32
      %dma_start3A_493 = arith.constant 0 : i32
      %dma_start3A_494 = tpu.memref_slice %arg9[%dma_start3A_492, %dma_start3A_493] : memref<40x25xi32, #tpu.memory_space<vmem>> -> memref<1x25xi32, #tpu.memory_space<vmem>>
      %dma_start3A_495 = tpu.memref_squeeze %dma_start3A_494 : memref<1x25xi32, #tpu.memory_space<vmem>> -> memref<25xi32, #tpu.memory_space<vmem>>
      %dma_start3A_496 = arith.constant 0 : i32
      %dma_start3A_497 = arith.constant 0 : i32
      %dma_start3A_498 = tpu.memref_slice %arg27[%dma_start3A_496, %dma_start3A_497] : memref<10240x128xf32, #tpu.memory_space<vmem_shared>> -> memref<10240x128xf32, #tpu.memory_space<vmem_shared>>
      tpu.enqueue_indirect_dma source(%arg14 : memref<25x128xf32, #tpu.memory_space<vmem>>) target(%dma_start3A_498 : memref<10240x128xf32, #tpu.memory_space<vmem_shared>>) offsets(%dma_start3A_495 : memref<25xi32, #tpu.memory_space<vmem>>) semaphore(%arg24 : memref<!tpu.dma_semaphore, #tpu.memory_space<semaphore_mem>>) {add = true}
      %dma_wait3A_499 = arith.constant 38 : i32
      %dma_wait3A_500 = arith.constant 0 : i32
      %dma_wait3A_501 = tpu.memref_slice %arg8[%dma_wait3A_499, %dma_wait3A_500] : memref<40x25xi32, #tpu.memory_space<vmem>> -> memref<1x25xi32, #tpu.memory_space<vmem>>
      %dma_wait3A_502 = tpu.memref_squeeze %dma_wait3A_501 : memref<1x25xi32, #tpu.memory_space<vmem>> -> memref<25xi32, #tpu.memory_space<vmem>>
      %dma_wait3A_503 = arith.constant 0 : i32
      %dma_wait3A_504 = arith.constant 0 : i32
      %dma_wait3A_505 = tpu.memref_slice %arg2[%dma_wait3A_503, %dma_wait3A_504] : memref<10000x128xf32, #tpu.memory_space<hbm>> -> memref<10000x128xf32, #tpu.memory_space<hbm>>
      tpu.wait_indirect_dma semaphore(%arg20 : memref<!tpu.dma_semaphore, #tpu.memory_space<semaphore_mem>>) src(%dma_wait3A_505 : memref<10000x128xf32, #tpu.memory_space<hbm>>) dst(%arg15 : memref<25x128xf32, #tpu.memory_space<vmem>>)
      %dma_start3A_506 = arith.constant 38 : i32
      %dma_start3A_507 = arith.constant 0 : i32
      %dma_start3A_508 = tpu.memref_slice %arg9[%dma_start3A_506, %dma_start3A_507] : memref<40x25xi32, #tpu.memory_space<vmem>> -> memref<1x25xi32, #tpu.memory_space<vmem>>
      %dma_start3A_509 = tpu.memref_squeeze %dma_start3A_508 : memref<1x25xi32, #tpu.memory_space<vmem>> -> memref<25xi32, #tpu.memory_space<vmem>>
      %dma_start3A_510 = arith.constant 0 : i32
      %dma_start3A_511 = arith.constant 0 : i32
      %dma_start3A_512 = tpu.memref_slice %arg27[%dma_start3A_510, %dma_start3A_511] : memref<10240x128xf32, #tpu.memory_space<vmem_shared>> -> memref<10240x128xf32, #tpu.memory_space<vmem_shared>>
      tpu.enqueue_indirect_dma source(%arg15 : memref<25x128xf32, #tpu.memory_space<vmem>>) target(%dma_start3A_512 : memref<10240x128xf32, #tpu.memory_space<vmem_shared>>) offsets(%dma_start3A_509 : memref<25xi32, #tpu.memory_space<vmem>>) semaphore(%arg25 : memref<!tpu.dma_semaphore, #tpu.memory_space<semaphore_mem>>) {add = true}
      %dma_wait3A_513 = arith.constant 39 : i32
      %dma_wait3A_514 = arith.constant 0 : i32
      %dma_wait3A_515 = tpu.memref_slice %arg8[%dma_wait3A_513, %dma_wait3A_514] : memref<40x25xi32, #tpu.memory_space<vmem>> -> memref<1x25xi32, #tpu.memory_space<vmem>>
      %dma_wait3A_516 = tpu.memref_squeeze %dma_wait3A_515 : memref<1x25xi32, #tpu.memory_space<vmem>> -> memref<25xi32, #tpu.memory_space<vmem>>
      %dma_wait3A_517 = arith.constant 0 : i32
      %dma_wait3A_518 = arith.constant 0 : i32
      %dma_wait3A_519 = tpu.memref_slice %arg2[%dma_wait3A_517, %dma_wait3A_518] : memref<10000x128xf32, #tpu.memory_space<hbm>> -> memref<10000x128xf32, #tpu.memory_space<hbm>>
      tpu.wait_indirect_dma semaphore(%arg21 : memref<!tpu.dma_semaphore, #tpu.memory_space<semaphore_mem>>) src(%dma_wait3A_519 : memref<10000x128xf32, #tpu.memory_space<hbm>>) dst(%arg16 : memref<25x128xf32, #tpu.memory_space<vmem>>)
      %dma_start3A_520 = arith.constant 39 : i32
      %dma_start3A_521 = arith.constant 0 : i32
      %dma_start3A_522 = tpu.memref_slice %arg9[%dma_start3A_520, %dma_start3A_521] : memref<40x25xi32, #tpu.memory_space<vmem>> -> memref<1x25xi32, #tpu.memory_space<vmem>>
      %dma_start3A_523 = tpu.memref_squeeze %dma_start3A_522 : memref<1x25xi32, #tpu.memory_space<vmem>> -> memref<25xi32, #tpu.memory_space<vmem>>
      %dma_start3A_524 = arith.constant 0 : i32
      %dma_start3A_525 = arith.constant 0 : i32
      %dma_start3A_526 = tpu.memref_slice %arg27[%dma_start3A_524, %dma_start3A_525] : memref<10240x128xf32, #tpu.memory_space<vmem_shared>> -> memref<10240x128xf32, #tpu.memory_space<vmem_shared>>
      tpu.enqueue_indirect_dma source(%arg16 : memref<25x128xf32, #tpu.memory_space<vmem>>) target(%dma_start3A_526 : memref<10240x128xf32, #tpu.memory_space<vmem_shared>>) offsets(%dma_start3A_523 : memref<25xi32, #tpu.memory_space<vmem>>) semaphore(%arg26 : memref<!tpu.dma_semaphore, #tpu.memory_space<semaphore_mem>>) {add = true}
      %dma_wait3A_527 = arith.constant 35 : i32
      %dma_wait3A_528 = arith.constant 0 : i32
      %dma_wait3A_529 = tpu.memref_slice %arg9[%dma_wait3A_527, %dma_wait3A_528] : memref<40x25xi32, #tpu.memory_space<vmem>> -> memref<1x25xi32, #tpu.memory_space<vmem>>
      %dma_wait3A_530 = tpu.memref_squeeze %dma_wait3A_529 : memref<1x25xi32, #tpu.memory_space<vmem>> -> memref<25xi32, #tpu.memory_space<vmem>>
      %dma_wait3A_531 = arith.constant 0 : i32
      %dma_wait3A_532 = arith.constant 0 : i32
      %dma_wait3A_533 = tpu.memref_slice %arg27[%dma_wait3A_531, %dma_wait3A_532] : memref<10240x128xf32, #tpu.memory_space<vmem_shared>> -> memref<10240x128xf32, #tpu.memory_space<vmem_shared>>
      tpu.wait_indirect_dma semaphore(%arg22 : memref<!tpu.dma_semaphore, #tpu.memory_space<semaphore_mem>>) src(%arg12 : memref<25x128xf32, #tpu.memory_space<vmem>>) dst(%dma_wait3A_533 : memref<10240x128xf32, #tpu.memory_space<vmem_shared>>)
      %dma_wait3A_534 = arith.constant 36 : i32
      %dma_wait3A_535 = arith.constant 0 : i32
      %dma_wait3A_536 = tpu.memref_slice %arg9[%dma_wait3A_534, %dma_wait3A_535] : memref<40x25xi32, #tpu.memory_space<vmem>> -> memref<1x25xi32, #tpu.memory_space<vmem>>
      %dma_wait3A_537 = tpu.memref_squeeze %dma_wait3A_536 : memref<1x25xi32, #tpu.memory_space<vmem>> -> memref<25xi32, #tpu.memory_space<vmem>>
      %dma_wait3A_538 = arith.constant 0 : i32
      %dma_wait3A_539 = arith.constant 0 : i32
      %dma_wait3A_540 = tpu.memref_slice %arg27[%dma_wait3A_538, %dma_wait3A_539] : memref<10240x128xf32, #tpu.memory_space<vmem_shared>> -> memref<10240x128xf32, #tpu.memory_space<vmem_shared>>
      tpu.wait_indirect_dma semaphore(%arg23 : memref<!tpu.dma_semaphore, #tpu.memory_space<semaphore_mem>>) src(%arg13 : memref<25x128xf32, #tpu.memory_space<vmem>>) dst(%dma_wait3A_540 : memref<10240x128xf32, #tpu.memory_space<vmem_shared>>)
      %dma_wait3A_541 = arith.constant 37 : i32
      %dma_wait3A_542 = arith.constant 0 : i32
      %dma_wait3A_543 = tpu.memref_slice %arg9[%dma_wait3A_541, %dma_wait3A_542] : memref<40x25xi32, #tpu.memory_space<vmem>> -> memref<1x25xi32, #tpu.memory_space<vmem>>
      %dma_wait3A_544 = tpu.memref_squeeze %dma_wait3A_543 : memref<1x25xi32, #tpu.memory_space<vmem>> -> memref<25xi32, #tpu.memory_space<vmem>>
      %dma_wait3A_545 = arith.constant 0 : i32
      %dma_wait3A_546 = arith.constant 0 : i32
      %dma_wait3A_547 = tpu.memref_slice %arg27[%dma_wait3A_545, %dma_wait3A_546] : memref<10240x128xf32, #tpu.memory_space<vmem_shared>> -> memref<10240x128xf32, #tpu.memory_space<vmem_shared>>
      tpu.wait_indirect_dma semaphore(%arg24 : memref<!tpu.dma_semaphore, #tpu.memory_space<semaphore_mem>>) src(%arg14 : memref<25x128xf32, #tpu.memory_space<vmem>>) dst(%dma_wait3A_547 : memref<10240x128xf32, #tpu.memory_space<vmem_shared>>)
      %dma_wait3A_548 = arith.constant 38 : i32
      %dma_wait3A_549 = arith.constant 0 : i32
      %dma_wait3A_550 = tpu.memref_slice %arg9[%dma_wait3A_548, %dma_wait3A_549] : memref<40x25xi32, #tpu.memory_space<vmem>> -> memref<1x25xi32, #tpu.memory_space<vmem>>
      %dma_wait3A_551 = tpu.memref_squeeze %dma_wait3A_550 : memref<1x25xi32, #tpu.memory_space<vmem>> -> memref<25xi32, #tpu.memory_space<vmem>>
      %dma_wait3A_552 = arith.constant 0 : i32
      %dma_wait3A_553 = arith.constant 0 : i32
      %dma_wait3A_554 = tpu.memref_slice %arg27[%dma_wait3A_552, %dma_wait3A_553] : memref<10240x128xf32, #tpu.memory_space<vmem_shared>> -> memref<10240x128xf32, #tpu.memory_space<vmem_shared>>
      tpu.wait_indirect_dma semaphore(%arg25 : memref<!tpu.dma_semaphore, #tpu.memory_space<semaphore_mem>>) src(%arg15 : memref<25x128xf32, #tpu.memory_space<vmem>>) dst(%dma_wait3A_554 : memref<10240x128xf32, #tpu.memory_space<vmem_shared>>)
      %dma_wait3A_555 = arith.constant 39 : i32
      %dma_wait3A_556 = arith.constant 0 : i32
      %dma_wait3A_557 = tpu.memref_slice %arg9[%dma_wait3A_555, %dma_wait3A_556] : memref<40x25xi32, #tpu.memory_space<vmem>> -> memref<1x25xi32, #tpu.memory_space<vmem>>
      %dma_wait3A_558 = tpu.memref_squeeze %dma_wait3A_557 : memref<1x25xi32, #tpu.memory_space<vmem>> -> memref<25xi32, #tpu.memory_space<vmem>>
      %dma_wait3A_559 = arith.constant 0 : i32
      %dma_wait3A_560 = arith.constant 0 : i32
      %dma_wait3A_561 = tpu.memref_slice %arg27[%dma_wait3A_559, %dma_wait3A_560] : memref<10240x128xf32, #tpu.memory_space<vmem_shared>> -> memref<10240x128xf32, #tpu.memory_space<vmem_shared>>
      tpu.wait_indirect_dma semaphore(%arg26 : memref<!tpu.dma_semaphore, #tpu.memory_space<semaphore_mem>>) src(%arg16 : memref<25x128xf32, #tpu.memory_space<vmem>>) dst(%dma_wait3A_561 : memref<10240x128xf32, #tpu.memory_space<vmem_shared>>)
      %add3A_562 = arith.constant 3 : i32
      %add3A_563 = arith.addi %mul3A_146, %add3A_562 : i32
      %lt3A_564 = arith.constant 10 : i32
      %lt3A_565 = arith.cmpi slt, %add3A_563, %lt3A_564 : i32
      %convert_element_type3A_566 = arith.extui %lt3A_565 : i1 to i32
      %cond3A_567 = arith.constant 0 : i32
      %cond3A_568 = arith.cmpi ne, %convert_element_type3A_566, %cond3A_567 : i32
      scf.if %cond3A_568 {
        %add3A_569 = arith.constant 3 : i32
        %add3A_570 = arith.addi %mul3A_146, %add3A_569 : i32
        %dma_start3A_571 = arith.constant 0 : i32
        %dma_start3A_572 = arith.constant 0 : i32
        %dma_start3A_573 = arith.constant 0 : i32
        %dma_start3A_574 = arith.constant 0 : i32
        %dma_start3A_575 = tpu.memref_slice %arg3[%arg0, %dma_start3A_571, %dma_start3A_572, %dma_start3A_573, %dma_start3A_574] : memref<2x16x10x40x25xi32, #tpu.memory_space<hbm>> -> memref<1x16x10x40x25xi32, #tpu.memory_space<hbm>>
        %dma_start3A_576 = tpu.memref_squeeze %dma_start3A_575 : memref<1x16x10x40x25xi32, #tpu.memory_space<hbm>> -> memref<16x10x40x25xi32, #tpu.memory_space<hbm>>
        %dma_start3A_577 = arith.constant 0 : i32
        %dma_start3A_578 = arith.constant 0 : i32
        %dma_start3A_579 = arith.constant 0 : i32
        %dma_start3A_580 = tpu.memref_slice %dma_start3A_576[%arg1, %dma_start3A_577, %dma_start3A_578, %dma_start3A_579] : memref<16x10x40x25xi32, #tpu.memory_space<hbm>> -> memref<1x10x40x25xi32, #tpu.memory_space<hbm>>
        %dma_start3A_581 = tpu.memref_squeeze %dma_start3A_580 : memref<1x10x40x25xi32, #tpu.memory_space<hbm>> -> memref<10x40x25xi32, #tpu.memory_space<hbm>>
        %dma_start3A_582 = arith.constant 0 : i32
        %dma_start3A_583 = arith.constant 0 : i32
        %dma_start3A_584 = tpu.memref_slice %dma_start3A_581[%add3A_570, %dma_start3A_582, %dma_start3A_583] : memref<10x40x25xi32, #tpu.memory_space<hbm>> -> memref<1x40x25xi32, #tpu.memory_space<hbm>>
        %dma_start3A_585 = tpu.memref_squeeze %dma_start3A_584 : memref<1x40x25xi32, #tpu.memory_space<hbm>> -> memref<40x25xi32, #tpu.memory_space<hbm>>
        %dma_start3A_586 = arith.constant 0 : i32
        %dma_start3A_587 = arith.constant 0 : i32
        %dma_start3A_588 = arith.constant 0 : i32
        %dma_start3A_589 = arith.constant 0 : i32
        %dma_start3A_590 = tpu.memref_slice %arg3[%arg0, %dma_start3A_586, %dma_start3A_587, %dma_start3A_588, %dma_start3A_589] : memref<2x16x10x40x25xi32, #tpu.memory_space<hbm>> -> memref<1x16x10x40x25xi32, #tpu.memory_space<hbm>>
        %dma_start3A_591 = tpu.memref_squeeze %dma_start3A_590 : memref<1x16x10x40x25xi32, #tpu.memory_space<hbm>> -> memref<16x10x40x25xi32, #tpu.memory_space<hbm>>
        %dma_start3A_592 = arith.constant 0 : i32
        %dma_start3A_593 = arith.constant 0 : i32
        %dma_start3A_594 = arith.constant 0 : i32
        %dma_start3A_595 = tpu.memref_slice %dma_start3A_591[%arg1, %dma_start3A_592, %dma_start3A_593, %dma_start3A_594] : memref<16x10x40x25xi32, #tpu.memory_space<hbm>> -> memref<1x10x40x25xi32, #tpu.memory_space<hbm>>
        %dma_start3A_596 = tpu.memref_squeeze %dma_start3A_595 : memref<1x10x40x25xi32, #tpu.memory_space<hbm>> -> memref<10x40x25xi32, #tpu.memory_space<hbm>>
        %dma_start3A_597 = arith.constant 0 : i32
        %dma_start3A_598 = arith.constant 0 : i32
        %dma_start3A_599 = tpu.memref_slice %dma_start3A_596[%add3A_570, %dma_start3A_597, %dma_start3A_598] : memref<10x40x25xi32, #tpu.memory_space<hbm>> -> memref<1x40x25xi32, #tpu.memory_space<hbm>>
        %dma_start3A_600 = tpu.memref_squeeze %dma_start3A_599 : memref<1x40x25xi32, #tpu.memory_space<hbm>> -> memref<40x25xi32, #tpu.memory_space<hbm>>
        tpu.enqueue_dma source(%dma_start3A_600 : memref<40x25xi32, #tpu.memory_space<hbm>>) target(%arg8 : memref<40x25xi32, #tpu.memory_space<vmem>>) target_semaphore(%arg11 : memref<!tpu.dma_semaphore, #tpu.memory_space<semaphore_mem>>)
        %dma_start3A_601 = arith.constant 0 : i32
        %dma_start3A_602 = arith.constant 0 : i32
        %dma_start3A_603 = arith.constant 0 : i32
        %dma_start3A_604 = arith.constant 0 : i32
        %dma_start3A_605 = tpu.memref_slice %arg4[%arg0, %dma_start3A_601, %dma_start3A_602, %dma_start3A_603, %dma_start3A_604] : memref<2x16x10x40x25xi32, #tpu.memory_space<hbm>> -> memref<1x16x10x40x25xi32, #tpu.memory_space<hbm>>
        %dma_start3A_606 = tpu.memref_squeeze %dma_start3A_605 : memref<1x16x10x40x25xi32, #tpu.memory_space<hbm>> -> memref<16x10x40x25xi32, #tpu.memory_space<hbm>>
        %dma_start3A_607 = arith.constant 0 : i32
        %dma_start3A_608 = arith.constant 0 : i32
        %dma_start3A_609 = arith.constant 0 : i32
        %dma_start3A_610 = tpu.memref_slice %dma_start3A_606[%arg1, %dma_start3A_607, %dma_start3A_608, %dma_start3A_609] : memref<16x10x40x25xi32, #tpu.memory_space<hbm>> -> memref<1x10x40x25xi32, #tpu.memory_space<hbm>>
        %dma_start3A_611 = tpu.memref_squeeze %dma_start3A_610 : memref<1x10x40x25xi32, #tpu.memory_space<hbm>> -> memref<10x40x25xi32, #tpu.memory_space<hbm>>
        %dma_start3A_612 = arith.constant 0 : i32
        %dma_start3A_613 = arith.constant 0 : i32
        %dma_start3A_614 = tpu.memref_slice %dma_start3A_611[%add3A_570, %dma_start3A_612, %dma_start3A_613] : memref<10x40x25xi32, #tpu.memory_space<hbm>> -> memref<1x40x25xi32, #tpu.memory_space<hbm>>
        %dma_start3A_615 = tpu.memref_squeeze %dma_start3A_614 : memref<1x40x25xi32, #tpu.memory_space<hbm>> -> memref<40x25xi32, #tpu.memory_space<hbm>>
        %dma_start3A_616 = arith.constant 0 : i32
        %dma_start3A_617 = arith.constant 0 : i32
        %dma_start3A_618 = arith.constant 0 : i32
        %dma_start3A_619 = arith.constant 0 : i32
        %dma_start3A_620 = tpu.memref_slice %arg4[%arg0, %dma_start3A_616, %dma_start3A_617, %dma_start3A_618, %dma_start3A_619] : memref<2x16x10x40x25xi32, #tpu.memory_space<hbm>> -> memref<1x16x10x40x25xi32, #tpu.memory_space<hbm>>
        %dma_start3A_621 = tpu.memref_squeeze %dma_start3A_620 : memref<1x16x10x40x25xi32, #tpu.memory_space<hbm>> -> memref<16x10x40x25xi32, #tpu.memory_space<hbm>>
        %dma_start3A_622 = arith.constant 0 : i32
        %dma_start3A_623 = arith.constant 0 : i32
        %dma_start3A_624 = arith.constant 0 : i32
        %dma_start3A_625 = tpu.memref_slice %dma_start3A_621[%arg1, %dma_start3A_622, %dma_start3A_623, %dma_start3A_624] : memref<16x10x40x25xi32, #tpu.memory_space<hbm>> -> memref<1x10x40x25xi32, #tpu.memory_space<hbm>>
        %dma_start3A_626 = tpu.memref_squeeze %dma_start3A_625 : memref<1x10x40x25xi32, #tpu.memory_space<hbm>> -> memref<10x40x25xi32, #tpu.memory_space<hbm>>
        %dma_start3A_627 = arith.constant 0 : i32
        %dma_start3A_628 = arith.constant 0 : i32
        %dma_start3A_629 = tpu.memref_slice %dma_start3A_626[%add3A_570, %dma_start3A_627, %dma_start3A_628] : memref<10x40x25xi32, #tpu.memory_space<hbm>> -> memref<1x40x25xi32, #tpu.memory_space<hbm>>
        %dma_start3A_630 = tpu.memref_squeeze %dma_start3A_629 : memref<1x40x25xi32, #tpu.memory_space<hbm>> -> memref<40x25xi32, #tpu.memory_space<hbm>>
        tpu.enqueue_dma source(%dma_start3A_630 : memref<40x25xi32, #tpu.memory_space<hbm>>) target(%arg9 : memref<40x25xi32, #tpu.memory_space<vmem>>) target_semaphore(%arg11 : memref<!tpu.dma_semaphore, #tpu.memory_space<semaphore_mem>>)
      } else {
      }
    }
    %scan3A_136 = arith.constant 5 : i32
    %barrier3A_137 = arith.constant 0 : index
    tpu.barrier barrier_id(%barrier3A_137)
    %mul3A = arith.constant 640 : i32
    %mul3A_138 = arith.muli %arg1, %mul3A : i32
    %mul3A_139 = arith.constant 640 : i32
    %mul3A_140 = arith.muli %arg1, %mul3A_139 : i32
    "tpu.region"() ({
      %run_scoped3A = tpu.sem_alloc : memref<!tpu.dma_semaphore, #tpu.memory_space<semaphore_mem>>
      %dma_start3A_141 = arith.constant 0 : i32
      %dma_start3A_142 = arith.constant 0 : i32
      %dma_start3A_143 = tpu.memref_slice %arg5[%arg0, %dma_start3A_141, %dma_start3A_142] : memref<2x10240x128xf32, #tpu.memory_space<hbm>> -> memref<1x10240x128xf32, #tpu.memory_space<hbm>>
      %dma_start3A_144 = tpu.memref_squeeze %dma_start3A_143 : memref<1x10240x128xf32, #tpu.memory_space<hbm>> -> memref<10240x128xf32, #tpu.memory_space<hbm>>
      %dma_start3A_145 = arith.constant 0 : i32
      %dma_start3A_146 = tpu.memref_slice %dma_start3A_144[%mul3A_140, %dma_start3A_145] : memref<10240x128xf32, #tpu.memory_space<hbm>> -> memref<640x128xf32, #tpu.memory_space<hbm>>
      %dma_start3A_147 = arith.constant 0 : i32
      %dma_start3A_148 = tpu.memref_slice %arg27[%mul3A_138, %dma_start3A_147] : memref<10240x128xf32, #tpu.memory_space<vmem_shared>> -> memref<640x128xf32, #tpu.memory_space<vmem_shared>>
      tpu.enqueue_dma source(%dma_start3A_148 : memref<640x128xf32, #tpu.memory_space<vmem_shared>>) target(%dma_start3A_146 : memref<640x128xf32, #tpu.memory_space<hbm>>) target_semaphore(%run_scoped3A : memref<!tpu.dma_semaphore, #tpu.memory_space<semaphore_mem>>)
      %dma_wait3A = arith.constant 0 : i32
      %dma_wait3A_149 = arith.constant 0 : i32
      %dma_wait3A_150 = tpu.memref_slice %arg5[%arg0, %dma_wait3A, %dma_wait3A_149] : memref<2x10240x128xf32, #tpu.memory_space<hbm>> -> memref<1x10240x128xf32, #tpu.memory_space<hbm>>
      %dma_wait3A_151 = tpu.memref_squeeze %dma_wait3A_150 : memref<1x10240x128xf32, #tpu.memory_space<hbm>> -> memref<10240x128xf32, #tpu.memory_space<hbm>>
      %dma_wait3A_152 = arith.constant 0 : i32
      %dma_wait3A_153 = tpu.memref_slice %dma_wait3A_151[%mul3A_140, %dma_wait3A_152] : memref<10240x128xf32, #tpu.memory_space<hbm>> -> memref<640x128xf32, #tpu.memory_space<hbm>>
      %dma_wait3A_154 = arith.constant 0 : i32
      %dma_wait3A_155 = tpu.memref_slice %arg27[%mul3A_138, %dma_wait3A_154] : memref<10240x128xf32, #tpu.memory_space<vmem_shared>> -> memref<640x128xf32, #tpu.memory_space<vmem_shared>>
      tpu.wait_dma2 semaphore(%run_scoped3A : memref<!tpu.dma_semaphore, #tpu.memory_space<semaphore_mem>>) src(%dma_wait3A_155 : memref<640x128xf32, #tpu.memory_space<vmem_shared>>) dst(%dma_wait3A_153 : memref<640x128xf32, #tpu.memory_space<hbm>>)
      tpu.yield
    }) : () -> ()
    return
  }
}

module attributes {stable_mosaic.version = 14 : i64} {
  func.func @_z1_body(%arg0: i32, %arg1: memref<1000x128xf32, #tpu.memory_space<vmem>>, %arg2: memref<128x256xf32, #tpu.memory_space<vmem>>, %arg3: memref<2x1000x1xf32, #tpu.memory_space<vmem>>, %arg4: memref<2x1000x128xf32, #tpu.memory_space<vmem>>) attributes {dimension_semantics = [#tpu.dimension_semantics<arbitrary>], iteration_bounds = array<i64: 10>, scalar_prefetch = 0 : i64, scratch_operands = 0 : i64, tpu.core_type = #tpu.core_type<tc>, window_params = [{transform_indices = @transform_0, window_bounds = array<i64: 1000, 128>}, {pipeline_mode = #tpu.pipeline_mode<synchronous>, transform_indices = @transform_1, window_bounds = array<i64: 128, 256>}, {transform_indices = @transform_2, window_bounds = array<i64: 2, 1000, 1>}, {transform_indices = @transform_3, window_bounds = array<i64: 2, 1000, 128>}]} {
    %get3A = arith.constant 0 : index
    %get3A_0 = arith.constant 0 : index
    %get3A_1 = vector.load %arg1[%get3A, %get3A_0] : memref<1000x128xf32, #tpu.memory_space<vmem>>, vector<1000x128xf32>
    %get3A_2 = arith.constant 0 : index
    %get3A_3 = arith.constant 0 : index
    %get3A_4 = vector.load %arg2[%get3A_2, %get3A_3] : memref<128x256xf32, #tpu.memory_space<vmem>>, vector<128x256xf32>
    %dot_general3A = arith.constant dense<0.000000e+00> : vector<1000x256xf32>
    %dot_general3A_5 = tpu.matmul %get3A_1, %get3A_4, %dot_general3A {dimension_numbers = #tpu.dot_dimension_numbers<[1], [0], [0], [1], [0, 0, 1, 1], [], []>, transpose_lhs_hint = false} : vector<1000x128xf32>, vector<128x256xf32>, vector<1000x256xf32> -> vector<1000x256xf32>
    %get3A_6 = arith.constant 0 : index
    %get3A_7 = arith.constant 0 : index
    %get3A_8 = arith.constant 0 : index
    %get3A_9 = vector.load %arg3[%get3A_6, %get3A_7, %get3A_8] : memref<2x1000x1xf32, #tpu.memory_space<vmem>>, vector<1x1000x1xf32>
    %get3A_10 = vector.shape_cast %get3A_9 : vector<1x1000x1xf32> to vector<1000x1xf32>
    %get3A_11 = arith.constant 1 : index
    %get3A_12 = arith.constant 0 : index
    %get3A_13 = arith.constant 0 : index
    %get3A_14 = vector.load %arg3[%get3A_11, %get3A_12, %get3A_13] : memref<2x1000x1xf32, #tpu.memory_space<vmem>>, vector<1x1000x1xf32>
    %get3A_15 = vector.shape_cast %get3A_14 : vector<1x1000x1xf32> to vector<1000x1xf32>
    %add3A = arith.addf %get3A_10, %get3A_15 : vector<1000x1xf32>
    %add3A_16 = arith.constant 1.000000e+00 : f32
    %add3A_17 = vector.broadcast %add3A_16 : f32 to vector<1000x1xf32>
    %add3A_18 = arith.addf %add3A, %add3A_17 : vector<1000x1xf32>
    %rsqrt3A = math.rsqrt %add3A_18 : vector<1000x1xf32>
    %mul3A = vector.broadcast %rsqrt3A : vector<1000x1xf32> to vector<1000x256xf32>
    %mul3A_19 = arith.mulf %dot_general3A_5, %mul3A : vector<1000x256xf32>
    %slice3A = vector.extract_strided_slice %mul3A_19 {offsets = [0, 0], sizes = [1000, 128], strides = [1, 1]} : vector<1000x256xf32> to vector<1000x128xf32>
    %swap3A = arith.constant 0 : index
    %swap3A_20 = arith.constant 0 : index
    %swap3A_21 = arith.constant 0 : index
    %swap3A_22 = vector.load %arg4[%swap3A, %swap3A_20, %swap3A_21] : memref<2x1000x128xf32, #tpu.memory_space<vmem>>, vector<1x1000x128xf32>
    %swap3A_23 = vector.shape_cast %swap3A_22 : vector<1x1000x128xf32> to vector<1000x128xf32>
    %swap3A_24 = vector.shape_cast %slice3A : vector<1000x128xf32> to vector<1x1000x128xf32>
    tpu.vector_store %arg4[%swap3A, %swap3A_20, %swap3A_21], %swap3A_24 {strides = array<i32>} : memref<2x1000x128xf32, #tpu.memory_space<vmem>>, vector<1x1000x128xf32>,
    %slice3A_25 = vector.extract_strided_slice %mul3A_19 {offsets = [0, 128], sizes = [1000, 128], strides = [1, 1]} : vector<1000x256xf32> to vector<1000x128xf32>
    %swap3A_26 = arith.constant 1 : index
    %swap3A_27 = arith.constant 0 : index
    %swap3A_28 = arith.constant 0 : index
    %swap3A_29 = vector.load %arg4[%swap3A_26, %swap3A_27, %swap3A_28] : memref<2x1000x128xf32, #tpu.memory_space<vmem>>, vector<1x1000x128xf32>
    %swap3A_30 = vector.shape_cast %swap3A_29 : vector<1x1000x128xf32> to vector<1000x128xf32>
    %swap3A_31 = vector.shape_cast %slice3A_25 : vector<1000x128xf32> to vector<1x1000x128xf32>
    tpu.vector_store %arg4[%swap3A_26, %swap3A_27, %swap3A_28], %swap3A_31 {strides = array<i32>} : memref<2x1000x128xf32, #tpu.memory_space<vmem>>, vector<1x1000x128xf32>,
    return
  }
  func.func @transform_0(%arg0: i32) -> (i32, i32) {
    %c0_i32 = arith.constant 0 : i32
    %c0_i32_0 = arith.constant 0 : i32
    return %arg0, %c0_i32 : i32, i32
  }
  func.func @transform_1(%arg0: i32) -> (i32, i32) {
    %c0_i32 = arith.constant 0 : i32
    %c0_i32_0 = arith.constant 0 : i32
    %c0_i32_1 = arith.constant 0 : i32
    return %c0_i32, %c0_i32_0 : i32, i32
  }
  func.func @transform_2(%arg0: i32) -> (i32, i32, i32) {
    %c0_i32 = arith.constant 0 : i32
    %c0_i32_0 = arith.constant 0 : i32
    %c0_i32_1 = arith.constant 0 : i32
    return %c0_i32, %arg0, %c0_i32_0 : i32, i32, i32
  }
  func.func @transform_3(%arg0: i32) -> (i32, i32, i32) {
    %c0_i32 = arith.constant 0 : i32
    %c0_i32_0 = arith.constant 0 : i32
    %c0_i32_1 = arith.constant 0 : i32
    return %c0_i32, %arg0, %c0_i32_0 : i32, i32, i32
  }
}

module attributes {stable_mosaic.version = 14 : i64} {
  func.func @_z2_body(%arg0: i32, %arg1: memref<2x1000x128xf32, #tpu.memory_space<vmem>>, %arg2: memref<2x1000x128xf32, #tpu.memory_space<vmem>>, %arg3: memref<2x1000x1xf32, #tpu.memory_space<vmem>>, %arg4: memref<256x128xf32, #tpu.memory_space<vmem>>, %arg5: memref<1x256xf32, #tpu.memory_space<vmem>>, %arg6: memref<1000x128xf32, #tpu.memory_space<vmem>>) attributes {dimension_semantics = [#tpu.dimension_semantics<arbitrary>], iteration_bounds = array<i64: 10>, scalar_prefetch = 0 : i64, scratch_operands = 0 : i64, tpu.core_type = #tpu.core_type<tc>, window_params = [{transform_indices = @transform_0, window_bounds = array<i64: 2, 1000, 128>}, {transform_indices = @transform_1, window_bounds = array<i64: 2, 1000, 128>}, {transform_indices = @transform_2, window_bounds = array<i64: 2, 1000, 1>}, {pipeline_mode = #tpu.pipeline_mode<synchronous>, transform_indices = @transform_3, window_bounds = array<i64: 256, 128>}, {pipeline_mode = #tpu.pipeline_mode<synchronous>, transform_indices = @transform_4, window_bounds = array<i64: 1, 256>}, {transform_indices = @transform_5, window_bounds = array<i64: 1000, 128>}]} {
    %get3A = arith.constant 0 : index
    %get3A_0 = arith.constant 0 : index
    %get3A_1 = arith.constant 0 : index
    %get3A_2 = vector.load %arg3[%get3A, %get3A_0, %get3A_1] : memref<2x1000x1xf32, #tpu.memory_space<vmem>>, vector<1x1000x1xf32>
    %get3A_3 = vector.shape_cast %get3A_2 : vector<1x1000x1xf32> to vector<1000x1xf32>
    %get3A_4 = arith.constant 1 : index
    %get3A_5 = arith.constant 0 : index
    %get3A_6 = arith.constant 0 : index
    %get3A_7 = vector.load %arg3[%get3A_4, %get3A_5, %get3A_6] : memref<2x1000x1xf32, #tpu.memory_space<vmem>>, vector<1x1000x1xf32>
    %get3A_8 = vector.shape_cast %get3A_7 : vector<1x1000x1xf32> to vector<1000x1xf32>
    %add3A = arith.addf %get3A_3, %get3A_8 : vector<1000x1xf32>
    %add3A_9 = arith.constant 1.000000e+00 : f32
    %add3A_10 = vector.broadcast %add3A_9 : f32 to vector<1000x1xf32>
    %add3A_11 = arith.addf %add3A, %add3A_10 : vector<1000x1xf32>
    %rsqrt3A = math.rsqrt %add3A_11 : vector<1000x1xf32>
    %get3A_12 = arith.constant 0 : index
    %get3A_13 = arith.constant 0 : index
    %get3A_14 = arith.constant 0 : index
    %get3A_15 = vector.load %arg1[%get3A_12, %get3A_13, %get3A_14] : memref<2x1000x128xf32, #tpu.memory_space<vmem>>, vector<1x1000x128xf32>
    %get3A_16 = vector.shape_cast %get3A_15 : vector<1x1000x128xf32> to vector<1000x128xf32>
    %get3A_17 = arith.constant 1 : index
    %get3A_18 = arith.constant 0 : index
    %get3A_19 = arith.constant 0 : index
    %get3A_20 = vector.load %arg1[%get3A_17, %get3A_18, %get3A_19] : memref<2x1000x128xf32, #tpu.memory_space<vmem>>, vector<1x1000x128xf32>
    %get3A_21 = vector.shape_cast %get3A_20 : vector<1x1000x128xf32> to vector<1000x128xf32>
    %concatenate3A = tpu.concatenate %get3A_16, %get3A_21 in 1 : vector<1000x128xf32>, vector<1000x128xf32> -> vector<1000x256xf32>
    %get3A_22 = arith.constant 0 : index
    %get3A_23 = arith.constant 0 : index
    %get3A_24 = arith.constant 0 : index
    %get3A_25 = vector.load %arg2[%get3A_22, %get3A_23, %get3A_24] : memref<2x1000x128xf32, #tpu.memory_space<vmem>>, vector<1x1000x128xf32>
    %get3A_26 = vector.shape_cast %get3A_25 : vector<1x1000x128xf32> to vector<1000x128xf32>
    %get3A_27 = arith.constant 1 : index
    %get3A_28 = arith.constant 0 : index
    %get3A_29 = arith.constant 0 : index
    %get3A_30 = vector.load %arg2[%get3A_27, %get3A_28, %get3A_29] : memref<2x1000x128xf32, #tpu.memory_space<vmem>>, vector<1x1000x128xf32>
    %get3A_31 = vector.shape_cast %get3A_30 : vector<1x1000x128xf32> to vector<1000x128xf32>
    %concatenate3A_32 = tpu.concatenate %get3A_26, %get3A_31 in 1 : vector<1000x128xf32>, vector<1000x128xf32> -> vector<1000x256xf32>
    %add3A_33 = arith.addf %concatenate3A_32, %concatenate3A : vector<1000x256xf32>
    %mul3A = vector.broadcast %rsqrt3A : vector<1000x1xf32> to vector<1000x256xf32>
    %mul3A_34 = arith.mulf %add3A_33, %mul3A : vector<1000x256xf32>
    %get3A_35 = arith.constant 0 : index
    %get3A_36 = arith.constant 0 : index
    %get3A_37 = vector.load %arg5[%get3A_35, %get3A_36] : memref<1x256xf32, #tpu.memory_space<vmem>>, vector<1x256xf32>
    %add3A_38 = vector.broadcast %get3A_37 : vector<1x256xf32> to vector<1000x256xf32>
    %add3A_39 = arith.addf %mul3A_34, %add3A_38 : vector<1000x256xf32>
    %max3A = arith.constant 0.000000e+00 : f32
    %max3A_40 = vector.broadcast %max3A : f32 to vector<1000x256xf32>
    %max3A_41 = arith.maximumf %add3A_39, %max3A_40 : vector<1000x256xf32>
    %get3A_42 = arith.constant 0 : index
    %get3A_43 = arith.constant 0 : index
    %get3A_44 = vector.load %arg4[%get3A_42, %get3A_43] : memref<256x128xf32, #tpu.memory_space<vmem>>, vector<256x128xf32>
    %dot_general3A = arith.constant dense<0.000000e+00> : vector<1000x128xf32>
    %dot_general3A_45 = tpu.matmul %max3A_41, %get3A_44, %dot_general3A {dimension_numbers = #tpu.dot_dimension_numbers<[1], [0], [0], [1], [0, 0, 1, 1], [], []>, transpose_lhs_hint = false} : vector<1000x256xf32>, vector<256x128xf32>, vector<1000x128xf32> -> vector<1000x128xf32>
    %mul3A_46 = vector.broadcast %rsqrt3A : vector<1000x1xf32> to vector<1000x128xf32>
    %mul3A_47 = arith.mulf %dot_general3A_45, %mul3A_46 : vector<1000x128xf32>
    %swap3A = arith.constant 0 : index
    %swap3A_48 = arith.constant 0 : index
    %swap3A_49 = vector.load %arg6[%swap3A, %swap3A_48] : memref<1000x128xf32, #tpu.memory_space<vmem>>, vector<1000x128xf32>
    tpu.vector_store %arg6[%swap3A, %swap3A_48], %mul3A_47 {strides = array<i32>} : memref<1000x128xf32, #tpu.memory_space<vmem>>, vector<1000x128xf32>,
    return
  }
  func.func @transform_0(%arg0: i32) -> (i32, i32, i32) {
    %c0_i32 = arith.constant 0 : i32
    %c0_i32_0 = arith.constant 0 : i32
    %c0_i32_1 = arith.constant 0 : i32
    return %c0_i32, %arg0, %c0_i32_0 : i32, i32, i32
  }
  func.func @transform_1(%arg0: i32) -> (i32, i32, i32) {
    %c0_i32 = arith.constant 0 : i32
    %c0_i32_0 = arith.constant 0 : i32
    %c0_i32_1 = arith.constant 0 : i32
    return %c0_i32, %arg0, %c0_i32_0 : i32, i32, i32
  }
  func.func @transform_2(%arg0: i32) -> (i32, i32, i32) {
    %c0_i32 = arith.constant 0 : i32
    %c0_i32_0 = arith.constant 0 : i32
    %c0_i32_1 = arith.constant 0 : i32
    return %c0_i32, %arg0, %c0_i32_0 : i32, i32, i32
  }
  func.func @transform_3(%arg0: i32) -> (i32, i32) {
    %c0_i32 = arith.constant 0 : i32
    %c0_i32_0 = arith.constant 0 : i32
    %c0_i32_1 = arith.constant 0 : i32
    return %c0_i32, %c0_i32_0 : i32, i32
  }
  func.func @transform_4(%arg0: i32) -> (i32, i32) {
    %c0_i32 = arith.constant 0 : i32
    %c0_i32_0 = arith.constant 0 : i32
    %c0_i32_1 = arith.constant 0 : i32
    return %c0_i32, %c0_i32_0 : i32, i32
  }
  func.func @transform_5(%arg0: i32) -> (i32, i32) {
    %c0_i32 = arith.constant 0 : i32
    %c0_i32_0 = arith.constant 0 : i32
    return %arg0, %c0_i32 : i32, i32
  }
}

module attributes {stable_mosaic.version = 14 : i64} {
  func.func @_final_body(%arg0: i32, %arg1: memref<1000x128xf32, #tpu.memory_space<vmem>>, %arg2: memref<2x1000x128xf32, #tpu.memory_space<vmem>>, %arg3: memref<2x1000x1xf32, #tpu.memory_space<vmem>>, %arg4: memref<1x128xf32, #tpu.memory_space<vmem>>, %arg5: memref<1000x128xf32, #tpu.memory_space<vmem>>) attributes {dimension_semantics = [#tpu.dimension_semantics<arbitrary>], iteration_bounds = array<i64: 10>, scalar_prefetch = 0 : i64, scratch_operands = 0 : i64, tpu.core_type = #tpu.core_type<tc>, window_params = [{transform_indices = @transform_0, window_bounds = array<i64: 1000, 128>}, {transform_indices = @transform_1, window_bounds = array<i64: 2, 1000, 128>}, {transform_indices = @transform_2, window_bounds = array<i64: 2, 1000, 1>}, {pipeline_mode = #tpu.pipeline_mode<synchronous>, transform_indices = @transform_3, window_bounds = array<i64: 1, 128>}, {transform_indices = @transform_4, window_bounds = array<i64: 1000, 128>}]} {
    %get3A = arith.constant 0 : index
    %get3A_0 = arith.constant 0 : index
    %get3A_1 = arith.constant 0 : index
    %get3A_2 = vector.load %arg2[%get3A, %get3A_0, %get3A_1] : memref<2x1000x128xf32, #tpu.memory_space<vmem>>, vector<1x1000x128xf32>
    %get3A_3 = vector.shape_cast %get3A_2 : vector<1x1000x128xf32> to vector<1000x128xf32>
    %get3A_4 = arith.constant 1 : index
    %get3A_5 = arith.constant 0 : index
    %get3A_6 = arith.constant 0 : index
    %get3A_7 = vector.load %arg2[%get3A_4, %get3A_5, %get3A_6] : memref<2x1000x128xf32, #tpu.memory_space<vmem>>, vector<1x1000x128xf32>
    %get3A_8 = vector.shape_cast %get3A_7 : vector<1x1000x128xf32> to vector<1000x128xf32>
    %add3A = arith.addf %get3A_3, %get3A_8 : vector<1000x128xf32>
    %get3A_9 = arith.constant 0 : index
    %get3A_10 = arith.constant 0 : index
    %get3A_11 = vector.load %arg1[%get3A_9, %get3A_10] : memref<1000x128xf32, #tpu.memory_space<vmem>>, vector<1000x128xf32>
    %add3A_12 = arith.addf %add3A, %get3A_11 : vector<1000x128xf32>
    %get3A_13 = arith.constant 0 : index
    %get3A_14 = arith.constant 0 : index
    %get3A_15 = arith.constant 0 : index
    %get3A_16 = vector.load %arg3[%get3A_13, %get3A_14, %get3A_15] : memref<2x1000x1xf32, #tpu.memory_space<vmem>>, vector<1x1000x1xf32>
    %get3A_17 = vector.shape_cast %get3A_16 : vector<1x1000x1xf32> to vector<1000x1xf32>
    %get3A_18 = arith.constant 1 : index
    %get3A_19 = arith.constant 0 : index
    %get3A_20 = arith.constant 0 : index
    %get3A_21 = vector.load %arg3[%get3A_18, %get3A_19, %get3A_20] : memref<2x1000x1xf32, #tpu.memory_space<vmem>>, vector<1x1000x1xf32>
    %get3A_22 = vector.shape_cast %get3A_21 : vector<1x1000x1xf32> to vector<1000x1xf32>
    %add3A_23 = arith.addf %get3A_17, %get3A_22 : vector<1000x1xf32>
    %add3A_24 = arith.constant 1.000000e+00 : f32
    %add3A_25 = vector.broadcast %add3A_24 : f32 to vector<1000x1xf32>
    %add3A_26 = arith.addf %add3A_23, %add3A_25 : vector<1000x1xf32>
    %rsqrt3A = math.rsqrt %add3A_26 : vector<1000x1xf32>
    %mul3A = vector.broadcast %rsqrt3A : vector<1000x1xf32> to vector<1000x128xf32>
    %mul3A_27 = arith.mulf %add3A_12, %mul3A : vector<1000x128xf32>
    %get3A_28 = arith.constant 0 : index
    %get3A_29 = arith.constant 0 : index
    %get3A_30 = vector.load %arg4[%get3A_28, %get3A_29] : memref<1x128xf32, #tpu.memory_space<vmem>>, vector<1x128xf32>
    %add3A_31 = vector.broadcast %get3A_30 : vector<1x128xf32> to vector<1000x128xf32>
    %add3A_32 = arith.addf %mul3A_27, %add3A_31 : vector<1000x128xf32>
    %swap3A = arith.constant 0 : index
    %swap3A_33 = arith.constant 0 : index
    %swap3A_34 = vector.load %arg5[%swap3A, %swap3A_33] : memref<1000x128xf32, #tpu.memory_space<vmem>>, vector<1000x128xf32>
    tpu.vector_store %arg5[%swap3A, %swap3A_33], %add3A_32 {strides = array<i32>} : memref<1000x128xf32, #tpu.memory_space<vmem>>, vector<1000x128xf32>,
    return
  }
  func.func @transform_0(%arg0: i32) -> (i32, i32) {
    %c0_i32 = arith.constant 0 : i32
    %c0_i32_0 = arith.constant 0 : i32
    return %arg0, %c0_i32 : i32, i32
  }
  func.func @transform_1(%arg0: i32) -> (i32, i32, i32) {
    %c0_i32 = arith.constant 0 : i32
    %c0_i32_0 = arith.constant 0 : i32
    %c0_i32_1 = arith.constant 0 : i32
    return %c0_i32, %arg0, %c0_i32_0 : i32, i32, i32
  }
  func.func @transform_2(%arg0: i32) -> (i32, i32, i32) {
    %c0_i32 = arith.constant 0 : i32
    %c0_i32_0 = arith.constant 0 : i32
    %c0_i32_1 = arith.constant 0 : i32
    return %c0_i32, %arg0, %c0_i32_0 : i32, i32, i32
  }
  func.func @transform_3(%arg0: i32) -> (i32, i32) {
    %c0_i32 = arith.constant 0 : i32
    %c0_i32_0 = arith.constant 0 : i32
    %c0_i32_1 = arith.constant 0 : i32
    return %c0_i32, %c0_i32_0 : i32, i32
  }
  func.func @transform_4(%arg0: i32) -> (i32, i32) {
    %c0_i32 = arith.constant 0 : i32
    %c0_i32_0 = arith.constant 0 : i32
    return %arg0, %c0_i32 : i32, i32
  }
}

</mosaic_0001>

<sc_bundles>
// kernel: kernel.11.cloned.1.call-start
scs
__scs_entry_jumppad:
0x0: {  	(pc) =	sbr.rel $0x88, $3  }
0x1: {  	(tag) =	ssettag $0x0;
	lr =	simm.s32 $0x1  }
0x2: {  	[smem:$0x3F9B] =	sst lr;
	_ =	strace $0xD0000000  }
0x3: {  	_ = 	snop  }
0x4: {  	_ = 	snop  }
0x5: {  	_ = 	snop  }
0x6: {  	_ = 	snop  }
0x7: {  	_ = 	snop  }
__scs_overlays_trampoline_lowered:
0x8: {  	[smem:$0x3FAA] =	sst s0  }
0x9: {  	[smem:$0x3FAB] =	sst s1  }
0xa: {  	[smem:$0x3FAC] =	sst s2  }
0xb: {  	[smem:$0x3FAD] =	sst s3  }
0xc: {  	[smem:$0x3FAE] =	sst s4  }
0xd: {  	[smem:$0x3FAF] =	sst s5  }
0xe: {  	[smem:$0x3FB0] =	sst s6  }
0xf: {  	[smem:$0x3FB1] =	sst s7  }
0x10: {  	[smem:$0x3FB2] =	sst s8  }
0x11: {  	[smem:$0x3FB3] =	sst s9;
	s0 =	simm.s32 @!p0 $0x0  }
0x12: {  	s1 =	sld [smem:$0x3F99];
	s0 =	simm.s32 @p0 $0x1  }
0x13: {  	[smem:$0x3FB4] =	sst s0;
	s0 =	simm.s32 @!p1 $0x0  }
0x14: {  	s2 =	sld [smem:$0x3F98];
	s0 =	simm.s32 @p1 $0x1  }
0x15: {  	[smem:$0x3FB5] =	sst s0;
	s0 =	simm.s32 @!p2 $0x0  }
0x16: {  	s3 =	sld [smem:$0x3FDB];
	s0 =	simm.s32 @p2 $0x1  }
0x17: {  	s4 =	simm.s32 $0x1BF5;
	[smem:$0x3FB7] =	sst s0  }
0x18: {  	s0 =	sld [smem:$0x3F9A];
	_ =	swait.ge [sflag:s4], $0x0  }
0x19: {  	s7 =	sld [smem:$0x3F9B]  }
0x1a: {  	s8 =	sadd.s32 $0xFFFFE003, lr  }
0x1b: {  	s9 =	sadd.s32 $0xFFFFFEF7, lr;
	s5 =	simm.s32 $0xFFFFFFFF;
	p2 =	slt.u32 s8, $0xFFFFF086  }
0x1c: {  	p1 =	slt.u32 s9, $0xF7A;
	s5 =	simm.s32 @!p2 $0x0  }
0x1d: {  	s5 =	simm.s32 @p1 $0x1;
	p0 =	seq.s32 s7, s2  }
0x1e: {  	s7 =	smul.u32 @!p0 $0xF7A, s2;
	p2 =	seq.s32 @!p0 s5, $0x0  }
0x1f: {  	s9 =	smul.u32 $0xF7A, s1;
	s8 =	simm.s32 @!p0 $0x1BF5;
	p2 =	por !p2, p0  }
0x20: {  	[sflag:s8] =	ssyncset.s32 @!p0 $0xFFFFF086;
	s6 =	sadd.s32 @!p0 s3, s7;
	s7 =	simm.s32 @!p0 $0x108  }
0x21: {  	s3 =	sadd.s32 s3, s9;
	s6 =	sadd.s32 @!p0 $0x88, s6;
	s7 =	simm.s32 @p2 $0x1082  }
0x22: {  	[simem:s7], [sflag:s8] =	dma.local @!p0 [hbm:s6], $0xF7A  }
0x23: {  	s9 =	sor.u32 $0xD0000000, s2;
	s6 =	simm.s32 $0x108;
	_ =	swait.ge @!p0 [sflag:s8], $0x0  }
0x24: {  	s3 =	sadd.s32 $0x88, s3;
	s6 =	simm.s32 @!p1 $0x1082;
	[sflag:s4] =	ssyncset.s32 $0xFFFFF086  }
0x25: {  	[simem:s6], [sflag:s4] =	dma.local [hbm:s3], $0xF7A  }
0x26: {  	[smem:$0x3F9B] =	sst s1;
	(tag) =	ssettag s2;
	_ =	strace s9  }
0x27: {  	s1 =	sld [smem:$0x3FAB]  }
0x28: {  	s2 =	sld [smem:$0x3FAC]  }
0x29: {  	s4 =	sld [smem:$0x3FAE]  }
0x2a: {  	p0 =	seq.s32 s5, $0x0;
	s5 =	sld [smem:$0x3FAF]  }
0x2b: {  	s6 =	sld [smem:$0x3FB0]  }
0x2c: {  	s7 =	sld [smem:$0x3FB1]  }
0x2d: {  	s3 =	simm.s32 $0x108;
	s8 =	sld [smem:$0x3FB2]  }
0x2e: {  	s3 =	simm.s32 @!p0 $0x1082;
	s9 =	sld [smem:$0x3FB3]  }
0x2f: {  	lr =	sadd.s32 s0, s3;
	s0 =	sld [smem:$0x3FAA]  }
0x30: {  	s3 =	sld [smem:$0x3FAD]  }
0x31: {  	[smem:$0x3FB6] =	sst s10  }
0x32: {  	s10 =	sld [smem:$0x3FB4];
	_ =	sdelay $0x3  }
0x33: {  	p0 =	seq.s32 s10, $0x1;
	s10 =	sld [smem:$0x3FB6];
	_ =	sdelay $0x3  }
0x34: {  	[smem:$0x3FB6] =	sst s10  }
0x35: {  	s10 =	sld [smem:$0x3FB5];
	_ =	sdelay $0x3  }
0x36: {  	p1 =	seq.s32 s10, $0x1;
	s10 =	sld [smem:$0x3FB6];
	_ =	sdelay $0x3  }
0x37: {  	[smem:$0x3FB6] =	sst s10  }
0x38: {  	s10 =	sld [smem:$0x3FB7]  }
0x39: {  	_ = 	snop;
	(pc) =	sbr.ind lr, $3  }
0x3a: {  	_ = 	snop  }
0x3b: {  	_ = 	snop  }
0x3c: {  	p2 =	seq.s32 s10, $0x1;
	s10 =	sld [smem:$0x3FB6]  }
0x3d: {  	_ =	shalt  }
0x3e: {  	_ =	shalt  }
0x3f: {  	_ =	shalt  }
0x40: {  	_ =	shalt  }
0x41: {  	_ =	shalt  }
0x42: {  	_ =	shalt  }
0x43: {  	_ =	shalt  }
0x44: {  	_ =	shalt  }
0x45: {  	_ =	shalt  }
0x46: {  	_ =	shalt  }
0x47: {  	_ =	shalt  }
0x48: {  	_ =	shalt  }
0x49: {  	_ =	shalt  }
0x4a: {  	_ =	shalt  }
0x4b: {  	_ =	shalt  }
0x4c: {  	_ =	shalt  }
0x4d: {  	_ =	shalt  }
0x4e: {  	_ =	shalt  }
0x4f: {  	_ =	shalt  }
0x50: {  	_ =	shalt  }
0x51: {  	_ =	shalt  }
0x52: {  	_ =	shalt  }
0x53: {  	_ =	shalt  }
0x54: {  	_ =	shalt  }
0x55: {  	_ =	shalt  }
0x56: {  	_ =	shalt  }
0x57: {  	_ =	shalt  }
0x58: {  	_ =	shalt  }
0x59: {  	_ =	shalt  }
0x5a: {  	_ =	shalt  }
0x5b: {  	_ =	shalt  }
0x5c: {  	_ =	shalt  }
0x5d: {  	_ =	shalt  }
0x5e: {  	_ =	shalt  }
0x5f: {  	_ =	shalt  }
0x60: {  	_ =	shalt  }
0x61: {  	_ =	shalt  }
0x62: {  	_ =	shalt  }
0x63: {  	_ =	shalt  }
0x64: {  	_ =	shalt  }
0x65: {  	_ =	shalt  }
0x66: {  	_ =	shalt  }
0x67: {  	_ =	shalt  }
0x68: {  	_ =	shalt  }
0x69: {  	_ =	shalt  }
0x6a: {  	_ =	shalt  }
0x6b: {  	_ =	shalt  }
0x6c: {  	_ =	shalt  }
0x6d: {  	_ =	shalt  }
0x6e: {  	_ =	shalt  }
0x6f: {  	_ =	shalt  }
0x70: {  	_ =	shalt  }
0x71: {  	_ =	shalt  }
0x72: {  	_ =	shalt  }
0x73: {  	_ =	shalt  }
0x74: {  	_ =	shalt  }
0x75: {  	_ =	shalt  }
0x76: {  	_ =	shalt  }
0x77: {  	_ =	shalt  }
0x78: {  	_ =	shalt  }
0x79: {  	_ =	shalt  }
0x7a: {  	_ =	shalt  }
0x7b: {  	_ =	shalt  }
0x7c: {  	_ =	shalt  }
0x7d: {  	_ =	shalt  }
0x7e: {  	_ =	shalt  }
0x7f: {  	_ =	shalt  }
0x80: {  	_ =	shalt  }
0x81: {  	_ =	shalt  }
0x82: {  	_ =	shalt  }
0x83: {  	_ =	shalt  }
0x84: {  	_ =	shalt  }
0x85: {  	_ =	shalt  }
0x86: {  	_ =	shalt  }
0x87: {  	_ =	shalt  }
.Lfunc_end0:
.L_simem_size_0:
called_computation.1_lowered:
.L_overlay_start_0:
0x88: {  	s2 =	sld [smem:$0x3FD9]  }
0x89: {  	s3 =	sld [smem:$0x3FFE];
	_ =	sdelay $0x1  }
0x8a: {  	s1 =	srdreg.scid  }
0x8b: {  	s0 =	sand.u32 $0x1, s1  }
0x8c: {  	s16 =	sshll.u32 s0, $0xA;
	s2 =	sadd.s32 s3, s2  }
0x8d: {  	s2 =	sadd.s32 s2, s16  }
0x8e: {  	[smem:$0x3FC2] =	sst s2  }
0x8f: {  	_ = 	snop  }
0x90: {  	(tm) =	ssettm $0x1  }
0x91: {  	s17 =	sld [smem:$0x3FFB];
	_ =	sdelay $0x3  }
0x92: {  	_ =	strace s17  }
0x93: {  	s2 =	sld [smem:$0x3FFC];
	_ =	sdelay $0x3  }
0x94: {  	_ =	strace s2  }
0x95: {  	s2 =	sld [smem:$0x3FFD];
	_ =	sdelay $0x3  }
0x96: {  	_ =	strace s2  }
0x97: {  	_ =	strace $0x8FFFFFFF  }
0x98: {  	s18 =	sld [smem:$0x3FDB];
	_ =	sdelay $0x1  }
0x99: {  	s19 =	simm.s32 $_scs_section_size  }
0x9a: {  	s4 =	simm.s32 $_size__tile_overlayer_lowered;
	s5 =	simm.s32 $_tile_overlayer_lowered  }
0x9b: {  	s22 =	simm.s32 $0x1BFF;
	s21 =	sshll.u32 s5, $0x1;
	s2 =	sadd.s32 s19, s18  }
0x9c: {  	s6 =	simm.s32 $0x0;
	s20 =	sshll.u32 s4, $0x1;
	s4 =	sadd.s32 s21, s2  }
0x9d: {  	[timem:s6], [sflag:s22] =	dma.local [hbm:s4], s20  }
0x9e: {  	_ =	swait.ge [sflag:s22], s20  }
0x9f: {  	s3 =	ssub.s32 $0x0, s20;
	[sflag:s22] =	ssyncset.done $0x0  }
0xa0: {  	[sflag:s22] =	ssyncadd.s32 s3;
	_ =	sdelay $0x1  }
0xa1: {  	s23 =	simm.s32 $0x1B8B  }
0xa2: {  	_ =	swait.ge [sflag:s23], $0x1  }
0xa3: {  	[sflag:s23] =	ssyncset.done $0x0  }
0xa4: {  	s25 =	simm.s32 $0x1B8E;
	s24 =	sld [smem:$0x3FFE];
	[sflag:s23] =	ssyncadd.s32 $0xFFFFFFFF  }
0xa5: {  	s26 =	simm.s32 $execute0_lowered;
	[smem:$0x3FD2] =	sst s25  }
0xa6: {  	s4 =	sshll.u32 s26, $0x1;
	_ =	strace $0x80000049;
	[dreg:$0x1] =	wrdreg $0xFFFFFFFF  }
0xa7: {  	s28 =	simm.s32 $_size_execute0_lowered;
	s2 =	sadd.s32 s2, s4;
	[dreg:$0x0] =	wrdreg $0x0  }
0xa8: {  	s4 =	sshll.u32 s28, $0x1;
	[dreg:$0x2] =	wrdreg s2  }
0xa9: {  	[dreg:$0x3] =	wrdreg s4  }
0xaa: {  	[dreg:$0x4] =	wrdreg $0xC0  }
0xab: {  	_ =	task [dreg:s6], $0x5FFFF  }
0xac: {  	[dreg:$0x1] =	wrdreg $0xFFFFFFFF  }
0xad: {  	[dreg:$0x0] =	wrdreg $0x60  }
0xae: {  	[dreg:$0x2] =	wrdreg s24  }
0xaf: {  	[dreg:$0x3] =	wrdreg $0xA0000  }
0xb0: {  	[dreg:$0x4] =	wrdreg $0x9  }
0xb1: {  	_ =	task.clear_ibuf [dreg:s6], $0x5FFFF;
	_ =	strace $0x90000049  }
0xb2: {  	s29 =	simm.s32 $0x9;
	_ =	strace $0x8000004B  }
0xb3: {  	_ =	swait.ge [sflag:s29], $0x1  }
0xb4: {  	[sflag:s29] =	ssyncadd.s32 $0xFFFFFFFF  }
0xb5: {  	_ =	strace $0x9000004B  }
0xb6: {  	_ =	sfence  }
0xb7: {  	s30 =	sld [smem:$0x0];
	_ =	sdelay $0x2  }
0xb8: {  	s31 =	sshll.u32 s1, $0xD;
	s1 =	sshrl.u32 s1, $0x2  }
0xb9: {  	s3 =	sand.u32 $0x4000, s31;
	s1 =	sadd.s32 s1, s30  }
0xba: {  	s0 =	sor.u32 s3, s0;
	s1 =	sshll.u32 s1, $0x11  }
0xbb: {  	s0 =	sor.u32 s1, s0  }
0xbc: {  	s0 =	sadd.s32 $0x8F2B, s0  }
0xbd: {  	[sflag:s0] =	ssyncadd.remote.s32 $0x1  }
0xbe: {  	_ =	sfence.sel $0xFFFF  }
0xbf: {  	[dreg:$0x0] =	wrdreg $0xFFFFFFFF;
	(pc) =	sbr.abs _section_cstart, $3  }
0xc0: {  	[dreg:$0x1] =	wrdreg $0xFFFFFFFF  }
0xc1: {  	_ =	task.clear_ibuf [dreg:s6], $0x2FFFF;
	_ =	strace $0x9FFFFFFF  }
0xc2: {  	(tm) =	ssettm $0x7FFFFFFF  }
0xc3: {  	_ =	shalt  }
tec
execute0_lowered:
.L_overlay_start_1:
0x0: {  	(tag) =	ssettag $0x1  }
0x1: {  	s0 =	rddreg [dreg:$0x0];
	s1 =	srdreg.scid  }
0x2: {  	s2 =	rddreg [dreg:$0x1];
	s10 =	stileid.u32;
	s3 =	simm.s32 $0x0  }
0x3: {  	s13 =	simm.s32 $0x2800;
	s16 =	simm.s32 $0x1;
	s17 =	simm.s32 $0x19  }
0x4: {  	s19 =	simm.s32 $0x6000;
	s21 =	simm.s32 $0x7000;
	s28 =	simm.s32 $0x3  }
0x5: {  	s29 =	simm.s32 $0x4;
	s30 =	simm.s32 $0x5;
	s5 =	smul.u32 $0x3200, s10  }
0x6: {  	s31 =	simm.s32 $0x6;
	s11 =	simm.s32 $0x8;
	s7 =	smul.u32 $0x50000, s10  }
0x7: {  	s12 =	simm.s32 $0xB;
	s1 =	sand.u32 $0x1, s1;
	s24 =	smul.u32 $0x2800, s10  }
0x8: {  	s14 =	simm.s32 $0xC;
	s18 =	simm.s32 $0x0;
	s4 =	smul.u32 $0x27100, s1  }
0x9: {  	[smem:$0x7FF] =	sst s3;
	s10 =	simm.s32 $0xD;
	s6 =	smul.u32 $0x28000, s1  }
0xa: {  	_ =	strace $0x8000004A;
	s1 =	ssub.s32 $0x2, s1;
	s9 =	sadd.s32 s5, s0  }
0xb: {  	s22 =	sshrl.u32 s1, $0x1;
	s23 =	sshrl.u32 s7, $0x2;
	s8 =	sadd.s32 s4, s0  }
0xc: {  	s0 =	sadd.s32 s6, s0;
	s1 =	ssub.s32 s1, s22;
	s4 =	sadd.s32 s23, s2  }
0xd: {  	s5 =	sadd.s32 $0x34800, s9;
	s6 =	sadd.s32 $0x2800, s9;
	s9 =	simm.s32 $0x5000  }
0xe: {  	s23 =	simm.s32 $0x8000;
	s22 =	simm.s32 $0x0;
	s1 =	smax.u32 s1, $0x1  }
.Ltmp0:
0xf: {  	s25 =	sadd.s32 $0x280, s5;
	[dreg:$0x3] =	wrdreg s1;
	(pc) =	sbr.rel .LBB2_1-.Ltmp0, $4  }
0x10: {  	s7 =	sadd.s32 $0xB6800, s8;
	s26 =	sadd.s32 $0x280, s6;
	[dreg:$0x4] =	wrdreg s25  }
0x11: {  	s0 =	sadd.s32 $0x104A00, s0;
	s8 =	simm.s32 $0xA;
	[dreg:$0x5] =	wrdreg s26  }
0x12: {  	s0 =	sadd.s32 s24, s0;
	s26 =	simm.s32 $0x9000;
	s1 =	simm.s32 $0x9  }
0x13: {  	v0 =	vimm.f32 $0.0e+00;
	s25 =	simm.s32 $0x2;
	[dreg:$0x6] =	wrdreg s0;
	s0 =	simm.s32 $0x7  }
.LBB2_12:
0x14: {  	s15 =	stileid.u32  }
0x15: {  	[bflag:$0x0] =	sbarrier.arrive $0xFFFF;
	s15 =	sshll.u32 s15, $0x6  }
0x16: {  	s18 =	sshrl.u32 s4, $0x3;
	s20 =	rddreg [dreg:$0x6];
	s15 =	sor.u32 $0x1C0D, s15  }
0x17: {  	[hbm:s20], [sflag:s15] =	dma.local [spmem:s18], $0x2800  }
0x18: {  	_ =	swait.ge [sflag:s10], $0x2800  }
0x19: {  	s20 =	rddreg [dreg:$0x7]  }
0x1a: {  	s24 =	rddreg [dreg:$0x3];
	s18 =	sadd.s32 $0x1, s20  }
0x1b: {  	p0 =	sne.s32 s18, s24  }
.Ltmp1:
0x1c: {  	_ = 	snop;
	(pc) =	sbr.rel @!p0 .LBB2_13-.Ltmp1, $3  }
0x1d: {  	_ =	sdelay $0x1  }
0x1e: {  	[sflag:s10] =	ssyncset.done $0x0  }
0x1f: {  	[sflag:s10] =	ssyncadd.s32 $0xFFFFD800  }
.LBB2_1:
0x20: {  	[dreg:$0x7] =	wrdreg s18;
	s15 =	simm.s32 $0x70;
	s18 =	simm.s32 $0x3C0  }
.LBB2_2:
0x21: {  	p0 =	sne.s32 s18, $0x31C0;
	[tilespmem:s15+$0x5000] =	vst v0  }
0x22: {  	[tilespmem:s15+$0x4F90] =	vst v0  }
0x23: {  	[tilespmem:s15+$0x4FA0] =	vst v0  }
.Ltmp2:
0x24: {  	[tilespmem:s15+$0x4FB0] =	vst v0;
	(pc) =	sbr.rel @p0 .LBB2_2-.Ltmp2, $4  }
0x25: {  	[tilespmem:s15+$0x4FC0] =	vst v0  }
0x26: {  	[tilespmem:s15+$0x4FD0] =	vst v0  }
0x27: {  	[tilespmem:s15+$0x4FE0] =	vst v0  }
0x28: {  	[tilespmem:s15+$0x4FF0] =	vst v0;
	s15 =	sshra.s32 s18, $0x2;
	s18 =	sadd.s32 $0x200, s18  }
0x29: {  	[tilespmem:s15+$0x5000] =	vst v0  }
0x2a: {  	[tilespmem:s15+$0x4F90] =	vst v0  }
0x2b: {  	[tilespmem:s15+$0x4FA0] =	vst v0  }
0x2c: {  	[tilespmem:s15+$0x4FB0] =	vst v0  }
0x2d: {  	[tilespmem:s15+$0x4FC0] =	vst v0  }
0x2e: {  	[tilespmem:s15+$0x4FD0] =	vst v0  }
0x2f: {  	[tilespmem:s15+$0x4FE0] =	vst v0  }
0x30: {  	[tilespmem:s15+$0x4FF0] =	vst v0;
	s24 =	sadd.s32 $0x0, s4  }
0x31: {  	[spmem:s24] =	stream.linear.scatter [tilespmem:s9], [sflag:$0xD], $0x800, $0x38;
	[tilespmem:$0x1E000] =	vst v63  }
0x32: {  	s15 =	simm.s32 $0x2000;
	_ =	swait.ge [sflag:s10], $0x800  }
.LBB2_4:
0x33: {  	s18 =	sshra.s32 s15, $0x2;
	[sflag:s10] =	ssyncset.done $0x0;
	p0 =	sne.s32 s15, $0x4E000  }
.Ltmp3:
0x34: {  	s18 =	sadd.s32 s18, s4;
	[sflag:s10] =	ssyncadd.s32 $0xFFFFF800;
	(pc) =	sbr.rel @p0 .LBB2_4-.Ltmp3, $3  }
0x35: {  	[spmem:s18] =	stream.linear.scatter [tilespmem:s9], [sflag:$0xD], $0x800, $0x38;
	[tilespmem:$0x1E000] =	vst v63  }
0x36: {  	s15 =	sadd.s32 $0x2000, s15;
	_ =	sdelay $0x1  }
0x37: {  	_ =	swait.ge [sflag:s10], $0x800  }
0x38: {  	[sflag:s10] =	ssyncset.done $0x0  }
0x39: {  	[sflag:s10] =	ssyncadd.s32 $0xFFFFF800  }
0x3a: {  	[bflag:$0x0] =	sbarrier.arrive $0xFFFF  }
0x3b: {  	[tilespmem:s22], [sflag:$0x1] =	stream.linear.gather [hbm4b:s5+s22], $0x1400, $0x38;
	[tilespmem:$0x1E000] =	vst v63  }
0x3c: {  	s15 =	simm.s32 $0x1400  }
0x3d: {  	[tilespmem:s15], [sflag:$0x1] =	stream.linear.gather [hbm4b:s6+s22], $0x1400, $0x38;
	[tilespmem:$0x1E000] =	vst v63  }
0x3e: {  	s20 =	rddreg [dreg:$0x4]  }
0x3f: {  	[tilespmem:s13], [sflag:$0x2] =	stream.linear.gather [hbm4b:s20+s22], $0x1400, $0x38;
	[tilespmem:$0x1E000] =	vst v63  }
0x40: {  	s18 =	simm.s32 $0x3C00;
	s24 =	rddreg [dreg:$0x5]  }
0x41: {  	[tilespmem:s18], [sflag:$0x2] =	stream.linear.gather [hbm4b:s24+s22], $0x1400, $0x38;
	[tilespmem:$0x1E000] =	vst v63  }
0x42: {  	s24 =	simm.s32 $0x0  }
.LBB2_6:
0x43: {  	_ =	swait.ge [sflag:s16], $0x1400  }
0x44: {  	[sflag:s16] =	ssyncset.done $0x0  }
0x45: {  	[sflag:s16] =	ssyncadd.s32 $0xFFFFEC00  }
0x46: {  	_ =	swait.ge [sflag:s16], $0x1400  }
0x47: {  	[sflag:s16] =	ssyncset.done $0x0  }
0x48: {  	[sflag:s16] =	ssyncadd.s32 $0xFFFFEC00  }
0x49: {  	[tilespmem:s9], [sflag:$0x3] =	stream.indirect.gather [hbm4b:s7+s17], $0x80, s22, s17, $0xb8;
	[tilespmem:$0x1E000] =	vst v63  }
0x4a: {  	s15 =	simm.s32 $0x80  }
0x4b: {  	[tilespmem:s19], [sflag:$0x4] =	stream.indirect.gather [hbm4b:s7+s17], $0x80, s15, s17, $0xb8;
	[tilespmem:$0x1E000] =	vst v63  }
0x4c: {  	s18 =	simm.s32 $0x100  }
0x4d: {  	[tilespmem:s21], [sflag:$0x5] =	stream.indirect.gather [hbm4b:s7+s17], $0x80, s18, s17, $0xb8;
	[tilespmem:$0x1E000] =	vst v63  }
0x4e: {  	s20 =	simm.s32 $0x180  }
0x4f: {  	[tilespmem:s23], [sflag:$0x6] =	stream.indirect.gather [hbm4b:s7+s17], $0x80, s20, s17, $0xb8;
	[tilespmem:$0x1E000] =	vst v63  }
0x50: {  	s18 =	simm.s32 $0x200  }
0x51: {  	[tilespmem:s26], [sflag:$0x7] =	stream.indirect.gather [hbm4b:s7+s17], $0x80, s18, s17, $0xb8;
	[tilespmem:$0x1E000] =	vst v63  }
0x52: {  	_ =	swait.ge [sflag:s28], $0xC80  }
0x53: {  	[sflag:s28] =	ssyncset.done $0x0  }
0x54: {  	s20 =	simm.s32 $0x1400;
	[sflag:s28] =	ssyncadd.s32 $0xFFFFF380  }
0x55: {  	[spmem:s2] =	stream.indirect.scatter.add.f32 [tilespmem:s9], [sflag:$0x8], $0x80, s20, s17, $0xb8;
	[tilespmem:$0x1E000] =	vst v63  }
0x56: {  	_ =	swait.ge [sflag:s29], $0xC80  }
0x57: {  	[sflag:s29] =	ssyncset.done $0x0  }
0x58: {  	s18 =	simm.s32 $0x1480;
	[sflag:s29] =	ssyncadd.s32 $0xFFFFF380  }
0x59: {  	[spmem:s2] =	stream.indirect.scatter.add.f32 [tilespmem:s19], [sflag:$0x9], $0x80, s18, s17, $0xb8;
	[tilespmem:$0x1E000] =	vst v63  }
0x5a: {  	_ =	swait.ge [sflag:s30], $0xC80  }
0x5b: {  	[sflag:s30] =	ssyncset.done $0x0  }
0x5c: {  	s20 =	simm.s32 $0x1500;
	[sflag:s30] =	ssyncadd.s32 $0xFFFFF380  }
0x5d: {  	[spmem:s2] =	stream.indirect.scatter.add.f32 [tilespmem:s21], [sflag:$0xA], $0x80, s20, s17, $0xb8;
	[tilespmem:$0x1E000] =	vst v63  }
0x5e: {  	_ =	swait.ge [sflag:s31], $0xC80  }
0x5f: {  	[sflag:s31] =	ssyncset.done $0x0  }
0x60: {  	s18 =	simm.s32 $0x1580;
	[sflag:s31] =	ssyncadd.s32 $0xFFFFF380  }
0x61: {  	[spmem:s2] =	stream.indirect.scatter.add.f32 [tilespmem:s23], [sflag:$0xB], $0x80, s18, s17, $0xb8;
	[tilespmem:$0x1E000] =	vst v63  }
0x62: {  	_ =	swait.ge [sflag:s0], $0xC80  }
0x63: {  	[sflag:s0] =	ssyncset.done $0x0  }
0x64: {  	s20 =	simm.s32 $0x1600;
	[sflag:s0] =	ssyncadd.s32 $0xFFFFF380  }
0x65: {  	[spmem:s2] =	stream.indirect.scatter.add.f32 [tilespmem:s26], [sflag:$0xC], $0x80, s20, s17, $0xb8;
	[tilespmem:$0x1E000] =	vst v63  }
0x66: {  	_ =	swait.ge [sflag:s11], $0xC80  }
0x67: {  	[sflag:s11] =	ssyncset.done $0x0  }
0x68: {  	s18 =	simm.s32 $0x280;
	[sflag:s11] =	ssyncadd.s32 $0xFFFFF380  }
0x69: {  	[tilespmem:s9], [sflag:$0x3] =	stream.indirect.gather [hbm4b:s7+s17], $0x80, s18, s17, $0xb8;
	[tilespmem:$0x1E000] =	vst v63  }
0x6a: {  	_ =	swait.ge [sflag:s1], $0xC80  }
0x6b: {  	[sflag:s1] =	ssyncset.done $0x0  }
0x6c: {  	s20 =	simm.s32 $0x300;
	[sflag:s1] =	ssyncadd.s32 $0xFFFFF380  }
0x6d: {  	[tilespmem:s19], [sflag:$0x4] =	stream.indirect.gather [hbm4b:s7+s17], $0x80, s20, s17, $0xb8;
	[tilespmem:$0x1E000] =	vst v63  }
0x6e: {  	_ =	swait.ge [sflag:s8], $0xC80  }
0x6f: {  	[sflag:s8] =	ssyncset.done $0x0  }
0x70: {  	s18 =	simm.s32 $0x380;
	[sflag:s8] =	ssyncadd.s32 $0xFFFFF380  }
0x71: {  	[tilespmem:s21], [sflag:$0x5] =	stream.indirect.gather [hbm4b:s7+s17], $0x80, s18, s17, $0xb8;
	[tilespmem:$0x1E000] =	vst v63  }
0x72: {  	_ =	swait.ge [sflag:s12], $0xC80  }
0x73: {  	[sflag:s12] =	ssyncset.done $0x0  }
0x74: {  	s20 =	simm.s32 $0x400;
	[sflag:s12] =	ssyncadd.s32 $0xFFFFF380  }
0x75: {  	[tilespmem:s23], [sflag:$0x6] =	stream.indirect.gather [hbm4b:s7+s17], $0x80, s20, s17, $0xb8;
	[tilespmem:$0x1E000] =	vst v63  }
0x76: {  	_ =	swait.ge [sflag:s14], $0xC80  }
0x77: {  	[sflag:s14] =	ssyncset.done $0x0  }
0x78: {  	s15 =	simm.s32 $0xA00;
	s18 =	simm.s32 $0x480;
	[sflag:s14] =	ssyncadd.s32 $0xFFFFF380  }
.LBB2_7:
0x79: {  	[tilespmem:s26], [sflag:$0x7] =	stream.indirect.gather [hbm4b:s7+s17], $0x80, s18, s17, $0xb8;
	[tilespmem:$0x1E000] =	vst v63  }
0x7a: {  	s18 =	smov.u32 s15  }
0x7b: {  	p0 =	sne.s32 s15, $0x3C00;
	s15 =	sadd.s32 $0xA00, s15;
	_ =	swait.ge [sflag:s28], $0xC80  }
0x7c: {  	s18 =	sshra.s32 s18, $0x2;
	[sflag:s28] =	ssyncset.done $0x0  }
0x7d: {  	s20 =	sadd.s32 $0x1400, s18;
	[sflag:s28] =	ssyncadd.s32 $0xFFFFF380  }
0x7e: {  	[spmem:s2] =	stream.indirect.scatter.add.f32 [tilespmem:s9], [sflag:$0x8], $0x80, s20, s17, $0xb8;
	[tilespmem:$0x1E000] =	vst v63  }
0x7f: {  	_ =	swait.ge [sflag:s29], $0xC80  }
0x80: {  	[sflag:s29] =	ssyncset.done $0x0  }
0x81: {  	s20 =	sadd.s32 $0x1480, s18;
	[sflag:s29] =	ssyncadd.s32 $0xFFFFF380  }
0x82: {  	[spmem:s2] =	stream.indirect.scatter.add.f32 [tilespmem:s19], [sflag:$0x9], $0x80, s20, s17, $0xb8;
	[tilespmem:$0x1E000] =	vst v63  }
0x83: {  	_ =	swait.ge [sflag:s30], $0xC80  }
0x84: {  	[sflag:s30] =	ssyncset.done $0x0  }
0x85: {  	s20 =	sadd.s32 $0x1500, s18;
	[sflag:s30] =	ssyncadd.s32 $0xFFFFF380  }
0x86: {  	[spmem:s2] =	stream.indirect.scatter.add.f32 [tilespmem:s21], [sflag:$0xA], $0x80, s20, s17, $0xb8;
	[tilespmem:$0x1E000] =	vst v63  }
0x87: {  	_ =	swait.ge [sflag:s31], $0xC80  }
0x88: {  	[sflag:s31] =	ssyncset.done $0x0  }
0x89: {  	s20 =	sadd.s32 $0x1580, s18;
	[sflag:s31] =	ssyncadd.s32 $0xFFFFF380  }
0x8a: {  	[spmem:s2] =	stream.indirect.scatter.add.f32 [tilespmem:s23], [sflag:$0xB], $0x80, s20, s17, $0xb8;
	[tilespmem:$0x1E000] =	vst v63  }
0x8b: {  	_ =	swait.ge [sflag:s0], $0xC80  }
0x8c: {  	[sflag:s0] =	ssyncset.done $0x0  }
0x8d: {  	s20 =	sadd.s32 $0x1600, s18;
	[sflag:s0] =	ssyncadd.s32 $0xFFFFF380  }
0x8e: {  	[spmem:s2] =	stream.indirect.scatter.add.f32 [tilespmem:s26], [sflag:$0xC], $0x80, s20, s17, $0xb8;
	[tilespmem:$0x1E000] =	vst v63  }
0x8f: {  	_ =	swait.ge [sflag:s11], $0xC80  }
0x90: {  	[sflag:s11] =	ssyncset.done $0x0  }
0x91: {  	s20 =	sadd.s32 $0x280, s18;
	[sflag:s11] =	ssyncadd.s32 $0xFFFFF380  }
0x92: {  	[tilespmem:s9], [sflag:$0x3] =	stream.indirect.gather [hbm4b:s7+s17], $0x80, s20, s17, $0xb8;
	[tilespmem:$0x1E000] =	vst v63  }
0x93: {  	_ =	swait.ge [sflag:s1], $0xC80  }
0x94: {  	[sflag:s1] =	ssyncset.done $0x0  }
0x95: {  	s20 =	sadd.s32 $0x300, s18;
	[sflag:s1] =	ssyncadd.s32 $0xFFFFF380  }
0x96: {  	[tilespmem:s19], [sflag:$0x4] =	stream.indirect.gather [hbm4b:s7+s17], $0x80, s20, s17, $0xb8;
	[tilespmem:$0x1E000] =	vst v63  }
0x97: {  	_ =	swait.ge [sflag:s8], $0xC80  }
0x98: {  	[sflag:s8] =	ssyncset.done $0x0  }
0x99: {  	s20 =	sadd.s32 $0x380, s18;
	[sflag:s8] =	ssyncadd.s32 $0xFFFFF380  }
0x9a: {  	[tilespmem:s21], [sflag:$0x5] =	stream.indirect.gather [hbm4b:s7+s17], $0x80, s20, s17, $0xb8;
	[tilespmem:$0x1E000] =	vst v63  }
0x9b: {  	_ =	swait.ge [sflag:s12], $0xC80  }
0x9c: {  	[sflag:s12] =	ssyncset.done $0x0  }
.Ltmp4:
0x9d: {  	s20 =	sadd.s32 $0x400, s18;
	[sflag:s12] =	ssyncadd.s32 $0xFFFFF380;
	(pc) =	sbr.rel @p0 .LBB2_7-.Ltmp4, $4  }
0x9e: {  	[tilespmem:s23], [sflag:$0x6] =	stream.indirect.gather [hbm4b:s7+s17], $0x80, s20, s17, $0xb8;
	[tilespmem:$0x1E000] =	vst v63  }
0x9f: {  	_ =	swait.ge [sflag:s14], $0xC80  }
0xa0: {  	[sflag:s14] =	ssyncset.done $0x0  }
0xa1: {  	s18 =	sadd.s32 $0x480, s18;
	[sflag:s14] =	ssyncadd.s32 $0xFFFFF380  }
0xa2: {  	[tilespmem:s26], [sflag:$0x7] =	stream.indirect.gather [hbm4b:s7+s17], $0x80, s18, s17, $0xb8;
	[tilespmem:$0x1E000] =	vst v63  }
0xa3: {  	_ =	swait.ge [sflag:s28], $0xC80  }
0xa4: {  	[sflag:s28] =	ssyncset.done $0x0  }
0xa5: {  	s15 =	simm.s32 $0x2580;
	[sflag:s28] =	ssyncadd.s32 $0xFFFFF380  }
0xa6: {  	[spmem:s2] =	stream.indirect.scatter.add.f32 [tilespmem:s9], [sflag:$0x8], $0x80, s15, s17, $0xb8;
	[tilespmem:$0x1E000] =	vst v63  }
0xa7: {  	_ =	swait.ge [sflag:s29], $0xC80  }
0xa8: {  	[sflag:s29] =	ssyncset.done $0x0  }
0xa9: {  	s20 =	simm.s32 $0x2600;
	[sflag:s29] =	ssyncadd.s32 $0xFFFFF380  }
0xaa: {  	[spmem:s2] =	stream.indirect.scatter.add.f32 [tilespmem:s19], [sflag:$0x9], $0x80, s20, s17, $0xb8;
	[tilespmem:$0x1E000] =	vst v63  }
0xab: {  	_ =	swait.ge [sflag:s30], $0xC80  }
0xac: {  	[sflag:s30] =	ssyncset.done $0x0  }
0xad: {  	s18 =	simm.s32 $0x2680;
	[sflag:s30] =	ssyncadd.s32 $0xFFFFF380  }
0xae: {  	[spmem:s2] =	stream.indirect.scatter.add.f32 [tilespmem:s21], [sflag:$0xA], $0x80, s18, s17, $0xb8;
	[tilespmem:$0x1E000] =	vst v63  }
0xaf: {  	_ =	swait.ge [sflag:s31], $0xC80  }
0xb0: {  	[sflag:s31] =	ssyncset.done $0x0  }
0xb1: {  	s20 =	simm.s32 $0x2700;
	[sflag:s31] =	ssyncadd.s32 $0xFFFFF380  }
0xb2: {  	[spmem:s2] =	stream.indirect.scatter.add.f32 [tilespmem:s23], [sflag:$0xB], $0x80, s20, s17, $0xb8;
	[tilespmem:$0x1E000] =	vst v63  }
0xb3: {  	_ =	swait.ge [sflag:s0], $0xC80  }
0xb4: {  	[sflag:s0] =	ssyncset.done $0x0  }
0xb5: {  	s18 =	simm.s32 $0x2780;
	[sflag:s0] =	ssyncadd.s32 $0xFFFFF380  }
0xb6: {  	[spmem:s2] =	stream.indirect.scatter.add.f32 [tilespmem:s26], [sflag:$0xC], $0x80, s18, s17, $0xb8;
	[tilespmem:$0x1E000] =	vst v63  }
0xb7: {  	_ =	swait.ge [sflag:s11], $0xC80  }
0xb8: {  	[sflag:s11] =	ssyncset.done $0x0  }
0xb9: {  	[sflag:s11] =	ssyncadd.s32 $0xFFFFF380  }
0xba: {  	_ =	swait.ge [sflag:s1], $0xC80  }
0xbb: {  	[sflag:s1] =	ssyncset.done $0x0  }
0xbc: {  	[sflag:s1] =	ssyncadd.s32 $0xFFFFF380  }
0xbd: {  	_ =	swait.ge [sflag:s8], $0xC80  }
0xbe: {  	[sflag:s8] =	ssyncset.done $0x0  }
0xbf: {  	[sflag:s8] =	ssyncadd.s32 $0xFFFFF380  }
0xc0: {  	p0 =	seq.s32 s24, $0x9;
	_ =	swait.ge [sflag:s12], $0xC80  }
0xc1: {  	s15 =	smul.u32 @!p0 $0x2800, s24;
	[sflag:s12] =	ssyncset.done $0x0  }
0xc2: {  	[sflag:s12] =	ssyncadd.s32 $0xFFFFF380  }
0xc3: {  	s15 =	sshrl.u32 @!p0 s15, $0x3;
	_ =	swait.ge [sflag:s14], $0xC80  }
0xc4: {  	s15 =	sadd.s32 @!p0 $0x500, s15;
	[sflag:s14] =	ssyncset.done $0x0  }
0xc5: {  	s20 =	simm.s32 @!p0 $0x0;
	s18 =	sadd.s32 @!p0 s5, s15;
	[sflag:s14] =	ssyncadd.s32 $0xFFFFF380  }
0xc6: {  	[tilespmem:s20], [sflag:$0x1] =	stream.linear.gather @!p0 [hbm4b:s18+s20], $0x1400, $0x38;
	[tilespmem:$0x1E000] =	vst v63  }
0xc7: {  	s15 =	sadd.s32 @!p0 s6, s15;
	s18 =	simm.s32 @!p0 $0x1400  }
0xc8: {  	[tilespmem:s18], [sflag:$0x1] =	stream.linear.gather @!p0 [hbm4b:s15+s20], $0x1400, $0x38;
	[tilespmem:$0x1E000] =	vst v63  }
0xc9: {  	_ =	swait.ge [sflag:s25], $0x1400  }
0xca: {  	[sflag:s25] =	ssyncset.done $0x0  }
0xcb: {  	[sflag:s25] =	ssyncadd.s32 $0xFFFFEC00  }
0xcc: {  	_ =	swait.ge [sflag:s25], $0x1400  }
0xcd: {  	[sflag:s25] =	ssyncset.done $0x0  }
0xce: {  	[sflag:s25] =	ssyncadd.s32 $0xFFFFEC00  }
0xcf: {  	[tilespmem:s9], [sflag:$0x3] =	stream.indirect.gather [hbm4b:s7+s17], $0x80, s13, s17, $0xb8;
	[tilespmem:$0x1E000] =	vst v63  }
0xd0: {  	s20 =	simm.s32 $0x2880  }
0xd1: {  	[tilespmem:s19], [sflag:$0x4] =	stream.indirect.gather [hbm4b:s7+s17], $0x80, s20, s17, $0xb8;
	[tilespmem:$0x1E000] =	vst v63  }
0xd2: {  	s18 =	simm.s32 $0x2900  }
0xd3: {  	[tilespmem:s21], [sflag:$0x5] =	stream.indirect.gather [hbm4b:s7+s17], $0x80, s18, s17, $0xb8;
	[tilespmem:$0x1E000] =	vst v63  }
0xd4: {  	s20 =	simm.s32 $0x2980  }
0xd5: {  	[tilespmem:s23], [sflag:$0x6] =	stream.indirect.gather [hbm4b:s7+s17], $0x80, s20, s17, $0xb8;
	[tilespmem:$0x1E000] =	vst v63  }
0xd6: {  	s18 =	simm.s32 $0x2A00  }
0xd7: {  	[tilespmem:s26], [sflag:$0x7] =	stream.indirect.gather [hbm4b:s7+s17], $0x80, s18, s17, $0xb8;
	[tilespmem:$0x1E000] =	vst v63  }
0xd8: {  	_ =	swait.ge [sflag:s28], $0xC80  }
0xd9: {  	[sflag:s28] =	ssyncset.done $0x0  }
0xda: {  	s20 =	simm.s32 $0x3C00;
	[sflag:s28] =	ssyncadd.s32 $0xFFFFF380  }
0xdb: {  	[spmem:s2] =	stream.indirect.scatter.add.f32 [tilespmem:s9], [sflag:$0x8], $0x80, s20, s17, $0xb8;
	[tilespmem:$0x1E000] =	vst v63  }
0xdc: {  	_ =	swait.ge [sflag:s29], $0xC80  }
0xdd: {  	[sflag:s29] =	ssyncset.done $0x0  }
0xde: {  	s18 =	simm.s32 $0x3C80;
	[sflag:s29] =	ssyncadd.s32 $0xFFFFF380  }
0xdf: {  	[spmem:s2] =	stream.indirect.scatter.add.f32 [tilespmem:s19], [sflag:$0x9], $0x80, s18, s17, $0xb8;
	[tilespmem:$0x1E000] =	vst v63  }
0xe0: {  	_ =	swait.ge [sflag:s30], $0xC80  }
0xe1: {  	[sflag:s30] =	ssyncset.done $0x0  }
0xe2: {  	s20 =	simm.s32 $0x3D00;
	[sflag:s30] =	ssyncadd.s32 $0xFFFFF380  }
0xe3: {  	[spmem:s2] =	stream.indirect.scatter.add.f32 [tilespmem:s21], [sflag:$0xA], $0x80, s20, s17, $0xb8;
	[tilespmem:$0x1E000] =	vst v63  }
0xe4: {  	_ =	swait.ge [sflag:s31], $0xC80  }
0xe5: {  	[sflag:s31] =	ssyncset.done $0x0  }
0xe6: {  	s18 =	simm.s32 $0x3D80;
	[sflag:s31] =	ssyncadd.s32 $0xFFFFF380  }
0xe7: {  	[spmem:s2] =	stream.indirect.scatter.add.f32 [tilespmem:s23], [sflag:$0xB], $0x80, s18, s17, $0xb8;
	[tilespmem:$0x1E000] =	vst v63  }
0xe8: {  	_ =	swait.ge [sflag:s0], $0xC80  }
0xe9: {  	[sflag:s0] =	ssyncset.done $0x0  }
0xea: {  	s20 =	simm.s32 $0x3E00;
	[sflag:s0] =	ssyncadd.s32 $0xFFFFF380  }
0xeb: {  	[spmem:s2] =	stream.indirect.scatter.add.f32 [tilespmem:s26], [sflag:$0xC], $0x80, s20, s17, $0xb8;
	[tilespmem:$0x1E000] =	vst v63  }
0xec: {  	_ =	swait.ge [sflag:s11], $0xC80  }
0xed: {  	[sflag:s11] =	ssyncset.done $0x0  }
0xee: {  	s18 =	simm.s32 $0x2A80;
	[sflag:s11] =	ssyncadd.s32 $0xFFFFF380  }
0xef: {  	[tilespmem:s9], [sflag:$0x3] =	stream.indirect.gather [hbm4b:s7+s17], $0x80, s18, s17, $0xb8;
	[tilespmem:$0x1E000] =	vst v63  }
0xf0: {  	_ =	swait.ge [sflag:s1], $0xC80  }
0xf1: {  	[sflag:s1] =	ssyncset.done $0x0  }
0xf2: {  	s20 =	simm.s32 $0x2B00;
	[sflag:s1] =	ssyncadd.s32 $0xFFFFF380  }
0xf3: {  	[tilespmem:s19], [sflag:$0x4] =	stream.indirect.gather [hbm4b:s7+s17], $0x80, s20, s17, $0xb8;
	[tilespmem:$0x1E000] =	vst v63  }
0xf4: {  	_ =	swait.ge [sflag:s8], $0xC80  }
0xf5: {  	[sflag:s8] =	ssyncset.done $0x0  }
0xf6: {  	s18 =	simm.s32 $0x2B80;
	[sflag:s8] =	ssyncadd.s32 $0xFFFFF380  }
0xf7: {  	[tilespmem:s21], [sflag:$0x5] =	stream.indirect.gather [hbm4b:s7+s17], $0x80, s18, s17, $0xb8;
	[tilespmem:$0x1E000] =	vst v63  }
0xf8: {  	_ =	swait.ge [sflag:s12], $0xC80  }
0xf9: {  	[sflag:s12] =	ssyncset.done $0x0  }
0xfa: {  	s20 =	simm.s32 $0x2C00;
	[sflag:s12] =	ssyncadd.s32 $0xFFFFF380  }
0xfb: {  	[tilespmem:s23], [sflag:$0x6] =	stream.indirect.gather [hbm4b:s7+s17], $0x80, s20, s17, $0xb8;
	[tilespmem:$0x1E000] =	vst v63  }
0xfc: {  	_ =	swait.ge [sflag:s14], $0xC80  }
0xfd: {  	[sflag:s14] =	ssyncset.done $0x0  }
0xfe: {  	s15 =	simm.s32 $0xA00;
	s18 =	simm.s32 $0x2C80;
	[sflag:s14] =	ssyncadd.s32 $0xFFFFF380  }
.LBB2_9:
0xff: {  	[tilespmem:s26], [sflag:$0x7] =	stream.indirect.gather [hbm4b:s7+s17], $0x80, s18, s17, $0xb8;
	[tilespmem:$0x1E000] =	vst v63  }
0x100: {  	s18 =	smov.u32 s15  }
0x101: {  	p1 =	sne.s32 s15, $0x3C00;
	s15 =	sadd.s32 $0xA00, s15;
	_ =	swait.ge [sflag:s28], $0xC80  }
0x102: {  	s18 =	sshra.s32 s18, $0x2;
	[sflag:s28] =	ssyncset.done $0x0  }
0x103: {  	s20 =	sadd.s32 $0x3C00, s18;
	[sflag:s28] =	ssyncadd.s32 $0xFFFFF380  }
0x104: {  	[spmem:s2] =	stream.indirect.scatter.add.f32 [tilespmem:s9], [sflag:$0x8], $0x80, s20, s17, $0xb8;
	[tilespmem:$0x1E000] =	vst v63  }
0x105: {  	_ =	swait.ge [sflag:s29], $0xC80  }
0x106: {  	[sflag:s29] =	ssyncset.done $0x0  }
0x107: {  	s20 =	sadd.s32 $0x3C80, s18;
	[sflag:s29] =	ssyncadd.s32 $0xFFFFF380  }
0x108: {  	[spmem:s2] =	stream.indirect.scatter.add.f32 [tilespmem:s19], [sflag:$0x9], $0x80, s20, s17, $0xb8;
	[tilespmem:$0x1E000] =	vst v63  }
0x109: {  	_ =	swait.ge [sflag:s30], $0xC80  }
0x10a: {  	[sflag:s30] =	ssyncset.done $0x0  }
0x10b: {  	s20 =	sadd.s32 $0x3D00, s18;
	[sflag:s30] =	ssyncadd.s32 $0xFFFFF380  }
0x10c: {  	[spmem:s2] =	stream.indirect.scatter.add.f32 [tilespmem:s21], [sflag:$0xA], $0x80, s20, s17, $0xb8;
	[tilespmem:$0x1E000] =	vst v63  }
0x10d: {  	_ =	swait.ge [sflag:s31], $0xC80  }
0x10e: {  	[sflag:s31] =	ssyncset.done $0x0  }
0x10f: {  	s20 =	sadd.s32 $0x3D80, s18;
	[sflag:s31] =	ssyncadd.s32 $0xFFFFF380  }
0x110: {  	[spmem:s2] =	stream.indirect.scatter.add.f32 [tilespmem:s23], [sflag:$0xB], $0x80, s20, s17, $0xb8;
	[tilespmem:$0x1E000] =	vst v63  }
0x111: {  	_ =	swait.ge [sflag:s0], $0xC80  }
0x112: {  	[sflag:s0] =	ssyncset.done $0x0  }
0x113: {  	s20 =	sadd.s32 $0x3E00, s18;
	[sflag:s0] =	ssyncadd.s32 $0xFFFFF380  }
0x114: {  	[spmem:s2] =	stream.indirect.scatter.add.f32 [tilespmem:s26], [sflag:$0xC], $0x80, s20, s17, $0xb8;
	[tilespmem:$0x1E000] =	vst v63  }
0x115: {  	_ =	swait.ge [sflag:s11], $0xC80  }
0x116: {  	[sflag:s11] =	ssyncset.done $0x0  }
0x117: {  	s20 =	sadd.s32 $0x2A80, s18;
	[sflag:s11] =	ssyncadd.s32 $0xFFFFF380  }
0x118: {  	[tilespmem:s9], [sflag:$0x3] =	stream.indirect.gather [hbm4b:s7+s17], $0x80, s20, s17, $0xb8;
	[tilespmem:$0x1E000] =	vst v63  }
0x119: {  	_ =	swait.ge [sflag:s1], $0xC80  }
0x11a: {  	[sflag:s1] =	ssyncset.done $0x0  }
0x11b: {  	s20 =	sadd.s32 $0x2B00, s18;
	[sflag:s1] =	ssyncadd.s32 $0xFFFFF380  }
0x11c: {  	[tilespmem:s19], [sflag:$0x4] =	stream.indirect.gather [hbm4b:s7+s17], $0x80, s20, s17, $0xb8;
	[tilespmem:$0x1E000] =	vst v63  }
0x11d: {  	_ =	swait.ge [sflag:s8], $0xC80  }
0x11e: {  	[sflag:s8] =	ssyncset.done $0x0  }
0x11f: {  	s20 =	sadd.s32 $0x2B80, s18;
	[sflag:s8] =	ssyncadd.s32 $0xFFFFF380  }
0x120: {  	[tilespmem:s21], [sflag:$0x5] =	stream.indirect.gather [hbm4b:s7+s17], $0x80, s20, s17, $0xb8;
	[tilespmem:$0x1E000] =	vst v63  }
0x121: {  	_ =	swait.ge [sflag:s12], $0xC80  }
0x122: {  	[sflag:s12] =	ssyncset.done $0x0  }
.Ltmp5:
0x123: {  	s20 =	sadd.s32 $0x2C00, s18;
	[sflag:s12] =	ssyncadd.s32 $0xFFFFF380;
	(pc) =	sbr.rel @p1 .LBB2_9-.Ltmp5, $4  }
0x124: {  	[tilespmem:s23], [sflag:$0x6] =	stream.indirect.gather [hbm4b:s7+s17], $0x80, s20, s17, $0xb8;
	[tilespmem:$0x1E000] =	vst v63  }
0x125: {  	_ =	swait.ge [sflag:s14], $0xC80  }
0x126: {  	[sflag:s14] =	ssyncset.done $0x0  }
0x127: {  	s18 =	sadd.s32 $0x2C80, s18;
	[sflag:s14] =	ssyncadd.s32 $0xFFFFF380  }
0x128: {  	[tilespmem:s26], [sflag:$0x7] =	stream.indirect.gather [hbm4b:s7+s17], $0x80, s18, s17, $0xb8;
	[tilespmem:$0x1E000] =	vst v63  }
0x129: {  	_ =	swait.ge [sflag:s28], $0xC80  }
0x12a: {  	[sflag:s28] =	ssyncset.done $0x0  }
0x12b: {  	s15 =	simm.s32 $0x4D80;
	[sflag:s28] =	ssyncadd.s32 $0xFFFFF380  }
0x12c: {  	[spmem:s2] =	stream.indirect.scatter.add.f32 [tilespmem:s9], [sflag:$0x8], $0x80, s15, s17, $0xb8;
	[tilespmem:$0x1E000] =	vst v63  }
0x12d: {  	_ =	swait.ge [sflag:s29], $0xC80  }
0x12e: {  	[sflag:s29] =	ssyncset.done $0x0  }
0x12f: {  	s18 =	simm.s32 $0x4E00;
	[sflag:s29] =	ssyncadd.s32 $0xFFFFF380  }
0x130: {  	[spmem:s2] =	stream.indirect.scatter.add.f32 [tilespmem:s19], [sflag:$0x9], $0x80, s18, s17, $0xb8;
	[tilespmem:$0x1E000] =	vst v63  }
0x131: {  	_ =	swait.ge [sflag:s30], $0xC80  }
0x132: {  	[sflag:s30] =	ssyncset.done $0x0  }
0x133: {  	s20 =	simm.s32 $0x4E80;
	[sflag:s30] =	ssyncadd.s32 $0xFFFFF380  }
0x134: {  	[spmem:s2] =	stream.indirect.scatter.add.f32 [tilespmem:s21], [sflag:$0xA], $0x80, s20, s17, $0xb8;
	[tilespmem:$0x1E000] =	vst v63  }
0x135: {  	_ =	swait.ge [sflag:s31], $0xC80  }
0x136: {  	[sflag:s31] =	ssyncset.done $0x0  }
0x137: {  	s18 =	simm.s32 $0x4F00;
	[sflag:s31] =	ssyncadd.s32 $0xFFFFF380  }
0x138: {  	[spmem:s2] =	stream.indirect.scatter.add.f32 [tilespmem:s23], [sflag:$0xB], $0x80, s18, s17, $0xb8;
	[tilespmem:$0x1E000] =	vst v63  }
0x139: {  	_ =	swait.ge [sflag:s0], $0xC80  }
0x13a: {  	[sflag:s0] =	ssyncset.done $0x0  }
0x13b: {  	s20 =	simm.s32 $0x4F80;
	[sflag:s0] =	ssyncadd.s32 $0xFFFFF380  }
0x13c: {  	[spmem:s2] =	stream.indirect.scatter.add.f32 [tilespmem:s26], [sflag:$0xC], $0x80, s20, s17, $0xb8;
	[tilespmem:$0x1E000] =	vst v63  }
0x13d: {  	_ =	swait.ge [sflag:s11], $0xC80  }
0x13e: {  	[sflag:s11] =	ssyncset.done $0x0  }
0x13f: {  	[sflag:s11] =	ssyncadd.s32 $0xFFFFF380  }
0x140: {  	_ =	swait.ge [sflag:s1], $0xC80  }
0x141: {  	[sflag:s1] =	ssyncset.done $0x0  }
0x142: {  	[sflag:s1] =	ssyncadd.s32 $0xFFFFF380  }
0x143: {  	_ =	swait.ge [sflag:s8], $0xC80  }
0x144: {  	[sflag:s8] =	ssyncset.done $0x0  }
0x145: {  	[sflag:s8] =	ssyncadd.s32 $0xFFFFF380  }
0x146: {  	_ =	swait.ge [sflag:s12], $0xC80  }
.Ltmp6:
0x147: {  	[sflag:s12] =	ssyncset.done $0x0;
	(pc) =	sbr.rel @p0 .LBB2_12-.Ltmp6, $4  }
0x148: {  	[sflag:s12] =	ssyncadd.s32 $0xFFFFF380  }
0x149: {  	_ =	swait.ge [sflag:s14], $0xC80  }
0x14a: {  	[sflag:s14] =	ssyncset.done $0x0  }
0x14b: {  	[sflag:s14] =	ssyncadd.s32 $0xFFFFF380  }
0x14c: {  	s15 =	smul.u32 $0x2800, s24;
	_ =	sdelay $0x1  }
0x14d: {  	s15 =	sshrl.u32 s15, $0x3  }
.Ltmp7:
0x14e: {  	s15 =	sadd.s32 $0x780, s15;
	(pc) =	sbr.rel .LBB2_6-.Ltmp7, $4  }
0x14f: {  	s18 =	sadd.s32 s5, s15  }
0x150: {  	[tilespmem:s13], [sflag:$0x2] =	stream.linear.gather [hbm4b:s18+s3], $0x1400, $0x38;
	[tilespmem:$0x1E000] =	vst v63  }
0x151: {  	s20 =	simm.s32 $0x3C00;
	s24 =	sadd.s32 $0x1, s24;
	s15 =	sadd.s32 s6, s15  }
0x152: {  	[tilespmem:s20], [sflag:$0x2] =	stream.linear.gather [hbm4b:s15+s3], $0x1400, $0x38;
	[tilespmem:$0x1E000] =	vst v63  }
.LBB2_13:
0x153: {  	_ =	sfence.sel $0x180000  }
0x154: {  	[bflag:$0x0] =	sbarrier.arrive $0xFFFF  }
0x155: {  	_ =	strace $0x9000004A  }
0x156: {  	s0 =	stileid.u32;
	[bflag:$0x2] =	sbarrier.arrive $0xFFFF  }
0x157: {  	p0 =	sne.s32 s0, $0x0;
	s0 =	rddreg [dreg:$0x2]  }
0x158: {  	s0 =	sadd.s32 @!p0 $0x100000, s0  }
0x159: {  	[sflag:s0] =	ssyncadd.tile.s32 @!p0 $0x1;
	_ =	shalt  }
.Lfunc_end2:
_tile_overlayer_lowered:
.L_overlay_start_2:
0x15a: {  	(tag) =	ssettag $0x2  }
0x15b: {  	s0 =	rddreg [dreg:$0x0];
	s2 =	stileid.u32  }
0x15c: {  	s1 =	rddreg [dreg:$0x1];
	p0 =	sne.s32 s2, $0x0  }
0x15d: {  	s3 =	rddreg [dreg:$0x2];
	[bflag:$0x3] =	sbarrier.arrive $0xFFFF;
	s2 =	simm.s32 @!p0 $0x1C0D  }
0x15e: {  	[timem:s3], [sflag:s2] =	dma.local @!p0 [hbm:s0], s1  }
0x15f: {  	s0 =	simm.s32 @!p0 $0xD  }
0x160: {  	_ =	swait.ge @!p0 [sflag:s0], s1  }
0x161: {  	s1 =	ssub.s32 @!p0 $0x0, s1;
	[sflag:s0] =	ssyncset.done @!p0 $0x0  }
0x162: {  	[sflag:s0] =	ssyncadd.s32 @!p0 s1  }
0x163: {  	[bflag:$0x3] =	sbarrier.arrive $0xFFFF  }
0x164: {  	_ =	shalt  }

// kernel: kernel.14.cloned.1.call-start
scs
__scs_entry_jumppad:
0x0: {  	(pc) =	sbr.rel $0x88, $3  }
0x1: {  	(tag) =	ssettag $0x0;
	lr =	simm.s32 $0x1  }
0x2: {  	[smem:$0x3F9B] =	sst lr;
	_ =	strace $0xD0000000  }
0x3: {  	_ = 	snop  }
0x4: {  	_ = 	snop  }
0x5: {  	_ = 	snop  }
0x6: {  	_ = 	snop  }
0x7: {  	_ = 	snop  }
__scs_overlays_trampoline_lowered:
0x8: {  	[smem:$0x3FAA] =	sst s0  }
0x9: {  	[smem:$0x3FAB] =	sst s1  }
0xa: {  	[smem:$0x3FAC] =	sst s2  }
0xb: {  	[smem:$0x3FAD] =	sst s3  }
0xc: {  	[smem:$0x3FAE] =	sst s4  }
0xd: {  	[smem:$0x3FAF] =	sst s5  }
0xe: {  	[smem:$0x3FB0] =	sst s6  }
0xf: {  	[smem:$0x3FB1] =	sst s7  }
0x10: {  	[smem:$0x3FB2] =	sst s8  }
0x11: {  	[smem:$0x3FB3] =	sst s9;
	s0 =	simm.s32 @!p0 $0x0  }
0x12: {  	s1 =	sld [smem:$0x3F99];
	s0 =	simm.s32 @p0 $0x1  }
0x13: {  	[smem:$0x3FB4] =	sst s0;
	s0 =	simm.s32 @!p1 $0x0  }
0x14: {  	s2 =	sld [smem:$0x3F98];
	s0 =	simm.s32 @p1 $0x1  }
0x15: {  	[smem:$0x3FB5] =	sst s0;
	s0 =	simm.s32 @!p2 $0x0  }
0x16: {  	s3 =	sld [smem:$0x3FDB];
	s0 =	simm.s32 @p2 $0x1  }
0x17: {  	s4 =	simm.s32 $0x1BF5;
	[smem:$0x3FB7] =	sst s0  }
0x18: {  	s0 =	sld [smem:$0x3F9A];
	_ =	swait.ge [sflag:s4], $0x0  }
0x19: {  	s7 =	sld [smem:$0x3F9B]  }
0x1a: {  	s8 =	sadd.s32 $0xFFFFE003, lr  }
0x1b: {  	s9 =	sadd.s32 $0xFFFFFEF7, lr;
	s5 =	simm.s32 $0xFFFFFFFF;
	p2 =	slt.u32 s8, $0xFFFFF086  }
0x1c: {  	p1 =	slt.u32 s9, $0xF7A;
	s5 =	simm.s32 @!p2 $0x0  }
0x1d: {  	s5 =	simm.s32 @p1 $0x1;
	p0 =	seq.s32 s7, s2  }
0x1e: {  	s7 =	smul.u32 @!p0 $0xF7A, s2;
	p2 =	seq.s32 @!p0 s5, $0x0  }
0x1f: {  	s9 =	smul.u32 $0xF7A, s1;
	s8 =	simm.s32 @!p0 $0x1BF5;
	p2 =	por !p2, p0  }
0x20: {  	[sflag:s8] =	ssyncset.s32 @!p0 $0xFFFFF086;
	s6 =	sadd.s32 @!p0 s3, s7;
	s7 =	simm.s32 @!p0 $0x108  }
0x21: {  	s3 =	sadd.s32 s3, s9;
	s6 =	sadd.s32 @!p0 $0x88, s6;
	s7 =	simm.s32 @p2 $0x1082  }
0x22: {  	[simem:s7], [sflag:s8] =	dma.local @!p0 [hbm:s6], $0xF7A  }
0x23: {  	s9 =	sor.u32 $0xD0000000, s2;
	s6 =	simm.s32 $0x108;
	_ =	swait.ge @!p0 [sflag:s8], $0x0  }
0x24: {  	s3 =	sadd.s32 $0x88, s3;
	s6 =	simm.s32 @!p1 $0x1082;
	[sflag:s4] =	ssyncset.s32 $0xFFFFF086  }
0x25: {  	[simem:s6], [sflag:s4] =	dma.local [hbm:s3], $0xF7A  }
0x26: {  	[smem:$0x3F9B] =	sst s1;
	(tag) =	ssettag s2;
	_ =	strace s9  }
0x27: {  	s1 =	sld [smem:$0x3FAB]  }
0x28: {  	s2 =	sld [smem:$0x3FAC]  }
0x29: {  	s4 =	sld [smem:$0x3FAE]  }
0x2a: {  	p0 =	seq.s32 s5, $0x0;
	s5 =	sld [smem:$0x3FAF]  }
0x2b: {  	s6 =	sld [smem:$0x3FB0]  }
0x2c: {  	s7 =	sld [smem:$0x3FB1]  }
0x2d: {  	s3 =	simm.s32 $0x108;
	s8 =	sld [smem:$0x3FB2]  }
0x2e: {  	s3 =	simm.s32 @!p0 $0x1082;
	s9 =	sld [smem:$0x3FB3]  }
0x2f: {  	lr =	sadd.s32 s0, s3;
	s0 =	sld [smem:$0x3FAA]  }
0x30: {  	s3 =	sld [smem:$0x3FAD]  }
0x31: {  	[smem:$0x3FB6] =	sst s10  }
0x32: {  	s10 =	sld [smem:$0x3FB4];
	_ =	sdelay $0x3  }
0x33: {  	p0 =	seq.s32 s10, $0x1;
	s10 =	sld [smem:$0x3FB6];
	_ =	sdelay $0x3  }
0x34: {  	[smem:$0x3FB6] =	sst s10  }
0x35: {  	s10 =	sld [smem:$0x3FB5];
	_ =	sdelay $0x3  }
0x36: {  	p1 =	seq.s32 s10, $0x1;
	s10 =	sld [smem:$0x3FB6];
	_ =	sdelay $0x3  }
0x37: {  	[smem:$0x3FB6] =	sst s10  }
0x38: {  	s10 =	sld [smem:$0x3FB7]  }
0x39: {  	_ = 	snop;
	(pc) =	sbr.ind lr, $3  }
0x3a: {  	_ = 	snop  }
0x3b: {  	_ = 	snop  }
0x3c: {  	p2 =	seq.s32 s10, $0x1;
	s10 =	sld [smem:$0x3FB6]  }
0x3d: {  	_ =	shalt  }
0x3e: {  	_ =	shalt  }
0x3f: {  	_ =	shalt  }
0x40: {  	_ =	shalt  }
0x41: {  	_ =	shalt  }
0x42: {  	_ =	shalt  }
0x43: {  	_ =	shalt  }
0x44: {  	_ =	shalt  }
0x45: {  	_ =	shalt  }
0x46: {  	_ =	shalt  }
0x47: {  	_ =	shalt  }
0x48: {  	_ =	shalt  }
0x49: {  	_ =	shalt  }
0x4a: {  	_ =	shalt  }
0x4b: {  	_ =	shalt  }
0x4c: {  	_ =	shalt  }
0x4d: {  	_ =	shalt  }
0x4e: {  	_ =	shalt  }
0x4f: {  	_ =	shalt  }
0x50: {  	_ =	shalt  }
0x51: {  	_ =	shalt  }
0x52: {  	_ =	shalt  }
0x53: {  	_ =	shalt  }
0x54: {  	_ =	shalt  }
0x55: {  	_ =	shalt  }
0x56: {  	_ =	shalt  }
0x57: {  	_ =	shalt  }
0x58: {  	_ =	shalt  }
0x59: {  	_ =	shalt  }
0x5a: {  	_ =	shalt  }
0x5b: {  	_ =	shalt  }
0x5c: {  	_ =	shalt  }
0x5d: {  	_ =	shalt  }
0x5e: {  	_ =	shalt  }
0x5f: {  	_ =	shalt  }
0x60: {  	_ =	shalt  }
0x61: {  	_ =	shalt  }
0x62: {  	_ =	shalt  }
0x63: {  	_ =	shalt  }
0x64: {  	_ =	shalt  }
0x65: {  	_ =	shalt  }
0x66: {  	_ =	shalt  }
0x67: {  	_ =	shalt  }
0x68: {  	_ =	shalt  }
0x69: {  	_ =	shalt  }
0x6a: {  	_ =	shalt  }
0x6b: {  	_ =	shalt  }
0x6c: {  	_ =	shalt  }
0x6d: {  	_ =	shalt  }
0x6e: {  	_ =	shalt  }
0x6f: {  	_ =	shalt  }
0x70: {  	_ =	shalt  }
0x71: {  	_ =	shalt  }
0x72: {  	_ =	shalt  }
0x73: {  	_ =	shalt  }
0x74: {  	_ =	shalt  }
0x75: {  	_ =	shalt  }
0x76: {  	_ =	shalt  }
0x77: {  	_ =	shalt  }
0x78: {  	_ =	shalt  }
0x79: {  	_ =	shalt  }
0x7a: {  	_ =	shalt  }
0x7b: {  	_ =	shalt  }
0x7c: {  	_ =	shalt  }
0x7d: {  	_ =	shalt  }
0x7e: {  	_ =	shalt  }
0x7f: {  	_ =	shalt  }
0x80: {  	_ =	shalt  }
0x81: {  	_ =	shalt  }
0x82: {  	_ =	shalt  }
0x83: {  	_ =	shalt  }
0x84: {  	_ =	shalt  }
0x85: {  	_ =	shalt  }
0x86: {  	_ =	shalt  }
0x87: {  	_ =	shalt  }
.Lfunc_end0:
.L_simem_size_0:
called_computation.2_lowered:
.L_overlay_start_0:
0x88: {  	s2 =	sld [smem:$0x3FD9]  }
0x89: {  	s3 =	sld [smem:$0x3FFE];
	_ =	sdelay $0x1  }
0x8a: {  	s1 =	srdreg.scid  }
0x8b: {  	s0 =	sand.u32 $0x1, s1  }
0x8c: {  	s17 =	sshll.u32 s0, $0xA;
	s2 =	sadd.s32 s3, s2  }
0x8d: {  	s2 =	sadd.s32 s2, s17  }
0x8e: {  	[smem:$0x3FC2] =	sst s2  }
0x8f: {  	_ = 	snop  }
0x90: {  	s2 =	sld [smem:$0x3FD0];
	(tm) =	ssettm $0x1  }
0x91: {  	s18 =	sld [smem:$0x3FFB];
	_ =	sdelay $0x3  }
0x92: {  	_ =	strace s18  }
0x93: {  	s3 =	sld [smem:$0x3FFC];
	_ =	sdelay $0x3  }
0x94: {  	_ =	strace s3  }
0x95: {  	s3 =	sld [smem:$0x3FFD];
	_ =	sdelay $0x3  }
0x96: {  	_ =	strace s3  }
0x97: {  	_ =	strace $0x8FFFFFFF  }
0x98: {  	s19 =	sld [smem:$0x3FDB];
	_ =	sdelay $0x1  }
0x99: {  	s4 =	simm.s32 $_scs_section_size  }
0x9a: {  	s5 =	simm.s32 $_size__tile_overlayer_lowered;
	s6 =	simm.s32 $_tile_overlayer_lowered  }
0x9b: {  	s22 =	simm.s32 $0x1BFF;
	s21 =	sshll.u32 s6, $0x1;
	s3 =	sadd.s32 s4, s19  }
0x9c: {  	s7 =	simm.s32 $0x0;
	s20 =	sshll.u32 s5, $0x1;
	s5 =	sadd.s32 s21, s3  }
0x9d: {  	[timem:s7], [sflag:s22] =	dma.local [hbm:s5], s20  }
0x9e: {  	_ =	swait.ge [sflag:s22], s20  }
0x9f: {  	s4 =	ssub.s32 $0x0, s20;
	[sflag:s22] =	ssyncset.done $0x0  }
0xa0: {  	[sflag:s22] =	ssyncadd.s32 s4;
	_ =	sdelay $0x1  }
0xa1: {  	s23 =	simm.s32 $0x1B8B  }
0xa2: {  	_ =	swait.ge [sflag:s23], $0x1  }
0xa3: {  	[sflag:s23] =	ssyncset.done $0x0  }
0xa4: {  	s25 =	simm.s32 $0x1B8E;
	s24 =	sld [smem:$0x3FFE];
	[sflag:s23] =	ssyncadd.s32 $0xFFFFFFFF  }
0xa5: {  	s26 =	simm.s32 $execute0_lowered;
	[smem:$0x3FD2] =	sst s25  }
0xa6: {  	s5 =	sshll.u32 s26, $0x1;
	_ =	strace $0x8000004C;
	[dreg:$0x1] =	wrdreg $0xFFFFFFFF  }
0xa7: {  	s28 =	simm.s32 $_size_execute0_lowered;
	s3 =	sadd.s32 s3, s5;
	[dreg:$0x0] =	wrdreg $0x0  }
0xa8: {  	s5 =	sshll.u32 s28, $0x1;
	[dreg:$0x2] =	wrdreg s3  }
0xa9: {  	[dreg:$0x3] =	wrdreg s5  }
0xaa: {  	[dreg:$0x4] =	wrdreg $0xC0  }
0xab: {  	_ =	task [dreg:s7], $0x5FFFF  }
0xac: {  	[dreg:$0x1] =	wrdreg $0xFFFFFFFF  }
0xad: {  	[dreg:$0x0] =	wrdreg $0x60  }
0xae: {  	[dreg:$0x2] =	wrdreg s2  }
0xaf: {  	[dreg:$0x3] =	wrdreg s24  }
0xb0: {  	[dreg:$0x4] =	wrdreg $0xA0000  }
0xb1: {  	[dreg:$0x5] =	wrdreg $0x9  }
0xb2: {  	_ =	task.clear_ibuf [dreg:s7], $0x6FFFF;
	_ =	strace $0x9000004C  }
0xb3: {  	s29 =	simm.s32 $0x9;
	_ =	strace $0x8000004E  }
0xb4: {  	_ =	swait.ge [sflag:s29], $0x1  }
0xb5: {  	[sflag:s29] =	ssyncadd.s32 $0xFFFFFFFF  }
0xb6: {  	_ =	strace $0x9000004E  }
0xb7: {  	_ =	sfence  }
0xb8: {  	s30 =	sld [smem:$0x0];
	_ =	sdelay $0x2  }
0xb9: {  	s31 =	sshll.u32 s1, $0xD;
	s1 =	sshrl.u32 s1, $0x2  }
0xba: {  	s3 =	sand.u32 $0x4000, s31;
	s1 =	sadd.s32 s1, s30  }
0xbb: {  	s0 =	sor.u32 s3, s0;
	s1 =	sshll.u32 s1, $0x11  }
0xbc: {  	s0 =	sor.u32 s1, s0  }
0xbd: {  	s0 =	sadd.s32 $0x8F2B, s0  }
0xbe: {  	[sflag:s0] =	ssyncadd.remote.s32 $0x1  }
0xbf: {  	_ =	sfence.sel $0xFFFF  }
0xc0: {  	[dreg:$0x0] =	wrdreg $0xFFFFFFFF;
	(pc) =	sbr.abs _section_cstart, $3  }
0xc1: {  	[dreg:$0x1] =	wrdreg $0xFFFFFFFF  }
0xc2: {  	_ =	task.clear_ibuf [dreg:s7], $0x2FFFF;
	_ =	strace $0x9FFFFFFF  }
0xc3: {  	(tm) =	ssettm $0x7FFFFFFF  }
tec
execute0_lowered:
.L_overlay_start_1:
0x0: {  	(tag) =	ssettag $0x1  }
0x1: {  	s1 =	rddreg [dreg:$0x0]  }
0x2: {  	s0 =	rddreg [dreg:$0x1];
	s3 =	srdreg.scid  }
0x3: {  	s2 =	rddreg [dreg:$0x2];
	s4 =	simm.s32 $0x0;
	s9 =	stileid.u32  }
0x4: {  	s13 =	simm.s32 $0x2800;
	s16 =	simm.s32 $0x1;
	s17 =	simm.s32 $0x19  }
0x5: {  	s19 =	simm.s32 $0x6000;
	s21 =	simm.s32 $0x7000;
	s28 =	simm.s32 $0x3  }
0x6: {  	s29 =	simm.s32 $0x4;
	s30 =	simm.s32 $0x5;
	s7 =	smul.u32 $0x50000, s9  }
0x7: {  	s31 =	simm.s32 $0x6;
	s3 =	sand.u32 $0x1, s3;
	s10 =	smul.u32 $0x1900, s9  }
0x8: {  	s14 =	simm.s32 $0xC;
	s18 =	simm.s32 $0x0;
	s5 =	smul.u32 $0x19000, s3  }
0x9: {  	[smem:$0x7FF] =	sst s4;
	s6 =	smul.u32 $0x28000, s3;
	s3 =	ssub.s32 $0x2, s3  }
0xa: {  	s12 =	smul.u32 $0x2800, s9;
	_ =	strace $0x8000004D;
	s22 =	sshrl.u32 s3, $0x1  }
0xb: {  	s23 =	sshrl.u32 s7, $0x2;
	s7 =	simm.s32 $0x5000;
	s8 =	sadd.s32 s5, s0  }
0xc: {  	s0 =	sadd.s32 s6, s0;
	s3 =	ssub.s32 s3, s22;
	s5 =	sadd.s32 s23, s2  }
0xd: {  	s23 =	simm.s32 $0x8000;
	s6 =	simm.s32 $0xA;
	s22 =	simm.s32 $0x0  }
0xe: {  	s24 =	sadd.s32 $0x186A00, s8;
	s11 =	sadd.s32 $0x154A00, s8;
	s3 =	smax.u32 s3, $0x1  }
0xf: {  	s0 =	sadd.s32 $0x1E00, s0;
	s8 =	simm.s32 $0xD;
	[dreg:$0x4] =	wrdreg s3  }
.Ltmp0:
0x10: {  	s9 =	sadd.s32 s10, s24;
	s10 =	sadd.s32 s10, s11;
	(pc) =	sbr.rel .LBB2_1-.Ltmp0, $4  }
0x11: {  	s0 =	sadd.s32 s12, s0;
	s11 =	simm.s32 $0x8;
	s3 =	simm.s32 $0x9  }
0x12: {  	s12 =	simm.s32 $0xB;
	s25 =	sadd.s32 $0x280, s9;
	[dreg:$0x7] =	wrdreg s0  }
0x13: {  	s26 =	sadd.s32 $0x280, s10;
	s0 =	simm.s32 $0x7;
	[dreg:$0x5] =	wrdreg s25  }
0x14: {  	v0 =	vimm.f32 $0.0e+00;
	[dreg:$0x6] =	wrdreg s26;
	s26 =	simm.s32 $0x9000;
	s25 =	simm.s32 $0x2  }
.LBB2_12:
0x15: {  	s15 =	stileid.u32  }
0x16: {  	[bflag:$0x0] =	sbarrier.arrive $0xFFFF;
	s15 =	sshll.u32 s15, $0x6  }
0x17: {  	s18 =	sshrl.u32 s5, $0x3;
	s20 =	rddreg [dreg:$0x7];
	s15 =	sor.u32 $0x1C0D, s15  }
0x18: {  	[hbm:s20], [sflag:s15] =	dma.local [spmem:s18], $0x2800  }
0x19: {  	_ =	swait.ge [sflag:s8], $0x2800  }
0x1a: {  	s20 =	rddreg [dreg:$0x8]  }
0x1b: {  	s24 =	rddreg [dreg:$0x4];
	s18 =	sadd.s32 $0x1, s20  }
0x1c: {  	p0 =	sne.s32 s18, s24  }
.Ltmp1:
0x1d: {  	_ = 	snop;
	(pc) =	sbr.rel @!p0 .LBB2_13-.Ltmp1, $3  }
0x1e: {  	_ =	sdelay $0x1  }
0x1f: {  	[sflag:s8] =	ssyncset.done $0x0  }
0x20: {  	[sflag:s8] =	ssyncadd.s32 $0xFFFFD800  }
.LBB2_1:
0x21: {  	[dreg:$0x8] =	wrdreg s18;
	s15 =	simm.s32 $0x70;
	s18 =	simm.s32 $0x3C0  }
.LBB2_2:
0x22: {  	p0 =	sne.s32 s18, $0x31C0;
	[tilespmem:s15+$0x5000] =	vst v0  }
0x23: {  	[tilespmem:s15+$0x4F90] =	vst v0  }
0x24: {  	[tilespmem:s15+$0x4FA0] =	vst v0  }
.Ltmp2:
0x25: {  	[tilespmem:s15+$0x4FB0] =	vst v0;
	(pc) =	sbr.rel @p0 .LBB2_2-.Ltmp2, $4  }
0x26: {  	[tilespmem:s15+$0x4FC0] =	vst v0  }
0x27: {  	[tilespmem:s15+$0x4FD0] =	vst v0  }
0x28: {  	[tilespmem:s15+$0x4FE0] =	vst v0  }
0x29: {  	[tilespmem:s15+$0x4FF0] =	vst v0;
	s15 =	sshra.s32 s18, $0x2;
	s18 =	sadd.s32 $0x200, s18  }
0x2a: {  	[tilespmem:s15+$0x5000] =	vst v0  }
0x2b: {  	[tilespmem:s15+$0x4F90] =	vst v0  }
0x2c: {  	[tilespmem:s15+$0x4FA0] =	vst v0  }
0x2d: {  	[tilespmem:s15+$0x4FB0] =	vst v0  }
0x2e: {  	[tilespmem:s15+$0x4FC0] =	vst v0  }
0x2f: {  	[tilespmem:s15+$0x4FD0] =	vst v0  }
0x30: {  	[tilespmem:s15+$0x4FE0] =	vst v0  }
0x31: {  	[tilespmem:s15+$0x4FF0] =	vst v0;
	s24 =	sadd.s32 $0x0, s5  }
0x32: {  	[spmem:s24] =	stream.linear.scatter [tilespmem:s7], [sflag:$0xD], $0x800, $0x38;
	[tilespmem:$0x1E000] =	vst v63  }
0x33: {  	s15 =	simm.s32 $0x2000;
	_ =	swait.ge [sflag:s8], $0x800  }
.LBB2_4:
0x34: {  	s18 =	sshra.s32 s15, $0x2;
	[sflag:s8] =	ssyncset.done $0x0;
	p0 =	sne.s32 s15, $0x4E000  }
.Ltmp3:
0x35: {  	s18 =	sadd.s32 s18, s5;
	[sflag:s8] =	ssyncadd.s32 $0xFFFFF800;
	(pc) =	sbr.rel @p0 .LBB2_4-.Ltmp3, $3  }
0x36: {  	[spmem:s18] =	stream.linear.scatter [tilespmem:s7], [sflag:$0xD], $0x800, $0x38;
	[tilespmem:$0x1E000] =	vst v63  }
0x37: {  	s15 =	sadd.s32 $0x2000, s15;
	_ =	sdelay $0x1  }
0x38: {  	_ =	swait.ge [sflag:s8], $0x800  }
0x39: {  	[sflag:s8] =	ssyncset.done $0x0  }
0x3a: {  	[sflag:s8] =	ssyncadd.s32 $0xFFFFF800  }
0x3b: {  	[bflag:$0x0] =	sbarrier.arrive $0xFFFF  }
0x3c: {  	[tilespmem:s22], [sflag:$0x1] =	stream.linear.gather [hbm4b:s9+s22], $0x1400, $0x38;
	[tilespmem:$0x1E000] =	vst v63  }
0x3d: {  	s15 =	simm.s32 $0x1400  }
0x3e: {  	[tilespmem:s15], [sflag:$0x1] =	stream.linear.gather [hbm4b:s10+s22], $0x1400, $0x38;
	[tilespmem:$0x1E000] =	vst v63  }
0x3f: {  	s20 =	rddreg [dreg:$0x5]  }
0x40: {  	[tilespmem:s13], [sflag:$0x2] =	stream.linear.gather [hbm4b:s20+s22], $0x1400, $0x38;
	[tilespmem:$0x1E000] =	vst v63  }
0x41: {  	s18 =	simm.s32 $0x3C00;
	s24 =	rddreg [dreg:$0x6]  }
0x42: {  	[tilespmem:s18], [sflag:$0x2] =	stream.linear.gather [hbm4b:s24+s22], $0x1400, $0x38;
	[tilespmem:$0x1E000] =	vst v63  }
0x43: {  	s24 =	simm.s32 $0x0  }
.LBB2_6:
0x44: {  	_ =	swait.ge [sflag:s16], $0x1400  }
0x45: {  	[sflag:s16] =	ssyncset.done $0x0  }
0x46: {  	[sflag:s16] =	ssyncadd.s32 $0xFFFFEC00  }
0x47: {  	_ =	swait.ge [sflag:s16], $0x1400  }
0x48: {  	[sflag:s16] =	ssyncset.done $0x0  }
0x49: {  	[sflag:s16] =	ssyncadd.s32 $0xFFFFEC00  }
0x4a: {  	[tilespmem:s7], [sflag:$0x3] =	stream.indirect.gather [hbm4b:s1+s17], $0x80, s22, s17, $0xb8;
	[tilespmem:$0x1E000] =	vst v63  }
0x4b: {  	s15 =	simm.s32 $0x80  }
0x4c: {  	[tilespmem:s19], [sflag:$0x4] =	stream.indirect.gather [hbm4b:s1+s17], $0x80, s15, s17, $0xb8;
	[tilespmem:$0x1E000] =	vst v63  }
0x4d: {  	s18 =	simm.s32 $0x100  }
0x4e: {  	[tilespmem:s21], [sflag:$0x5] =	stream.indirect.gather [hbm4b:s1+s17], $0x80, s18, s17, $0xb8;
	[tilespmem:$0x1E000] =	vst v63  }
0x4f: {  	s20 =	simm.s32 $0x180  }
0x50: {  	[tilespmem:s23], [sflag:$0x6] =	stream.indirect.gather [hbm4b:s1+s17], $0x80, s20, s17, $0xb8;
	[tilespmem:$0x1E000] =	vst v63  }
0x51: {  	s18 =	simm.s32 $0x200  }
0x52: {  	[tilespmem:s26], [sflag:$0x7] =	stream.indirect.gather [hbm4b:s1+s17], $0x80, s18, s17, $0xb8;
	[tilespmem:$0x1E000] =	vst v63  }
0x53: {  	_ =	swait.ge [sflag:s28], $0xC80  }
0x54: {  	[sflag:s28] =	ssyncset.done $0x0  }
0x55: {  	s20 =	simm.s32 $0x1400;
	[sflag:s28] =	ssyncadd.s32 $0xFFFFF380  }
0x56: {  	[spmem:s2] =	stream.indirect.scatter.add.f32 [tilespmem:s7], [sflag:$0x8], $0x80, s20, s17, $0xb8;
	[tilespmem:$0x1E000] =	vst v63  }
0x57: {  	_ =	swait.ge [sflag:s29], $0xC80  }
0x58: {  	[sflag:s29] =	ssyncset.done $0x0  }
0x59: {  	s18 =	simm.s32 $0x1480;
	[sflag:s29] =	ssyncadd.s32 $0xFFFFF380  }
0x5a: {  	[spmem:s2] =	stream.indirect.scatter.add.f32 [tilespmem:s19], [sflag:$0x9], $0x80, s18, s17, $0xb8;
	[tilespmem:$0x1E000] =	vst v63  }
0x5b: {  	_ =	swait.ge [sflag:s30], $0xC80  }
0x5c: {  	[sflag:s30] =	ssyncset.done $0x0  }
0x5d: {  	s20 =	simm.s32 $0x1500;
	[sflag:s30] =	ssyncadd.s32 $0xFFFFF380  }
0x5e: {  	[spmem:s2] =	stream.indirect.scatter.add.f32 [tilespmem:s21], [sflag:$0xA], $0x80, s20, s17, $0xb8;
	[tilespmem:$0x1E000] =	vst v63  }
0x5f: {  	_ =	swait.ge [sflag:s31], $0xC80  }
0x60: {  	[sflag:s31] =	ssyncset.done $0x0  }
0x61: {  	s18 =	simm.s32 $0x1580;
	[sflag:s31] =	ssyncadd.s32 $0xFFFFF380  }
0x62: {  	[spmem:s2] =	stream.indirect.scatter.add.f32 [tilespmem:s23], [sflag:$0xB], $0x80, s18, s17, $0xb8;
	[tilespmem:$0x1E000] =	vst v63  }
0x63: {  	_ =	swait.ge [sflag:s0], $0xC80  }
0x64: {  	[sflag:s0] =	ssyncset.done $0x0  }
0x65: {  	s20 =	simm.s32 $0x1600;
	[sflag:s0] =	ssyncadd.s32 $0xFFFFF380  }
0x66: {  	[spmem:s2] =	stream.indirect.scatter.add.f32 [tilespmem:s26], [sflag:$0xC], $0x80, s20, s17, $0xb8;
	[tilespmem:$0x1E000] =	vst v63  }
0x67: {  	_ =	swait.ge [sflag:s11], $0xC80  }
0x68: {  	[sflag:s11] =	ssyncset.done $0x0  }
0x69: {  	s18 =	simm.s32 $0x280;
	[sflag:s11] =	ssyncadd.s32 $0xFFFFF380  }
0x6a: {  	[tilespmem:s7], [sflag:$0x3] =	stream.indirect.gather [hbm4b:s1+s17], $0x80, s18, s17, $0xb8;
	[tilespmem:$0x1E000] =	vst v63  }
0x6b: {  	_ =	swait.ge [sflag:s3], $0xC80  }
0x6c: {  	[sflag:s3] =	ssyncset.done $0x0  }
0x6d: {  	s20 =	simm.s32 $0x300;
	[sflag:s3] =	ssyncadd.s32 $0xFFFFF380  }
0x6e: {  	[tilespmem:s19], [sflag:$0x4] =	stream.indirect.gather [hbm4b:s1+s17], $0x80, s20, s17, $0xb8;
	[tilespmem:$0x1E000] =	vst v63  }
0x6f: {  	_ =	swait.ge [sflag:s6], $0xC80  }
0x70: {  	[sflag:s6] =	ssyncset.done $0x0  }
0x71: {  	s18 =	simm.s32 $0x380;
	[sflag:s6] =	ssyncadd.s32 $0xFFFFF380  }
0x72: {  	[tilespmem:s21], [sflag:$0x5] =	stream.indirect.gather [hbm4b:s1+s17], $0x80, s18, s17, $0xb8;
	[tilespmem:$0x1E000] =	vst v63  }
0x73: {  	_ =	swait.ge [sflag:s12], $0xC80  }
0x74: {  	[sflag:s12] =	ssyncset.done $0x0  }
0x75: {  	s20 =	simm.s32 $0x400;
	[sflag:s12] =	ssyncadd.s32 $0xFFFFF380  }
0x76: {  	[tilespmem:s23], [sflag:$0x6] =	stream.indirect.gather [hbm4b:s1+s17], $0x80, s20, s17, $0xb8;
	[tilespmem:$0x1E000] =	vst v63  }
0x77: {  	_ =	swait.ge [sflag:s14], $0xC80  }
0x78: {  	[sflag:s14] =	ssyncset.done $0x0  }
0x79: {  	s15 =	simm.s32 $0xA00;
	s18 =	simm.s32 $0x480;
	[sflag:s14] =	ssyncadd.s32 $0xFFFFF380  }
.LBB2_7:
0x7a: {  	[tilespmem:s26], [sflag:$0x7] =	stream.indirect.gather [hbm4b:s1+s17], $0x80, s18, s17, $0xb8;
	[tilespmem:$0x1E000] =	vst v63  }
0x7b: {  	s18 =	smov.u32 s15  }
0x7c: {  	p0 =	sne.s32 s15, $0x3C00;
	s15 =	sadd.s32 $0xA00, s15;
	_ =	swait.ge [sflag:s28], $0xC80  }
0x7d: {  	s18 =	sshra.s32 s18, $0x2;
	[sflag:s28] =	ssyncset.done $0x0  }
0x7e: {  	s20 =	sadd.s32 $0x1400, s18;
	[sflag:s28] =	ssyncadd.s32 $0xFFFFF380  }
0x7f: {  	[spmem:s2] =	stream.indirect.scatter.add.f32 [tilespmem:s7], [sflag:$0x8], $0x80, s20, s17, $0xb8;
	[tilespmem:$0x1E000] =	vst v63  }
0x80: {  	_ =	swait.ge [sflag:s29], $0xC80  }
0x81: {  	[sflag:s29] =	ssyncset.done $0x0  }
0x82: {  	s20 =	sadd.s32 $0x1480, s18;
	[sflag:s29] =	ssyncadd.s32 $0xFFFFF380  }
0x83: {  	[spmem:s2] =	stream.indirect.scatter.add.f32 [tilespmem:s19], [sflag:$0x9], $0x80, s20, s17, $0xb8;
	[tilespmem:$0x1E000] =	vst v63  }
0x84: {  	_ =	swait.ge [sflag:s30], $0xC80  }
0x85: {  	[sflag:s30] =	ssyncset.done $0x0  }
0x86: {  	s20 =	sadd.s32 $0x1500, s18;
	[sflag:s30] =	ssyncadd.s32 $0xFFFFF380  }
0x87: {  	[spmem:s2] =	stream.indirect.scatter.add.f32 [tilespmem:s21], [sflag:$0xA], $0x80, s20, s17, $0xb8;
	[tilespmem:$0x1E000] =	vst v63  }
0x88: {  	_ =	swait.ge [sflag:s31], $0xC80  }
0x89: {  	[sflag:s31] =	ssyncset.done $0x0  }
0x8a: {  	s20 =	sadd.s32 $0x1580, s18;
	[sflag:s31] =	ssyncadd.s32 $0xFFFFF380  }
0x8b: {  	[spmem:s2] =	stream.indirect.scatter.add.f32 [tilespmem:s23], [sflag:$0xB], $0x80, s20, s17, $0xb8;
	[tilespmem:$0x1E000] =	vst v63  }
0x8c: {  	_ =	swait.ge [sflag:s0], $0xC80  }
0x8d: {  	[sflag:s0] =	ssyncset.done $0x0  }
0x8e: {  	s20 =	sadd.s32 $0x1600, s18;
	[sflag:s0] =	ssyncadd.s32 $0xFFFFF380  }
0x8f: {  	[spmem:s2] =	stream.indirect.scatter.add.f32 [tilespmem:s26], [sflag:$0xC], $0x80, s20, s17, $0xb8;
	[tilespmem:$0x1E000] =	vst v63  }
0x90: {  	_ =	swait.ge [sflag:s11], $0xC80  }
0x91: {  	[sflag:s11] =	ssyncset.done $0x0  }
0x92: {  	s20 =	sadd.s32 $0x280, s18;
	[sflag:s11] =	ssyncadd.s32 $0xFFFFF380  }
0x93: {  	[tilespmem:s7], [sflag:$0x3] =	stream.indirect.gather [hbm4b:s1+s17], $0x80, s20, s17, $0xb8;
	[tilespmem:$0x1E000] =	vst v63  }
0x94: {  	_ =	swait.ge [sflag:s3], $0xC80  }
0x95: {  	[sflag:s3] =	ssyncset.done $0x0  }
0x96: {  	s20 =	sadd.s32 $0x300, s18;
	[sflag:s3] =	ssyncadd.s32 $0xFFFFF380  }
0x97: {  	[tilespmem:s19], [sflag:$0x4] =	stream.indirect.gather [hbm4b:s1+s17], $0x80, s20, s17, $0xb8;
	[tilespmem:$0x1E000] =	vst v63  }
0x98: {  	_ =	swait.ge [sflag:s6], $0xC80  }
0x99: {  	[sflag:s6] =	ssyncset.done $0x0  }
0x9a: {  	s20 =	sadd.s32 $0x380, s18;
	[sflag:s6] =	ssyncadd.s32 $0xFFFFF380  }
0x9b: {  	[tilespmem:s21], [sflag:$0x5] =	stream.indirect.gather [hbm4b:s1+s17], $0x80, s20, s17, $0xb8;
	[tilespmem:$0x1E000] =	vst v63  }
0x9c: {  	_ =	swait.ge [sflag:s12], $0xC80  }
0x9d: {  	[sflag:s12] =	ssyncset.done $0x0  }
.Ltmp4:
0x9e: {  	s20 =	sadd.s32 $0x400, s18;
	[sflag:s12] =	ssyncadd.s32 $0xFFFFF380;
	(pc) =	sbr.rel @p0 .LBB2_7-.Ltmp4, $4  }
0x9f: {  	[tilespmem:s23], [sflag:$0x6] =	stream.indirect.gather [hbm4b:s1+s17], $0x80, s20, s17, $0xb8;
	[tilespmem:$0x1E000] =	vst v63  }
0xa0: {  	_ =	swait.ge [sflag:s14], $0xC80  }
0xa1: {  	[sflag:s14] =	ssyncset.done $0x0  }
0xa2: {  	s18 =	sadd.s32 $0x480, s18;
	[sflag:s14] =	ssyncadd.s32 $0xFFFFF380  }
0xa3: {  	[tilespmem:s26], [sflag:$0x7] =	stream.indirect.gather [hbm4b:s1+s17], $0x80, s18, s17, $0xb8;
	[tilespmem:$0x1E000] =	vst v63  }
0xa4: {  	_ =	swait.ge [sflag:s28], $0xC80  }
0xa5: {  	[sflag:s28] =	ssyncset.done $0x0  }
0xa6: {  	s15 =	simm.s32 $0x2580;
	[sflag:s28] =	ssyncadd.s32 $0xFFFFF380  }
0xa7: {  	[spmem:s2] =	stream.indirect.scatter.add.f32 [tilespmem:s7], [sflag:$0x8], $0x80, s15, s17, $0xb8;
	[tilespmem:$0x1E000] =	vst v63  }
0xa8: {  	_ =	swait.ge [sflag:s29], $0xC80  }
0xa9: {  	[sflag:s29] =	ssyncset.done $0x0  }
0xaa: {  	s20 =	simm.s32 $0x2600;
	[sflag:s29] =	ssyncadd.s32 $0xFFFFF380  }
0xab: {  	[spmem:s2] =	stream.indirect.scatter.add.f32 [tilespmem:s19], [sflag:$0x9], $0x80, s20, s17, $0xb8;
	[tilespmem:$0x1E000] =	vst v63  }
0xac: {  	_ =	swait.ge [sflag:s30], $0xC80  }
0xad: {  	[sflag:s30] =	ssyncset.done $0x0  }
0xae: {  	s18 =	simm.s32 $0x2680;
	[sflag:s30] =	ssyncadd.s32 $0xFFFFF380  }
0xaf: {  	[spmem:s2] =	stream.indirect.scatter.add.f32 [tilespmem:s21], [sflag:$0xA], $0x80, s18, s17, $0xb8;
	[tilespmem:$0x1E000] =	vst v63  }
0xb0: {  	_ =	swait.ge [sflag:s31], $0xC80  }
0xb1: {  	[sflag:s31] =	ssyncset.done $0x0  }
0xb2: {  	s20 =	simm.s32 $0x2700;
	[sflag:s31] =	ssyncadd.s32 $0xFFFFF380  }
0xb3: {  	[spmem:s2] =	stream.indirect.scatter.add.f32 [tilespmem:s23], [sflag:$0xB], $0x80, s20, s17, $0xb8;
	[tilespmem:$0x1E000] =	vst v63  }
0xb4: {  	_ =	swait.ge [sflag:s0], $0xC80  }
0xb5: {  	[sflag:s0] =	ssyncset.done $0x0  }
0xb6: {  	s18 =	simm.s32 $0x2780;
	[sflag:s0] =	ssyncadd.s32 $0xFFFFF380  }
0xb7: {  	[spmem:s2] =	stream.indirect.scatter.add.f32 [tilespmem:s26], [sflag:$0xC], $0x80, s18, s17, $0xb8;
	[tilespmem:$0x1E000] =	vst v63  }
0xb8: {  	_ =	swait.ge [sflag:s11], $0xC80  }
0xb9: {  	[sflag:s11] =	ssyncset.done $0x0  }
0xba: {  	[sflag:s11] =	ssyncadd.s32 $0xFFFFF380  }
0xbb: {  	_ =	swait.ge [sflag:s3], $0xC80  }
0xbc: {  	[sflag:s3] =	ssyncset.done $0x0  }
0xbd: {  	[sflag:s3] =	ssyncadd.s32 $0xFFFFF380  }
0xbe: {  	_ =	swait.ge [sflag:s6], $0xC80  }
0xbf: {  	[sflag:s6] =	ssyncset.done $0x0  }
0xc0: {  	[sflag:s6] =	ssyncadd.s32 $0xFFFFF380  }
0xc1: {  	p0 =	seq.s32 s24, $0x4;
	_ =	swait.ge [sflag:s12], $0xC80  }
0xc2: {  	s15 =	smul.u32 @!p0 $0x2800, s24;
	[sflag:s12] =	ssyncset.done $0x0  }
0xc3: {  	[sflag:s12] =	ssyncadd.s32 $0xFFFFF380  }
0xc4: {  	s15 =	sshrl.u32 @!p0 s15, $0x3;
	_ =	swait.ge [sflag:s14], $0xC80  }
0xc5: {  	s15 =	sadd.s32 @!p0 $0x500, s15;
	[sflag:s14] =	ssyncset.done $0x0  }
0xc6: {  	s20 =	simm.s32 @!p0 $0x0;
	s18 =	sadd.s32 @!p0 s9, s15;
	[sflag:s14] =	ssyncadd.s32 $0xFFFFF380  }
0xc7: {  	[tilespmem:s20], [sflag:$0x1] =	stream.linear.gather @!p0 [hbm4b:s18+s20], $0x1400, $0x38;
	[tilespmem:$0x1E000] =	vst v63  }
0xc8: {  	s15 =	sadd.s32 @!p0 s10, s15;
	s18 =	simm.s32 @!p0 $0x1400  }
0xc9: {  	[tilespmem:s18], [sflag:$0x1] =	stream.linear.gather @!p0 [hbm4b:s15+s20], $0x1400, $0x38;
	[tilespmem:$0x1E000] =	vst v63  }
0xca: {  	_ =	swait.ge [sflag:s25], $0x1400  }
0xcb: {  	[sflag:s25] =	ssyncset.done $0x0  }
0xcc: {  	[sflag:s25] =	ssyncadd.s32 $0xFFFFEC00  }
0xcd: {  	_ =	swait.ge [sflag:s25], $0x1400  }
0xce: {  	[sflag:s25] =	ssyncset.done $0x0  }
0xcf: {  	[sflag:s25] =	ssyncadd.s32 $0xFFFFEC00  }
0xd0: {  	[tilespmem:s7], [sflag:$0x3] =	stream.indirect.gather [hbm4b:s1+s17], $0x80, s13, s17, $0xb8;
	[tilespmem:$0x1E000] =	vst v63  }
0xd1: {  	s20 =	simm.s32 $0x2880  }
0xd2: {  	[tilespmem:s19], [sflag:$0x4] =	stream.indirect.gather [hbm4b:s1+s17], $0x80, s20, s17, $0xb8;
	[tilespmem:$0x1E000] =	vst v63  }
0xd3: {  	s18 =	simm.s32 $0x2900  }
0xd4: {  	[tilespmem:s21], [sflag:$0x5] =	stream.indirect.gather [hbm4b:s1+s17], $0x80, s18, s17, $0xb8;
	[tilespmem:$0x1E000] =	vst v63  }
0xd5: {  	s20 =	simm.s32 $0x2980  }
0xd6: {  	[tilespmem:s23], [sflag:$0x6] =	stream.indirect.gather [hbm4b:s1+s17], $0x80, s20, s17, $0xb8;
	[tilespmem:$0x1E000] =	vst v63  }
0xd7: {  	s18 =	simm.s32 $0x2A00  }
0xd8: {  	[tilespmem:s26], [sflag:$0x7] =	stream.indirect.gather [hbm4b:s1+s17], $0x80, s18, s17, $0xb8;
	[tilespmem:$0x1E000] =	vst v63  }
0xd9: {  	_ =	swait.ge [sflag:s28], $0xC80  }
0xda: {  	[sflag:s28] =	ssyncset.done $0x0  }
0xdb: {  	s20 =	simm.s32 $0x3C00;
	[sflag:s28] =	ssyncadd.s32 $0xFFFFF380  }
0xdc: {  	[spmem:s2] =	stream.indirect.scatter.add.f32 [tilespmem:s7], [sflag:$0x8], $0x80, s20, s17, $0xb8;
	[tilespmem:$0x1E000] =	vst v63  }
0xdd: {  	_ =	swait.ge [sflag:s29], $0xC80  }
0xde: {  	[sflag:s29] =	ssyncset.done $0x0  }
0xdf: {  	s18 =	simm.s32 $0x3C80;
	[sflag:s29] =	ssyncadd.s32 $0xFFFFF380  }
0xe0: {  	[spmem:s2] =	stream.indirect.scatter.add.f32 [tilespmem:s19], [sflag:$0x9], $0x80, s18, s17, $0xb8;
	[tilespmem:$0x1E000] =	vst v63  }
0xe1: {  	_ =	swait.ge [sflag:s30], $0xC80  }
0xe2: {  	[sflag:s30] =	ssyncset.done $0x0  }
0xe3: {  	s20 =	simm.s32 $0x3D00;
	[sflag:s30] =	ssyncadd.s32 $0xFFFFF380  }
0xe4: {  	[spmem:s2] =	stream.indirect.scatter.add.f32 [tilespmem:s21], [sflag:$0xA], $0x80, s20, s17, $0xb8;
	[tilespmem:$0x1E000] =	vst v63  }
0xe5: {  	_ =	swait.ge [sflag:s31], $0xC80  }
0xe6: {  	[sflag:s31] =	ssyncset.done $0x0  }
0xe7: {  	s18 =	simm.s32 $0x3D80;
	[sflag:s31] =	ssyncadd.s32 $0xFFFFF380  }
0xe8: {  	[spmem:s2] =	stream.indirect.scatter.add.f32 [tilespmem:s23], [sflag:$0xB], $0x80, s18, s17, $0xb8;
	[tilespmem:$0x1E000] =	vst v63  }
0xe9: {  	_ =	swait.ge [sflag:s0], $0xC80  }
0xea: {  	[sflag:s0] =	ssyncset.done $0x0  }
0xeb: {  	s20 =	simm.s32 $0x3E00;
	[sflag:s0] =	ssyncadd.s32 $0xFFFFF380  }
0xec: {  	[spmem:s2] =	stream.indirect.scatter.add.f32 [tilespmem:s26], [sflag:$0xC], $0x80, s20, s17, $0xb8;
	[tilespmem:$0x1E000] =	vst v63  }
0xed: {  	_ =	swait.ge [sflag:s11], $0xC80  }
0xee: {  	[sflag:s11] =	ssyncset.done $0x0  }
0xef: {  	s18 =	simm.s32 $0x2A80;
	[sflag:s11] =	ssyncadd.s32 $0xFFFFF380  }
0xf0: {  	[tilespmem:s7], [sflag:$0x3] =	stream.indirect.gather [hbm4b:s1+s17], $0x80, s18, s17, $0xb8;
	[tilespmem:$0x1E000] =	vst v63  }
0xf1: {  	_ =	swait.ge [sflag:s3], $0xC80  }
0xf2: {  	[sflag:s3] =	ssyncset.done $0x0  }
0xf3: {  	s20 =	simm.s32 $0x2B00;
	[sflag:s3] =	ssyncadd.s32 $0xFFFFF380  }
0xf4: {  	[tilespmem:s19], [sflag:$0x4] =	stream.indirect.gather [hbm4b:s1+s17], $0x80, s20, s17, $0xb8;
	[tilespmem:$0x1E000] =	vst v63  }
0xf5: {  	_ =	swait.ge [sflag:s6], $0xC80  }
0xf6: {  	[sflag:s6] =	ssyncset.done $0x0  }
0xf7: {  	s18 =	simm.s32 $0x2B80;
	[sflag:s6] =	ssyncadd.s32 $0xFFFFF380  }
0xf8: {  	[tilespmem:s21], [sflag:$0x5] =	stream.indirect.gather [hbm4b:s1+s17], $0x80, s18, s17, $0xb8;
	[tilespmem:$0x1E000] =	vst v63  }
0xf9: {  	_ =	swait.ge [sflag:s12], $0xC80  }
0xfa: {  	[sflag:s12] =	ssyncset.done $0x0  }
0xfb: {  	s20 =	simm.s32 $0x2C00;
	[sflag:s12] =	ssyncadd.s32 $0xFFFFF380  }
0xfc: {  	[tilespmem:s23], [sflag:$0x6] =	stream.indirect.gather [hbm4b:s1+s17], $0x80, s20, s17, $0xb8;
	[tilespmem:$0x1E000] =	vst v63  }
0xfd: {  	_ =	swait.ge [sflag:s14], $0xC80  }
0xfe: {  	[sflag:s14] =	ssyncset.done $0x0  }
0xff: {  	s15 =	simm.s32 $0xA00;
	s18 =	simm.s32 $0x2C80;
	[sflag:s14] =	ssyncadd.s32 $0xFFFFF380  }
.LBB2_9:
0x100: {  	[tilespmem:s26], [sflag:$0x7] =	stream.indirect.gather [hbm4b:s1+s17], $0x80, s18, s17, $0xb8;
	[tilespmem:$0x1E000] =	vst v63  }
0x101: {  	s18 =	smov.u32 s15  }
0x102: {  	p1 =	sne.s32 s15, $0x3C00;
	s15 =	sadd.s32 $0xA00, s15;
	_ =	swait.ge [sflag:s28], $0xC80  }
0x103: {  	s18 =	sshra.s32 s18, $0x2;
	[sflag:s28] =	ssyncset.done $0x0  }
0x104: {  	s20 =	sadd.s32 $0x3C00, s18;
	[sflag:s28] =	ssyncadd.s32 $0xFFFFF380  }
0x105: {  	[spmem:s2] =	stream.indirect.scatter.add.f32 [tilespmem:s7], [sflag:$0x8], $0x80, s20, s17, $0xb8;
	[tilespmem:$0x1E000] =	vst v63  }
0x106: {  	_ =	swait.ge [sflag:s29], $0xC80  }
0x107: {  	[sflag:s29] =	ssyncset.done $0x0  }
0x108: {  	s20 =	sadd.s32 $0x3C80, s18;
	[sflag:s29] =	ssyncadd.s32 $0xFFFFF380  }
0x109: {  	[spmem:s2] =	stream.indirect.scatter.add.f32 [tilespmem:s19], [sflag:$0x9], $0x80, s20, s17, $0xb8;
	[tilespmem:$0x1E000] =	vst v63  }
0x10a: {  	_ =	swait.ge [sflag:s30], $0xC80  }
0x10b: {  	[sflag:s30] =	ssyncset.done $0x0  }
0x10c: {  	s20 =	sadd.s32 $0x3D00, s18;
	[sflag:s30] =	ssyncadd.s32 $0xFFFFF380  }
0x10d: {  	[spmem:s2] =	stream.indirect.scatter.add.f32 [tilespmem:s21], [sflag:$0xA], $0x80, s20, s17, $0xb8;
	[tilespmem:$0x1E000] =	vst v63  }
0x10e: {  	_ =	swait.ge [sflag:s31], $0xC80  }
0x10f: {  	[sflag:s31] =	ssyncset.done $0x0  }
0x110: {  	s20 =	sadd.s32 $0x3D80, s18;
	[sflag:s31] =	ssyncadd.s32 $0xFFFFF380  }
0x111: {  	[spmem:s2] =	stream.indirect.scatter.add.f32 [tilespmem:s23], [sflag:$0xB], $0x80, s20, s17, $0xb8;
	[tilespmem:$0x1E000] =	vst v63  }
0x112: {  	_ =	swait.ge [sflag:s0], $0xC80  }
0x113: {  	[sflag:s0] =	ssyncset.done $0x0  }
0x114: {  	s20 =	sadd.s32 $0x3E00, s18;
	[sflag:s0] =	ssyncadd.s32 $0xFFFFF380  }
0x115: {  	[spmem:s2] =	stream.indirect.scatter.add.f32 [tilespmem:s26], [sflag:$0xC], $0x80, s20, s17, $0xb8;
	[tilespmem:$0x1E000] =	vst v63  }
0x116: {  	_ =	swait.ge [sflag:s11], $0xC80  }
0x117: {  	[sflag:s11] =	ssyncset.done $0x0  }
0x118: {  	s20 =	sadd.s32 $0x2A80, s18;
	[sflag:s11] =	ssyncadd.s32 $0xFFFFF380  }
0x119: {  	[tilespmem:s7], [sflag:$0x3] =	stream.indirect.gather [hbm4b:s1+s17], $0x80, s20, s17, $0xb8;
	[tilespmem:$0x1E000] =	vst v63  }
0x11a: {  	_ =	swait.ge [sflag:s3], $0xC80  }
0x11b: {  	[sflag:s3] =	ssyncset.done $0x0  }
0x11c: {  	s20 =	sadd.s32 $0x2B00, s18;
	[sflag:s3] =	ssyncadd.s32 $0xFFFFF380  }
0x11d: {  	[tilespmem:s19], [sflag:$0x4] =	stream.indirect.gather [hbm4b:s1+s17], $0x80, s20, s17, $0xb8;
	[tilespmem:$0x1E000] =	vst v63  }
0x11e: {  	_ =	swait.ge [sflag:s6], $0xC80  }
0x11f: {  	[sflag:s6] =	ssyncset.done $0x0  }
0x120: {  	s20 =	sadd.s32 $0x2B80, s18;
	[sflag:s6] =	ssyncadd.s32 $0xFFFFF380  }
0x121: {  	[tilespmem:s21], [sflag:$0x5] =	stream.indirect.gather [hbm4b:s1+s17], $0x80, s20, s17, $0xb8;
	[tilespmem:$0x1E000] =	vst v63  }
0x122: {  	_ =	swait.ge [sflag:s12], $0xC80  }
0x123: {  	[sflag:s12] =	ssyncset.done $0x0  }
.Ltmp5:
0x124: {  	s20 =	sadd.s32 $0x2C00, s18;
	[sflag:s12] =	ssyncadd.s32 $0xFFFFF380;
	(pc) =	sbr.rel @p1 .LBB2_9-.Ltmp5, $4  }
0x125: {  	[tilespmem:s23], [sflag:$0x6] =	stream.indirect.gather [hbm4b:s1+s17], $0x80, s20, s17, $0xb8;
	[tilespmem:$0x1E000] =	vst v63  }
0x126: {  	_ =	swait.ge [sflag:s14], $0xC80  }
0x127: {  	[sflag:s14] =	ssyncset.done $0x0  }
0x128: {  	s18 =	sadd.s32 $0x2C80, s18;
	[sflag:s14] =	ssyncadd.s32 $0xFFFFF380  }
0x129: {  	[tilespmem:s26], [sflag:$0x7] =	stream.indirect.gather [hbm4b:s1+s17], $0x80, s18, s17, $0xb8;
	[tilespmem:$0x1E000] =	vst v63  }
0x12a: {  	_ =	swait.ge [sflag:s28], $0xC80  }
0x12b: {  	[sflag:s28] =	ssyncset.done $0x0  }
0x12c: {  	s15 =	simm.s32 $0x4D80;
	[sflag:s28] =	ssyncadd.s32 $0xFFFFF380  }
0x12d: {  	[spmem:s2] =	stream.indirect.scatter.add.f32 [tilespmem:s7], [sflag:$0x8], $0x80, s15, s17, $0xb8;
	[tilespmem:$0x1E000] =	vst v63  }
0x12e: {  	_ =	swait.ge [sflag:s29], $0xC80  }
0x12f: {  	[sflag:s29] =	ssyncset.done $0x0  }
0x130: {  	s18 =	simm.s32 $0x4E00;
	[sflag:s29] =	ssyncadd.s32 $0xFFFFF380  }
0x131: {  	[spmem:s2] =	stream.indirect.scatter.add.f32 [tilespmem:s19], [sflag:$0x9], $0x80, s18, s17, $0xb8;
	[tilespmem:$0x1E000] =	vst v63  }
0x132: {  	_ =	swait.ge [sflag:s30], $0xC80  }
0x133: {  	[sflag:s30] =	ssyncset.done $0x0  }
0x134: {  	s20 =	simm.s32 $0x4E80;
	[sflag:s30] =	ssyncadd.s32 $0xFFFFF380  }
0x135: {  	[spmem:s2] =	stream.indirect.scatter.add.f32 [tilespmem:s21], [sflag:$0xA], $0x80, s20, s17, $0xb8;
	[tilespmem:$0x1E000] =	vst v63  }
0x136: {  	_ =	swait.ge [sflag:s31], $0xC80  }
0x137: {  	[sflag:s31] =	ssyncset.done $0x0  }
0x138: {  	s18 =	simm.s32 $0x4F00;
	[sflag:s31] =	ssyncadd.s32 $0xFFFFF380  }
0x139: {  	[spmem:s2] =	stream.indirect.scatter.add.f32 [tilespmem:s23], [sflag:$0xB], $0x80, s18, s17, $0xb8;
	[tilespmem:$0x1E000] =	vst v63  }
0x13a: {  	_ =	swait.ge [sflag:s0], $0xC80  }
0x13b: {  	[sflag:s0] =	ssyncset.done $0x0  }
0x13c: {  	s20 =	simm.s32 $0x4F80;
	[sflag:s0] =	ssyncadd.s32 $0xFFFFF380  }
0x13d: {  	[spmem:s2] =	stream.indirect.scatter.add.f32 [tilespmem:s26], [sflag:$0xC], $0x80, s20, s17, $0xb8;
	[tilespmem:$0x1E000] =	vst v63  }
0x13e: {  	_ =	swait.ge [sflag:s11], $0xC80  }
0x13f: {  	[sflag:s11] =	ssyncset.done $0x0  }
0x140: {  	[sflag:s11] =	ssyncadd.s32 $0xFFFFF380  }
0x141: {  	_ =	swait.ge [sflag:s3], $0xC80  }
0x142: {  	[sflag:s3] =	ssyncset.done $0x0  }
0x143: {  	[sflag:s3] =	ssyncadd.s32 $0xFFFFF380  }
0x144: {  	_ =	swait.ge [sflag:s6], $0xC80  }
0x145: {  	[sflag:s6] =	ssyncset.done $0x0  }
0x146: {  	[sflag:s6] =	ssyncadd.s32 $0xFFFFF380  }
0x147: {  	_ =	swait.ge [sflag:s12], $0xC80  }
.Ltmp6:
0x148: {  	[sflag:s12] =	ssyncset.done $0x0;
	(pc) =	sbr.rel @p0 .LBB2_12-.Ltmp6, $4  }
0x149: {  	[sflag:s12] =	ssyncadd.s32 $0xFFFFF380  }
0x14a: {  	_ =	swait.ge [sflag:s14], $0xC80  }
0x14b: {  	[sflag:s14] =	ssyncset.done $0x0  }
0x14c: {  	[sflag:s14] =	ssyncadd.s32 $0xFFFFF380  }
0x14d: {  	s15 =	smul.u32 $0x2800, s24;
	_ =	sdelay $0x1  }
0x14e: {  	s15 =	sshrl.u32 s15, $0x3  }
.Ltmp7:
0x14f: {  	s15 =	sadd.s32 $0x780, s15;
	(pc) =	sbr.rel .LBB2_6-.Ltmp7, $4  }
0x150: {  	s18 =	sadd.s32 s9, s15  }
0x151: {  	[tilespmem:s13], [sflag:$0x2] =	stream.linear.gather [hbm4b:s18+s4], $0x1400, $0x38;
	[tilespmem:$0x1E000] =	vst v63  }
0x152: {  	s20 =	simm.s32 $0x3C00;
	s24 =	sadd.s32 $0x1, s24;
	s15 =	sadd.s32 s10, s15  }
0x153: {  	[tilespmem:s20], [sflag:$0x2] =	stream.linear.gather [hbm4b:s15+s4], $0x1400, $0x38;
	[tilespmem:$0x1E000] =	vst v63  }
.LBB2_13:
0x154: {  	_ =	sfence.sel $0x180000  }
0x155: {  	[bflag:$0x0] =	sbarrier.arrive $0xFFFF  }
0x156: {  	_ =	strace $0x9000004D  }
0x157: {  	s0 =	stileid.u32;
	[bflag:$0x2] =	sbarrier.arrive $0xFFFF  }
0x158: {  	p0 =	sne.s32 s0, $0x0;
	s0 =	rddreg [dreg:$0x3]  }
0x159: {  	s0 =	sadd.s32 @!p0 $0x100000, s0  }
0x15a: {  	[sflag:s0] =	ssyncadd.tile.s32 @!p0 $0x1;
	_ =	shalt  }
.Lfunc_end2:
_tile_overlayer_lowered:
.L_overlay_start_2:
0x15b: {  	(tag) =	ssettag $0x2  }
0x15c: {  	s0 =	rddreg [dreg:$0x0];
	s2 =	stileid.u32  }
0x15d: {  	s1 =	rddreg [dreg:$0x1];
	p0 =	sne.s32 s2, $0x0  }
0x15e: {  	s3 =	rddreg [dreg:$0x2];
	[bflag:$0x3] =	sbarrier.arrive $0xFFFF;
	s2 =	simm.s32 @!p0 $0x1C0D  }
0x15f: {  	[timem:s3], [sflag:s2] =	dma.local @!p0 [hbm:s0], s1  }
0x160: {  	s0 =	simm.s32 @!p0 $0xD  }
0x161: {  	_ =	swait.ge @!p0 [sflag:s0], s1  }
0x162: {  	s1 =	ssub.s32 @!p0 $0x0, s1;
	[sflag:s0] =	ssyncset.done @!p0 $0x0  }
0x163: {  	[sflag:s0] =	ssyncadd.s32 @!p0 s1  }
0x164: {  	[bflag:$0x3] =	sbarrier.arrive $0xFFFF  }
0x165: {  	_ =	shalt  }

// kernel: kernel.8.cloned.1.call-start
scs
__scs_entry_jumppad:
0x0: {  	(pc) =	sbr.rel $0x88, $3  }
0x1: {  	(tag) =	ssettag $0x0;
	lr =	simm.s32 $0x1  }
0x2: {  	[smem:$0x3F9B] =	sst lr;
	_ =	strace $0xD0000000  }
0x3: {  	_ = 	snop  }
0x4: {  	_ = 	snop  }
0x5: {  	_ = 	snop  }
0x6: {  	_ = 	snop  }
0x7: {  	_ = 	snop  }
__scs_overlays_trampoline_lowered:
0x8: {  	[smem:$0x3FAA] =	sst s0  }
0x9: {  	[smem:$0x3FAB] =	sst s1  }
0xa: {  	[smem:$0x3FAC] =	sst s2  }
0xb: {  	[smem:$0x3FAD] =	sst s3  }
0xc: {  	[smem:$0x3FAE] =	sst s4  }
0xd: {  	[smem:$0x3FAF] =	sst s5  }
0xe: {  	[smem:$0x3FB0] =	sst s6  }
0xf: {  	[smem:$0x3FB1] =	sst s7  }
0x10: {  	[smem:$0x3FB2] =	sst s8  }
0x11: {  	[smem:$0x3FB3] =	sst s9;
	s0 =	simm.s32 @!p0 $0x0  }
0x12: {  	s1 =	sld [smem:$0x3F99];
	s0 =	simm.s32 @p0 $0x1  }
0x13: {  	[smem:$0x3FB4] =	sst s0;
	s0 =	simm.s32 @!p1 $0x0  }
0x14: {  	s2 =	sld [smem:$0x3F98];
	s0 =	simm.s32 @p1 $0x1  }
0x15: {  	[smem:$0x3FB5] =	sst s0;
	s0 =	simm.s32 @!p2 $0x0  }
0x16: {  	s3 =	sld [smem:$0x3FDB];
	s0 =	simm.s32 @p2 $0x1  }
0x17: {  	s4 =	simm.s32 $0x1BF5;
	[smem:$0x3FB7] =	sst s0  }
0x18: {  	s0 =	sld [smem:$0x3F9A];
	_ =	swait.ge [sflag:s4], $0x0  }
0x19: {  	s7 =	sld [smem:$0x3F9B]  }
0x1a: {  	s8 =	sadd.s32 $0xFFFFE003, lr  }
0x1b: {  	s9 =	sadd.s32 $0xFFFFFEF7, lr;
	s5 =	simm.s32 $0xFFFFFFFF;
	p2 =	slt.u32 s8, $0xFFFFF086  }
0x1c: {  	p1 =	slt.u32 s9, $0xF7A;
	s5 =	simm.s32 @!p2 $0x0  }
0x1d: {  	s5 =	simm.s32 @p1 $0x1;
	p0 =	seq.s32 s7, s2  }
0x1e: {  	s7 =	smul.u32 @!p0 $0xF7A, s2;
	p2 =	seq.s32 @!p0 s5, $0x0  }
0x1f: {  	s9 =	smul.u32 $0xF7A, s1;
	s8 =	simm.s32 @!p0 $0x1BF5;
	p2 =	por !p2, p0  }
0x20: {  	[sflag:s8] =	ssyncset.s32 @!p0 $0xFFFFF086;
	s6 =	sadd.s32 @!p0 s3, s7;
	s7 =	simm.s32 @!p0 $0x108  }
0x21: {  	s3 =	sadd.s32 s3, s9;
	s6 =	sadd.s32 @!p0 $0x88, s6;
	s7 =	simm.s32 @p2 $0x1082  }
0x22: {  	[simem:s7], [sflag:s8] =	dma.local @!p0 [hbm:s6], $0xF7A  }
0x23: {  	s9 =	sor.u32 $0xD0000000, s2;
	s6 =	simm.s32 $0x108;
	_ =	swait.ge @!p0 [sflag:s8], $0x0  }
0x24: {  	s3 =	sadd.s32 $0x88, s3;
	s6 =	simm.s32 @!p1 $0x1082;
	[sflag:s4] =	ssyncset.s32 $0xFFFFF086  }
0x25: {  	[simem:s6], [sflag:s4] =	dma.local [hbm:s3], $0xF7A  }
0x26: {  	[smem:$0x3F9B] =	sst s1;
	(tag) =	ssettag s2;
	_ =	strace s9  }
0x27: {  	s1 =	sld [smem:$0x3FAB]  }
0x28: {  	s2 =	sld [smem:$0x3FAC]  }
0x29: {  	s4 =	sld [smem:$0x3FAE]  }
0x2a: {  	p0 =	seq.s32 s5, $0x0;
	s5 =	sld [smem:$0x3FAF]  }
0x2b: {  	s6 =	sld [smem:$0x3FB0]  }
0x2c: {  	s7 =	sld [smem:$0x3FB1]  }
0x2d: {  	s3 =	simm.s32 $0x108;
	s8 =	sld [smem:$0x3FB2]  }
0x2e: {  	s3 =	simm.s32 @!p0 $0x1082;
	s9 =	sld [smem:$0x3FB3]  }
0x2f: {  	lr =	sadd.s32 s0, s3;
	s0 =	sld [smem:$0x3FAA]  }
0x30: {  	s3 =	sld [smem:$0x3FAD]  }
0x31: {  	[smem:$0x3FB6] =	sst s10  }
0x32: {  	s10 =	sld [smem:$0x3FB4];
	_ =	sdelay $0x3  }
0x33: {  	p0 =	seq.s32 s10, $0x1;
	s10 =	sld [smem:$0x3FB6];
	_ =	sdelay $0x3  }
0x34: {  	[smem:$0x3FB6] =	sst s10  }
0x35: {  	s10 =	sld [smem:$0x3FB5];
	_ =	sdelay $0x3  }
0x36: {  	p1 =	seq.s32 s10, $0x1;
	s10 =	sld [smem:$0x3FB6];
	_ =	sdelay $0x3  }
0x37: {  	[smem:$0x3FB6] =	sst s10  }
0x38: {  	s10 =	sld [smem:$0x3FB7]  }
0x39: {  	_ = 	snop;
	(pc) =	sbr.ind lr, $3  }
0x3a: {  	_ = 	snop  }
0x3b: {  	_ = 	snop  }
0x3c: {  	p2 =	seq.s32 s10, $0x1;
	s10 =	sld [smem:$0x3FB6]  }
0x3d: {  	_ =	shalt  }
0x3e: {  	_ =	shalt  }
0x3f: {  	_ =	shalt  }
0x40: {  	_ =	shalt  }
0x41: {  	_ =	shalt  }
0x42: {  	_ =	shalt  }
0x43: {  	_ =	shalt  }
0x44: {  	_ =	shalt  }
0x45: {  	_ =	shalt  }
0x46: {  	_ =	shalt  }
0x47: {  	_ =	shalt  }
0x48: {  	_ =	shalt  }
0x49: {  	_ =	shalt  }
0x4a: {  	_ =	shalt  }
0x4b: {  	_ =	shalt  }
0x4c: {  	_ =	shalt  }
0x4d: {  	_ =	shalt  }
0x4e: {  	_ =	shalt  }
0x4f: {  	_ =	shalt  }
0x50: {  	_ =	shalt  }
0x51: {  	_ =	shalt  }
0x52: {  	_ =	shalt  }
0x53: {  	_ =	shalt  }
0x54: {  	_ =	shalt  }
0x55: {  	_ =	shalt  }
0x56: {  	_ =	shalt  }
0x57: {  	_ =	shalt  }
0x58: {  	_ =	shalt  }
0x59: {  	_ =	shalt  }
0x5a: {  	_ =	shalt  }
0x5b: {  	_ =	shalt  }
0x5c: {  	_ =	shalt  }
0x5d: {  	_ =	shalt  }
0x5e: {  	_ =	shalt  }
0x5f: {  	_ =	shalt  }
0x60: {  	_ =	shalt  }
0x61: {  	_ =	shalt  }
0x62: {  	_ =	shalt  }
0x63: {  	_ =	shalt  }
0x64: {  	_ =	shalt  }
0x65: {  	_ =	shalt  }
0x66: {  	_ =	shalt  }
0x67: {  	_ =	shalt  }
0x68: {  	_ =	shalt  }
0x69: {  	_ =	shalt  }
0x6a: {  	_ =	shalt  }
0x6b: {  	_ =	shalt  }
0x6c: {  	_ =	shalt  }
0x6d: {  	_ =	shalt  }
0x6e: {  	_ =	shalt  }
0x6f: {  	_ =	shalt  }
0x70: {  	_ =	shalt  }
0x71: {  	_ =	shalt  }
0x72: {  	_ =	shalt  }
0x73: {  	_ =	shalt  }
0x74: {  	_ =	shalt  }
0x75: {  	_ =	shalt  }
0x76: {  	_ =	shalt  }
0x77: {  	_ =	shalt  }
0x78: {  	_ =	shalt  }
0x79: {  	_ =	shalt  }
0x7a: {  	_ =	shalt  }
0x7b: {  	_ =	shalt  }
0x7c: {  	_ =	shalt  }
0x7d: {  	_ =	shalt  }
0x7e: {  	_ =	shalt  }
0x7f: {  	_ =	shalt  }
0x80: {  	_ =	shalt  }
0x81: {  	_ =	shalt  }
0x82: {  	_ =	shalt  }
0x83: {  	_ =	shalt  }
0x84: {  	_ =	shalt  }
0x85: {  	_ =	shalt  }
0x86: {  	_ =	shalt  }
0x87: {  	_ =	shalt  }
.Lfunc_end0:
.L_simem_size_0:
called_computation_lowered:
.L_overlay_start_0:
0x88: {  	s2 =	sld [smem:$0x3FD9]  }
0x89: {  	s3 =	sld [smem:$0x3FFE];
	_ =	sdelay $0x1  }
0x8a: {  	s1 =	srdreg.scid  }
0x8b: {  	s0 =	sand.u32 $0x1, s1  }
0x8c: {  	s17 =	sshll.u32 s0, $0xA;
	s2 =	sadd.s32 s3, s2  }
0x8d: {  	s2 =	sadd.s32 s2, s17  }
0x8e: {  	[smem:$0x3FC2] =	sst s2  }
0x8f: {  	_ = 	snop  }
0x90: {  	s2 =	sld [smem:$0x3FD0];
	(tm) =	ssettm $0x1  }
0x91: {  	s18 =	sld [smem:$0x3FFB];
	_ =	sdelay $0x3  }
0x92: {  	_ =	strace s18  }
0x93: {  	s3 =	sld [smem:$0x3FFC];
	_ =	sdelay $0x3  }
0x94: {  	_ =	strace s3  }
0x95: {  	s3 =	sld [smem:$0x3FFD];
	_ =	sdelay $0x3  }
0x96: {  	_ =	strace s3  }
0x97: {  	_ =	strace $0x8FFFFFFF  }
0x98: {  	s19 =	sld [smem:$0x3FDB];
	_ =	sdelay $0x1  }
0x99: {  	s4 =	simm.s32 $_scs_section_size  }
0x9a: {  	s5 =	simm.s32 $_size__tile_overlayer_lowered;
	s6 =	simm.s32 $_tile_overlayer_lowered  }
0x9b: {  	s22 =	simm.s32 $0x1BFF;
	s21 =	sshll.u32 s6, $0x1;
	s3 =	sadd.s32 s4, s19  }
0x9c: {  	s7 =	simm.s32 $0x0;
	s20 =	sshll.u32 s5, $0x1;
	s5 =	sadd.s32 s21, s3  }
0x9d: {  	[timem:s7], [sflag:s22] =	dma.local [hbm:s5], s20  }
0x9e: {  	_ =	swait.ge [sflag:s22], s20  }
0x9f: {  	s4 =	ssub.s32 $0x0, s20;
	[sflag:s22] =	ssyncset.done $0x0  }
0xa0: {  	[sflag:s22] =	ssyncadd.s32 s4;
	_ =	sdelay $0x1  }
0xa1: {  	s23 =	simm.s32 $0x1B8B  }
0xa2: {  	_ =	swait.ge [sflag:s23], $0x1  }
0xa3: {  	[sflag:s23] =	ssyncset.done $0x0  }
0xa4: {  	s25 =	simm.s32 $0x1B8E;
	s24 =	sld [smem:$0x3FFE];
	[sflag:s23] =	ssyncadd.s32 $0xFFFFFFFF  }
0xa5: {  	s26 =	simm.s32 $execute0_lowered;
	[smem:$0x3FD2] =	sst s25  }
0xa6: {  	s5 =	sshll.u32 s26, $0x1;
	_ =	strace $0x80000046;
	[dreg:$0x1] =	wrdreg $0xFFFFFFFF  }
0xa7: {  	s28 =	simm.s32 $_size_execute0_lowered;
	s3 =	sadd.s32 s3, s5;
	[dreg:$0x0] =	wrdreg $0x0  }
0xa8: {  	s5 =	sshll.u32 s28, $0x1;
	[dreg:$0x2] =	wrdreg s3  }
0xa9: {  	[dreg:$0x3] =	wrdreg s5  }
0xaa: {  	[dreg:$0x4] =	wrdreg $0xC0  }
0xab: {  	_ =	task [dreg:s7], $0x5FFFF  }
0xac: {  	[dreg:$0x1] =	wrdreg $0xFFFFFFFF  }
0xad: {  	[dreg:$0x0] =	wrdreg $0x60  }
0xae: {  	[dreg:$0x2] =	wrdreg s2  }
0xaf: {  	[dreg:$0x3] =	wrdreg s24  }
0xb0: {  	[dreg:$0x4] =	wrdreg $0x50000  }
0xb1: {  	[dreg:$0x5] =	wrdreg $0x9  }
0xb2: {  	_ =	task.clear_ibuf [dreg:s7], $0x6FFFF;
	_ =	strace $0x90000046  }
0xb3: {  	s29 =	simm.s32 $0x9;
	_ =	strace $0x80000048  }
0xb4: {  	_ =	swait.ge [sflag:s29], $0x1  }
0xb5: {  	[sflag:s29] =	ssyncadd.s32 $0xFFFFFFFF  }
0xb6: {  	_ =	strace $0x90000048  }
0xb7: {  	_ =	sfence  }
0xb8: {  	s30 =	sld [smem:$0x0];
	_ =	sdelay $0x2  }
0xb9: {  	s31 =	sshll.u32 s1, $0xD;
	s1 =	sshrl.u32 s1, $0x2  }
0xba: {  	s3 =	sand.u32 $0x4000, s31;
	s1 =	sadd.s32 s1, s30  }
0xbb: {  	s0 =	sor.u32 s3, s0;
	s1 =	sshll.u32 s1, $0x11  }
0xbc: {  	s0 =	sor.u32 s1, s0  }
0xbd: {  	s0 =	sadd.s32 $0x8F2B, s0  }
0xbe: {  	[sflag:s0] =	ssyncadd.remote.s32 $0x1  }
0xbf: {  	_ =	sfence.sel $0xFFFF  }
0xc0: {  	[dreg:$0x0] =	wrdreg $0xFFFFFFFF;
	(pc) =	sbr.abs _section_cstart, $3  }
0xc1: {  	[dreg:$0x1] =	wrdreg $0xFFFFFFFF  }
0xc2: {  	_ =	task.clear_ibuf [dreg:s7], $0x2FFFF;
	_ =	strace $0x9FFFFFFF  }
0xc3: {  	(tm) =	ssettm $0x7FFFFFFF  }
tec
execute0_lowered:
.L_overlay_start_1:
0x0: {  	(tag) =	ssettag $0x1  }
0x1: {  	s5 =	rddreg [dreg:$0x0]  }
0x2: {  	s3 =	rddreg [dreg:$0x1]  }
0x3: {  	s1 =	rddreg [dreg:$0x2]  }
0x4: {  	s2 =	srdreg.scid;
	s0 =	rddreg [dreg:$0x3]  }
0x5: {  	s12 =	stileid.u32;
	s10 =	simm.s32 $0x1;
	s11 =	simm.s32 $0x2780  }
0x6: {  	s13 =	simm.s32 $0x4F80;
	s4 =	sand.u32 $0x1, s2;
	s2 =	simm.s32 $0x0  }
0x7: {  	s8 =	sshll.u32 s12, $0x7;
	s31 =	sshll.u32 s12, $0xA;
	s6 =	sshll.u32 s4, $0x4  }
0x8: {  	p0 =	sgt.u32 s12, $0x9;
	p1 =	sne.s32 s12, $0x0;
	s6 =	sor.u32 s12, s6  }
0x9: {  	[smem:$0x7FF] =	sst s2;
	s7 =	smul.u32 $0x500, s4;
	s6 =	sshrl.u32 s6, $0x3  }
0xa: {  	s4 =	ssub.s32 $0x2, s4;
	s8 =	sand.u32 $0x380, s8;
	s6 =	smul.u32 $0x13C00, s6  }
0xb: {  	s14 =	sshrl.u32 @!p1 s1, $0x3;
	_ =	strace $0x80000047;
	s30 =	sshrl.u32 s4, $0x1  }
0xc: {  	s12 =	simm.s32 $0x50;
	s7 =	sadd.s32 s7, s3;
	s6 =	sor.u32 s8, s6  }
0xd: {  	v0 =	vlaneseq.u32;
	s9 =	ssub.s32 s4, s30;
	s3 =	sadd.s32 s31, s1;
	s6 =	sshrl.u32 s6, $0x3  }
0xe: {  	v1 =	vimm.f32 $0.0e+00;
	v6 =	vimm.f32 $1.000000000e+00;
	v2 =	vor.u32 $0x10, v0;
	s4 =	sadd.s32 $0x2780, s31;
	s8 =	simm.s32 $0x80;
	s5 =	sadd.s32 s5, s6  }
0xf: {  	v3 =	vor.u32 $0x20, v0;
	v4 =	vor.u32 $0x30, v0;
	v5 =	vor.u32 $0x40, v0;
	s6 =	sadd.s32 $0x1E00, s7;
	s7 =	smax.u32 s9, $0x1;
	s9 =	simm.s32 $0x400  }
.LBB2_1:
0x10: {  	s15 =	simm.s32 $0x70;
	s16 =	simm.s32 $0x3C0  }
.LBB2_2:
0x11: {  	p2 =	sne.s32 s16, $0x9FC0;
	[tilespmem:s15+$0x2780] =	vst v1  }
0x12: {  	[tilespmem:s15+$0x2710] =	vst v1  }
0x13: {  	[tilespmem:s15+$0x2720] =	vst v1  }
.Ltmp0:
0x14: {  	[tilespmem:s15+$0x2730] =	vst v1;
	(pc) =	sbr.rel @p2 .LBB2_2-.Ltmp0, $4  }
0x15: {  	[tilespmem:s15+$0x2740] =	vst v1  }
0x16: {  	[tilespmem:s15+$0x2750] =	vst v1  }
0x17: {  	[tilespmem:s15+$0x2760] =	vst v1  }
0x18: {  	[tilespmem:s15+$0x2770] =	vst v1;
	s15 =	sshra.s32 s16, $0x2;
	s16 =	sadd.s32 $0x200, s16  }
0x19: {  	[tilespmem:s15+$0x2780] =	vst v1  }
0x1a: {  	[tilespmem:s15+$0x2710] =	vst v1  }
0x1b: {  	[tilespmem:s15+$0x2720] =	vst v1  }
0x1c: {  	[tilespmem:s15+$0x2730] =	vst v1  }
0x1d: {  	[tilespmem:s15+$0x2740] =	vst v1  }
0x1e: {  	[tilespmem:s15+$0x2750] =	vst v1  }
0x1f: {  	[tilespmem:s15+$0x2760] =	vst v1  }
0x20: {  	[tilespmem:s15+$0x2770] =	vst v1;
	s15 =	simm.s32 @!p0 $0x1  }
0x21: {  	[spmem:s3] =	stream.linear.scatter @!p0 [tilespmem:s4], [sflag:$0x1], $0x400, $0x38;
	[tilespmem:$0x5280] =	vst v63  }
0x22: {  	_ =	swait.ge @!p0 [sflag:s15], $0x400  }
0x23: {  	[sflag:s15] =	ssyncset.done @!p0 $0x0  }
0x24: {  	[sflag:s15] =	ssyncadd.s32 @!p0 $0xFFFFFC00  }
0x25: {  	[tilespmem:$0x4F80] =	vst v0  }
0x26: {  	[tilespmem:$0x4F90] =	vst v2  }
0x27: {  	[tilespmem:$0x4FA0] =	vst v3  }
0x28: {  	[tilespmem:$0x4FB0] =	vst v4  }
0x29: {  	s31 =	simm.s32 $0x0;
	[tilespmem:$0x4FC0] =	vst v5  }
0x2a: {  	[tilespmem:s31], [sflag:$0x1] =	stream.strided.gather [hbm4b:s5+s8], $0x2780, s9, s8, $0x38;
	[tilespmem:$0x5280] =	vst v63  }
0x2b: {  	_ =	swait.ge [sflag:s10], $0x2780  }
0x2c: {  	[sflag:s10] =	ssyncset.done $0x0  }
0x2d: {  	s16 =	simm.s32 $0x0;
	s15 =	simm.s32 $0x40;
	[sflag:s10] =	ssyncadd.s32 $0xFFFFD880  }
.LBB2_4:
0x2e: {  	p2 =	sne.s32 s15, $0x9C00;
	v7 =	vld [tilespmem:s16+$0x0];
	_ =	sdelay $0x3  }
.Ltmp1:
0x2f: {  	(pc) =	sbr.rel @p2 .LBB2_4-.Ltmp1, $2  }
0x30: {  	_ =	sdelay $0x2  }
0x31: {  	s16 =	sshra.s32 s15, $0x2;
	s15 =	sadd.s32 $0x40, s15;
	[tilespmem:v7+s11+$0x0] =	vst.idx.add.f32.msk $0xffff, v6  }
0x32: {  	v7 =	vld [tilespmem:s16+$0x0];
	_ =	sdelay $0x7  }
0x33: {  	[tilespmem:v7+s11+$0x0] =	vst.idx.add.f32.msk $0xffff, v6  }
0x34: {  	[bflag:$0x0] =	sbarrier.arrive $0xFFFF  }
0x35: {  	[spmem:s1] =	stream.indirect.scatter.add.f32 [tilespmem:s11], [sflag:$0x1], $0x80, s13, s12, $0xb8;
	[tilespmem:$0x5280] =	vst v63  }
0x36: {  	_ =	swait.ge [sflag:s10], $0x2800  }
0x37: {  	[sflag:s10] =	ssyncset.done $0x0  }
0x38: {  	s2 =	sadd.s32 $0x1, s2;
	[sflag:s10] =	ssyncadd.s32 $0xFFFFD800  }
0x39: {  	s15 =	simm.s32 @!p1 $0x1C01;
	p2 =	sne.s32 s2, s7;
	[bflag:$0x0] =	sbarrier.arrive $0xFFFF  }
0x3a: {  	[hbm:s6], [sflag:s15] =	dma.local @!p1 [spmem:s14], $0x500  }
.Ltmp2:
0x3b: {  	_ = 	snop;
	(pc) =	sbr.rel @p2 .LBB2_1-.Ltmp2, $4  }
0x3c: {  	s15 =	simm.s32 @!p1 $0x1  }
0x3d: {  	_ =	swait.ge @!p1 [sflag:s15], $0x500  }
0x3e: {  	[sflag:s15] =	ssyncset.done @!p1 $0x0  }
0x3f: {  	[sflag:s15] =	ssyncadd.s32 @!p1 $0xFFFFFB00  }
0x40: {  	_ =	sfence.sel $0x180000  }
0x41: {  	[bflag:$0x0] =	sbarrier.arrive $0xFFFF  }
0x42: {  	_ =	strace $0x90000047  }
0x43: {  	s0 =	sadd.s32 @!p1 $0x100000, s0;
	[bflag:$0x2] =	sbarrier.arrive $0xFFFF  }
0x44: {  	[sflag:s0] =	ssyncadd.tile.s32 @!p1 $0x1;
	_ =	shalt  }
.Lfunc_end2:
_tile_overlayer_lowered:
.L_overlay_start_2:
0x45: {  	(tag) =	ssettag $0x2  }
0x46: {  	s0 =	rddreg [dreg:$0x0];
	s2 =	stileid.u32  }
0x47: {  	s1 =	rddreg [dreg:$0x1];
	p0 =	sne.s32 s2, $0x0  }
0x48: {  	s3 =	rddreg [dreg:$0x2];
	[bflag:$0x3] =	sbarrier.arrive $0xFFFF;
	s2 =	simm.s32 @!p0 $0x1C01  }
0x49: {  	[timem:s3], [sflag:s2] =	dma.local @!p0 [hbm:s0], s1  }
0x4a: {  	s0 =	simm.s32 @!p0 $0x1  }
0x4b: {  	_ =	swait.ge @!p0 [sflag:s0], s1  }
0x4c: {  	s1 =	ssub.s32 @!p0 $0x0, s1;
	[sflag:s0] =	ssyncset.done @!p0 $0x0  }
0x4d: {  	[sflag:s0] =	ssyncadd.s32 @!p0 s1  }
0x4e: {  	[bflag:$0x3] =	sbarrier.arrive $0xFFFF  }
0x4f: {  	_ =	shalt  }

</sc_bundles>
